<compile_context>
chip_gen: v7x
topology: tpu7x:2x2x1
jax: 0.10.2.dev20260603
libtpu: 0.0.44.dev20260713+nightly
codegen_flags: <defaults>
</compile_context>

<pallas_src>
import math
import functools

import numpy as np
import jax
import jax.numpy as jnp
from jax import lax
from jax.experimental import pallas as pl
from jax.experimental.pallas import tpu as pltpu
from jax.experimental.pallas import tpu_sc as plsc

D_MODEL = 1024
MAX_LEN = 8192
BATCH = 4
LANES = 16
NUM_CORES = 2
NUM_SUBCORES = 16
NUM_WORKERS = NUM_CORES * NUM_SUBCORES
SEQ_PER_WORKER = MAX_LEN // NUM_WORKERS
CHUNK = 32
G = 16
QPC = CHUNK // G
CHUNKS_PER_WORKER = SEQ_PER_WORKER // CHUNK
STEPS = CHUNKS_PER_WORKER * BATCH
ROWS_PER_BATCH = MAX_LEN // CHUNK
NQ = MAX_LEN // G
NBUF = 2


def _make_pe_factors():
    w = np.exp(np.arange(0, D_MODEL, 2, dtype=np.float64)
               * (-math.log(10000.0) / D_MODEL))
    th = (G * np.arange(NQ, dtype=np.float64))[:, None] * w[None, :]
    ph = np.arange(G, dtype=np.float64)[:, None] * w[None, :]
    a = np.zeros((NQ, D_MODEL), np.float32)
    b = np.zeros((NQ, D_MODEL), np.float32)
    c = np.zeros((G, D_MODEL), np.float32)
    s = np.zeros((G, D_MODEL), np.float32)
    a[:, 0::2], a[:, 1::2] = np.sin(th), np.cos(th)
    b[:, 0::2], b[:, 1::2] = np.cos(th), -np.sin(th)
    c[:, 0::2], c[:, 1::2] = np.cos(ph), np.cos(ph)
    s[:, 0::2], s[:, 1::2] = np.sin(ph), np.sin(ph)
    ab = np.stack([a, b], axis=1).reshape(NQ * 2 * D_MODEL)
    cs = np.concatenate([c, s], axis=0).reshape(2 * G * D_MODEL)
    return ab, cs


_mesh = plsc.VectorSubcoreMesh(
    core_axis_name="c", subcore_axis_name="s",
    num_cores=NUM_CORES, num_subcores=NUM_SUBCORES)

AB_CHUNK = QPC * 2 * D_MODEL


@functools.partial(
    pl.kernel,
    out_type=jax.ShapeDtypeStruct((BATCH * MAX_LEN, D_MODEL), jnp.float32),
    mesh=_mesh,
    scratch_types=[
        pltpu.VMEM((STEPS, CHUNK), jnp.int32),
        pltpu.VMEM((NBUF, CHUNK, D_MODEL), jnp.float32),
        pltpu.VMEM((2 * AB_CHUNK,), jnp.float32),
        pltpu.VMEM((2 * G * D_MODEL,), jnp.float32),
        pltpu.SemaphoreType.DMA((NBUF,)),
        pltpu.SemaphoreType.DMA((NBUF,)),
        pltpu.SemaphoreType.DMA((2,)),
    ],
)
def _sc_embed(x_hbm, table_hbm, ab_hbm, cs_hbm, out_hbm,
              idx_all, res_v, ab_v, cs_v, gsem, ssem, absem):
    wid = lax.axis_index("s") * NUM_CORES + lax.axis_index("c")
    s_base = pl.multiple_of(wid * SEQ_PER_WORKER, SEQ_PER_WORKER)
    row_base = pl.multiple_of(wid * CHUNKS_PER_WORKER, CHUNKS_PER_WORKER)

    for b in range(BATCH):
        pltpu.sync_copy(
            x_hbm.at[pl.ds(b * ROWS_PER_BATCH + row_base, CHUNKS_PER_WORKER)],
            idx_all.at[pl.ds(b * CHUNKS_PER_WORKER, CHUNKS_PER_WORKER)])
    pltpu.sync_copy(cs_hbm, cs_v)

    def gather_copy(i, slot):
        b = lax.rem(i, BATCH)
        j = lax.div(i, BATCH)
        return pltpu.make_async_copy(
            table_hbm.at[idx_all.at[b * CHUNKS_PER_WORKER + j]],
            res_v.at[slot], gsem.at[slot])

    def store_copy(i, slot):
        b = lax.rem(i, BATCH)
        j = lax.div(i, BATCH)
        off = pl.multiple_of(b * MAX_LEN + s_base + j * CHUNK, CHUNK)
        return pltpu.make_async_copy(
            res_v.at[slot], out_hbm.at[pl.ds(off, CHUNK)], ssem.at[slot])

    def ab_copy(g, aslot):
        o = pl.multiple_of((wid * (SEQ_PER_WORKER // G) + QPC * g)
                           * 2 * D_MODEL, 2 * D_MODEL)
        return pltpu.make_async_copy(
            ab_hbm.at[pl.ds(o, AB_CHUNK)],
            ab_v.at[pl.ds(aslot * AB_CHUNK, AB_CHUNK)], absem.at[aslot])

    ab_copy(0, 0).start()
    ab_copy(1, 1).start()
    gather_copy(0, 0).start()

    def group(g, carry):
        ga = lax.rem(g, 2)
        ab_copy(g, ga).wait()
        for k in range(BATCH):
            i = g * BATCH + k
            slot = k % NBUF
            nslot = (k + 1) % NBUF

            @pl.when(i + 1 < STEPS)
            def _():
                pl.when(i >= 1)(lambda: store_copy(i - 1, nslot).wait())
                gather_copy(i + 1, nslot).start()

            gather_copy(i, slot).wait()

            abase = ga * AB_CHUNK

            @plsc.parallel_loop(0, D_MODEL // LANES, 1)
            def col_add(kc):
                sl = pl.ds(kc * LANES, LANES)
                ab = [(ab_v[pl.ds(abase + h * 2 * D_MODEL
                                  + kc * LANES, LANES)],
                       ab_v[pl.ds(abase + h * 2 * D_MODEL + D_MODEL
                                  + kc * LANES, LANES)])
                      for h in range(QPC)]
                for r in range(G):
                    c = cs_v[pl.ds(r * D_MODEL + kc * LANES, LANES)]
                    s = cs_v[pl.ds((G + r) * D_MODEL + kc * LANES, LANES)]
                    for h in range(QPC):
                        plsc.addupdate(res_v.at[slot, h * G + r, sl],
                                       ab[h][0] * c + ab[h][1] * s)

            store_copy(i, slot).start()
        pl.when(g + 2 < CHUNKS_PER_WORKER)(lambda: ab_copy(g + 2, ga).start())
        return carry

    lax.fori_loop(0, CHUNKS_PER_WORKER, group, 0, unroll=False)

    for t in range(STEPS - NBUF, STEPS):
        store_copy(t, t % NBUF).wait()


def kernel(x, table):
    ab, cs = _make_pe_factors()
    idx = x.reshape(BATCH * ROWS_PER_BATCH, CHUNK).astype(jnp.int32)
    out = _sc_embed(idx, table, jnp.asarray(ab), jnp.asarray(cs))
    return out.reshape(BATCH, MAX_LEN, D_MODEL)

# --- scband reference (transcript-rebuilt; emitter-appended) ---
"""Pipeline reference for scband-byte-embedding-80573586473234 (READ-ONLY COPY).

The authoritative reference and input builder live on the scoring server;
editing this copy changes nothing except your own understanding.
"""

import jax, jax.numpy as jnp
import numpy as np
import math

D_MODEL = 1024
MAX_LEN = 8192
VOCAB = 256 + 2

def _make_pe(max_len, d_model):
    pos = jnp.arange(max_len, dtype=jnp.float32)[:, None]
    div = jnp.exp(jnp.arange(0, d_model, 2, dtype=jnp.float32) * (-math.log(10000.0) / d_model))
    pe = jnp.zeros((max_len, d_model), dtype=jnp.float32)
    pe = pe.at[:, 0::2].set(jnp.sin(pos * div))
    pe = pe.at[:, 1::2].set(jnp.cos(pos * div))
    return pe[None, :, :]  # (1, max_len, d_model)

def setup_inputs(seed: int = 0) -> dict:
    key = jax.random.key(seed)
    k1, k2 = jax.random.split(key)
    x = jax.random.randint(k1, (4, 8192), 0, VOCAB, dtype=jnp.int64 if jax.config.read('jax_enable_x64') else jnp.int32)
    table = jax.random.normal(k2, (VOCAB, D_MODEL), dtype=jnp.float32)
    return {"x": x, "table": table}

def reference(x, table):
    # token embedding lookup (gather) + positional encoding; dropout is identity at eval
    pe = _make_pe(MAX_LEN, D_MODEL)
    seq_len = x.shape[1]
    emb = jnp.take(table, x, axis=0)          # (B, S, d_model)
    out = emb + pe[:, :seq_len]
    return out

if __name__ == "__main__":
    import jax
    _d = setup_inputs()
    print(jax.jit(kernel)(*tuple(_d.values())))

</pallas_src>

<mosaic_0001>
#map = affine_map<(d0, d1) -> (0, 0)>
#map1 = affine_map<(d0, d1) -> (0)>
module attributes {stable_mosaic.version = 14 : i64} {
  func.func @_sc_embed(%arg0: i32, %arg1: i32, %arg2: memref<1024x32xi32, #tpu.memory_space<hbm>>, %arg3: memref<258x1024xf32, #tpu.memory_space<hbm>>, %arg4: memref<1048576xf32, #tpu.memory_space<hbm>>, %arg5: memref<32768xf32, #tpu.memory_space<hbm>>, %arg6: memref<32768x1024xf32, #tpu.memory_space<hbm>>, %arg7: memref<32x32xi32, #tpu.memory_space<vmem>>, %arg8: memref<2x32x1024xf32, #tpu.memory_space<vmem>>, %arg9: memref<8192xf32, #tpu.memory_space<vmem>>, %arg10: memref<32768xf32, #tpu.memory_space<vmem>>, %arg11: memref<2x!tpu.dma_semaphore, #tpu.memory_space<semaphore_mem>>, %arg12: memref<2x!tpu.dma_semaphore, #tpu.memory_space<semaphore_mem>>, %arg13: memref<2x!tpu.dma_semaphore, #tpu.memory_space<semaphore_mem>>) attributes {dimension_semantics = [#tpu.dimension_semantics<core_parallel>, #tpu.dimension_semantics<subcore_parallel>], iteration_bounds = array<i64: 2, 16>, scalar_prefetch = 0 : i64, scratch_operands = 7 : i64, tpu.core_type = #tpu.core_type<sc_vector_subcore>, window_params = [{transform_indices = #map}, {transform_indices = #map}, {transform_indices = #map1}, {transform_indices = #map1}, {transform_indices = #map}]} {
    %mul3A = arith.constant 2 : i32
    %mul3A_0 = arith.muli %arg1, %mul3A : i32
    %add3A = arith.addi %mul3A_0, %arg0 : i32
    %mul3A_1 = arith.constant 256 : i32
    %mul3A_2 = arith.muli %add3A, %mul3A_1 : i32
    %multiple_of3A = tpu.assume_multiple %mul3A_2, 256 : i32
    %mul3A_3 = arith.constant 8 : i32
    %mul3A_4 = arith.muli %add3A, %mul3A_3 : i32
    %multiple_of3A_5 = tpu.assume_multiple %mul3A_4, 8 : i32
    %add3A_6 = arith.constant 0 : i32
    %add3A_7 = arith.addi %add3A_6, %multiple_of3A_5 : i32
    "tpu.region"() ({
      %run_scoped3A = tpu.sem_alloc : memref<!tpu.dma_semaphore, #tpu.memory_space<semaphore_mem>>
      %dma_start3A_132 = arith.constant 0 : i32
      %dma_start3A_133 = arith.constant 0 : i32
      %dma_start3A_134 = tpu.memref_slice %arg7[%dma_start3A_132, %dma_start3A_133] : memref<32x32xi32, #tpu.memory_space<vmem>> -> memref<8x32xi32, #tpu.memory_space<vmem>>
      %dma_start3A_135 = arith.constant 0 : i32
      %dma_start3A_136 = tpu.memref_slice %arg2[%add3A_7, %dma_start3A_135] : memref<1024x32xi32, #tpu.memory_space<hbm>> -> memref<8x32xi32, #tpu.memory_space<hbm>>
      %dma_start3A_137 = arith.constant 0 : i32
      %dma_start3A_138 = arith.constant 0 : i32
      %dma_start3A_139 = tpu.memref_slice %arg7[%dma_start3A_137, %dma_start3A_138] : memref<32x32xi32, #tpu.memory_space<vmem>> -> memref<8x32xi32, #tpu.memory_space<vmem>>
      %dma_start3A_140 = arith.constant 0 : i32
      %dma_start3A_141 = tpu.memref_slice %arg2[%add3A_7, %dma_start3A_140] : memref<1024x32xi32, #tpu.memory_space<hbm>> -> memref<8x32xi32, #tpu.memory_space<hbm>>
      tpu.enqueue_dma source(%dma_start3A_141 : memref<8x32xi32, #tpu.memory_space<hbm>>) target(%dma_start3A_139 : memref<8x32xi32, #tpu.memory_space<vmem>>) target_semaphore(%run_scoped3A : memref<!tpu.dma_semaphore, #tpu.memory_space<semaphore_mem>>)
      %dma_wait3A_142 = arith.constant 0 : i32
      %dma_wait3A_143 = arith.constant 0 : i32
      %dma_wait3A_144 = tpu.memref_slice %arg7[%dma_wait3A_142, %dma_wait3A_143] : memref<32x32xi32, #tpu.memory_space<vmem>> -> memref<8x32xi32, #tpu.memory_space<vmem>>
      %dma_wait3A_145 = arith.constant 0 : i32
      %dma_wait3A_146 = tpu.memref_slice %arg2[%add3A_7, %dma_wait3A_145] : memref<1024x32xi32, #tpu.memory_space<hbm>> -> memref<8x32xi32, #tpu.memory_space<hbm>>
      %dma_wait3A_147 = arith.constant 0 : i32
      %dma_wait3A_148 = arith.constant 0 : i32
      %dma_wait3A_149 = tpu.memref_slice %arg7[%dma_wait3A_147, %dma_wait3A_148] : memref<32x32xi32, #tpu.memory_space<vmem>> -> memref<8x32xi32, #tpu.memory_space<vmem>>
      %dma_wait3A_150 = arith.constant 0 : i32
      %dma_wait3A_151 = tpu.memref_slice %arg2[%add3A_7, %dma_wait3A_150] : memref<1024x32xi32, #tpu.memory_space<hbm>> -> memref<8x32xi32, #tpu.memory_space<hbm>>
      tpu.wait_dma2 semaphore(%run_scoped3A : memref<!tpu.dma_semaphore, #tpu.memory_space<semaphore_mem>>) src(%dma_wait3A_151 : memref<8x32xi32, #tpu.memory_space<hbm>>) dst(%dma_wait3A_149 : memref<8x32xi32, #tpu.memory_space<vmem>>)
      tpu.yield
    }) : () -> ()
    %add3A_8 = arith.constant 256 : i32
    %add3A_9 = arith.addi %add3A_8, %multiple_of3A_5 : i32
    "tpu.region"() ({
      %run_scoped3A = tpu.sem_alloc : memref<!tpu.dma_semaphore, #tpu.memory_space<semaphore_mem>>
      %dma_start3A_132 = arith.constant 8 : i32
      %dma_start3A_133 = arith.constant 0 : i32
      %dma_start3A_134 = tpu.memref_slice %arg7[%dma_start3A_132, %dma_start3A_133] : memref<32x32xi32, #tpu.memory_space<vmem>> -> memref<8x32xi32, #tpu.memory_space<vmem>>
      %dma_start3A_135 = arith.constant 0 : i32
      %dma_start3A_136 = tpu.memref_slice %arg2[%add3A_9, %dma_start3A_135] : memref<1024x32xi32, #tpu.memory_space<hbm>> -> memref<8x32xi32, #tpu.memory_space<hbm>>
      %dma_start3A_137 = arith.constant 8 : i32
      %dma_start3A_138 = arith.constant 0 : i32
      %dma_start3A_139 = tpu.memref_slice %arg7[%dma_start3A_137, %dma_start3A_138] : memref<32x32xi32, #tpu.memory_space<vmem>> -> memref<8x32xi32, #tpu.memory_space<vmem>>
      %dma_start3A_140 = arith.constant 0 : i32
      %dma_start3A_141 = tpu.memref_slice %arg2[%add3A_9, %dma_start3A_140] : memref<1024x32xi32, #tpu.memory_space<hbm>> -> memref<8x32xi32, #tpu.memory_space<hbm>>
      tpu.enqueue_dma source(%dma_start3A_141 : memref<8x32xi32, #tpu.memory_space<hbm>>) target(%dma_start3A_139 : memref<8x32xi32, #tpu.memory_space<vmem>>) target_semaphore(%run_scoped3A : memref<!tpu.dma_semaphore, #tpu.memory_space<semaphore_mem>>)
      %dma_wait3A_142 = arith.constant 8 : i32
      %dma_wait3A_143 = arith.constant 0 : i32
      %dma_wait3A_144 = tpu.memref_slice %arg7[%dma_wait3A_142, %dma_wait3A_143] : memref<32x32xi32, #tpu.memory_space<vmem>> -> memref<8x32xi32, #tpu.memory_space<vmem>>
      %dma_wait3A_145 = arith.constant 0 : i32
      %dma_wait3A_146 = tpu.memref_slice %arg2[%add3A_9, %dma_wait3A_145] : memref<1024x32xi32, #tpu.memory_space<hbm>> -> memref<8x32xi32, #tpu.memory_space<hbm>>
      %dma_wait3A_147 = arith.constant 8 : i32
      %dma_wait3A_148 = arith.constant 0 : i32
      %dma_wait3A_149 = tpu.memref_slice %arg7[%dma_wait3A_147, %dma_wait3A_148] : memref<32x32xi32, #tpu.memory_space<vmem>> -> memref<8x32xi32, #tpu.memory_space<vmem>>
      %dma_wait3A_150 = arith.constant 0 : i32
      %dma_wait3A_151 = tpu.memref_slice %arg2[%add3A_9, %dma_wait3A_150] : memref<1024x32xi32, #tpu.memory_space<hbm>> -> memref<8x32xi32, #tpu.memory_space<hbm>>
      tpu.wait_dma2 semaphore(%run_scoped3A : memref<!tpu.dma_semaphore, #tpu.memory_space<semaphore_mem>>) src(%dma_wait3A_151 : memref<8x32xi32, #tpu.memory_space<hbm>>) dst(%dma_wait3A_149 : memref<8x32xi32, #tpu.memory_space<vmem>>)
      tpu.yield
    }) : () -> ()
    %add3A_10 = arith.constant 512 : i32
    %add3A_11 = arith.addi %add3A_10, %multiple_of3A_5 : i32
    "tpu.region"() ({
      %run_scoped3A = tpu.sem_alloc : memref<!tpu.dma_semaphore, #tpu.memory_space<semaphore_mem>>
      %dma_start3A_132 = arith.constant 16 : i32
      %dma_start3A_133 = arith.constant 0 : i32
      %dma_start3A_134 = tpu.memref_slice %arg7[%dma_start3A_132, %dma_start3A_133] : memref<32x32xi32, #tpu.memory_space<vmem>> -> memref<8x32xi32, #tpu.memory_space<vmem>>
      %dma_start3A_135 = arith.constant 0 : i32
      %dma_start3A_136 = tpu.memref_slice %arg2[%add3A_11, %dma_start3A_135] : memref<1024x32xi32, #tpu.memory_space<hbm>> -> memref<8x32xi32, #tpu.memory_space<hbm>>
      %dma_start3A_137 = arith.constant 16 : i32
      %dma_start3A_138 = arith.constant 0 : i32
      %dma_start3A_139 = tpu.memref_slice %arg7[%dma_start3A_137, %dma_start3A_138] : memref<32x32xi32, #tpu.memory_space<vmem>> -> memref<8x32xi32, #tpu.memory_space<vmem>>
      %dma_start3A_140 = arith.constant 0 : i32
      %dma_start3A_141 = tpu.memref_slice %arg2[%add3A_11, %dma_start3A_140] : memref<1024x32xi32, #tpu.memory_space<hbm>> -> memref<8x32xi32, #tpu.memory_space<hbm>>
      tpu.enqueue_dma source(%dma_start3A_141 : memref<8x32xi32, #tpu.memory_space<hbm>>) target(%dma_start3A_139 : memref<8x32xi32, #tpu.memory_space<vmem>>) target_semaphore(%run_scoped3A : memref<!tpu.dma_semaphore, #tpu.memory_space<semaphore_mem>>)
      %dma_wait3A_142 = arith.constant 16 : i32
      %dma_wait3A_143 = arith.constant 0 : i32
      %dma_wait3A_144 = tpu.memref_slice %arg7[%dma_wait3A_142, %dma_wait3A_143] : memref<32x32xi32, #tpu.memory_space<vmem>> -> memref<8x32xi32, #tpu.memory_space<vmem>>
      %dma_wait3A_145 = arith.constant 0 : i32
      %dma_wait3A_146 = tpu.memref_slice %arg2[%add3A_11, %dma_wait3A_145] : memref<1024x32xi32, #tpu.memory_space<hbm>> -> memref<8x32xi32, #tpu.memory_space<hbm>>
      %dma_wait3A_147 = arith.constant 16 : i32
      %dma_wait3A_148 = arith.constant 0 : i32
      %dma_wait3A_149 = tpu.memref_slice %arg7[%dma_wait3A_147, %dma_wait3A_148] : memref<32x32xi32, #tpu.memory_space<vmem>> -> memref<8x32xi32, #tpu.memory_space<vmem>>
      %dma_wait3A_150 = arith.constant 0 : i32
      %dma_wait3A_151 = tpu.memref_slice %arg2[%add3A_11, %dma_wait3A_150] : memref<1024x32xi32, #tpu.memory_space<hbm>> -> memref<8x32xi32, #tpu.memory_space<hbm>>
      tpu.wait_dma2 semaphore(%run_scoped3A : memref<!tpu.dma_semaphore, #tpu.memory_space<semaphore_mem>>) src(%dma_wait3A_151 : memref<8x32xi32, #tpu.memory_space<hbm>>) dst(%dma_wait3A_149 : memref<8x32xi32, #tpu.memory_space<vmem>>)
      tpu.yield
    }) : () -> ()
    %add3A_12 = arith.constant 768 : i32
    %add3A_13 = arith.addi %add3A_12, %multiple_of3A_5 : i32
    "tpu.region"() ({
      %run_scoped3A = tpu.sem_alloc : memref<!tpu.dma_semaphore, #tpu.memory_space<semaphore_mem>>
      %dma_start3A_132 = arith.constant 24 : i32
      %dma_start3A_133 = arith.constant 0 : i32
      %dma_start3A_134 = tpu.memref_slice %arg7[%dma_start3A_132, %dma_start3A_133] : memref<32x32xi32, #tpu.memory_space<vmem>> -> memref<8x32xi32, #tpu.memory_space<vmem>>
      %dma_start3A_135 = arith.constant 0 : i32
      %dma_start3A_136 = tpu.memref_slice %arg2[%add3A_13, %dma_start3A_135] : memref<1024x32xi32, #tpu.memory_space<hbm>> -> memref<8x32xi32, #tpu.memory_space<hbm>>
      %dma_start3A_137 = arith.constant 24 : i32
      %dma_start3A_138 = arith.constant 0 : i32
      %dma_start3A_139 = tpu.memref_slice %arg7[%dma_start3A_137, %dma_start3A_138] : memref<32x32xi32, #tpu.memory_space<vmem>> -> memref<8x32xi32, #tpu.memory_space<vmem>>
      %dma_start3A_140 = arith.constant 0 : i32
      %dma_start3A_141 = tpu.memref_slice %arg2[%add3A_13, %dma_start3A_140] : memref<1024x32xi32, #tpu.memory_space<hbm>> -> memref<8x32xi32, #tpu.memory_space<hbm>>
      tpu.enqueue_dma source(%dma_start3A_141 : memref<8x32xi32, #tpu.memory_space<hbm>>) target(%dma_start3A_139 : memref<8x32xi32, #tpu.memory_space<vmem>>) target_semaphore(%run_scoped3A : memref<!tpu.dma_semaphore, #tpu.memory_space<semaphore_mem>>)
      %dma_wait3A_142 = arith.constant 24 : i32
      %dma_wait3A_143 = arith.constant 0 : i32
      %dma_wait3A_144 = tpu.memref_slice %arg7[%dma_wait3A_142, %dma_wait3A_143] : memref<32x32xi32, #tpu.memory_space<vmem>> -> memref<8x32xi32, #tpu.memory_space<vmem>>
      %dma_wait3A_145 = arith.constant 0 : i32
      %dma_wait3A_146 = tpu.memref_slice %arg2[%add3A_13, %dma_wait3A_145] : memref<1024x32xi32, #tpu.memory_space<hbm>> -> memref<8x32xi32, #tpu.memory_space<hbm>>
      %dma_wait3A_147 = arith.constant 24 : i32
      %dma_wait3A_148 = arith.constant 0 : i32
      %dma_wait3A_149 = tpu.memref_slice %arg7[%dma_wait3A_147, %dma_wait3A_148] : memref<32x32xi32, #tpu.memory_space<vmem>> -> memref<8x32xi32, #tpu.memory_space<vmem>>
      %dma_wait3A_150 = arith.constant 0 : i32
      %dma_wait3A_151 = tpu.memref_slice %arg2[%add3A_13, %dma_wait3A_150] : memref<1024x32xi32, #tpu.memory_space<hbm>> -> memref<8x32xi32, #tpu.memory_space<hbm>>
      tpu.wait_dma2 semaphore(%run_scoped3A : memref<!tpu.dma_semaphore, #tpu.memory_space<semaphore_mem>>) src(%dma_wait3A_151 : memref<8x32xi32, #tpu.memory_space<hbm>>) dst(%dma_wait3A_149 : memref<8x32xi32, #tpu.memory_space<vmem>>)
      tpu.yield
    }) : () -> ()
    "tpu.region"() ({
      %run_scoped3A = tpu.sem_alloc : memref<!tpu.dma_semaphore, #tpu.memory_space<semaphore_mem>>
      tpu.enqueue_dma source(%arg5 : memref<32768xf32, #tpu.memory_space<hbm>>) target(%arg10 : memref<32768xf32, #tpu.memory_space<vmem>>) target_semaphore(%run_scoped3A : memref<!tpu.dma_semaphore, #tpu.memory_space<semaphore_mem>>)
      tpu.wait_dma2 semaphore(%run_scoped3A : memref<!tpu.dma_semaphore, #tpu.memory_space<semaphore_mem>>) src(%arg5 : memref<32768xf32, #tpu.memory_space<hbm>>) dst(%arg10 : memref<32768xf32, #tpu.memory_space<vmem>>)
      tpu.yield
    }) : () -> ()
    %mul3A_14 = arith.constant 16 : i32
    %mul3A_15 = arith.muli %add3A, %mul3A_14 : i32
    %add3A_16 = arith.constant 0 : i32
    %add3A_17 = arith.addi %mul3A_15, %add3A_16 : i32
    %mul3A_18 = arith.constant 2 : i32
    %mul3A_19 = arith.muli %add3A_17, %mul3A_18 : i32
    %mul3A_20 = arith.constant 1024 : i32
    %mul3A_21 = arith.muli %mul3A_19, %mul3A_20 : i32
    %multiple_of3A_22 = tpu.assume_multiple %mul3A_21, 2048 : i32
    %dma_start3A = arith.constant 0 : i32
    %dma_start3A_23 = arith.constant 0 : i32
    %dma_start3A_24 = tpu.memref_slice %arg9[%dma_start3A_23] : memref<8192xf32, #tpu.memory_space<vmem>> -> memref<4096xf32, #tpu.memory_space<vmem>>
    %dma_start3A_25 = tpu.memref_slice %arg4[%multiple_of3A_22] : memref<1048576xf32, #tpu.memory_space<hbm>> -> memref<4096xf32, #tpu.memory_space<hbm>>
    %dma_start3A_26 = tpu.memref_slice %arg13[%dma_start3A] : memref<2x!tpu.dma_semaphore, #tpu.memory_space<semaphore_mem>> -> memref<1x!tpu.dma_semaphore, #tpu.memory_space<semaphore_mem>>
    %dma_start3A_27 = tpu.memref_squeeze %dma_start3A_26 : memref<1x!tpu.dma_semaphore, #tpu.memory_space<semaphore_mem>> -> memref<!tpu.dma_semaphore, #tpu.memory_space<semaphore_mem>>
    %dma_start3A_28 = arith.constant 0 : i32
    %dma_start3A_29 = tpu.memref_slice %arg9[%dma_start3A_28] : memref<8192xf32, #tpu.memory_space<vmem>> -> memref<4096xf32, #tpu.memory_space<vmem>>
    %dma_start3A_30 = tpu.memref_slice %arg4[%multiple_of3A_22] : memref<1048576xf32, #tpu.memory_space<hbm>> -> memref<4096xf32, #tpu.memory_space<hbm>>
    tpu.enqueue_dma source(%dma_start3A_30 : memref<4096xf32, #tpu.memory_space<hbm>>) target(%dma_start3A_29 : memref<4096xf32, #tpu.memory_space<vmem>>) target_semaphore(%dma_start3A_27 : memref<!tpu.dma_semaphore, #tpu.memory_space<semaphore_mem>>)
    %mul3A_31 = arith.constant 16 : i32
    %mul3A_32 = arith.muli %add3A, %mul3A_31 : i32
    %add3A_33 = arith.constant 2 : i32
    %add3A_34 = arith.addi %mul3A_32, %add3A_33 : i32
    %mul3A_35 = arith.constant 2 : i32
    %mul3A_36 = arith.muli %add3A_34, %mul3A_35 : i32
    %mul3A_37 = arith.constant 1024 : i32
    %mul3A_38 = arith.muli %mul3A_36, %mul3A_37 : i32
    %multiple_of3A_39 = tpu.assume_multiple %mul3A_38, 2048 : i32
    %dma_start3A_40 = arith.constant 1 : i32
    %dma_start3A_41 = arith.constant 4096 : i32
    %dma_start3A_42 = tpu.memref_slice %arg9[%dma_start3A_41] : memref<8192xf32, #tpu.memory_space<vmem>> -> memref<4096xf32, #tpu.memory_space<vmem>>
    %dma_start3A_43 = tpu.memref_slice %arg4[%multiple_of3A_39] : memref<1048576xf32, #tpu.memory_space<hbm>> -> memref<4096xf32, #tpu.memory_space<hbm>>
    %dma_start3A_44 = tpu.memref_slice %arg13[%dma_start3A_40] : memref<2x!tpu.dma_semaphore, #tpu.memory_space<semaphore_mem>> -> memref<1x!tpu.dma_semaphore, #tpu.memory_space<semaphore_mem>>
    %dma_start3A_45 = tpu.memref_squeeze %dma_start3A_44 : memref<1x!tpu.dma_semaphore, #tpu.memory_space<semaphore_mem>> -> memref<!tpu.dma_semaphore, #tpu.memory_space<semaphore_mem>>
    %dma_start3A_46 = arith.constant 4096 : i32
    %dma_start3A_47 = tpu.memref_slice %arg9[%dma_start3A_46] : memref<8192xf32, #tpu.memory_space<vmem>> -> memref<4096xf32, #tpu.memory_space<vmem>>
    %dma_start3A_48 = tpu.memref_slice %arg4[%multiple_of3A_39] : memref<1048576xf32, #tpu.memory_space<hbm>> -> memref<4096xf32, #tpu.memory_space<hbm>>
    tpu.enqueue_dma source(%dma_start3A_48 : memref<4096xf32, #tpu.memory_space<hbm>>) target(%dma_start3A_47 : memref<4096xf32, #tpu.memory_space<vmem>>) target_semaphore(%dma_start3A_45 : memref<!tpu.dma_semaphore, #tpu.memory_space<semaphore_mem>>)
    %rem3A = arith.constant 0 : i32
    %rem3A_49 = arith.constant 4 : i32
    %rem3A_50 = arith.remsi %rem3A, %rem3A_49 : i32
    %div3A = arith.constant 0 : i32
    %div3A_51 = arith.constant 4 : i32
    %div3A_52 = arith.divsi %div3A, %div3A_51 : i32
    %mul3A_53 = arith.constant 8 : i32
    %mul3A_54 = arith.muli %rem3A_50, %mul3A_53 : i32
    %add3A_55 = arith.addi %mul3A_54, %div3A_52 : i32
    %dma_start3A_56 = arith.constant 0 : i32
    %dma_start3A_57 = arith.constant 0 : i32
    %dma_start3A_58 = arith.constant 0 : i32
    %dma_start3A_59 = arith.constant 0 : i32
    %dma_start3A_60 = tpu.memref_slice %arg8[%dma_start3A_56, %dma_start3A_58, %dma_start3A_59] : memref<2x32x1024xf32, #tpu.memory_space<vmem>> -> memref<1x32x1024xf32, #tpu.memory_space<vmem>>
    %dma_start3A_61 = tpu.memref_squeeze %dma_start3A_60 : memref<1x32x1024xf32, #tpu.memory_space<vmem>> -> memref<32x1024xf32, #tpu.memory_space<vmem>>
    %dma_start3A_62 = arith.constant 0 : i32
    %dma_start3A_63 = tpu.memref_slice %arg7[%add3A_55, %dma_start3A_62] : memref<32x32xi32, #tpu.memory_space<vmem>> -> memref<1x32xi32, #tpu.memory_space<vmem>>
    %dma_start3A_64 = tpu.memref_squeeze %dma_start3A_63 : memref<1x32xi32, #tpu.memory_space<vmem>> -> memref<32xi32, #tpu.memory_space<vmem>>
    %dma_start3A_65 = arith.constant 0 : i32
    %dma_start3A_66 = arith.constant 0 : i32
    %dma_start3A_67 = tpu.memref_slice %arg3[%dma_start3A_65, %dma_start3A_66] : memref<258x1024xf32, #tpu.memory_space<hbm>> -> memref<258x1024xf32, #tpu.memory_space<hbm>>
    %dma_start3A_68 = tpu.memref_slice %arg11[%dma_start3A_57] : memref<2x!tpu.dma_semaphore, #tpu.memory_space<semaphore_mem>> -> memref<1x!tpu.dma_semaphore, #tpu.memory_space<semaphore_mem>>
    %dma_start3A_69 = tpu.memref_squeeze %dma_start3A_68 : memref<1x!tpu.dma_semaphore, #tpu.memory_space<semaphore_mem>> -> memref<!tpu.dma_semaphore, #tpu.memory_space<semaphore_mem>>
    tpu.enqueue_indirect_dma source(%dma_start3A_67 : memref<258x1024xf32, #tpu.memory_space<hbm>>) target(%dma_start3A_61 : memref<32x1024xf32, #tpu.memory_space<vmem>>) offsets(%dma_start3A_64 : memref<32xi32, #tpu.memory_space<vmem>>) semaphore(%dma_start3A_69 : memref<!tpu.dma_semaphore, #tpu.memory_space<semaphore_mem>>)
    %scan3A = arith.constant 0 : i32
    %scan3A_70 = arith.constant 0 : i32
    %scan3A_71 = arith.constant 8 : i32
    %scan3A_72 = arith.addi %scan3A_70, %scan3A_71 : i32
    %scan3A_73 = arith.constant 1 : i32
    scf.for %scan3A_132 = %scan3A_70 to %scan3A_72 step %scan3A_73  : i32 {
      %rem3A_133 = arith.constant 2 : i32
      %rem3A_134 = arith.remsi %scan3A_132, %rem3A_133 : i32
      %mul3A_135 = arith.constant 16 : i32
      %mul3A_136 = arith.muli %add3A, %mul3A_135 : i32
      %mul3A_137 = arith.constant 2 : i32
      %mul3A_138 = arith.muli %mul3A_137, %scan3A_132 : i32
      %add3A_139 = arith.addi %mul3A_136, %mul3A_138 : i32
      %mul3A_140 = arith.constant 2 : i32
      %mul3A_141 = arith.muli %add3A_139, %mul3A_140 : i32
      %mul3A_142 = arith.constant 1024 : i32
      %mul3A_143 = arith.muli %mul3A_141, %mul3A_142 : i32
      %multiple_of3A_144 = tpu.assume_multiple %mul3A_143, 2048 : i32
      %mul3A_145 = arith.constant 4096 : i32
      %mul3A_146 = arith.muli %rem3A_134, %mul3A_145 : i32
      %dma_wait3A_147 = tpu.memref_slice %arg9[%mul3A_146] : memref<8192xf32, #tpu.memory_space<vmem>> -> memref<4096xf32, #tpu.memory_space<vmem>>
      %dma_wait3A_148 = tpu.memref_slice %arg4[%multiple_of3A_144] : memref<1048576xf32, #tpu.memory_space<hbm>> -> memref<4096xf32, #tpu.memory_space<hbm>>
      %dma_wait3A_149 = tpu.memref_slice %arg13[%rem3A_134] : memref<2x!tpu.dma_semaphore, #tpu.memory_space<semaphore_mem>> -> memref<1x!tpu.dma_semaphore, #tpu.memory_space<semaphore_mem>>
      %dma_wait3A_150 = tpu.memref_squeeze %dma_wait3A_149 : memref<1x!tpu.dma_semaphore, #tpu.memory_space<semaphore_mem>> -> memref<!tpu.dma_semaphore, #tpu.memory_space<semaphore_mem>>
      %dma_wait3A_151 = tpu.memref_slice %arg9[%mul3A_146] : memref<8192xf32, #tpu.memory_space<vmem>> -> memref<4096xf32, #tpu.memory_space<vmem>>
      %dma_wait3A_152 = tpu.memref_slice %arg4[%multiple_of3A_144] : memref<1048576xf32, #tpu.memory_space<hbm>> -> memref<4096xf32, #tpu.memory_space<hbm>>
      tpu.wait_dma2 semaphore(%dma_wait3A_150 : memref<!tpu.dma_semaphore, #tpu.memory_space<semaphore_mem>>) src(%dma_wait3A_152 : memref<4096xf32, #tpu.memory_space<hbm>>) dst(%dma_wait3A_151 : memref<4096xf32, #tpu.memory_space<vmem>>)
      %mul3A_153 = arith.constant 4 : i32
      %mul3A_154 = arith.muli %scan3A_132, %mul3A_153 : i32
      %add3A_155 = arith.constant 0 : i32
      %add3A_156 = arith.addi %mul3A_154, %add3A_155 : i32
      %add3A_157 = arith.constant 1 : i32
      %add3A_158 = arith.addi %add3A_156, %add3A_157 : i32
      %lt3A = arith.constant 32 : i32
      %lt3A_159 = arith.cmpi slt, %add3A_158, %lt3A : i32
      %convert_element_type3A = arith.extui %lt3A_159 : i1 to i32
      %cond3A = arith.constant 0 : i32
      %cond3A_160 = arith.cmpi ne, %convert_element_type3A, %cond3A : i32
      scf.if %cond3A_160 {
        %ge3A = arith.constant 1 : i32
        %ge3A_412 = arith.cmpi sge, %add3A_156, %ge3A : i32
        %convert_element_type3A_413 = arith.extui %ge3A_412 : i1 to i32
        %cond3A_414 = arith.constant 0 : i32
        %cond3A_415 = arith.cmpi ne, %convert_element_type3A_413, %cond3A_414 : i32
        scf.if %cond3A_415 {
          %sub3A = arith.constant 1 : i32
          %sub3A_439 = arith.subi %add3A_156, %sub3A : i32
          %rem3A_440 = arith.constant 4 : i32
          %rem3A_441 = arith.remsi %sub3A_439, %rem3A_440 : i32
          %div3A_442 = arith.constant 4 : i32
          %div3A_443 = arith.divsi %sub3A_439, %div3A_442 : i32
          %mul3A_444 = arith.constant 8192 : i32
          %mul3A_445 = arith.muli %rem3A_441, %mul3A_444 : i32
          %add3A_446 = arith.addi %mul3A_445, %multiple_of3A : i32
          %mul3A_447 = arith.constant 32 : i32
          %mul3A_448 = arith.muli %div3A_443, %mul3A_447 : i32
          %add3A_449 = arith.addi %add3A_446, %mul3A_448 : i32
          %multiple_of3A_450 = tpu.assume_multiple %add3A_449, 32 : i32
          %dma_wait3A_451 = arith.constant 1 : i32
          %dma_wait3A_452 = arith.constant 1 : i32
          %dma_wait3A_453 = arith.constant 0 : i32
          %dma_wait3A_454 = arith.constant 0 : i32
          %dma_wait3A_455 = tpu.memref_slice %arg8[%dma_wait3A_451, %dma_wait3A_453, %dma_wait3A_454] : memref<2x32x1024xf32, #tpu.memory_space<vmem>> -> memref<1x32x1024xf32, #tpu.memory_space<vmem>>
          %dma_wait3A_456 = tpu.memref_squeeze %dma_wait3A_455 : memref<1x32x1024xf32, #tpu.memory_space<vmem>> -> memref<32x1024xf32, #tpu.memory_space<vmem>>
          %dma_wait3A_457 = arith.constant 0 : i32
          %dma_wait3A_458 = tpu.memref_slice %arg6[%multiple_of3A_450, %dma_wait3A_457] : memref<32768x1024xf32, #tpu.memory_space<hbm>> -> memref<32x1024xf32, #tpu.memory_space<hbm>>
          %dma_wait3A_459 = tpu.memref_slice %arg12[%dma_wait3A_452] : memref<2x!tpu.dma_semaphore, #tpu.memory_space<semaphore_mem>> -> memref<1x!tpu.dma_semaphore, #tpu.memory_space<semaphore_mem>>
          %dma_wait3A_460 = tpu.memref_squeeze %dma_wait3A_459 : memref<1x!tpu.dma_semaphore, #tpu.memory_space<semaphore_mem>> -> memref<!tpu.dma_semaphore, #tpu.memory_space<semaphore_mem>>
          %dma_wait3A_461 = arith.constant 0 : i32
          %dma_wait3A_462 = tpu.memref_slice %arg6[%multiple_of3A_450, %dma_wait3A_461] : memref<32768x1024xf32, #tpu.memory_space<hbm>> -> memref<32x1024xf32, #tpu.memory_space<hbm>>
          %dma_wait3A_463 = arith.constant 0 : i32
          %dma_wait3A_464 = arith.constant 0 : i32
          %dma_wait3A_465 = tpu.memref_slice %arg8[%dma_wait3A_451, %dma_wait3A_463, %dma_wait3A_464] : memref<2x32x1024xf32, #tpu.memory_space<vmem>> -> memref<1x32x1024xf32, #tpu.memory_space<vmem>>
          %dma_wait3A_466 = tpu.memref_squeeze %dma_wait3A_465 : memref<1x32x1024xf32, #tpu.memory_space<vmem>> -> memref<32x1024xf32, #tpu.memory_space<vmem>>
          tpu.wait_dma2 semaphore(%dma_wait3A_460 : memref<!tpu.dma_semaphore, #tpu.memory_space<semaphore_mem>>) src(%dma_wait3A_466 : memref<32x1024xf32, #tpu.memory_space<vmem>>) dst(%dma_wait3A_462 : memref<32x1024xf32, #tpu.memory_space<hbm>>)
        } else {
        }
        %add3A_416 = arith.constant 1 : i32
        %add3A_417 = arith.addi %add3A_156, %add3A_416 : i32
        %rem3A_418 = arith.constant 4 : i32
        %rem3A_419 = arith.remsi %add3A_417, %rem3A_418 : i32
        %div3A_420 = arith.constant 4 : i32
        %div3A_421 = arith.divsi %add3A_417, %div3A_420 : i32
        %mul3A_422 = arith.constant 8 : i32
        %mul3A_423 = arith.muli %rem3A_419, %mul3A_422 : i32
        %add3A_424 = arith.addi %mul3A_423, %div3A_421 : i32
        %dma_start3A_425 = arith.constant 1 : i32
        %dma_start3A_426 = arith.constant 1 : i32
        %dma_start3A_427 = arith.constant 0 : i32
        %dma_start3A_428 = arith.constant 0 : i32
        %dma_start3A_429 = tpu.memref_slice %arg8[%dma_start3A_425, %dma_start3A_427, %dma_start3A_428] : memref<2x32x1024xf32, #tpu.memory_space<vmem>> -> memref<1x32x1024xf32, #tpu.memory_space<vmem>>
        %dma_start3A_430 = tpu.memref_squeeze %dma_start3A_429 : memref<1x32x1024xf32, #tpu.memory_space<vmem>> -> memref<32x1024xf32, #tpu.memory_space<vmem>>
        %dma_start3A_431 = arith.constant 0 : i32
        %dma_start3A_432 = tpu.memref_slice %arg7[%add3A_424, %dma_start3A_431] : memref<32x32xi32, #tpu.memory_space<vmem>> -> memref<1x32xi32, #tpu.memory_space<vmem>>
        %dma_start3A_433 = tpu.memref_squeeze %dma_start3A_432 : memref<1x32xi32, #tpu.memory_space<vmem>> -> memref<32xi32, #tpu.memory_space<vmem>>
        %dma_start3A_434 = arith.constant 0 : i32
        %dma_start3A_435 = arith.constant 0 : i32
        %dma_start3A_436 = tpu.memref_slice %arg3[%dma_start3A_434, %dma_start3A_435] : memref<258x1024xf32, #tpu.memory_space<hbm>> -> memref<258x1024xf32, #tpu.memory_space<hbm>>
        %dma_start3A_437 = tpu.memref_slice %arg11[%dma_start3A_426] : memref<2x!tpu.dma_semaphore, #tpu.memory_space<semaphore_mem>> -> memref<1x!tpu.dma_semaphore, #tpu.memory_space<semaphore_mem>>
        %dma_start3A_438 = tpu.memref_squeeze %dma_start3A_437 : memref<1x!tpu.dma_semaphore, #tpu.memory_space<semaphore_mem>> -> memref<!tpu.dma_semaphore, #tpu.memory_space<semaphore_mem>>
        tpu.enqueue_indirect_dma source(%dma_start3A_436 : memref<258x1024xf32, #tpu.memory_space<hbm>>) target(%dma_start3A_430 : memref<32x1024xf32, #tpu.memory_space<vmem>>) offsets(%dma_start3A_433 : memref<32xi32, #tpu.memory_space<vmem>>) semaphore(%dma_start3A_438 : memref<!tpu.dma_semaphore, #tpu.memory_space<semaphore_mem>>)
      } else {
      }
      %rem3A_161 = arith.constant 4 : i32
      %rem3A_162 = arith.remsi %add3A_156, %rem3A_161 : i32
      %div3A_163 = arith.constant 4 : i32
      %div3A_164 = arith.divsi %add3A_156, %div3A_163 : i32
      %mul3A_165 = arith.constant 8 : i32
      %mul3A_166 = arith.muli %rem3A_162, %mul3A_165 : i32
      %add3A_167 = arith.addi %mul3A_166, %div3A_164 : i32
      %dma_wait3A_168 = arith.constant 0 : i32
      %dma_wait3A_169 = arith.constant 0 : i32
      %dma_wait3A_170 = arith.constant 0 : i32
      %dma_wait3A_171 = arith.constant 0 : i32
      %dma_wait3A_172 = tpu.memref_slice %arg8[%dma_wait3A_168, %dma_wait3A_170, %dma_wait3A_171] : memref<2x32x1024xf32, #tpu.memory_space<vmem>> -> memref<1x32x1024xf32, #tpu.memory_space<vmem>>
      %dma_wait3A_173 = tpu.memref_squeeze %dma_wait3A_172 : memref<1x32x1024xf32, #tpu.memory_space<vmem>> -> memref<32x1024xf32, #tpu.memory_space<vmem>>
      %dma_wait3A_174 = arith.constant 0 : i32
      %dma_wait3A_175 = tpu.memref_slice %arg7[%add3A_167, %dma_wait3A_174] : memref<32x32xi32, #tpu.memory_space<vmem>> -> memref<1x32xi32, #tpu.memory_space<vmem>>
      %dma_wait3A_176 = tpu.memref_squeeze %dma_wait3A_175 : memref<1x32xi32, #tpu.memory_space<vmem>> -> memref<32xi32, #tpu.memory_space<vmem>>
      %dma_wait3A_177 = arith.constant 0 : i32
      %dma_wait3A_178 = arith.constant 0 : i32
      %dma_wait3A_179 = tpu.memref_slice %arg3[%dma_wait3A_177, %dma_wait3A_178] : memref<258x1024xf32, #tpu.memory_space<hbm>> -> memref<258x1024xf32, #tpu.memory_space<hbm>>
      %dma_wait3A_180 = tpu.memref_slice %arg11[%dma_wait3A_169] : memref<2x!tpu.dma_semaphore, #tpu.memory_space<semaphore_mem>> -> memref<1x!tpu.dma_semaphore, #tpu.memory_space<semaphore_mem>>
      %dma_wait3A_181 = tpu.memref_squeeze %dma_wait3A_180 : memref<1x!tpu.dma_semaphore, #tpu.memory_space<semaphore_mem>> -> memref<!tpu.dma_semaphore, #tpu.memory_space<semaphore_mem>>
      tpu.wait_indirect_dma semaphore(%dma_wait3A_181 : memref<!tpu.dma_semaphore, #tpu.memory_space<semaphore_mem>>) src(%dma_wait3A_179 : memref<258x1024xf32, #tpu.memory_space<hbm>>) dst(%dma_wait3A_173 : memref<32x1024xf32, #tpu.memory_space<vmem>>)
      %mul3A_182 = arith.constant 4096 : i32
      %mul3A_183 = arith.muli %rem3A_134, %mul3A_182 : i32
      %parallel_loop3A = arith.constant 0 : i32
      %parallel_loop3A_184 = arith.constant 64 : i32
      %parallel_loop3A_185 = arith.constant 1 : i32
      scf.for %parallel_loop3A_412 = %parallel_loop3A to %parallel_loop3A_184 step %parallel_loop3A_185  : i32 {
        %parallel_loop3A_413 = arith.constant 16 : i32
        %parallel_loop3A_414 = arith.muli %parallel_loop3A_412, %parallel_loop3A_413 : i32
        %parallel_loop3A_415 = arith.constant 0 : i32
        %parallel_loop3A_416 = arith.addi %mul3A_183, %parallel_loop3A_415 : i32
        %parallel_loop3A_417 = arith.constant 16 : i32
        %parallel_loop3A_418 = arith.muli %parallel_loop3A_412, %parallel_loop3A_417 : i32
        %parallel_loop3A_419 = arith.addi %parallel_loop3A_416, %parallel_loop3A_418 : i32
        %parallel_loop3A_420 = arith.index_cast %parallel_loop3A_419 : i32 to index
        %parallel_loop3A_421 = tpu.vector_load %arg9[%parallel_loop3A_420] {strides = array<i32>} : memref<8192xf32, #tpu.memory_space<vmem>>, vector<16xf32>,
        %parallel_loop3A_422 = vector.shape_cast %parallel_loop3A_421 : vector<16xf32> to vector<16xf32>
        %parallel_loop3A_423 = arith.constant 0 : i32
        %parallel_loop3A_424 = arith.addi %mul3A_183, %parallel_loop3A_423 : i32
        %parallel_loop3A_425 = arith.constant 1024 : i32
        %parallel_loop3A_426 = arith.addi %parallel_loop3A_424, %parallel_loop3A_425 : i32
        %parallel_loop3A_427 = arith.constant 16 : i32
        %parallel_loop3A_428 = arith.muli %parallel_loop3A_412, %parallel_loop3A_427 : i32
        %parallel_loop3A_429 = arith.addi %parallel_loop3A_426, %parallel_loop3A_428 : i32
        %parallel_loop3A_430 = arith.index_cast %parallel_loop3A_429 : i32 to index
        %parallel_loop3A_431 = tpu.vector_load %arg9[%parallel_loop3A_430] {strides = array<i32>} : memref<8192xf32, #tpu.memory_space<vmem>>, vector<16xf32>,
        %parallel_loop3A_432 = vector.shape_cast %parallel_loop3A_431 : vector<16xf32> to vector<16xf32>
        %parallel_loop3A_433 = arith.constant 2048 : i32
        %parallel_loop3A_434 = arith.addi %mul3A_183, %parallel_loop3A_433 : i32
        %parallel_loop3A_435 = arith.constant 16 : i32
        %parallel_loop3A_436 = arith.muli %parallel_loop3A_412, %parallel_loop3A_435 : i32
        %parallel_loop3A_437 = arith.addi %parallel_loop3A_434, %parallel_loop3A_436 : i32
        %parallel_loop3A_438 = arith.index_cast %parallel_loop3A_437 : i32 to index
        %parallel_loop3A_439 = tpu.vector_load %arg9[%parallel_loop3A_438] {strides = array<i32>} : memref<8192xf32, #tpu.memory_space<vmem>>, vector<16xf32>,
        %parallel_loop3A_440 = vector.shape_cast %parallel_loop3A_439 : vector<16xf32> to vector<16xf32>
        %parallel_loop3A_441 = arith.constant 2048 : i32
        %parallel_loop3A_442 = arith.addi %mul3A_183, %parallel_loop3A_441 : i32
        %parallel_loop3A_443 = arith.constant 1024 : i32
        %parallel_loop3A_444 = arith.addi %parallel_loop3A_442, %parallel_loop3A_443 : i32
        %parallel_loop3A_445 = arith.constant 16 : i32
        %parallel_loop3A_446 = arith.muli %parallel_loop3A_412, %parallel_loop3A_445 : i32
        %parallel_loop3A_447 = arith.addi %parallel_loop3A_444, %parallel_loop3A_446 : i32
        %parallel_loop3A_448 = arith.index_cast %parallel_loop3A_447 : i32 to index
        %parallel_loop3A_449 = tpu.vector_load %arg9[%parallel_loop3A_448] {strides = array<i32>} : memref<8192xf32, #tpu.memory_space<vmem>>, vector<16xf32>,
        %parallel_loop3A_450 = vector.shape_cast %parallel_loop3A_449 : vector<16xf32> to vector<16xf32>
        %parallel_loop3A_451 = arith.constant 16 : i32
        %parallel_loop3A_452 = arith.muli %parallel_loop3A_412, %parallel_loop3A_451 : i32
        %parallel_loop3A_453 = arith.constant 0 : i32
        %parallel_loop3A_454 = arith.addi %parallel_loop3A_453, %parallel_loop3A_452 : i32
        %parallel_loop3A_455 = arith.index_cast %parallel_loop3A_454 : i32 to index
        %parallel_loop3A_456 = tpu.vector_load %arg10[%parallel_loop3A_455] {strides = array<i32>} : memref<32768xf32, #tpu.memory_space<vmem>>, vector<16xf32>,
        %parallel_loop3A_457 = vector.shape_cast %parallel_loop3A_456 : vector<16xf32> to vector<16xf32>
        %parallel_loop3A_458 = arith.constant 16 : i32
        %parallel_loop3A_459 = arith.muli %parallel_loop3A_412, %parallel_loop3A_458 : i32
        %parallel_loop3A_460 = arith.constant 16384 : i32
        %parallel_loop3A_461 = arith.addi %parallel_loop3A_460, %parallel_loop3A_459 : i32
        %parallel_loop3A_462 = arith.index_cast %parallel_loop3A_461 : i32 to index
        %parallel_loop3A_463 = tpu.vector_load %arg10[%parallel_loop3A_462] {strides = array<i32>} : memref<32768xf32, #tpu.memory_space<vmem>>, vector<16xf32>,
        %parallel_loop3A_464 = vector.shape_cast %parallel_loop3A_463 : vector<16xf32> to vector<16xf32>
        %parallel_loop3A_465 = arith.mulf %parallel_loop3A_422, %parallel_loop3A_457 : vector<16xf32>
        %parallel_loop3A_466 = arith.mulf %parallel_loop3A_432, %parallel_loop3A_464 : vector<16xf32>
        %parallel_loop3A_467 = arith.addf %parallel_loop3A_465, %parallel_loop3A_466 : vector<16xf32>
        %parallel_loop3A_468 = arith.constant 0 : i32
        %parallel_loop3A_469 = arith.constant 0 : i32
        %parallel_loop3A_470 = arith.index_cast %parallel_loop3A_468 : i32 to index
        %parallel_loop3A_471 = arith.index_cast %parallel_loop3A_469 : i32 to index
        %parallel_loop3A_472 = arith.index_cast %parallel_loop3A_414 : i32 to index
        %parallel_loop3A_473 = tpu.vector_load %arg8[%parallel_loop3A_470, %parallel_loop3A_471, %parallel_loop3A_472] {strides = array<i32>} : memref<2x32x1024xf32, #tpu.memory_space<vmem>>, vector<1x1x16xf32>,
        %parallel_loop3A_474 = vector.shape_cast %parallel_loop3A_473 : vector<1x1x16xf32> to vector<16xf32>
        %parallel_loop3A_475 = vector.shape_cast %parallel_loop3A_467 : vector<16xf32> to vector<1x1x16xf32>
        tpu.vector_store %arg8[%parallel_loop3A_470, %parallel_loop3A_471, %parallel_loop3A_472], %parallel_loop3A_475 {add = true, strides = array<i32>} : memref<2x32x1024xf32, #tpu.memory_space<vmem>>, vector<1x1x16xf32>,
        %parallel_loop3A_476 = arith.mulf %parallel_loop3A_440, %parallel_loop3A_457 : vector<16xf32>
        %parallel_loop3A_477 = arith.mulf %parallel_loop3A_450, %parallel_loop3A_464 : vector<16xf32>
        %parallel_loop3A_478 = arith.addf %parallel_loop3A_476, %parallel_loop3A_477 : vector<16xf32>
        %parallel_loop3A_479 = arith.constant 0 : i32
        %parallel_loop3A_480 = arith.constant 16 : i32
        %parallel_loop3A_481 = arith.index_cast %parallel_loop3A_479 : i32 to index
        %parallel_loop3A_482 = arith.index_cast %parallel_loop3A_480 : i32 to index
        %parallel_loop3A_483 = arith.index_cast %parallel_loop3A_414 : i32 to index
        %parallel_loop3A_484 = tpu.vector_load %arg8[%parallel_loop3A_481, %parallel_loop3A_482, %parallel_loop3A_483] {strides = array<i32>} : memref<2x32x1024xf32, #tpu.memory_space<vmem>>, vector<1x1x16xf32>,
        %parallel_loop3A_485 = vector.shape_cast %parallel_loop3A_484 : vector<1x1x16xf32> to vector<16xf32>
        %parallel_loop3A_486 = vector.shape_cast %parallel_loop3A_478 : vector<16xf32> to vector<1x1x16xf32>
        tpu.vector_store %arg8[%parallel_loop3A_481, %parallel_loop3A_482, %parallel_loop3A_483], %parallel_loop3A_486 {add = true, strides = array<i32>} : memref<2x32x1024xf32, #tpu.memory_space<vmem>>, vector<1x1x16xf32>,
        %parallel_loop3A_487 = arith.constant 16 : i32
        %parallel_loop3A_488 = arith.muli %parallel_loop3A_412, %parallel_loop3A_487 : i32
        %parallel_loop3A_489 = arith.constant 1024 : i32
        %parallel_loop3A_490 = arith.addi %parallel_loop3A_489, %parallel_loop3A_488 : i32
        %parallel_loop3A_491 = arith.index_cast %parallel_loop3A_490 : i32 to index
        %parallel_loop3A_492 = tpu.vector_load %arg10[%parallel_loop3A_491] {strides = array<i32>} : memref<32768xf32, #tpu.memory_space<vmem>>, vector<16xf32>,
        %parallel_loop3A_493 = vector.shape_cast %parallel_loop3A_492 : vector<16xf32> to vector<16xf32>
        %parallel_loop3A_494 = arith.constant 16 : i32
        %parallel_loop3A_495 = arith.muli %parallel_loop3A_412, %parallel_loop3A_494 : i32
        %parallel_loop3A_496 = arith.constant 17408 : i32
        %parallel_loop3A_497 = arith.addi %parallel_loop3A_496, %parallel_loop3A_495 : i32
        %parallel_loop3A_498 = arith.index_cast %parallel_loop3A_497 : i32 to index
        %parallel_loop3A_499 = tpu.vector_load %arg10[%parallel_loop3A_498] {strides = array<i32>} : memref<32768xf32, #tpu.memory_space<vmem>>, vector<16xf32>,
        %parallel_loop3A_500 = vector.shape_cast %parallel_loop3A_499 : vector<16xf32> to vector<16xf32>
        %parallel_loop3A_501 = arith.mulf %parallel_loop3A_422, %parallel_loop3A_493 : vector<16xf32>
        %parallel_loop3A_502 = arith.mulf %parallel_loop3A_432, %parallel_loop3A_500 : vector<16xf32>
        %parallel_loop3A_503 = arith.addf %parallel_loop3A_501, %parallel_loop3A_502 : vector<16xf32>
        %parallel_loop3A_504 = arith.constant 0 : i32
        %parallel_loop3A_505 = arith.constant 1 : i32
        %parallel_loop3A_506 = arith.index_cast %parallel_loop3A_504 : i32 to index
        %parallel_loop3A_507 = arith.index_cast %parallel_loop3A_505 : i32 to index
        %parallel_loop3A_508 = arith.index_cast %parallel_loop3A_414 : i32 to index
        %parallel_loop3A_509 = tpu.vector_load %arg8[%parallel_loop3A_506, %parallel_loop3A_507, %parallel_loop3A_508] {strides = array<i32>} : memref<2x32x1024xf32, #tpu.memory_space<vmem>>, vector<1x1x16xf32>,
        %parallel_loop3A_510 = vector.shape_cast %parallel_loop3A_509 : vector<1x1x16xf32> to vector<16xf32>
        %parallel_loop3A_511 = vector.shape_cast %parallel_loop3A_503 : vector<16xf32> to vector<1x1x16xf32>
        tpu.vector_store %arg8[%parallel_loop3A_506, %parallel_loop3A_507, %parallel_loop3A_508], %parallel_loop3A_511 {add = true, strides = array<i32>} : memref<2x32x1024xf32, #tpu.memory_space<vmem>>, vector<1x1x16xf32>,
        %parallel_loop3A_512 = arith.mulf %parallel_loop3A_440, %parallel_loop3A_493 : vector<16xf32>
        %parallel_loop3A_513 = arith.mulf %parallel_loop3A_450, %parallel_loop3A_500 : vector<16xf32>
        %parallel_loop3A_514 = arith.addf %parallel_loop3A_512, %parallel_loop3A_513 : vector<16xf32>
        %parallel_loop3A_515 = arith.constant 0 : i32
        %parallel_loop3A_516 = arith.constant 17 : i32
        %parallel_loop3A_517 = arith.index_cast %parallel_loop3A_515 : i32 to index
        %parallel_loop3A_518 = arith.index_cast %parallel_loop3A_516 : i32 to index
        %parallel_loop3A_519 = arith.index_cast %parallel_loop3A_414 : i32 to index
        %parallel_loop3A_520 = tpu.vector_load %arg8[%parallel_loop3A_517, %parallel_loop3A_518, %parallel_loop3A_519] {strides = array<i32>} : memref<2x32x1024xf32, #tpu.memory_space<vmem>>, vector<1x1x16xf32>,
        %parallel_loop3A_521 = vector.shape_cast %parallel_loop3A_520 : vector<1x1x16xf32> to vector<16xf32>
        %parallel_loop3A_522 = vector.shape_cast %parallel_loop3A_514 : vector<16xf32> to vector<1x1x16xf32>
        tpu.vector_store %arg8[%parallel_loop3A_517, %parallel_loop3A_518, %parallel_loop3A_519], %parallel_loop3A_522 {add = true, strides = array<i32>} : memref<2x32x1024xf32, #tpu.memory_space<vmem>>, vector<1x1x16xf32>,
        %parallel_loop3A_523 = arith.constant 16 : i32
        %parallel_loop3A_524 = arith.muli %parallel_loop3A_412, %parallel_loop3A_523 : i32
        %parallel_loop3A_525 = arith.constant 2048 : i32
        %parallel_loop3A_526 = arith.addi %parallel_loop3A_525, %parallel_loop3A_524 : i32
        %parallel_loop3A_527 = arith.index_cast %parallel_loop3A_526 : i32 to index
        %parallel_loop3A_528 = tpu.vector_load %arg10[%parallel_loop3A_527] {strides = array<i32>} : memref<32768xf32, #tpu.memory_space<vmem>>, vector<16xf32>,
        %parallel_loop3A_529 = vector.shape_cast %parallel_loop3A_528 : vector<16xf32> to vector<16xf32>
        %parallel_loop3A_530 = arith.constant 16 : i32
        %parallel_loop3A_531 = arith.muli %parallel_loop3A_412, %parallel_loop3A_530 : i32
        %parallel_loop3A_532 = arith.constant 18432 : i32
        %parallel_loop3A_533 = arith.addi %parallel_loop3A_532, %parallel_loop3A_531 : i32
        %parallel_loop3A_534 = arith.index_cast %parallel_loop3A_533 : i32 to index
        %parallel_loop3A_535 = tpu.vector_load %arg10[%parallel_loop3A_534] {strides = array<i32>} : memref<32768xf32, #tpu.memory_space<vmem>>, vector<16xf32>,
        %parallel_loop3A_536 = vector.shape_cast %parallel_loop3A_535 : vector<16xf32> to vector<16xf32>
        %parallel_loop3A_537 = arith.mulf %parallel_loop3A_422, %parallel_loop3A_529 : vector<16xf32>
        %parallel_loop3A_538 = arith.mulf %parallel_loop3A_432, %parallel_loop3A_536 : vector<16xf32>
        %parallel_loop3A_539 = arith.addf %parallel_loop3A_537, %parallel_loop3A_538 : vector<16xf32>
        %parallel_loop3A_540 = arith.constant 0 : i32
        %parallel_loop3A_541 = arith.constant 2 : i32
        %parallel_loop3A_542 = arith.index_cast %parallel_loop3A_540 : i32 to index
        %parallel_loop3A_543 = arith.index_cast %parallel_loop3A_541 : i32 to index
        %parallel_loop3A_544 = arith.index_cast %parallel_loop3A_414 : i32 to index
        %parallel_loop3A_545 = tpu.vector_load %arg8[%parallel_loop3A_542, %parallel_loop3A_543, %parallel_loop3A_544] {strides = array<i32>} : memref<2x32x1024xf32, #tpu.memory_space<vmem>>, vector<1x1x16xf32>,
        %parallel_loop3A_546 = vector.shape_cast %parallel_loop3A_545 : vector<1x1x16xf32> to vector<16xf32>
        %parallel_loop3A_547 = vector.shape_cast %parallel_loop3A_539 : vector<16xf32> to vector<1x1x16xf32>
        tpu.vector_store %arg8[%parallel_loop3A_542, %parallel_loop3A_543, %parallel_loop3A_544], %parallel_loop3A_547 {add = true, strides = array<i32>} : memref<2x32x1024xf32, #tpu.memory_space<vmem>>, vector<1x1x16xf32>,
        %parallel_loop3A_548 = arith.mulf %parallel_loop3A_440, %parallel_loop3A_529 : vector<16xf32>
        %parallel_loop3A_549 = arith.mulf %parallel_loop3A_450, %parallel_loop3A_536 : vector<16xf32>
        %parallel_loop3A_550 = arith.addf %parallel_loop3A_548, %parallel_loop3A_549 : vector<16xf32>
        %parallel_loop3A_551 = arith.constant 0 : i32
        %parallel_loop3A_552 = arith.constant 18 : i32
        %parallel_loop3A_553 = arith.index_cast %parallel_loop3A_551 : i32 to index
        %parallel_loop3A_554 = arith.index_cast %parallel_loop3A_552 : i32 to index
        %parallel_loop3A_555 = arith.index_cast %parallel_loop3A_414 : i32 to index
        %parallel_loop3A_556 = tpu.vector_load %arg8[%parallel_loop3A_553, %parallel_loop3A_554, %parallel_loop3A_555] {strides = array<i32>} : memref<2x32x1024xf32, #tpu.memory_space<vmem>>, vector<1x1x16xf32>,
        %parallel_loop3A_557 = vector.shape_cast %parallel_loop3A_556 : vector<1x1x16xf32> to vector<16xf32>
        %parallel_loop3A_558 = vector.shape_cast %parallel_loop3A_550 : vector<16xf32> to vector<1x1x16xf32>
        tpu.vector_store %arg8[%parallel_loop3A_553, %parallel_loop3A_554, %parallel_loop3A_555], %parallel_loop3A_558 {add = true, strides = array<i32>} : memref<2x32x1024xf32, #tpu.memory_space<vmem>>, vector<1x1x16xf32>,
        %parallel_loop3A_559 = arith.constant 16 : i32
        %parallel_loop3A_560 = arith.muli %parallel_loop3A_412, %parallel_loop3A_559 : i32
        %parallel_loop3A_561 = arith.constant 3072 : i32
        %parallel_loop3A_562 = arith.addi %parallel_loop3A_561, %parallel_loop3A_560 : i32
        %parallel_loop3A_563 = arith.index_cast %parallel_loop3A_562 : i32 to index
        %parallel_loop3A_564 = tpu.vector_load %arg10[%parallel_loop3A_563] {strides = array<i32>} : memref<32768xf32, #tpu.memory_space<vmem>>, vector<16xf32>,
        %parallel_loop3A_565 = vector.shape_cast %parallel_loop3A_564 : vector<16xf32> to vector<16xf32>
        %parallel_loop3A_566 = arith.constant 16 : i32
        %parallel_loop3A_567 = arith.muli %parallel_loop3A_412, %parallel_loop3A_566 : i32
        %parallel_loop3A_568 = arith.constant 19456 : i32
        %parallel_loop3A_569 = arith.addi %parallel_loop3A_568, %parallel_loop3A_567 : i32
        %parallel_loop3A_570 = arith.index_cast %parallel_loop3A_569 : i32 to index
        %parallel_loop3A_571 = tpu.vector_load %arg10[%parallel_loop3A_570] {strides = array<i32>} : memref<32768xf32, #tpu.memory_space<vmem>>, vector<16xf32>,
        %parallel_loop3A_572 = vector.shape_cast %parallel_loop3A_571 : vector<16xf32> to vector<16xf32>
        %parallel_loop3A_573 = arith.mulf %parallel_loop3A_422, %parallel_loop3A_565 : vector<16xf32>
        %parallel_loop3A_574 = arith.mulf %parallel_loop3A_432, %parallel_loop3A_572 : vector<16xf32>
        %parallel_loop3A_575 = arith.addf %parallel_loop3A_573, %parallel_loop3A_574 : vector<16xf32>
        %parallel_loop3A_576 = arith.constant 0 : i32
        %parallel_loop3A_577 = arith.constant 3 : i32
        %parallel_loop3A_578 = arith.index_cast %parallel_loop3A_576 : i32 to index
        %parallel_loop3A_579 = arith.index_cast %parallel_loop3A_577 : i32 to index
        %parallel_loop3A_580 = arith.index_cast %parallel_loop3A_414 : i32 to index
        %parallel_loop3A_581 = tpu.vector_load %arg8[%parallel_loop3A_578, %parallel_loop3A_579, %parallel_loop3A_580] {strides = array<i32>} : memref<2x32x1024xf32, #tpu.memory_space<vmem>>, vector<1x1x16xf32>,
        %parallel_loop3A_582 = vector.shape_cast %parallel_loop3A_581 : vector<1x1x16xf32> to vector<16xf32>
        %parallel_loop3A_583 = vector.shape_cast %parallel_loop3A_575 : vector<16xf32> to vector<1x1x16xf32>
        tpu.vector_store %arg8[%parallel_loop3A_578, %parallel_loop3A_579, %parallel_loop3A_580], %parallel_loop3A_583 {add = true, strides = array<i32>} : memref<2x32x1024xf32, #tpu.memory_space<vmem>>, vector<1x1x16xf32>,
        %parallel_loop3A_584 = arith.mulf %parallel_loop3A_440, %parallel_loop3A_565 : vector<16xf32>
        %parallel_loop3A_585 = arith.mulf %parallel_loop3A_450, %parallel_loop3A_572 : vector<16xf32>
        %parallel_loop3A_586 = arith.addf %parallel_loop3A_584, %parallel_loop3A_585 : vector<16xf32>
        %parallel_loop3A_587 = arith.constant 0 : i32
        %parallel_loop3A_588 = arith.constant 19 : i32
        %parallel_loop3A_589 = arith.index_cast %parallel_loop3A_587 : i32 to index
        %parallel_loop3A_590 = arith.index_cast %parallel_loop3A_588 : i32 to index
        %parallel_loop3A_591 = arith.index_cast %parallel_loop3A_414 : i32 to index
        %parallel_loop3A_592 = tpu.vector_load %arg8[%parallel_loop3A_589, %parallel_loop3A_590, %parallel_loop3A_591] {strides = array<i32>} : memref<2x32x1024xf32, #tpu.memory_space<vmem>>, vector<1x1x16xf32>,
        %parallel_loop3A_593 = vector.shape_cast %parallel_loop3A_592 : vector<1x1x16xf32> to vector<16xf32>
        %parallel_loop3A_594 = vector.shape_cast %parallel_loop3A_586 : vector<16xf32> to vector<1x1x16xf32>
        tpu.vector_store %arg8[%parallel_loop3A_589, %parallel_loop3A_590, %parallel_loop3A_591], %parallel_loop3A_594 {add = true, strides = array<i32>} : memref<2x32x1024xf32, #tpu.memory_space<vmem>>, vector<1x1x16xf32>,
        %parallel_loop3A_595 = arith.constant 16 : i32
        %parallel_loop3A_596 = arith.muli %parallel_loop3A_412, %parallel_loop3A_595 : i32
        %parallel_loop3A_597 = arith.constant 4096 : i32
        %parallel_loop3A_598 = arith.addi %parallel_loop3A_597, %parallel_loop3A_596 : i32
        %parallel_loop3A_599 = arith.index_cast %parallel_loop3A_598 : i32 to index
        %parallel_loop3A_600 = tpu.vector_load %arg10[%parallel_loop3A_599] {strides = array<i32>} : memref<32768xf32, #tpu.memory_space<vmem>>, vector<16xf32>,
        %parallel_loop3A_601 = vector.shape_cast %parallel_loop3A_600 : vector<16xf32> to vector<16xf32>
        %parallel_loop3A_602 = arith.constant 16 : i32
        %parallel_loop3A_603 = arith.muli %parallel_loop3A_412, %parallel_loop3A_602 : i32
        %parallel_loop3A_604 = arith.constant 20480 : i32
        %parallel_loop3A_605 = arith.addi %parallel_loop3A_604, %parallel_loop3A_603 : i32
        %parallel_loop3A_606 = arith.index_cast %parallel_loop3A_605 : i32 to index
        %parallel_loop3A_607 = tpu.vector_load %arg10[%parallel_loop3A_606] {strides = array<i32>} : memref<32768xf32, #tpu.memory_space<vmem>>, vector<16xf32>,
        %parallel_loop3A_608 = vector.shape_cast %parallel_loop3A_607 : vector<16xf32> to vector<16xf32>
        %parallel_loop3A_609 = arith.mulf %parallel_loop3A_422, %parallel_loop3A_601 : vector<16xf32>
        %parallel_loop3A_610 = arith.mulf %parallel_loop3A_432, %parallel_loop3A_608 : vector<16xf32>
        %parallel_loop3A_611 = arith.addf %parallel_loop3A_609, %parallel_loop3A_610 : vector<16xf32>
        %parallel_loop3A_612 = arith.constant 0 : i32
        %parallel_loop3A_613 = arith.constant 4 : i32
        %parallel_loop3A_614 = arith.index_cast %parallel_loop3A_612 : i32 to index
        %parallel_loop3A_615 = arith.index_cast %parallel_loop3A_613 : i32 to index
        %parallel_loop3A_616 = arith.index_cast %parallel_loop3A_414 : i32 to index
        %parallel_loop3A_617 = tpu.vector_load %arg8[%parallel_loop3A_614, %parallel_loop3A_615, %parallel_loop3A_616] {strides = array<i32>} : memref<2x32x1024xf32, #tpu.memory_space<vmem>>, vector<1x1x16xf32>,
        %parallel_loop3A_618 = vector.shape_cast %parallel_loop3A_617 : vector<1x1x16xf32> to vector<16xf32>
        %parallel_loop3A_619 = vector.shape_cast %parallel_loop3A_611 : vector<16xf32> to vector<1x1x16xf32>
        tpu.vector_store %arg8[%parallel_loop3A_614, %parallel_loop3A_615, %parallel_loop3A_616], %parallel_loop3A_619 {add = true, strides = array<i32>} : memref<2x32x1024xf32, #tpu.memory_space<vmem>>, vector<1x1x16xf32>,
        %parallel_loop3A_620 = arith.mulf %parallel_loop3A_440, %parallel_loop3A_601 : vector<16xf32>
        %parallel_loop3A_621 = arith.mulf %parallel_loop3A_450, %parallel_loop3A_608 : vector<16xf32>
        %parallel_loop3A_622 = arith.addf %parallel_loop3A_620, %parallel_loop3A_621 : vector<16xf32>
        %parallel_loop3A_623 = arith.constant 0 : i32
        %parallel_loop3A_624 = arith.constant 20 : i32
        %parallel_loop3A_625 = arith.index_cast %parallel_loop3A_623 : i32 to index
        %parallel_loop3A_626 = arith.index_cast %parallel_loop3A_624 : i32 to index
        %parallel_loop3A_627 = arith.index_cast %parallel_loop3A_414 : i32 to index
        %parallel_loop3A_628 = tpu.vector_load %arg8[%parallel_loop3A_625, %parallel_loop3A_626, %parallel_loop3A_627] {strides = array<i32>} : memref<2x32x1024xf32, #tpu.memory_space<vmem>>, vector<1x1x16xf32>,
        %parallel_loop3A_629 = vector.shape_cast %parallel_loop3A_628 : vector<1x1x16xf32> to vector<16xf32>
        %parallel_loop3A_630 = vector.shape_cast %parallel_loop3A_622 : vector<16xf32> to vector<1x1x16xf32>
        tpu.vector_store %arg8[%parallel_loop3A_625, %parallel_loop3A_626, %parallel_loop3A_627], %parallel_loop3A_630 {add = true, strides = array<i32>} : memref<2x32x1024xf32, #tpu.memory_space<vmem>>, vector<1x1x16xf32>,
        %parallel_loop3A_631 = arith.constant 16 : i32
        %parallel_loop3A_632 = arith.muli %parallel_loop3A_412, %parallel_loop3A_631 : i32
        %parallel_loop3A_633 = arith.constant 5120 : i32
        %parallel_loop3A_634 = arith.addi %parallel_loop3A_633, %parallel_loop3A_632 : i32
        %parallel_loop3A_635 = arith.index_cast %parallel_loop3A_634 : i32 to index
        %parallel_loop3A_636 = tpu.vector_load %arg10[%parallel_loop3A_635] {strides = array<i32>} : memref<32768xf32, #tpu.memory_space<vmem>>, vector<16xf32>,
        %parallel_loop3A_637 = vector.shape_cast %parallel_loop3A_636 : vector<16xf32> to vector<16xf32>
        %parallel_loop3A_638 = arith.constant 16 : i32
        %parallel_loop3A_639 = arith.muli %parallel_loop3A_412, %parallel_loop3A_638 : i32
        %parallel_loop3A_640 = arith.constant 21504 : i32
        %parallel_loop3A_641 = arith.addi %parallel_loop3A_640, %parallel_loop3A_639 : i32
        %parallel_loop3A_642 = arith.index_cast %parallel_loop3A_641 : i32 to index
        %parallel_loop3A_643 = tpu.vector_load %arg10[%parallel_loop3A_642] {strides = array<i32>} : memref<32768xf32, #tpu.memory_space<vmem>>, vector<16xf32>,
        %parallel_loop3A_644 = vector.shape_cast %parallel_loop3A_643 : vector<16xf32> to vector<16xf32>
        %parallel_loop3A_645 = arith.mulf %parallel_loop3A_422, %parallel_loop3A_637 : vector<16xf32>
        %parallel_loop3A_646 = arith.mulf %parallel_loop3A_432, %parallel_loop3A_644 : vector<16xf32>
        %parallel_loop3A_647 = arith.addf %parallel_loop3A_645, %parallel_loop3A_646 : vector<16xf32>
        %parallel_loop3A_648 = arith.constant 0 : i32
        %parallel_loop3A_649 = arith.constant 5 : i32
        %parallel_loop3A_650 = arith.index_cast %parallel_loop3A_648 : i32 to index
        %parallel_loop3A_651 = arith.index_cast %parallel_loop3A_649 : i32 to index
        %parallel_loop3A_652 = arith.index_cast %parallel_loop3A_414 : i32 to index
        %parallel_loop3A_653 = tpu.vector_load %arg8[%parallel_loop3A_650, %parallel_loop3A_651, %parallel_loop3A_652] {strides = array<i32>} : memref<2x32x1024xf32, #tpu.memory_space<vmem>>, vector<1x1x16xf32>,
        %parallel_loop3A_654 = vector.shape_cast %parallel_loop3A_653 : vector<1x1x16xf32> to vector<16xf32>
        %parallel_loop3A_655 = vector.shape_cast %parallel_loop3A_647 : vector<16xf32> to vector<1x1x16xf32>
        tpu.vector_store %arg8[%parallel_loop3A_650, %parallel_loop3A_651, %parallel_loop3A_652], %parallel_loop3A_655 {add = true, strides = array<i32>} : memref<2x32x1024xf32, #tpu.memory_space<vmem>>, vector<1x1x16xf32>,
        %parallel_loop3A_656 = arith.mulf %parallel_loop3A_440, %parallel_loop3A_637 : vector<16xf32>
        %parallel_loop3A_657 = arith.mulf %parallel_loop3A_450, %parallel_loop3A_644 : vector<16xf32>
        %parallel_loop3A_658 = arith.addf %parallel_loop3A_656, %parallel_loop3A_657 : vector<16xf32>
        %parallel_loop3A_659 = arith.constant 0 : i32
        %parallel_loop3A_660 = arith.constant 21 : i32
        %parallel_loop3A_661 = arith.index_cast %parallel_loop3A_659 : i32 to index
        %parallel_loop3A_662 = arith.index_cast %parallel_loop3A_660 : i32 to index
        %parallel_loop3A_663 = arith.index_cast %parallel_loop3A_414 : i32 to index
        %parallel_loop3A_664 = tpu.vector_load %arg8[%parallel_loop3A_661, %parallel_loop3A_662, %parallel_loop3A_663] {strides = array<i32>} : memref<2x32x1024xf32, #tpu.memory_space<vmem>>, vector<1x1x16xf32>,
        %parallel_loop3A_665 = vector.shape_cast %parallel_loop3A_664 : vector<1x1x16xf32> to vector<16xf32>
        %parallel_loop3A_666 = vector.shape_cast %parallel_loop3A_658 : vector<16xf32> to vector<1x1x16xf32>
        tpu.vector_store %arg8[%parallel_loop3A_661, %parallel_loop3A_662, %parallel_loop3A_663], %parallel_loop3A_666 {add = true, strides = array<i32>} : memref<2x32x1024xf32, #tpu.memory_space<vmem>>, vector<1x1x16xf32>,
        %parallel_loop3A_667 = arith.constant 16 : i32
        %parallel_loop3A_668 = arith.muli %parallel_loop3A_412, %parallel_loop3A_667 : i32
        %parallel_loop3A_669 = arith.constant 6144 : i32
        %parallel_loop3A_670 = arith.addi %parallel_loop3A_669, %parallel_loop3A_668 : i32
        %parallel_loop3A_671 = arith.index_cast %parallel_loop3A_670 : i32 to index
        %parallel_loop3A_672 = tpu.vector_load %arg10[%parallel_loop3A_671] {strides = array<i32>} : memref<32768xf32, #tpu.memory_space<vmem>>, vector<16xf32>,
        %parallel_loop3A_673 = vector.shape_cast %parallel_loop3A_672 : vector<16xf32> to vector<16xf32>
        %parallel_loop3A_674 = arith.constant 16 : i32
        %parallel_loop3A_675 = arith.muli %parallel_loop3A_412, %parallel_loop3A_674 : i32
        %parallel_loop3A_676 = arith.constant 22528 : i32
        %parallel_loop3A_677 = arith.addi %parallel_loop3A_676, %parallel_loop3A_675 : i32
        %parallel_loop3A_678 = arith.index_cast %parallel_loop3A_677 : i32 to index
        %parallel_loop3A_679 = tpu.vector_load %arg10[%parallel_loop3A_678] {strides = array<i32>} : memref<32768xf32, #tpu.memory_space<vmem>>, vector<16xf32>,
        %parallel_loop3A_680 = vector.shape_cast %parallel_loop3A_679 : vector<16xf32> to vector<16xf32>
        %parallel_loop3A_681 = arith.mulf %parallel_loop3A_422, %parallel_loop3A_673 : vector<16xf32>
        %parallel_loop3A_682 = arith.mulf %parallel_loop3A_432, %parallel_loop3A_680 : vector<16xf32>
        %parallel_loop3A_683 = arith.addf %parallel_loop3A_681, %parallel_loop3A_682 : vector<16xf32>
        %parallel_loop3A_684 = arith.constant 0 : i32
        %parallel_loop3A_685 = arith.constant 6 : i32
        %parallel_loop3A_686 = arith.index_cast %parallel_loop3A_684 : i32 to index
        %parallel_loop3A_687 = arith.index_cast %parallel_loop3A_685 : i32 to index
        %parallel_loop3A_688 = arith.index_cast %parallel_loop3A_414 : i32 to index
        %parallel_loop3A_689 = tpu.vector_load %arg8[%parallel_loop3A_686, %parallel_loop3A_687, %parallel_loop3A_688] {strides = array<i32>} : memref<2x32x1024xf32, #tpu.memory_space<vmem>>, vector<1x1x16xf32>,
        %parallel_loop3A_690 = vector.shape_cast %parallel_loop3A_689 : vector<1x1x16xf32> to vector<16xf32>
        %parallel_loop3A_691 = vector.shape_cast %parallel_loop3A_683 : vector<16xf32> to vector<1x1x16xf32>
        tpu.vector_store %arg8[%parallel_loop3A_686, %parallel_loop3A_687, %parallel_loop3A_688], %parallel_loop3A_691 {add = true, strides = array<i32>} : memref<2x32x1024xf32, #tpu.memory_space<vmem>>, vector<1x1x16xf32>,
        %parallel_loop3A_692 = arith.mulf %parallel_loop3A_440, %parallel_loop3A_673 : vector<16xf32>
        %parallel_loop3A_693 = arith.mulf %parallel_loop3A_450, %parallel_loop3A_680 : vector<16xf32>
        %parallel_loop3A_694 = arith.addf %parallel_loop3A_692, %parallel_loop3A_693 : vector<16xf32>
        %parallel_loop3A_695 = arith.constant 0 : i32
        %parallel_loop3A_696 = arith.constant 22 : i32
        %parallel_loop3A_697 = arith.index_cast %parallel_loop3A_695 : i32 to index
        %parallel_loop3A_698 = arith.index_cast %parallel_loop3A_696 : i32 to index
        %parallel_loop3A_699 = arith.index_cast %parallel_loop3A_414 : i32 to index
        %parallel_loop3A_700 = tpu.vector_load %arg8[%parallel_loop3A_697, %parallel_loop3A_698, %parallel_loop3A_699] {strides = array<i32>} : memref<2x32x1024xf32, #tpu.memory_space<vmem>>, vector<1x1x16xf32>,
        %parallel_loop3A_701 = vector.shape_cast %parallel_loop3A_700 : vector<1x1x16xf32> to vector<16xf32>
        %parallel_loop3A_702 = vector.shape_cast %parallel_loop3A_694 : vector<16xf32> to vector<1x1x16xf32>
        tpu.vector_store %arg8[%parallel_loop3A_697, %parallel_loop3A_698, %parallel_loop3A_699], %parallel_loop3A_702 {add = true, strides = array<i32>} : memref<2x32x1024xf32, #tpu.memory_space<vmem>>, vector<1x1x16xf32>,
        %parallel_loop3A_703 = arith.constant 16 : i32
        %parallel_loop3A_704 = arith.muli %parallel_loop3A_412, %parallel_loop3A_703 : i32
        %parallel_loop3A_705 = arith.constant 7168 : i32
        %parallel_loop3A_706 = arith.addi %parallel_loop3A_705, %parallel_loop3A_704 : i32
        %parallel_loop3A_707 = arith.index_cast %parallel_loop3A_706 : i32 to index
        %parallel_loop3A_708 = tpu.vector_load %arg10[%parallel_loop3A_707] {strides = array<i32>} : memref<32768xf32, #tpu.memory_space<vmem>>, vector<16xf32>,
        %parallel_loop3A_709 = vector.shape_cast %parallel_loop3A_708 : vector<16xf32> to vector<16xf32>
        %parallel_loop3A_710 = arith.constant 16 : i32
        %parallel_loop3A_711 = arith.muli %parallel_loop3A_412, %parallel_loop3A_710 : i32
        %parallel_loop3A_712 = arith.constant 23552 : i32
        %parallel_loop3A_713 = arith.addi %parallel_loop3A_712, %parallel_loop3A_711 : i32
        %parallel_loop3A_714 = arith.index_cast %parallel_loop3A_713 : i32 to index
        %parallel_loop3A_715 = tpu.vector_load %arg10[%parallel_loop3A_714] {strides = array<i32>} : memref<32768xf32, #tpu.memory_space<vmem>>, vector<16xf32>,
        %parallel_loop3A_716 = vector.shape_cast %parallel_loop3A_715 : vector<16xf32> to vector<16xf32>
        %parallel_loop3A_717 = arith.mulf %parallel_loop3A_422, %parallel_loop3A_709 : vector<16xf32>
        %parallel_loop3A_718 = arith.mulf %parallel_loop3A_432, %parallel_loop3A_716 : vector<16xf32>
        %parallel_loop3A_719 = arith.addf %parallel_loop3A_717, %parallel_loop3A_718 : vector<16xf32>
        %parallel_loop3A_720 = arith.constant 0 : i32
        %parallel_loop3A_721 = arith.constant 7 : i32
        %parallel_loop3A_722 = arith.index_cast %parallel_loop3A_720 : i32 to index
        %parallel_loop3A_723 = arith.index_cast %parallel_loop3A_721 : i32 to index
        %parallel_loop3A_724 = arith.index_cast %parallel_loop3A_414 : i32 to index
        %parallel_loop3A_725 = tpu.vector_load %arg8[%parallel_loop3A_722, %parallel_loop3A_723, %parallel_loop3A_724] {strides = array<i32>} : memref<2x32x1024xf32, #tpu.memory_space<vmem>>, vector<1x1x16xf32>,
        %parallel_loop3A_726 = vector.shape_cast %parallel_loop3A_725 : vector<1x1x16xf32> to vector<16xf32>
        %parallel_loop3A_727 = vector.shape_cast %parallel_loop3A_719 : vector<16xf32> to vector<1x1x16xf32>
        tpu.vector_store %arg8[%parallel_loop3A_722, %parallel_loop3A_723, %parallel_loop3A_724], %parallel_loop3A_727 {add = true, strides = array<i32>} : memref<2x32x1024xf32, #tpu.memory_space<vmem>>, vector<1x1x16xf32>,
        %parallel_loop3A_728 = arith.mulf %parallel_loop3A_440, %parallel_loop3A_709 : vector<16xf32>
        %parallel_loop3A_729 = arith.mulf %parallel_loop3A_450, %parallel_loop3A_716 : vector<16xf32>
        %parallel_loop3A_730 = arith.addf %parallel_loop3A_728, %parallel_loop3A_729 : vector<16xf32>
        %parallel_loop3A_731 = arith.constant 0 : i32
        %parallel_loop3A_732 = arith.constant 23 : i32
        %parallel_loop3A_733 = arith.index_cast %parallel_loop3A_731 : i32 to index
        %parallel_loop3A_734 = arith.index_cast %parallel_loop3A_732 : i32 to index
        %parallel_loop3A_735 = arith.index_cast %parallel_loop3A_414 : i32 to index
        %parallel_loop3A_736 = tpu.vector_load %arg8[%parallel_loop3A_733, %parallel_loop3A_734, %parallel_loop3A_735] {strides = array<i32>} : memref<2x32x1024xf32, #tpu.memory_space<vmem>>, vector<1x1x16xf32>,
        %parallel_loop3A_737 = vector.shape_cast %parallel_loop3A_736 : vector<1x1x16xf32> to vector<16xf32>
        %parallel_loop3A_738 = vector.shape_cast %parallel_loop3A_730 : vector<16xf32> to vector<1x1x16xf32>
        tpu.vector_store %arg8[%parallel_loop3A_733, %parallel_loop3A_734, %parallel_loop3A_735], %parallel_loop3A_738 {add = true, strides = array<i32>} : memref<2x32x1024xf32, #tpu.memory_space<vmem>>, vector<1x1x16xf32>,
        %parallel_loop3A_739 = arith.constant 16 : i32
        %parallel_loop3A_740 = arith.muli %parallel_loop3A_412, %parallel_loop3A_739 : i32
        %parallel_loop3A_741 = arith.constant 8192 : i32
        %parallel_loop3A_742 = arith.addi %parallel_loop3A_741, %parallel_loop3A_740 : i32
        %parallel_loop3A_743 = arith.index_cast %parallel_loop3A_742 : i32 to index
        %parallel_loop3A_744 = tpu.vector_load %arg10[%parallel_loop3A_743] {strides = array<i32>} : memref<32768xf32, #tpu.memory_space<vmem>>, vector<16xf32>,
        %parallel_loop3A_745 = vector.shape_cast %parallel_loop3A_744 : vector<16xf32> to vector<16xf32>
        %parallel_loop3A_746 = arith.constant 16 : i32
        %parallel_loop3A_747 = arith.muli %parallel_loop3A_412, %parallel_loop3A_746 : i32
        %parallel_loop3A_748 = arith.constant 24576 : i32
        %parallel_loop3A_749 = arith.addi %parallel_loop3A_748, %parallel_loop3A_747 : i32
        %parallel_loop3A_750 = arith.index_cast %parallel_loop3A_749 : i32 to index
        %parallel_loop3A_751 = tpu.vector_load %arg10[%parallel_loop3A_750] {strides = array<i32>} : memref<32768xf32, #tpu.memory_space<vmem>>, vector<16xf32>,
        %parallel_loop3A_752 = vector.shape_cast %parallel_loop3A_751 : vector<16xf32> to vector<16xf32>
        %parallel_loop3A_753 = arith.mulf %parallel_loop3A_422, %parallel_loop3A_745 : vector<16xf32>
        %parallel_loop3A_754 = arith.mulf %parallel_loop3A_432, %parallel_loop3A_752 : vector<16xf32>
        %parallel_loop3A_755 = arith.addf %parallel_loop3A_753, %parallel_loop3A_754 : vector<16xf32>
        %parallel_loop3A_756 = arith.constant 0 : i32
        %parallel_loop3A_757 = arith.constant 8 : i32
        %parallel_loop3A_758 = arith.index_cast %parallel_loop3A_756 : i32 to index
        %parallel_loop3A_759 = arith.index_cast %parallel_loop3A_757 : i32 to index
        %parallel_loop3A_760 = arith.index_cast %parallel_loop3A_414 : i32 to index
        %parallel_loop3A_761 = tpu.vector_load %arg8[%parallel_loop3A_758, %parallel_loop3A_759, %parallel_loop3A_760] {strides = array<i32>} : memref<2x32x1024xf32, #tpu.memory_space<vmem>>, vector<1x1x16xf32>,
        %parallel_loop3A_762 = vector.shape_cast %parallel_loop3A_761 : vector<1x1x16xf32> to vector<16xf32>
        %parallel_loop3A_763 = vector.shape_cast %parallel_loop3A_755 : vector<16xf32> to vector<1x1x16xf32>
        tpu.vector_store %arg8[%parallel_loop3A_758, %parallel_loop3A_759, %parallel_loop3A_760], %parallel_loop3A_763 {add = true, strides = array<i32>} : memref<2x32x1024xf32, #tpu.memory_space<vmem>>, vector<1x1x16xf32>,
        %parallel_loop3A_764 = arith.mulf %parallel_loop3A_440, %parallel_loop3A_745 : vector<16xf32>
        %parallel_loop3A_765 = arith.mulf %parallel_loop3A_450, %parallel_loop3A_752 : vector<16xf32>
        %parallel_loop3A_766 = arith.addf %parallel_loop3A_764, %parallel_loop3A_765 : vector<16xf32>
        %parallel_loop3A_767 = arith.constant 0 : i32
        %parallel_loop3A_768 = arith.constant 24 : i32
        %parallel_loop3A_769 = arith.index_cast %parallel_loop3A_767 : i32 to index
        %parallel_loop3A_770 = arith.index_cast %parallel_loop3A_768 : i32 to index
        %parallel_loop3A_771 = arith.index_cast %parallel_loop3A_414 : i32 to index
        %parallel_loop3A_772 = tpu.vector_load %arg8[%parallel_loop3A_769, %parallel_loop3A_770, %parallel_loop3A_771] {strides = array<i32>} : memref<2x32x1024xf32, #tpu.memory_space<vmem>>, vector<1x1x16xf32>,
        %parallel_loop3A_773 = vector.shape_cast %parallel_loop3A_772 : vector<1x1x16xf32> to vector<16xf32>
        %parallel_loop3A_774 = vector.shape_cast %parallel_loop3A_766 : vector<16xf32> to vector<1x1x16xf32>
        tpu.vector_store %arg8[%parallel_loop3A_769, %parallel_loop3A_770, %parallel_loop3A_771], %parallel_loop3A_774 {add = true, strides = array<i32>} : memref<2x32x1024xf32, #tpu.memory_space<vmem>>, vector<1x1x16xf32>,
        %parallel_loop3A_775 = arith.constant 16 : i32
        %parallel_loop3A_776 = arith.muli %parallel_loop3A_412, %parallel_loop3A_775 : i32
        %parallel_loop3A_777 = arith.constant 9216 : i32
        %parallel_loop3A_778 = arith.addi %parallel_loop3A_777, %parallel_loop3A_776 : i32
        %parallel_loop3A_779 = arith.index_cast %parallel_loop3A_778 : i32 to index
        %parallel_loop3A_780 = tpu.vector_load %arg10[%parallel_loop3A_779] {strides = array<i32>} : memref<32768xf32, #tpu.memory_space<vmem>>, vector<16xf32>,
        %parallel_loop3A_781 = vector.shape_cast %parallel_loop3A_780 : vector<16xf32> to vector<16xf32>
        %parallel_loop3A_782 = arith.constant 16 : i32
        %parallel_loop3A_783 = arith.muli %parallel_loop3A_412, %parallel_loop3A_782 : i32
        %parallel_loop3A_784 = arith.constant 25600 : i32
        %parallel_loop3A_785 = arith.addi %parallel_loop3A_784, %parallel_loop3A_783 : i32
        %parallel_loop3A_786 = arith.index_cast %parallel_loop3A_785 : i32 to index
        %parallel_loop3A_787 = tpu.vector_load %arg10[%parallel_loop3A_786] {strides = array<i32>} : memref<32768xf32, #tpu.memory_space<vmem>>, vector<16xf32>,
        %parallel_loop3A_788 = vector.shape_cast %parallel_loop3A_787 : vector<16xf32> to vector<16xf32>
        %parallel_loop3A_789 = arith.mulf %parallel_loop3A_422, %parallel_loop3A_781 : vector<16xf32>
        %parallel_loop3A_790 = arith.mulf %parallel_loop3A_432, %parallel_loop3A_788 : vector<16xf32>
        %parallel_loop3A_791 = arith.addf %parallel_loop3A_789, %parallel_loop3A_790 : vector<16xf32>
        %parallel_loop3A_792 = arith.constant 0 : i32
        %parallel_loop3A_793 = arith.constant 9 : i32
        %parallel_loop3A_794 = arith.index_cast %parallel_loop3A_792 : i32 to index
        %parallel_loop3A_795 = arith.index_cast %parallel_loop3A_793 : i32 to index
        %parallel_loop3A_796 = arith.index_cast %parallel_loop3A_414 : i32 to index
        %parallel_loop3A_797 = tpu.vector_load %arg8[%parallel_loop3A_794, %parallel_loop3A_795, %parallel_loop3A_796] {strides = array<i32>} : memref<2x32x1024xf32, #tpu.memory_space<vmem>>, vector<1x1x16xf32>,
        %parallel_loop3A_798 = vector.shape_cast %parallel_loop3A_797 : vector<1x1x16xf32> to vector<16xf32>
        %parallel_loop3A_799 = vector.shape_cast %parallel_loop3A_791 : vector<16xf32> to vector<1x1x16xf32>
        tpu.vector_store %arg8[%parallel_loop3A_794, %parallel_loop3A_795, %parallel_loop3A_796], %parallel_loop3A_799 {add = true, strides = array<i32>} : memref<2x32x1024xf32, #tpu.memory_space<vmem>>, vector<1x1x16xf32>,
        %parallel_loop3A_800 = arith.mulf %parallel_loop3A_440, %parallel_loop3A_781 : vector<16xf32>
        %parallel_loop3A_801 = arith.mulf %parallel_loop3A_450, %parallel_loop3A_788 : vector<16xf32>
        %parallel_loop3A_802 = arith.addf %parallel_loop3A_800, %parallel_loop3A_801 : vector<16xf32>
        %parallel_loop3A_803 = arith.constant 0 : i32
        %parallel_loop3A_804 = arith.constant 25 : i32
        %parallel_loop3A_805 = arith.index_cast %parallel_loop3A_803 : i32 to index
        %parallel_loop3A_806 = arith.index_cast %parallel_loop3A_804 : i32 to index
        %parallel_loop3A_807 = arith.index_cast %parallel_loop3A_414 : i32 to index
        %parallel_loop3A_808 = tpu.vector_load %arg8[%parallel_loop3A_805, %parallel_loop3A_806, %parallel_loop3A_807] {strides = array<i32>} : memref<2x32x1024xf32, #tpu.memory_space<vmem>>, vector<1x1x16xf32>,
        %parallel_loop3A_809 = vector.shape_cast %parallel_loop3A_808 : vector<1x1x16xf32> to vector<16xf32>
        %parallel_loop3A_810 = vector.shape_cast %parallel_loop3A_802 : vector<16xf32> to vector<1x1x16xf32>
        tpu.vector_store %arg8[%parallel_loop3A_805, %parallel_loop3A_806, %parallel_loop3A_807], %parallel_loop3A_810 {add = true, strides = array<i32>} : memref<2x32x1024xf32, #tpu.memory_space<vmem>>, vector<1x1x16xf32>,
        %parallel_loop3A_811 = arith.constant 16 : i32
        %parallel_loop3A_812 = arith.muli %parallel_loop3A_412, %parallel_loop3A_811 : i32
        %parallel_loop3A_813 = arith.constant 10240 : i32
        %parallel_loop3A_814 = arith.addi %parallel_loop3A_813, %parallel_loop3A_812 : i32
        %parallel_loop3A_815 = arith.index_cast %parallel_loop3A_814 : i32 to index
        %parallel_loop3A_816 = tpu.vector_load %arg10[%parallel_loop3A_815] {strides = array<i32>} : memref<32768xf32, #tpu.memory_space<vmem>>, vector<16xf32>,
        %parallel_loop3A_817 = vector.shape_cast %parallel_loop3A_816 : vector<16xf32> to vector<16xf32>
        %parallel_loop3A_818 = arith.constant 16 : i32
        %parallel_loop3A_819 = arith.muli %parallel_loop3A_412, %parallel_loop3A_818 : i32
        %parallel_loop3A_820 = arith.constant 26624 : i32
        %parallel_loop3A_821 = arith.addi %parallel_loop3A_820, %parallel_loop3A_819 : i32
        %parallel_loop3A_822 = arith.index_cast %parallel_loop3A_821 : i32 to index
        %parallel_loop3A_823 = tpu.vector_load %arg10[%parallel_loop3A_822] {strides = array<i32>} : memref<32768xf32, #tpu.memory_space<vmem>>, vector<16xf32>,
        %parallel_loop3A_824 = vector.shape_cast %parallel_loop3A_823 : vector<16xf32> to vector<16xf32>
        %parallel_loop3A_825 = arith.mulf %parallel_loop3A_422, %parallel_loop3A_817 : vector<16xf32>
        %parallel_loop3A_826 = arith.mulf %parallel_loop3A_432, %parallel_loop3A_824 : vector<16xf32>
        %parallel_loop3A_827 = arith.addf %parallel_loop3A_825, %parallel_loop3A_826 : vector<16xf32>
        %parallel_loop3A_828 = arith.constant 0 : i32
        %parallel_loop3A_829 = arith.constant 10 : i32
        %parallel_loop3A_830 = arith.index_cast %parallel_loop3A_828 : i32 to index
        %parallel_loop3A_831 = arith.index_cast %parallel_loop3A_829 : i32 to index
        %parallel_loop3A_832 = arith.index_cast %parallel_loop3A_414 : i32 to index
        %parallel_loop3A_833 = tpu.vector_load %arg8[%parallel_loop3A_830, %parallel_loop3A_831, %parallel_loop3A_832] {strides = array<i32>} : memref<2x32x1024xf32, #tpu.memory_space<vmem>>, vector<1x1x16xf32>,
        %parallel_loop3A_834 = vector.shape_cast %parallel_loop3A_833 : vector<1x1x16xf32> to vector<16xf32>
        %parallel_loop3A_835 = vector.shape_cast %parallel_loop3A_827 : vector<16xf32> to vector<1x1x16xf32>
        tpu.vector_store %arg8[%parallel_loop3A_830, %parallel_loop3A_831, %parallel_loop3A_832], %parallel_loop3A_835 {add = true, strides = array<i32>} : memref<2x32x1024xf32, #tpu.memory_space<vmem>>, vector<1x1x16xf32>,
        %parallel_loop3A_836 = arith.mulf %parallel_loop3A_440, %parallel_loop3A_817 : vector<16xf32>
        %parallel_loop3A_837 = arith.mulf %parallel_loop3A_450, %parallel_loop3A_824 : vector<16xf32>
        %parallel_loop3A_838 = arith.addf %parallel_loop3A_836, %parallel_loop3A_837 : vector<16xf32>
        %parallel_loop3A_839 = arith.constant 0 : i32
        %parallel_loop3A_840 = arith.constant 26 : i32
        %parallel_loop3A_841 = arith.index_cast %parallel_loop3A_839 : i32 to index
        %parallel_loop3A_842 = arith.index_cast %parallel_loop3A_840 : i32 to index
        %parallel_loop3A_843 = arith.index_cast %parallel_loop3A_414 : i32 to index
        %parallel_loop3A_844 = tpu.vector_load %arg8[%parallel_loop3A_841, %parallel_loop3A_842, %parallel_loop3A_843] {strides = array<i32>} : memref<2x32x1024xf32, #tpu.memory_space<vmem>>, vector<1x1x16xf32>,
        %parallel_loop3A_845 = vector.shape_cast %parallel_loop3A_844 : vector<1x1x16xf32> to vector<16xf32>
        %parallel_loop3A_846 = vector.shape_cast %parallel_loop3A_838 : vector<16xf32> to vector<1x1x16xf32>
        tpu.vector_store %arg8[%parallel_loop3A_841, %parallel_loop3A_842, %parallel_loop3A_843], %parallel_loop3A_846 {add = true, strides = array<i32>} : memref<2x32x1024xf32, #tpu.memory_space<vmem>>, vector<1x1x16xf32>,
        %parallel_loop3A_847 = arith.constant 16 : i32
        %parallel_loop3A_848 = arith.muli %parallel_loop3A_412, %parallel_loop3A_847 : i32
        %parallel_loop3A_849 = arith.constant 11264 : i32
        %parallel_loop3A_850 = arith.addi %parallel_loop3A_849, %parallel_loop3A_848 : i32
        %parallel_loop3A_851 = arith.index_cast %parallel_loop3A_850 : i32 to index
        %parallel_loop3A_852 = tpu.vector_load %arg10[%parallel_loop3A_851] {strides = array<i32>} : memref<32768xf32, #tpu.memory_space<vmem>>, vector<16xf32>,
        %parallel_loop3A_853 = vector.shape_cast %parallel_loop3A_852 : vector<16xf32> to vector<16xf32>
        %parallel_loop3A_854 = arith.constant 16 : i32
        %parallel_loop3A_855 = arith.muli %parallel_loop3A_412, %parallel_loop3A_854 : i32
        %parallel_loop3A_856 = arith.constant 27648 : i32
        %parallel_loop3A_857 = arith.addi %parallel_loop3A_856, %parallel_loop3A_855 : i32
        %parallel_loop3A_858 = arith.index_cast %parallel_loop3A_857 : i32 to index
        %parallel_loop3A_859 = tpu.vector_load %arg10[%parallel_loop3A_858] {strides = array<i32>} : memref<32768xf32, #tpu.memory_space<vmem>>, vector<16xf32>,
        %parallel_loop3A_860 = vector.shape_cast %parallel_loop3A_859 : vector<16xf32> to vector<16xf32>
        %parallel_loop3A_861 = arith.mulf %parallel_loop3A_422, %parallel_loop3A_853 : vector<16xf32>
        %parallel_loop3A_862 = arith.mulf %parallel_loop3A_432, %parallel_loop3A_860 : vector<16xf32>
        %parallel_loop3A_863 = arith.addf %parallel_loop3A_861, %parallel_loop3A_862 : vector<16xf32>
        %parallel_loop3A_864 = arith.constant 0 : i32
        %parallel_loop3A_865 = arith.constant 11 : i32
        %parallel_loop3A_866 = arith.index_cast %parallel_loop3A_864 : i32 to index
        %parallel_loop3A_867 = arith.index_cast %parallel_loop3A_865 : i32 to index
        %parallel_loop3A_868 = arith.index_cast %parallel_loop3A_414 : i32 to index
        %parallel_loop3A_869 = tpu.vector_load %arg8[%parallel_loop3A_866, %parallel_loop3A_867, %parallel_loop3A_868] {strides = array<i32>} : memref<2x32x1024xf32, #tpu.memory_space<vmem>>, vector<1x1x16xf32>,
        %parallel_loop3A_870 = vector.shape_cast %parallel_loop3A_869 : vector<1x1x16xf32> to vector<16xf32>
        %parallel_loop3A_871 = vector.shape_cast %parallel_loop3A_863 : vector<16xf32> to vector<1x1x16xf32>
        tpu.vector_store %arg8[%parallel_loop3A_866, %parallel_loop3A_867, %parallel_loop3A_868], %parallel_loop3A_871 {add = true, strides = array<i32>} : memref<2x32x1024xf32, #tpu.memory_space<vmem>>, vector<1x1x16xf32>,
        %parallel_loop3A_872 = arith.mulf %parallel_loop3A_440, %parallel_loop3A_853 : vector<16xf32>
        %parallel_loop3A_873 = arith.mulf %parallel_loop3A_450, %parallel_loop3A_860 : vector<16xf32>
        %parallel_loop3A_874 = arith.addf %parallel_loop3A_872, %parallel_loop3A_873 : vector<16xf32>
        %parallel_loop3A_875 = arith.constant 0 : i32
        %parallel_loop3A_876 = arith.constant 27 : i32
        %parallel_loop3A_877 = arith.index_cast %parallel_loop3A_875 : i32 to index
        %parallel_loop3A_878 = arith.index_cast %parallel_loop3A_876 : i32 to index
        %parallel_loop3A_879 = arith.index_cast %parallel_loop3A_414 : i32 to index
        %parallel_loop3A_880 = tpu.vector_load %arg8[%parallel_loop3A_877, %parallel_loop3A_878, %parallel_loop3A_879] {strides = array<i32>} : memref<2x32x1024xf32, #tpu.memory_space<vmem>>, vector<1x1x16xf32>,
        %parallel_loop3A_881 = vector.shape_cast %parallel_loop3A_880 : vector<1x1x16xf32> to vector<16xf32>
        %parallel_loop3A_882 = vector.shape_cast %parallel_loop3A_874 : vector<16xf32> to vector<1x1x16xf32>
        tpu.vector_store %arg8[%parallel_loop3A_877, %parallel_loop3A_878, %parallel_loop3A_879], %parallel_loop3A_882 {add = true, strides = array<i32>} : memref<2x32x1024xf32, #tpu.memory_space<vmem>>, vector<1x1x16xf32>,
        %parallel_loop3A_883 = arith.constant 16 : i32
        %parallel_loop3A_884 = arith.muli %parallel_loop3A_412, %parallel_loop3A_883 : i32
        %parallel_loop3A_885 = arith.constant 12288 : i32
        %parallel_loop3A_886 = arith.addi %parallel_loop3A_885, %parallel_loop3A_884 : i32
        %parallel_loop3A_887 = arith.index_cast %parallel_loop3A_886 : i32 to index
        %parallel_loop3A_888 = tpu.vector_load %arg10[%parallel_loop3A_887] {strides = array<i32>} : memref<32768xf32, #tpu.memory_space<vmem>>, vector<16xf32>,
        %parallel_loop3A_889 = vector.shape_cast %parallel_loop3A_888 : vector<16xf32> to vector<16xf32>
        %parallel_loop3A_890 = arith.constant 16 : i32
        %parallel_loop3A_891 = arith.muli %parallel_loop3A_412, %parallel_loop3A_890 : i32
        %parallel_loop3A_892 = arith.constant 28672 : i32
        %parallel_loop3A_893 = arith.addi %parallel_loop3A_892, %parallel_loop3A_891 : i32
        %parallel_loop3A_894 = arith.index_cast %parallel_loop3A_893 : i32 to index
        %parallel_loop3A_895 = tpu.vector_load %arg10[%parallel_loop3A_894] {strides = array<i32>} : memref<32768xf32, #tpu.memory_space<vmem>>, vector<16xf32>,
        %parallel_loop3A_896 = vector.shape_cast %parallel_loop3A_895 : vector<16xf32> to vector<16xf32>
        %parallel_loop3A_897 = arith.mulf %parallel_loop3A_422, %parallel_loop3A_889 : vector<16xf32>
        %parallel_loop3A_898 = arith.mulf %parallel_loop3A_432, %parallel_loop3A_896 : vector<16xf32>
        %parallel_loop3A_899 = arith.addf %parallel_loop3A_897, %parallel_loop3A_898 : vector<16xf32>
        %parallel_loop3A_900 = arith.constant 0 : i32
        %parallel_loop3A_901 = arith.constant 12 : i32
        %parallel_loop3A_902 = arith.index_cast %parallel_loop3A_900 : i32 to index
        %parallel_loop3A_903 = arith.index_cast %parallel_loop3A_901 : i32 to index
        %parallel_loop3A_904 = arith.index_cast %parallel_loop3A_414 : i32 to index
        %parallel_loop3A_905 = tpu.vector_load %arg8[%parallel_loop3A_902, %parallel_loop3A_903, %parallel_loop3A_904] {strides = array<i32>} : memref<2x32x1024xf32, #tpu.memory_space<vmem>>, vector<1x1x16xf32>,
        %parallel_loop3A_906 = vector.shape_cast %parallel_loop3A_905 : vector<1x1x16xf32> to vector<16xf32>
        %parallel_loop3A_907 = vector.shape_cast %parallel_loop3A_899 : vector<16xf32> to vector<1x1x16xf32>
        tpu.vector_store %arg8[%parallel_loop3A_902, %parallel_loop3A_903, %parallel_loop3A_904], %parallel_loop3A_907 {add = true, strides = array<i32>} : memref<2x32x1024xf32, #tpu.memory_space<vmem>>, vector<1x1x16xf32>,
        %parallel_loop3A_908 = arith.mulf %parallel_loop3A_440, %parallel_loop3A_889 : vector<16xf32>
        %parallel_loop3A_909 = arith.mulf %parallel_loop3A_450, %parallel_loop3A_896 : vector<16xf32>
        %parallel_loop3A_910 = arith.addf %parallel_loop3A_908, %parallel_loop3A_909 : vector<16xf32>
        %parallel_loop3A_911 = arith.constant 0 : i32
        %parallel_loop3A_912 = arith.constant 28 : i32
        %parallel_loop3A_913 = arith.index_cast %parallel_loop3A_911 : i32 to index
        %parallel_loop3A_914 = arith.index_cast %parallel_loop3A_912 : i32 to index
        %parallel_loop3A_915 = arith.index_cast %parallel_loop3A_414 : i32 to index
        %parallel_loop3A_916 = tpu.vector_load %arg8[%parallel_loop3A_913, %parallel_loop3A_914, %parallel_loop3A_915] {strides = array<i32>} : memref<2x32x1024xf32, #tpu.memory_space<vmem>>, vector<1x1x16xf32>,
        %parallel_loop3A_917 = vector.shape_cast %parallel_loop3A_916 : vector<1x1x16xf32> to vector<16xf32>
        %parallel_loop3A_918 = vector.shape_cast %parallel_loop3A_910 : vector<16xf32> to vector<1x1x16xf32>
        tpu.vector_store %arg8[%parallel_loop3A_913, %parallel_loop3A_914, %parallel_loop3A_915], %parallel_loop3A_918 {add = true, strides = array<i32>} : memref<2x32x1024xf32, #tpu.memory_space<vmem>>, vector<1x1x16xf32>,
        %parallel_loop3A_919 = arith.constant 16 : i32
        %parallel_loop3A_920 = arith.muli %parallel_loop3A_412, %parallel_loop3A_919 : i32
        %parallel_loop3A_921 = arith.constant 13312 : i32
        %parallel_loop3A_922 = arith.addi %parallel_loop3A_921, %parallel_loop3A_920 : i32
        %parallel_loop3A_923 = arith.index_cast %parallel_loop3A_922 : i32 to index
        %parallel_loop3A_924 = tpu.vector_load %arg10[%parallel_loop3A_923] {strides = array<i32>} : memref<32768xf32, #tpu.memory_space<vmem>>, vector<16xf32>,
        %parallel_loop3A_925 = vector.shape_cast %parallel_loop3A_924 : vector<16xf32> to vector<16xf32>
        %parallel_loop3A_926 = arith.constant 16 : i32
        %parallel_loop3A_927 = arith.muli %parallel_loop3A_412, %parallel_loop3A_926 : i32
        %parallel_loop3A_928 = arith.constant 29696 : i32
        %parallel_loop3A_929 = arith.addi %parallel_loop3A_928, %parallel_loop3A_927 : i32
        %parallel_loop3A_930 = arith.index_cast %parallel_loop3A_929 : i32 to index
        %parallel_loop3A_931 = tpu.vector_load %arg10[%parallel_loop3A_930] {strides = array<i32>} : memref<32768xf32, #tpu.memory_space<vmem>>, vector<16xf32>,
        %parallel_loop3A_932 = vector.shape_cast %parallel_loop3A_931 : vector<16xf32> to vector<16xf32>
        %parallel_loop3A_933 = arith.mulf %parallel_loop3A_422, %parallel_loop3A_925 : vector<16xf32>
        %parallel_loop3A_934 = arith.mulf %parallel_loop3A_432, %parallel_loop3A_932 : vector<16xf32>
        %parallel_loop3A_935 = arith.addf %parallel_loop3A_933, %parallel_loop3A_934 : vector<16xf32>
        %parallel_loop3A_936 = arith.constant 0 : i32
        %parallel_loop3A_937 = arith.constant 13 : i32
        %parallel_loop3A_938 = arith.index_cast %parallel_loop3A_936 : i32 to index
        %parallel_loop3A_939 = arith.index_cast %parallel_loop3A_937 : i32 to index
        %parallel_loop3A_940 = arith.index_cast %parallel_loop3A_414 : i32 to index
        %parallel_loop3A_941 = tpu.vector_load %arg8[%parallel_loop3A_938, %parallel_loop3A_939, %parallel_loop3A_940] {strides = array<i32>} : memref<2x32x1024xf32, #tpu.memory_space<vmem>>, vector<1x1x16xf32>,
        %parallel_loop3A_942 = vector.shape_cast %parallel_loop3A_941 : vector<1x1x16xf32> to vector<16xf32>
        %parallel_loop3A_943 = vector.shape_cast %parallel_loop3A_935 : vector<16xf32> to vector<1x1x16xf32>
        tpu.vector_store %arg8[%parallel_loop3A_938, %parallel_loop3A_939, %parallel_loop3A_940], %parallel_loop3A_943 {add = true, strides = array<i32>} : memref<2x32x1024xf32, #tpu.memory_space<vmem>>, vector<1x1x16xf32>,
        %parallel_loop3A_944 = arith.mulf %parallel_loop3A_440, %parallel_loop3A_925 : vector<16xf32>
        %parallel_loop3A_945 = arith.mulf %parallel_loop3A_450, %parallel_loop3A_932 : vector<16xf32>
        %parallel_loop3A_946 = arith.addf %parallel_loop3A_944, %parallel_loop3A_945 : vector<16xf32>
        %parallel_loop3A_947 = arith.constant 0 : i32
        %parallel_loop3A_948 = arith.constant 29 : i32
        %parallel_loop3A_949 = arith.index_cast %parallel_loop3A_947 : i32 to index
        %parallel_loop3A_950 = arith.index_cast %parallel_loop3A_948 : i32 to index
        %parallel_loop3A_951 = arith.index_cast %parallel_loop3A_414 : i32 to index
        %parallel_loop3A_952 = tpu.vector_load %arg8[%parallel_loop3A_949, %parallel_loop3A_950, %parallel_loop3A_951] {strides = array<i32>} : memref<2x32x1024xf32, #tpu.memory_space<vmem>>, vector<1x1x16xf32>,
        %parallel_loop3A_953 = vector.shape_cast %parallel_loop3A_952 : vector<1x1x16xf32> to vector<16xf32>
        %parallel_loop3A_954 = vector.shape_cast %parallel_loop3A_946 : vector<16xf32> to vector<1x1x16xf32>
        tpu.vector_store %arg8[%parallel_loop3A_949, %parallel_loop3A_950, %parallel_loop3A_951], %parallel_loop3A_954 {add = true, strides = array<i32>} : memref<2x32x1024xf32, #tpu.memory_space<vmem>>, vector<1x1x16xf32>,
        %parallel_loop3A_955 = arith.constant 16 : i32
        %parallel_loop3A_956 = arith.muli %parallel_loop3A_412, %parallel_loop3A_955 : i32
        %parallel_loop3A_957 = arith.constant 14336 : i32
        %parallel_loop3A_958 = arith.addi %parallel_loop3A_957, %parallel_loop3A_956 : i32
        %parallel_loop3A_959 = arith.index_cast %parallel_loop3A_958 : i32 to index
        %parallel_loop3A_960 = tpu.vector_load %arg10[%parallel_loop3A_959] {strides = array<i32>} : memref<32768xf32, #tpu.memory_space<vmem>>, vector<16xf32>,
        %parallel_loop3A_961 = vector.shape_cast %parallel_loop3A_960 : vector<16xf32> to vector<16xf32>
        %parallel_loop3A_962 = arith.constant 16 : i32
        %parallel_loop3A_963 = arith.muli %parallel_loop3A_412, %parallel_loop3A_962 : i32
        %parallel_loop3A_964 = arith.constant 30720 : i32
        %parallel_loop3A_965 = arith.addi %parallel_loop3A_964, %parallel_loop3A_963 : i32
        %parallel_loop3A_966 = arith.index_cast %parallel_loop3A_965 : i32 to index
        %parallel_loop3A_967 = tpu.vector_load %arg10[%parallel_loop3A_966] {strides = array<i32>} : memref<32768xf32, #tpu.memory_space<vmem>>, vector<16xf32>,
        %parallel_loop3A_968 = vector.shape_cast %parallel_loop3A_967 : vector<16xf32> to vector<16xf32>
        %parallel_loop3A_969 = arith.mulf %parallel_loop3A_422, %parallel_loop3A_961 : vector<16xf32>
        %parallel_loop3A_970 = arith.mulf %parallel_loop3A_432, %parallel_loop3A_968 : vector<16xf32>
        %parallel_loop3A_971 = arith.addf %parallel_loop3A_969, %parallel_loop3A_970 : vector<16xf32>
        %parallel_loop3A_972 = arith.constant 0 : i32
        %parallel_loop3A_973 = arith.constant 14 : i32
        %parallel_loop3A_974 = arith.index_cast %parallel_loop3A_972 : i32 to index
        %parallel_loop3A_975 = arith.index_cast %parallel_loop3A_973 : i32 to index
        %parallel_loop3A_976 = arith.index_cast %parallel_loop3A_414 : i32 to index
        %parallel_loop3A_977 = tpu.vector_load %arg8[%parallel_loop3A_974, %parallel_loop3A_975, %parallel_loop3A_976] {strides = array<i32>} : memref<2x32x1024xf32, #tpu.memory_space<vmem>>, vector<1x1x16xf32>,
        %parallel_loop3A_978 = vector.shape_cast %parallel_loop3A_977 : vector<1x1x16xf32> to vector<16xf32>
        %parallel_loop3A_979 = vector.shape_cast %parallel_loop3A_971 : vector<16xf32> to vector<1x1x16xf32>
        tpu.vector_store %arg8[%parallel_loop3A_974, %parallel_loop3A_975, %parallel_loop3A_976], %parallel_loop3A_979 {add = true, strides = array<i32>} : memref<2x32x1024xf32, #tpu.memory_space<vmem>>, vector<1x1x16xf32>,
        %parallel_loop3A_980 = arith.mulf %parallel_loop3A_440, %parallel_loop3A_961 : vector<16xf32>
        %parallel_loop3A_981 = arith.mulf %parallel_loop3A_450, %parallel_loop3A_968 : vector<16xf32>
        %parallel_loop3A_982 = arith.addf %parallel_loop3A_980, %parallel_loop3A_981 : vector<16xf32>
        %parallel_loop3A_983 = arith.constant 0 : i32
        %parallel_loop3A_984 = arith.constant 30 : i32
        %parallel_loop3A_985 = arith.index_cast %parallel_loop3A_983 : i32 to index
        %parallel_loop3A_986 = arith.index_cast %parallel_loop3A_984 : i32 to index
        %parallel_loop3A_987 = arith.index_cast %parallel_loop3A_414 : i32 to index
        %parallel_loop3A_988 = tpu.vector_load %arg8[%parallel_loop3A_985, %parallel_loop3A_986, %parallel_loop3A_987] {strides = array<i32>} : memref<2x32x1024xf32, #tpu.memory_space<vmem>>, vector<1x1x16xf32>,
        %parallel_loop3A_989 = vector.shape_cast %parallel_loop3A_988 : vector<1x1x16xf32> to vector<16xf32>
        %parallel_loop3A_990 = vector.shape_cast %parallel_loop3A_982 : vector<16xf32> to vector<1x1x16xf32>
        tpu.vector_store %arg8[%parallel_loop3A_985, %parallel_loop3A_986, %parallel_loop3A_987], %parallel_loop3A_990 {add = true, strides = array<i32>} : memref<2x32x1024xf32, #tpu.memory_space<vmem>>, vector<1x1x16xf32>,
        %parallel_loop3A_991 = arith.constant 16 : i32
        %parallel_loop3A_992 = arith.muli %parallel_loop3A_412, %parallel_loop3A_991 : i32
        %parallel_loop3A_993 = arith.constant 15360 : i32
        %parallel_loop3A_994 = arith.addi %parallel_loop3A_993, %parallel_loop3A_992 : i32
        %parallel_loop3A_995 = arith.index_cast %parallel_loop3A_994 : i32 to index
        %parallel_loop3A_996 = tpu.vector_load %arg10[%parallel_loop3A_995] {strides = array<i32>} : memref<32768xf32, #tpu.memory_space<vmem>>, vector<16xf32>,
        %parallel_loop3A_997 = vector.shape_cast %parallel_loop3A_996 : vector<16xf32> to vector<16xf32>
        %parallel_loop3A_998 = arith.constant 16 : i32
        %parallel_loop3A_999 = arith.muli %parallel_loop3A_412, %parallel_loop3A_998 : i32
        %parallel_loop3A_1000 = arith.constant 31744 : i32
        %parallel_loop3A_1001 = arith.addi %parallel_loop3A_1000, %parallel_loop3A_999 : i32
        %parallel_loop3A_1002 = arith.index_cast %parallel_loop3A_1001 : i32 to index
        %parallel_loop3A_1003 = tpu.vector_load %arg10[%parallel_loop3A_1002] {strides = array<i32>} : memref<32768xf32, #tpu.memory_space<vmem>>, vector<16xf32>,
        %parallel_loop3A_1004 = vector.shape_cast %parallel_loop3A_1003 : vector<16xf32> to vector<16xf32>
        %parallel_loop3A_1005 = arith.mulf %parallel_loop3A_422, %parallel_loop3A_997 : vector<16xf32>
        %parallel_loop3A_1006 = arith.mulf %parallel_loop3A_432, %parallel_loop3A_1004 : vector<16xf32>
        %parallel_loop3A_1007 = arith.addf %parallel_loop3A_1005, %parallel_loop3A_1006 : vector<16xf32>
        %parallel_loop3A_1008 = arith.constant 0 : i32
        %parallel_loop3A_1009 = arith.constant 15 : i32
        %parallel_loop3A_1010 = arith.index_cast %parallel_loop3A_1008 : i32 to index
        %parallel_loop3A_1011 = arith.index_cast %parallel_loop3A_1009 : i32 to index
        %parallel_loop3A_1012 = arith.index_cast %parallel_loop3A_414 : i32 to index
        %parallel_loop3A_1013 = tpu.vector_load %arg8[%parallel_loop3A_1010, %parallel_loop3A_1011, %parallel_loop3A_1012] {strides = array<i32>} : memref<2x32x1024xf32, #tpu.memory_space<vmem>>, vector<1x1x16xf32>,
        %parallel_loop3A_1014 = vector.shape_cast %parallel_loop3A_1013 : vector<1x1x16xf32> to vector<16xf32>
        %parallel_loop3A_1015 = vector.shape_cast %parallel_loop3A_1007 : vector<16xf32> to vector<1x1x16xf32>
        tpu.vector_store %arg8[%parallel_loop3A_1010, %parallel_loop3A_1011, %parallel_loop3A_1012], %parallel_loop3A_1015 {add = true, strides = array<i32>} : memref<2x32x1024xf32, #tpu.memory_space<vmem>>, vector<1x1x16xf32>,
        %parallel_loop3A_1016 = arith.mulf %parallel_loop3A_440, %parallel_loop3A_997 : vector<16xf32>
        %parallel_loop3A_1017 = arith.mulf %parallel_loop3A_450, %parallel_loop3A_1004 : vector<16xf32>
        %parallel_loop3A_1018 = arith.addf %parallel_loop3A_1016, %parallel_loop3A_1017 : vector<16xf32>
        %parallel_loop3A_1019 = arith.constant 0 : i32
        %parallel_loop3A_1020 = arith.constant 31 : i32
        %parallel_loop3A_1021 = arith.index_cast %parallel_loop3A_1019 : i32 to index
        %parallel_loop3A_1022 = arith.index_cast %parallel_loop3A_1020 : i32 to index
        %parallel_loop3A_1023 = arith.index_cast %parallel_loop3A_414 : i32 to index
        %parallel_loop3A_1024 = tpu.vector_load %arg8[%parallel_loop3A_1021, %parallel_loop3A_1022, %parallel_loop3A_1023] {strides = array<i32>} : memref<2x32x1024xf32, #tpu.memory_space<vmem>>, vector<1x1x16xf32>,
        %parallel_loop3A_1025 = vector.shape_cast %parallel_loop3A_1024 : vector<1x1x16xf32> to vector<16xf32>
        %parallel_loop3A_1026 = vector.shape_cast %parallel_loop3A_1018 : vector<16xf32> to vector<1x1x16xf32>
        tpu.vector_store %arg8[%parallel_loop3A_1021, %parallel_loop3A_1022, %parallel_loop3A_1023], %parallel_loop3A_1026 {add = true, strides = array<i32>} : memref<2x32x1024xf32, #tpu.memory_space<vmem>>, vector<1x1x16xf32>,
      } {sc.loop_unroll_factor = 1 : i64, sc.parallel_access}
      %rem3A_186 = arith.constant 4 : i32
      %rem3A_187 = arith.remsi %add3A_156, %rem3A_186 : i32
      %div3A_188 = arith.constant 4 : i32
      %div3A_189 = arith.divsi %add3A_156, %div3A_188 : i32
      %mul3A_190 = arith.constant 8192 : i32
      %mul3A_191 = arith.muli %rem3A_187, %mul3A_190 : i32
      %add3A_192 = arith.addi %mul3A_191, %multiple_of3A : i32
      %mul3A_193 = arith.constant 32 : i32
      %mul3A_194 = arith.muli %div3A_189, %mul3A_193 : i32
      %add3A_195 = arith.addi %add3A_192, %mul3A_194 : i32
      %multiple_of3A_196 = tpu.assume_multiple %add3A_195, 32 : i32
      %dma_start3A_197 = arith.constant 0 : i32
      %dma_start3A_198 = arith.constant 0 : i32
      %dma_start3A_199 = arith.constant 0 : i32
      %dma_start3A_200 = arith.constant 0 : i32
      %dma_start3A_201 = tpu.memref_slice %arg8[%dma_start3A_197, %dma_start3A_199, %dma_start3A_200] : memref<2x32x1024xf32, #tpu.memory_space<vmem>> -> memref<1x32x1024xf32, #tpu.memory_space<vmem>>
      %dma_start3A_202 = tpu.memref_squeeze %dma_start3A_201 : memref<1x32x1024xf32, #tpu.memory_space<vmem>> -> memref<32x1024xf32, #tpu.memory_space<vmem>>
      %dma_start3A_203 = arith.constant 0 : i32
      %dma_start3A_204 = tpu.memref_slice %arg6[%multiple_of3A_196, %dma_start3A_203] : memref<32768x1024xf32, #tpu.memory_space<hbm>> -> memref<32x1024xf32, #tpu.memory_space<hbm>>
      %dma_start3A_205 = tpu.memref_slice %arg12[%dma_start3A_198] : memref<2x!tpu.dma_semaphore, #tpu.memory_space<semaphore_mem>> -> memref<1x!tpu.dma_semaphore, #tpu.memory_space<semaphore_mem>>
      %dma_start3A_206 = tpu.memref_squeeze %dma_start3A_205 : memref<1x!tpu.dma_semaphore, #tpu.memory_space<semaphore_mem>> -> memref<!tpu.dma_semaphore, #tpu.memory_space<semaphore_mem>>
      %dma_start3A_207 = arith.constant 0 : i32
      %dma_start3A_208 = tpu.memref_slice %arg6[%multiple_of3A_196, %dma_start3A_207] : memref<32768x1024xf32, #tpu.memory_space<hbm>> -> memref<32x1024xf32, #tpu.memory_space<hbm>>
      %dma_start3A_209 = arith.constant 0 : i32
      %dma_start3A_210 = arith.constant 0 : i32
      %dma_start3A_211 = tpu.memref_slice %arg8[%dma_start3A_197, %dma_start3A_209, %dma_start3A_210] : memref<2x32x1024xf32, #tpu.memory_space<vmem>> -> memref<1x32x1024xf32, #tpu.memory_space<vmem>>
      %dma_start3A_212 = tpu.memref_squeeze %dma_start3A_211 : memref<1x32x1024xf32, #tpu.memory_space<vmem>> -> memref<32x1024xf32, #tpu.memory_space<vmem>>
      tpu.enqueue_dma source(%dma_start3A_212 : memref<32x1024xf32, #tpu.memory_space<vmem>>) target(%dma_start3A_208 : memref<32x1024xf32, #tpu.memory_space<hbm>>) target_semaphore(%dma_start3A_206 : memref<!tpu.dma_semaphore, #tpu.memory_space<semaphore_mem>>)
      %mul3A_213 = arith.constant 4 : i32
      %mul3A_214 = arith.muli %scan3A_132, %mul3A_213 : i32
      %add3A_215 = arith.constant 1 : i32
      %add3A_216 = arith.addi %mul3A_214, %add3A_215 : i32
      %add3A_217 = arith.constant 1 : i32
      %add3A_218 = arith.addi %add3A_216, %add3A_217 : i32
      %lt3A_219 = arith.constant 32 : i32
      %lt3A_220 = arith.cmpi slt, %add3A_218, %lt3A_219 : i32
      %convert_element_type3A_221 = arith.extui %lt3A_220 : i1 to i32
      %cond3A_222 = arith.constant 0 : i32
      %cond3A_223 = arith.cmpi ne, %convert_element_type3A_221, %cond3A_222 : i32
      scf.if %cond3A_223 {
        %ge3A = arith.constant 1 : i32
        %ge3A_412 = arith.cmpi sge, %add3A_216, %ge3A : i32
        %convert_element_type3A_413 = arith.extui %ge3A_412 : i1 to i32
        %cond3A_414 = arith.constant 0 : i32
        %cond3A_415 = arith.cmpi ne, %convert_element_type3A_413, %cond3A_414 : i32
        scf.if %cond3A_415 {
          %sub3A = arith.constant 1 : i32
          %sub3A_439 = arith.subi %add3A_216, %sub3A : i32
          %rem3A_440 = arith.constant 4 : i32
          %rem3A_441 = arith.remsi %sub3A_439, %rem3A_440 : i32
          %div3A_442 = arith.constant 4 : i32
          %div3A_443 = arith.divsi %sub3A_439, %div3A_442 : i32
          %mul3A_444 = arith.constant 8192 : i32
          %mul3A_445 = arith.muli %rem3A_441, %mul3A_444 : i32
          %add3A_446 = arith.addi %mul3A_445, %multiple_of3A : i32
          %mul3A_447 = arith.constant 32 : i32
          %mul3A_448 = arith.muli %div3A_443, %mul3A_447 : i32
          %add3A_449 = arith.addi %add3A_446, %mul3A_448 : i32
          %multiple_of3A_450 = tpu.assume_multiple %add3A_449, 32 : i32
          %dma_wait3A_451 = arith.constant 0 : i32
          %dma_wait3A_452 = arith.constant 0 : i32
          %dma_wait3A_453 = arith.constant 0 : i32
          %dma_wait3A_454 = arith.constant 0 : i32
          %dma_wait3A_455 = tpu.memref_slice %arg8[%dma_wait3A_451, %dma_wait3A_453, %dma_wait3A_454] : memref<2x32x1024xf32, #tpu.memory_space<vmem>> -> memref<1x32x1024xf32, #tpu.memory_space<vmem>>
          %dma_wait3A_456 = tpu.memref_squeeze %dma_wait3A_455 : memref<1x32x1024xf32, #tpu.memory_space<vmem>> -> memref<32x1024xf32, #tpu.memory_space<vmem>>
          %dma_wait3A_457 = arith.constant 0 : i32
          %dma_wait3A_458 = tpu.memref_slice %arg6[%multiple_of3A_450, %dma_wait3A_457] : memref<32768x1024xf32, #tpu.memory_space<hbm>> -> memref<32x1024xf32, #tpu.memory_space<hbm>>
          %dma_wait3A_459 = tpu.memref_slice %arg12[%dma_wait3A_452] : memref<2x!tpu.dma_semaphore, #tpu.memory_space<semaphore_mem>> -> memref<1x!tpu.dma_semaphore, #tpu.memory_space<semaphore_mem>>
          %dma_wait3A_460 = tpu.memref_squeeze %dma_wait3A_459 : memref<1x!tpu.dma_semaphore, #tpu.memory_space<semaphore_mem>> -> memref<!tpu.dma_semaphore, #tpu.memory_space<semaphore_mem>>
          %dma_wait3A_461 = arith.constant 0 : i32
          %dma_wait3A_462 = tpu.memref_slice %arg6[%multiple_of3A_450, %dma_wait3A_461] : memref<32768x1024xf32, #tpu.memory_space<hbm>> -> memref<32x1024xf32, #tpu.memory_space<hbm>>
          %dma_wait3A_463 = arith.constant 0 : i32
          %dma_wait3A_464 = arith.constant 0 : i32
          %dma_wait3A_465 = tpu.memref_slice %arg8[%dma_wait3A_451, %dma_wait3A_463, %dma_wait3A_464] : memref<2x32x1024xf32, #tpu.memory_space<vmem>> -> memref<1x32x1024xf32, #tpu.memory_space<vmem>>
          %dma_wait3A_466 = tpu.memref_squeeze %dma_wait3A_465 : memref<1x32x1024xf32, #tpu.memory_space<vmem>> -> memref<32x1024xf32, #tpu.memory_space<vmem>>
          tpu.wait_dma2 semaphore(%dma_wait3A_460 : memref<!tpu.dma_semaphore, #tpu.memory_space<semaphore_mem>>) src(%dma_wait3A_466 : memref<32x1024xf32, #tpu.memory_space<vmem>>) dst(%dma_wait3A_462 : memref<32x1024xf32, #tpu.memory_space<hbm>>)
        } else {
        }
        %add3A_416 = arith.constant 1 : i32
        %add3A_417 = arith.addi %add3A_216, %add3A_416 : i32
        %rem3A_418 = arith.constant 4 : i32
        %rem3A_419 = arith.remsi %add3A_417, %rem3A_418 : i32
        %div3A_420 = arith.constant 4 : i32
        %div3A_421 = arith.divsi %add3A_417, %div3A_420 : i32
        %mul3A_422 = arith.constant 8 : i32
        %mul3A_423 = arith.muli %rem3A_419, %mul3A_422 : i32
        %add3A_424 = arith.addi %mul3A_423, %div3A_421 : i32
        %dma_start3A_425 = arith.constant 0 : i32
        %dma_start3A_426 = arith.constant 0 : i32
        %dma_start3A_427 = arith.constant 0 : i32
        %dma_start3A_428 = arith.constant 0 : i32
        %dma_start3A_429 = tpu.memref_slice %arg8[%dma_start3A_425, %dma_start3A_427, %dma_start3A_428] : memref<2x32x1024xf32, #tpu.memory_space<vmem>> -> memref<1x32x1024xf32, #tpu.memory_space<vmem>>
        %dma_start3A_430 = tpu.memref_squeeze %dma_start3A_429 : memref<1x32x1024xf32, #tpu.memory_space<vmem>> -> memref<32x1024xf32, #tpu.memory_space<vmem>>
        %dma_start3A_431 = arith.constant 0 : i32
        %dma_start3A_432 = tpu.memref_slice %arg7[%add3A_424, %dma_start3A_431] : memref<32x32xi32, #tpu.memory_space<vmem>> -> memref<1x32xi32, #tpu.memory_space<vmem>>
        %dma_start3A_433 = tpu.memref_squeeze %dma_start3A_432 : memref<1x32xi32, #tpu.memory_space<vmem>> -> memref<32xi32, #tpu.memory_space<vmem>>
        %dma_start3A_434 = arith.constant 0 : i32
        %dma_start3A_435 = arith.constant 0 : i32
        %dma_start3A_436 = tpu.memref_slice %arg3[%dma_start3A_434, %dma_start3A_435] : memref<258x1024xf32, #tpu.memory_space<hbm>> -> memref<258x1024xf32, #tpu.memory_space<hbm>>
        %dma_start3A_437 = tpu.memref_slice %arg11[%dma_start3A_426] : memref<2x!tpu.dma_semaphore, #tpu.memory_space<semaphore_mem>> -> memref<1x!tpu.dma_semaphore, #tpu.memory_space<semaphore_mem>>
        %dma_start3A_438 = tpu.memref_squeeze %dma_start3A_437 : memref<1x!tpu.dma_semaphore, #tpu.memory_space<semaphore_mem>> -> memref<!tpu.dma_semaphore, #tpu.memory_space<semaphore_mem>>
        tpu.enqueue_indirect_dma source(%dma_start3A_436 : memref<258x1024xf32, #tpu.memory_space<hbm>>) target(%dma_start3A_430 : memref<32x1024xf32, #tpu.memory_space<vmem>>) offsets(%dma_start3A_433 : memref<32xi32, #tpu.memory_space<vmem>>) semaphore(%dma_start3A_438 : memref<!tpu.dma_semaphore, #tpu.memory_space<semaphore_mem>>)
      } else {
      }
      %rem3A_224 = arith.constant 4 : i32
      %rem3A_225 = arith.remsi %add3A_216, %rem3A_224 : i32
      %div3A_226 = arith.constant 4 : i32
      %div3A_227 = arith.divsi %add3A_216, %div3A_226 : i32
      %mul3A_228 = arith.constant 8 : i32
      %mul3A_229 = arith.muli %rem3A_225, %mul3A_228 : i32
      %add3A_230 = arith.addi %mul3A_229, %div3A_227 : i32
      %dma_wait3A_231 = arith.constant 1 : i32
      %dma_wait3A_232 = arith.constant 1 : i32
      %dma_wait3A_233 = arith.constant 0 : i32
      %dma_wait3A_234 = arith.constant 0 : i32
      %dma_wait3A_235 = tpu.memref_slice %arg8[%dma_wait3A_231, %dma_wait3A_233, %dma_wait3A_234] : memref<2x32x1024xf32, #tpu.memory_space<vmem>> -> memref<1x32x1024xf32, #tpu.memory_space<vmem>>
      %dma_wait3A_236 = tpu.memref_squeeze %dma_wait3A_235 : memref<1x32x1024xf32, #tpu.memory_space<vmem>> -> memref<32x1024xf32, #tpu.memory_space<vmem>>
      %dma_wait3A_237 = arith.constant 0 : i32
      %dma_wait3A_238 = tpu.memref_slice %arg7[%add3A_230, %dma_wait3A_237] : memref<32x32xi32, #tpu.memory_space<vmem>> -> memref<1x32xi32, #tpu.memory_space<vmem>>
      %dma_wait3A_239 = tpu.memref_squeeze %dma_wait3A_238 : memref<1x32xi32, #tpu.memory_space<vmem>> -> memref<32xi32, #tpu.memory_space<vmem>>
      %dma_wait3A_240 = arith.constant 0 : i32
      %dma_wait3A_241 = arith.constant 0 : i32
      %dma_wait3A_242 = tpu.memref_slice %arg3[%dma_wait3A_240, %dma_wait3A_241] : memref<258x1024xf32, #tpu.memory_space<hbm>> -> memref<258x1024xf32, #tpu.memory_space<hbm>>
      %dma_wait3A_243 = tpu.memref_slice %arg11[%dma_wait3A_232] : memref<2x!tpu.dma_semaphore, #tpu.memory_space<semaphore_mem>> -> memref<1x!tpu.dma_semaphore, #tpu.memory_space<semaphore_mem>>
      %dma_wait3A_244 = tpu.memref_squeeze %dma_wait3A_243 : memref<1x!tpu.dma_semaphore, #tpu.memory_space<semaphore_mem>> -> memref<!tpu.dma_semaphore, #tpu.memory_space<semaphore_mem>>
      tpu.wait_indirect_dma semaphore(%dma_wait3A_244 : memref<!tpu.dma_semaphore, #tpu.memory_space<semaphore_mem>>) src(%dma_wait3A_242 : memref<258x1024xf32, #tpu.memory_space<hbm>>) dst(%dma_wait3A_236 : memref<32x1024xf32, #tpu.memory_space<vmem>>)
      %mul3A_245 = arith.constant 4096 : i32
      %mul3A_246 = arith.muli %rem3A_134, %mul3A_245 : i32
      %parallel_loop3A_247 = arith.constant 0 : i32
      %parallel_loop3A_248 = arith.constant 64 : i32
      %parallel_loop3A_249 = arith.constant 1 : i32
      scf.for %parallel_loop3A_412 = %parallel_loop3A_247 to %parallel_loop3A_248 step %parallel_loop3A_249  : i32 {
        %parallel_loop3A_413 = arith.constant 16 : i32
        %parallel_loop3A_414 = arith.muli %parallel_loop3A_412, %parallel_loop3A_413 : i32
        %parallel_loop3A_415 = arith.constant 0 : i32
        %parallel_loop3A_416 = arith.addi %mul3A_246, %parallel_loop3A_415 : i32
        %parallel_loop3A_417 = arith.constant 16 : i32
        %parallel_loop3A_418 = arith.muli %parallel_loop3A_412, %parallel_loop3A_417 : i32
        %parallel_loop3A_419 = arith.addi %parallel_loop3A_416, %parallel_loop3A_418 : i32
        %parallel_loop3A_420 = arith.index_cast %parallel_loop3A_419 : i32 to index
        %parallel_loop3A_421 = tpu.vector_load %arg9[%parallel_loop3A_420] {strides = array<i32>} : memref<8192xf32, #tpu.memory_space<vmem>>, vector<16xf32>,
        %parallel_loop3A_422 = vector.shape_cast %parallel_loop3A_421 : vector<16xf32> to vector<16xf32>
        %parallel_loop3A_423 = arith.constant 0 : i32
        %parallel_loop3A_424 = arith.addi %mul3A_246, %parallel_loop3A_423 : i32
        %parallel_loop3A_425 = arith.constant 1024 : i32
        %parallel_loop3A_426 = arith.addi %parallel_loop3A_424, %parallel_loop3A_425 : i32
        %parallel_loop3A_427 = arith.constant 16 : i32
        %parallel_loop3A_428 = arith.muli %parallel_loop3A_412, %parallel_loop3A_427 : i32
        %parallel_loop3A_429 = arith.addi %parallel_loop3A_426, %parallel_loop3A_428 : i32
        %parallel_loop3A_430 = arith.index_cast %parallel_loop3A_429 : i32 to index
        %parallel_loop3A_431 = tpu.vector_load %arg9[%parallel_loop3A_430] {strides = array<i32>} : memref<8192xf32, #tpu.memory_space<vmem>>, vector<16xf32>,
        %parallel_loop3A_432 = vector.shape_cast %parallel_loop3A_431 : vector<16xf32> to vector<16xf32>
        %parallel_loop3A_433 = arith.constant 2048 : i32
        %parallel_loop3A_434 = arith.addi %mul3A_246, %parallel_loop3A_433 : i32
        %parallel_loop3A_435 = arith.constant 16 : i32
        %parallel_loop3A_436 = arith.muli %parallel_loop3A_412, %parallel_loop3A_435 : i32
        %parallel_loop3A_437 = arith.addi %parallel_loop3A_434, %parallel_loop3A_436 : i32
        %parallel_loop3A_438 = arith.index_cast %parallel_loop3A_437 : i32 to index
        %parallel_loop3A_439 = tpu.vector_load %arg9[%parallel_loop3A_438] {strides = array<i32>} : memref<8192xf32, #tpu.memory_space<vmem>>, vector<16xf32>,
        %parallel_loop3A_440 = vector.shape_cast %parallel_loop3A_439 : vector<16xf32> to vector<16xf32>
        %parallel_loop3A_441 = arith.constant 2048 : i32
        %parallel_loop3A_442 = arith.addi %mul3A_246, %parallel_loop3A_441 : i32
        %parallel_loop3A_443 = arith.constant 1024 : i32
        %parallel_loop3A_444 = arith.addi %parallel_loop3A_442, %parallel_loop3A_443 : i32
        %parallel_loop3A_445 = arith.constant 16 : i32
        %parallel_loop3A_446 = arith.muli %parallel_loop3A_412, %parallel_loop3A_445 : i32
        %parallel_loop3A_447 = arith.addi %parallel_loop3A_444, %parallel_loop3A_446 : i32
        %parallel_loop3A_448 = arith.index_cast %parallel_loop3A_447 : i32 to index
        %parallel_loop3A_449 = tpu.vector_load %arg9[%parallel_loop3A_448] {strides = array<i32>} : memref<8192xf32, #tpu.memory_space<vmem>>, vector<16xf32>,
        %parallel_loop3A_450 = vector.shape_cast %parallel_loop3A_449 : vector<16xf32> to vector<16xf32>
        %parallel_loop3A_451 = arith.constant 16 : i32
        %parallel_loop3A_452 = arith.muli %parallel_loop3A_412, %parallel_loop3A_451 : i32
        %parallel_loop3A_453 = arith.constant 0 : i32
        %parallel_loop3A_454 = arith.addi %parallel_loop3A_453, %parallel_loop3A_452 : i32
        %parallel_loop3A_455 = arith.index_cast %parallel_loop3A_454 : i32 to index
        %parallel_loop3A_456 = tpu.vector_load %arg10[%parallel_loop3A_455] {strides = array<i32>} : memref<32768xf32, #tpu.memory_space<vmem>>, vector<16xf32>,
        %parallel_loop3A_457 = vector.shape_cast %parallel_loop3A_456 : vector<16xf32> to vector<16xf32>
        %parallel_loop3A_458 = arith.constant 16 : i32
        %parallel_loop3A_459 = arith.muli %parallel_loop3A_412, %parallel_loop3A_458 : i32
        %parallel_loop3A_460 = arith.constant 16384 : i32
        %parallel_loop3A_461 = arith.addi %parallel_loop3A_460, %parallel_loop3A_459 : i32
        %parallel_loop3A_462 = arith.index_cast %parallel_loop3A_461 : i32 to index
        %parallel_loop3A_463 = tpu.vector_load %arg10[%parallel_loop3A_462] {strides = array<i32>} : memref<32768xf32, #tpu.memory_space<vmem>>, vector<16xf32>,
        %parallel_loop3A_464 = vector.shape_cast %parallel_loop3A_463 : vector<16xf32> to vector<16xf32>
        %parallel_loop3A_465 = arith.mulf %parallel_loop3A_422, %parallel_loop3A_457 : vector<16xf32>
        %parallel_loop3A_466 = arith.mulf %parallel_loop3A_432, %parallel_loop3A_464 : vector<16xf32>
        %parallel_loop3A_467 = arith.addf %parallel_loop3A_465, %parallel_loop3A_466 : vector<16xf32>
        %parallel_loop3A_468 = arith.constant 1 : i32
        %parallel_loop3A_469 = arith.constant 0 : i32
        %parallel_loop3A_470 = arith.index_cast %parallel_loop3A_468 : i32 to index
        %parallel_loop3A_471 = arith.index_cast %parallel_loop3A_469 : i32 to index
        %parallel_loop3A_472 = arith.index_cast %parallel_loop3A_414 : i32 to index
        %parallel_loop3A_473 = tpu.vector_load %arg8[%parallel_loop3A_470, %parallel_loop3A_471, %parallel_loop3A_472] {strides = array<i32>} : memref<2x32x1024xf32, #tpu.memory_space<vmem>>, vector<1x1x16xf32>,
        %parallel_loop3A_474 = vector.shape_cast %parallel_loop3A_473 : vector<1x1x16xf32> to vector<16xf32>
        %parallel_loop3A_475 = vector.shape_cast %parallel_loop3A_467 : vector<16xf32> to vector<1x1x16xf32>
        tpu.vector_store %arg8[%parallel_loop3A_470, %parallel_loop3A_471, %parallel_loop3A_472], %parallel_loop3A_475 {add = true, strides = array<i32>} : memref<2x32x1024xf32, #tpu.memory_space<vmem>>, vector<1x1x16xf32>,
        %parallel_loop3A_476 = arith.mulf %parallel_loop3A_440, %parallel_loop3A_457 : vector<16xf32>
        %parallel_loop3A_477 = arith.mulf %parallel_loop3A_450, %parallel_loop3A_464 : vector<16xf32>
        %parallel_loop3A_478 = arith.addf %parallel_loop3A_476, %parallel_loop3A_477 : vector<16xf32>
        %parallel_loop3A_479 = arith.constant 1 : i32
        %parallel_loop3A_480 = arith.constant 16 : i32
        %parallel_loop3A_481 = arith.index_cast %parallel_loop3A_479 : i32 to index
        %parallel_loop3A_482 = arith.index_cast %parallel_loop3A_480 : i32 to index
        %parallel_loop3A_483 = arith.index_cast %parallel_loop3A_414 : i32 to index
        %parallel_loop3A_484 = tpu.vector_load %arg8[%parallel_loop3A_481, %parallel_loop3A_482, %parallel_loop3A_483] {strides = array<i32>} : memref<2x32x1024xf32, #tpu.memory_space<vmem>>, vector<1x1x16xf32>,
        %parallel_loop3A_485 = vector.shape_cast %parallel_loop3A_484 : vector<1x1x16xf32> to vector<16xf32>
        %parallel_loop3A_486 = vector.shape_cast %parallel_loop3A_478 : vector<16xf32> to vector<1x1x16xf32>
        tpu.vector_store %arg8[%parallel_loop3A_481, %parallel_loop3A_482, %parallel_loop3A_483], %parallel_loop3A_486 {add = true, strides = array<i32>} : memref<2x32x1024xf32, #tpu.memory_space<vmem>>, vector<1x1x16xf32>,
        %parallel_loop3A_487 = arith.constant 16 : i32
        %parallel_loop3A_488 = arith.muli %parallel_loop3A_412, %parallel_loop3A_487 : i32
        %parallel_loop3A_489 = arith.constant 1024 : i32
        %parallel_loop3A_490 = arith.addi %parallel_loop3A_489, %parallel_loop3A_488 : i32
        %parallel_loop3A_491 = arith.index_cast %parallel_loop3A_490 : i32 to index
        %parallel_loop3A_492 = tpu.vector_load %arg10[%parallel_loop3A_491] {strides = array<i32>} : memref<32768xf32, #tpu.memory_space<vmem>>, vector<16xf32>,
        %parallel_loop3A_493 = vector.shape_cast %parallel_loop3A_492 : vector<16xf32> to vector<16xf32>
        %parallel_loop3A_494 = arith.constant 16 : i32
        %parallel_loop3A_495 = arith.muli %parallel_loop3A_412, %parallel_loop3A_494 : i32
        %parallel_loop3A_496 = arith.constant 17408 : i32
        %parallel_loop3A_497 = arith.addi %parallel_loop3A_496, %parallel_loop3A_495 : i32
        %parallel_loop3A_498 = arith.index_cast %parallel_loop3A_497 : i32 to index
        %parallel_loop3A_499 = tpu.vector_load %arg10[%parallel_loop3A_498] {strides = array<i32>} : memref<32768xf32, #tpu.memory_space<vmem>>, vector<16xf32>,
        %parallel_loop3A_500 = vector.shape_cast %parallel_loop3A_499 : vector<16xf32> to vector<16xf32>
        %parallel_loop3A_501 = arith.mulf %parallel_loop3A_422, %parallel_loop3A_493 : vector<16xf32>
        %parallel_loop3A_502 = arith.mulf %parallel_loop3A_432, %parallel_loop3A_500 : vector<16xf32>
        %parallel_loop3A_503 = arith.addf %parallel_loop3A_501, %parallel_loop3A_502 : vector<16xf32>
        %parallel_loop3A_504 = arith.constant 1 : i32
        %parallel_loop3A_505 = arith.constant 1 : i32
        %parallel_loop3A_506 = arith.index_cast %parallel_loop3A_504 : i32 to index
        %parallel_loop3A_507 = arith.index_cast %parallel_loop3A_505 : i32 to index
        %parallel_loop3A_508 = arith.index_cast %parallel_loop3A_414 : i32 to index
        %parallel_loop3A_509 = tpu.vector_load %arg8[%parallel_loop3A_506, %parallel_loop3A_507, %parallel_loop3A_508] {strides = array<i32>} : memref<2x32x1024xf32, #tpu.memory_space<vmem>>, vector<1x1x16xf32>,
        %parallel_loop3A_510 = vector.shape_cast %parallel_loop3A_509 : vector<1x1x16xf32> to vector<16xf32>
        %parallel_loop3A_511 = vector.shape_cast %parallel_loop3A_503 : vector<16xf32> to vector<1x1x16xf32>
        tpu.vector_store %arg8[%parallel_loop3A_506, %parallel_loop3A_507, %parallel_loop3A_508], %parallel_loop3A_511 {add = true, strides = array<i32>} : memref<2x32x1024xf32, #tpu.memory_space<vmem>>, vector<1x1x16xf32>,
        %parallel_loop3A_512 = arith.mulf %parallel_loop3A_440, %parallel_loop3A_493 : vector<16xf32>
        %parallel_loop3A_513 = arith.mulf %parallel_loop3A_450, %parallel_loop3A_500 : vector<16xf32>
        %parallel_loop3A_514 = arith.addf %parallel_loop3A_512, %parallel_loop3A_513 : vector<16xf32>
        %parallel_loop3A_515 = arith.constant 1 : i32
        %parallel_loop3A_516 = arith.constant 17 : i32
        %parallel_loop3A_517 = arith.index_cast %parallel_loop3A_515 : i32 to index
        %parallel_loop3A_518 = arith.index_cast %parallel_loop3A_516 : i32 to index
        %parallel_loop3A_519 = arith.index_cast %parallel_loop3A_414 : i32 to index
        %parallel_loop3A_520 = tpu.vector_load %arg8[%parallel_loop3A_517, %parallel_loop3A_518, %parallel_loop3A_519] {strides = array<i32>} : memref<2x32x1024xf32, #tpu.memory_space<vmem>>, vector<1x1x16xf32>,
        %parallel_loop3A_521 = vector.shape_cast %parallel_loop3A_520 : vector<1x1x16xf32> to vector<16xf32>
        %parallel_loop3A_522 = vector.shape_cast %parallel_loop3A_514 : vector<16xf32> to vector<1x1x16xf32>
        tpu.vector_store %arg8[%parallel_loop3A_517, %parallel_loop3A_518, %parallel_loop3A_519], %parallel_loop3A_522 {add = true, strides = array<i32>} : memref<2x32x1024xf32, #tpu.memory_space<vmem>>, vector<1x1x16xf32>,
        %parallel_loop3A_523 = arith.constant 16 : i32
        %parallel_loop3A_524 = arith.muli %parallel_loop3A_412, %parallel_loop3A_523 : i32
        %parallel_loop3A_525 = arith.constant 2048 : i32
        %parallel_loop3A_526 = arith.addi %parallel_loop3A_525, %parallel_loop3A_524 : i32
        %parallel_loop3A_527 = arith.index_cast %parallel_loop3A_526 : i32 to index
        %parallel_loop3A_528 = tpu.vector_load %arg10[%parallel_loop3A_527] {strides = array<i32>} : memref<32768xf32, #tpu.memory_space<vmem>>, vector<16xf32>,
        %parallel_loop3A_529 = vector.shape_cast %parallel_loop3A_528 : vector<16xf32> to vector<16xf32>
        %parallel_loop3A_530 = arith.constant 16 : i32
        %parallel_loop3A_531 = arith.muli %parallel_loop3A_412, %parallel_loop3A_530 : i32
        %parallel_loop3A_532 = arith.constant 18432 : i32
        %parallel_loop3A_533 = arith.addi %parallel_loop3A_532, %parallel_loop3A_531 : i32
        %parallel_loop3A_534 = arith.index_cast %parallel_loop3A_533 : i32 to index
        %parallel_loop3A_535 = tpu.vector_load %arg10[%parallel_loop3A_534] {strides = array<i32>} : memref<32768xf32, #tpu.memory_space<vmem>>, vector<16xf32>,
        %parallel_loop3A_536 = vector.shape_cast %parallel_loop3A_535 : vector<16xf32> to vector<16xf32>
        %parallel_loop3A_537 = arith.mulf %parallel_loop3A_422, %parallel_loop3A_529 : vector<16xf32>
        %parallel_loop3A_538 = arith.mulf %parallel_loop3A_432, %parallel_loop3A_536 : vector<16xf32>
        %parallel_loop3A_539 = arith.addf %parallel_loop3A_537, %parallel_loop3A_538 : vector<16xf32>
        %parallel_loop3A_540 = arith.constant 1 : i32
        %parallel_loop3A_541 = arith.constant 2 : i32
        %parallel_loop3A_542 = arith.index_cast %parallel_loop3A_540 : i32 to index
        %parallel_loop3A_543 = arith.index_cast %parallel_loop3A_541 : i32 to index
        %parallel_loop3A_544 = arith.index_cast %parallel_loop3A_414 : i32 to index
        %parallel_loop3A_545 = tpu.vector_load %arg8[%parallel_loop3A_542, %parallel_loop3A_543, %parallel_loop3A_544] {strides = array<i32>} : memref<2x32x1024xf32, #tpu.memory_space<vmem>>, vector<1x1x16xf32>,
        %parallel_loop3A_546 = vector.shape_cast %parallel_loop3A_545 : vector<1x1x16xf32> to vector<16xf32>
        %parallel_loop3A_547 = vector.shape_cast %parallel_loop3A_539 : vector<16xf32> to vector<1x1x16xf32>
        tpu.vector_store %arg8[%parallel_loop3A_542, %parallel_loop3A_543, %parallel_loop3A_544], %parallel_loop3A_547 {add = true, strides = array<i32>} : memref<2x32x1024xf32, #tpu.memory_space<vmem>>, vector<1x1x16xf32>,
        %parallel_loop3A_548 = arith.mulf %parallel_loop3A_440, %parallel_loop3A_529 : vector<16xf32>
        %parallel_loop3A_549 = arith.mulf %parallel_loop3A_450, %parallel_loop3A_536 : vector<16xf32>
        %parallel_loop3A_550 = arith.addf %parallel_loop3A_548, %parallel_loop3A_549 : vector<16xf32>
        %parallel_loop3A_551 = arith.constant 1 : i32
        %parallel_loop3A_552 = arith.constant 18 : i32
        %parallel_loop3A_553 = arith.index_cast %parallel_loop3A_551 : i32 to index
        %parallel_loop3A_554 = arith.index_cast %parallel_loop3A_552 : i32 to index
        %parallel_loop3A_555 = arith.index_cast %parallel_loop3A_414 : i32 to index
        %parallel_loop3A_556 = tpu.vector_load %arg8[%parallel_loop3A_553, %parallel_loop3A_554, %parallel_loop3A_555] {strides = array<i32>} : memref<2x32x1024xf32, #tpu.memory_space<vmem>>, vector<1x1x16xf32>,
        %parallel_loop3A_557 = vector.shape_cast %parallel_loop3A_556 : vector<1x1x16xf32> to vector<16xf32>
        %parallel_loop3A_558 = vector.shape_cast %parallel_loop3A_550 : vector<16xf32> to vector<1x1x16xf32>
        tpu.vector_store %arg8[%parallel_loop3A_553, %parallel_loop3A_554, %parallel_loop3A_555], %parallel_loop3A_558 {add = true, strides = array<i32>} : memref<2x32x1024xf32, #tpu.memory_space<vmem>>, vector<1x1x16xf32>,
        %parallel_loop3A_559 = arith.constant 16 : i32
        %parallel_loop3A_560 = arith.muli %parallel_loop3A_412, %parallel_loop3A_559 : i32
        %parallel_loop3A_561 = arith.constant 3072 : i32
        %parallel_loop3A_562 = arith.addi %parallel_loop3A_561, %parallel_loop3A_560 : i32
        %parallel_loop3A_563 = arith.index_cast %parallel_loop3A_562 : i32 to index
        %parallel_loop3A_564 = tpu.vector_load %arg10[%parallel_loop3A_563] {strides = array<i32>} : memref<32768xf32, #tpu.memory_space<vmem>>, vector<16xf32>,
        %parallel_loop3A_565 = vector.shape_cast %parallel_loop3A_564 : vector<16xf32> to vector<16xf32>
        %parallel_loop3A_566 = arith.constant 16 : i32
        %parallel_loop3A_567 = arith.muli %parallel_loop3A_412, %parallel_loop3A_566 : i32
        %parallel_loop3A_568 = arith.constant 19456 : i32
        %parallel_loop3A_569 = arith.addi %parallel_loop3A_568, %parallel_loop3A_567 : i32
        %parallel_loop3A_570 = arith.index_cast %parallel_loop3A_569 : i32 to index
        %parallel_loop3A_571 = tpu.vector_load %arg10[%parallel_loop3A_570] {strides = array<i32>} : memref<32768xf32, #tpu.memory_space<vmem>>, vector<16xf32>,
        %parallel_loop3A_572 = vector.shape_cast %parallel_loop3A_571 : vector<16xf32> to vector<16xf32>
        %parallel_loop3A_573 = arith.mulf %parallel_loop3A_422, %parallel_loop3A_565 : vector<16xf32>
        %parallel_loop3A_574 = arith.mulf %parallel_loop3A_432, %parallel_loop3A_572 : vector<16xf32>
        %parallel_loop3A_575 = arith.addf %parallel_loop3A_573, %parallel_loop3A_574 : vector<16xf32>
        %parallel_loop3A_576 = arith.constant 1 : i32
        %parallel_loop3A_577 = arith.constant 3 : i32
        %parallel_loop3A_578 = arith.index_cast %parallel_loop3A_576 : i32 to index
        %parallel_loop3A_579 = arith.index_cast %parallel_loop3A_577 : i32 to index
        %parallel_loop3A_580 = arith.index_cast %parallel_loop3A_414 : i32 to index
        %parallel_loop3A_581 = tpu.vector_load %arg8[%parallel_loop3A_578, %parallel_loop3A_579, %parallel_loop3A_580] {strides = array<i32>} : memref<2x32x1024xf32, #tpu.memory_space<vmem>>, vector<1x1x16xf32>,
        %parallel_loop3A_582 = vector.shape_cast %parallel_loop3A_581 : vector<1x1x16xf32> to vector<16xf32>
        %parallel_loop3A_583 = vector.shape_cast %parallel_loop3A_575 : vector<16xf32> to vector<1x1x16xf32>
        tpu.vector_store %arg8[%parallel_loop3A_578, %parallel_loop3A_579, %parallel_loop3A_580], %parallel_loop3A_583 {add = true, strides = array<i32>} : memref<2x32x1024xf32, #tpu.memory_space<vmem>>, vector<1x1x16xf32>,
        %parallel_loop3A_584 = arith.mulf %parallel_loop3A_440, %parallel_loop3A_565 : vector<16xf32>
        %parallel_loop3A_585 = arith.mulf %parallel_loop3A_450, %parallel_loop3A_572 : vector<16xf32>
        %parallel_loop3A_586 = arith.addf %parallel_loop3A_584, %parallel_loop3A_585 : vector<16xf32>
        %parallel_loop3A_587 = arith.constant 1 : i32
        %parallel_loop3A_588 = arith.constant 19 : i32
        %parallel_loop3A_589 = arith.index_cast %parallel_loop3A_587 : i32 to index
        %parallel_loop3A_590 = arith.index_cast %parallel_loop3A_588 : i32 to index
        %parallel_loop3A_591 = arith.index_cast %parallel_loop3A_414 : i32 to index
        %parallel_loop3A_592 = tpu.vector_load %arg8[%parallel_loop3A_589, %parallel_loop3A_590, %parallel_loop3A_591] {strides = array<i32>} : memref<2x32x1024xf32, #tpu.memory_space<vmem>>, vector<1x1x16xf32>,
        %parallel_loop3A_593 = vector.shape_cast %parallel_loop3A_592 : vector<1x1x16xf32> to vector<16xf32>
        %parallel_loop3A_594 = vector.shape_cast %parallel_loop3A_586 : vector<16xf32> to vector<1x1x16xf32>
        tpu.vector_store %arg8[%parallel_loop3A_589, %parallel_loop3A_590, %parallel_loop3A_591], %parallel_loop3A_594 {add = true, strides = array<i32>} : memref<2x32x1024xf32, #tpu.memory_space<vmem>>, vector<1x1x16xf32>,
        %parallel_loop3A_595 = arith.constant 16 : i32
        %parallel_loop3A_596 = arith.muli %parallel_loop3A_412, %parallel_loop3A_595 : i32
        %parallel_loop3A_597 = arith.constant 4096 : i32
        %parallel_loop3A_598 = arith.addi %parallel_loop3A_597, %parallel_loop3A_596 : i32
        %parallel_loop3A_599 = arith.index_cast %parallel_loop3A_598 : i32 to index
        %parallel_loop3A_600 = tpu.vector_load %arg10[%parallel_loop3A_599] {strides = array<i32>} : memref<32768xf32, #tpu.memory_space<vmem>>, vector<16xf32>,
        %parallel_loop3A_601 = vector.shape_cast %parallel_loop3A_600 : vector<16xf32> to vector<16xf32>
        %parallel_loop3A_602 = arith.constant 16 : i32
        %parallel_loop3A_603 = arith.muli %parallel_loop3A_412, %parallel_loop3A_602 : i32
        %parallel_loop3A_604 = arith.constant 20480 : i32
        %parallel_loop3A_605 = arith.addi %parallel_loop3A_604, %parallel_loop3A_603 : i32
        %parallel_loop3A_606 = arith.index_cast %parallel_loop3A_605 : i32 to index
        %parallel_loop3A_607 = tpu.vector_load %arg10[%parallel_loop3A_606] {strides = array<i32>} : memref<32768xf32, #tpu.memory_space<vmem>>, vector<16xf32>,
        %parallel_loop3A_608 = vector.shape_cast %parallel_loop3A_607 : vector<16xf32> to vector<16xf32>
        %parallel_loop3A_609 = arith.mulf %parallel_loop3A_422, %parallel_loop3A_601 : vector<16xf32>
        %parallel_loop3A_610 = arith.mulf %parallel_loop3A_432, %parallel_loop3A_608 : vector<16xf32>
        %parallel_loop3A_611 = arith.addf %parallel_loop3A_609, %parallel_loop3A_610 : vector<16xf32>
        %parallel_loop3A_612 = arith.constant 1 : i32
        %parallel_loop3A_613 = arith.constant 4 : i32
        %parallel_loop3A_614 = arith.index_cast %parallel_loop3A_612 : i32 to index
        %parallel_loop3A_615 = arith.index_cast %parallel_loop3A_613 : i32 to index
        %parallel_loop3A_616 = arith.index_cast %parallel_loop3A_414 : i32 to index
        %parallel_loop3A_617 = tpu.vector_load %arg8[%parallel_loop3A_614, %parallel_loop3A_615, %parallel_loop3A_616] {strides = array<i32>} : memref<2x32x1024xf32, #tpu.memory_space<vmem>>, vector<1x1x16xf32>,
        %parallel_loop3A_618 = vector.shape_cast %parallel_loop3A_617 : vector<1x1x16xf32> to vector<16xf32>
        %parallel_loop3A_619 = vector.shape_cast %parallel_loop3A_611 : vector<16xf32> to vector<1x1x16xf32>
        tpu.vector_store %arg8[%parallel_loop3A_614, %parallel_loop3A_615, %parallel_loop3A_616], %parallel_loop3A_619 {add = true, strides = array<i32>} : memref<2x32x1024xf32, #tpu.memory_space<vmem>>, vector<1x1x16xf32>,
        %parallel_loop3A_620 = arith.mulf %parallel_loop3A_440, %parallel_loop3A_601 : vector<16xf32>
        %parallel_loop3A_621 = arith.mulf %parallel_loop3A_450, %parallel_loop3A_608 : vector<16xf32>
        %parallel_loop3A_622 = arith.addf %parallel_loop3A_620, %parallel_loop3A_621 : vector<16xf32>
        %parallel_loop3A_623 = arith.constant 1 : i32
        %parallel_loop3A_624 = arith.constant 20 : i32
        %parallel_loop3A_625 = arith.index_cast %parallel_loop3A_623 : i32 to index
        %parallel_loop3A_626 = arith.index_cast %parallel_loop3A_624 : i32 to index
        %parallel_loop3A_627 = arith.index_cast %parallel_loop3A_414 : i32 to index
        %parallel_loop3A_628 = tpu.vector_load %arg8[%parallel_loop3A_625, %parallel_loop3A_626, %parallel_loop3A_627] {strides = array<i32>} : memref<2x32x1024xf32, #tpu.memory_space<vmem>>, vector<1x1x16xf32>,
        %parallel_loop3A_629 = vector.shape_cast %parallel_loop3A_628 : vector<1x1x16xf32> to vector<16xf32>
        %parallel_loop3A_630 = vector.shape_cast %parallel_loop3A_622 : vector<16xf32> to vector<1x1x16xf32>
        tpu.vector_store %arg8[%parallel_loop3A_625, %parallel_loop3A_626, %parallel_loop3A_627], %parallel_loop3A_630 {add = true, strides = array<i32>} : memref<2x32x1024xf32, #tpu.memory_space<vmem>>, vector<1x1x16xf32>,
        %parallel_loop3A_631 = arith.constant 16 : i32
        %parallel_loop3A_632 = arith.muli %parallel_loop3A_412, %parallel_loop3A_631 : i32
        %parallel_loop3A_633 = arith.constant 5120 : i32
        %parallel_loop3A_634 = arith.addi %parallel_loop3A_633, %parallel_loop3A_632 : i32
        %parallel_loop3A_635 = arith.index_cast %parallel_loop3A_634 : i32 to index
        %parallel_loop3A_636 = tpu.vector_load %arg10[%parallel_loop3A_635] {strides = array<i32>} : memref<32768xf32, #tpu.memory_space<vmem>>, vector<16xf32>,
        %parallel_loop3A_637 = vector.shape_cast %parallel_loop3A_636 : vector<16xf32> to vector<16xf32>
        %parallel_loop3A_638 = arith.constant 16 : i32
        %parallel_loop3A_639 = arith.muli %parallel_loop3A_412, %parallel_loop3A_638 : i32
        %parallel_loop3A_640 = arith.constant 21504 : i32
        %parallel_loop3A_641 = arith.addi %parallel_loop3A_640, %parallel_loop3A_639 : i32
        %parallel_loop3A_642 = arith.index_cast %parallel_loop3A_641 : i32 to index
        %parallel_loop3A_643 = tpu.vector_load %arg10[%parallel_loop3A_642] {strides = array<i32>} : memref<32768xf32, #tpu.memory_space<vmem>>, vector<16xf32>,
        %parallel_loop3A_644 = vector.shape_cast %parallel_loop3A_643 : vector<16xf32> to vector<16xf32>
        %parallel_loop3A_645 = arith.mulf %parallel_loop3A_422, %parallel_loop3A_637 : vector<16xf32>
        %parallel_loop3A_646 = arith.mulf %parallel_loop3A_432, %parallel_loop3A_644 : vector<16xf32>
        %parallel_loop3A_647 = arith.addf %parallel_loop3A_645, %parallel_loop3A_646 : vector<16xf32>
        %parallel_loop3A_648 = arith.constant 1 : i32
        %parallel_loop3A_649 = arith.constant 5 : i32
        %parallel_loop3A_650 = arith.index_cast %parallel_loop3A_648 : i32 to index
        %parallel_loop3A_651 = arith.index_cast %parallel_loop3A_649 : i32 to index
        %parallel_loop3A_652 = arith.index_cast %parallel_loop3A_414 : i32 to index
        %parallel_loop3A_653 = tpu.vector_load %arg8[%parallel_loop3A_650, %parallel_loop3A_651, %parallel_loop3A_652] {strides = array<i32>} : memref<2x32x1024xf32, #tpu.memory_space<vmem>>, vector<1x1x16xf32>,
        %parallel_loop3A_654 = vector.shape_cast %parallel_loop3A_653 : vector<1x1x16xf32> to vector<16xf32>
        %parallel_loop3A_655 = vector.shape_cast %parallel_loop3A_647 : vector<16xf32> to vector<1x1x16xf32>
        tpu.vector_store %arg8[%parallel_loop3A_650, %parallel_loop3A_651, %parallel_loop3A_652], %parallel_loop3A_655 {add = true, strides = array<i32>} : memref<2x32x1024xf32, #tpu.memory_space<vmem>>, vector<1x1x16xf32>,
        %parallel_loop3A_656 = arith.mulf %parallel_loop3A_440, %parallel_loop3A_637 : vector<16xf32>
        %parallel_loop3A_657 = arith.mulf %parallel_loop3A_450, %parallel_loop3A_644 : vector<16xf32>
        %parallel_loop3A_658 = arith.addf %parallel_loop3A_656, %parallel_loop3A_657 : vector<16xf32>
        %parallel_loop3A_659 = arith.constant 1 : i32
        %parallel_loop3A_660 = arith.constant 21 : i32
        %parallel_loop3A_661 = arith.index_cast %parallel_loop3A_659 : i32 to index
        %parallel_loop3A_662 = arith.index_cast %parallel_loop3A_660 : i32 to index
        %parallel_loop3A_663 = arith.index_cast %parallel_loop3A_414 : i32 to index
        %parallel_loop3A_664 = tpu.vector_load %arg8[%parallel_loop3A_661, %parallel_loop3A_662, %parallel_loop3A_663] {strides = array<i32>} : memref<2x32x1024xf32, #tpu.memory_space<vmem>>, vector<1x1x16xf32>,
        %parallel_loop3A_665 = vector.shape_cast %parallel_loop3A_664 : vector<1x1x16xf32> to vector<16xf32>
        %parallel_loop3A_666 = vector.shape_cast %parallel_loop3A_658 : vector<16xf32> to vector<1x1x16xf32>
        tpu.vector_store %arg8[%parallel_loop3A_661, %parallel_loop3A_662, %parallel_loop3A_663], %parallel_loop3A_666 {add = true, strides = array<i32>} : memref<2x32x1024xf32, #tpu.memory_space<vmem>>, vector<1x1x16xf32>,
        %parallel_loop3A_667 = arith.constant 16 : i32
        %parallel_loop3A_668 = arith.muli %parallel_loop3A_412, %parallel_loop3A_667 : i32
        %parallel_loop3A_669 = arith.constant 6144 : i32
        %parallel_loop3A_670 = arith.addi %parallel_loop3A_669, %parallel_loop3A_668 : i32
        %parallel_loop3A_671 = arith.index_cast %parallel_loop3A_670 : i32 to index
        %parallel_loop3A_672 = tpu.vector_load %arg10[%parallel_loop3A_671] {strides = array<i32>} : memref<32768xf32, #tpu.memory_space<vmem>>, vector<16xf32>,
        %parallel_loop3A_673 = vector.shape_cast %parallel_loop3A_672 : vector<16xf32> to vector<16xf32>
        %parallel_loop3A_674 = arith.constant 16 : i32
        %parallel_loop3A_675 = arith.muli %parallel_loop3A_412, %parallel_loop3A_674 : i32
        %parallel_loop3A_676 = arith.constant 22528 : i32
        %parallel_loop3A_677 = arith.addi %parallel_loop3A_676, %parallel_loop3A_675 : i32
        %parallel_loop3A_678 = arith.index_cast %parallel_loop3A_677 : i32 to index
        %parallel_loop3A_679 = tpu.vector_load %arg10[%parallel_loop3A_678] {strides = array<i32>} : memref<32768xf32, #tpu.memory_space<vmem>>, vector<16xf32>,
        %parallel_loop3A_680 = vector.shape_cast %parallel_loop3A_679 : vector<16xf32> to vector<16xf32>
        %parallel_loop3A_681 = arith.mulf %parallel_loop3A_422, %parallel_loop3A_673 : vector<16xf32>
        %parallel_loop3A_682 = arith.mulf %parallel_loop3A_432, %parallel_loop3A_680 : vector<16xf32>
        %parallel_loop3A_683 = arith.addf %parallel_loop3A_681, %parallel_loop3A_682 : vector<16xf32>
        %parallel_loop3A_684 = arith.constant 1 : i32
        %parallel_loop3A_685 = arith.constant 6 : i32
        %parallel_loop3A_686 = arith.index_cast %parallel_loop3A_684 : i32 to index
        %parallel_loop3A_687 = arith.index_cast %parallel_loop3A_685 : i32 to index
        %parallel_loop3A_688 = arith.index_cast %parallel_loop3A_414 : i32 to index
        %parallel_loop3A_689 = tpu.vector_load %arg8[%parallel_loop3A_686, %parallel_loop3A_687, %parallel_loop3A_688] {strides = array<i32>} : memref<2x32x1024xf32, #tpu.memory_space<vmem>>, vector<1x1x16xf32>,
        %parallel_loop3A_690 = vector.shape_cast %parallel_loop3A_689 : vector<1x1x16xf32> to vector<16xf32>
        %parallel_loop3A_691 = vector.shape_cast %parallel_loop3A_683 : vector<16xf32> to vector<1x1x16xf32>
        tpu.vector_store %arg8[%parallel_loop3A_686, %parallel_loop3A_687, %parallel_loop3A_688], %parallel_loop3A_691 {add = true, strides = array<i32>} : memref<2x32x1024xf32, #tpu.memory_space<vmem>>, vector<1x1x16xf32>,
        %parallel_loop3A_692 = arith.mulf %parallel_loop3A_440, %parallel_loop3A_673 : vector<16xf32>
        %parallel_loop3A_693 = arith.mulf %parallel_loop3A_450, %parallel_loop3A_680 : vector<16xf32>
        %parallel_loop3A_694 = arith.addf %parallel_loop3A_692, %parallel_loop3A_693 : vector<16xf32>
        %parallel_loop3A_695 = arith.constant 1 : i32
        %parallel_loop3A_696 = arith.constant 22 : i32
        %parallel_loop3A_697 = arith.index_cast %parallel_loop3A_695 : i32 to index
        %parallel_loop3A_698 = arith.index_cast %parallel_loop3A_696 : i32 to index
        %parallel_loop3A_699 = arith.index_cast %parallel_loop3A_414 : i32 to index
        %parallel_loop3A_700 = tpu.vector_load %arg8[%parallel_loop3A_697, %parallel_loop3A_698, %parallel_loop3A_699] {strides = array<i32>} : memref<2x32x1024xf32, #tpu.memory_space<vmem>>, vector<1x1x16xf32>,
        %parallel_loop3A_701 = vector.shape_cast %parallel_loop3A_700 : vector<1x1x16xf32> to vector<16xf32>
        %parallel_loop3A_702 = vector.shape_cast %parallel_loop3A_694 : vector<16xf32> to vector<1x1x16xf32>
        tpu.vector_store %arg8[%parallel_loop3A_697, %parallel_loop3A_698, %parallel_loop3A_699], %parallel_loop3A_702 {add = true, strides = array<i32>} : memref<2x32x1024xf32, #tpu.memory_space<vmem>>, vector<1x1x16xf32>,
        %parallel_loop3A_703 = arith.constant 16 : i32
        %parallel_loop3A_704 = arith.muli %parallel_loop3A_412, %parallel_loop3A_703 : i32
        %parallel_loop3A_705 = arith.constant 7168 : i32
        %parallel_loop3A_706 = arith.addi %parallel_loop3A_705, %parallel_loop3A_704 : i32
        %parallel_loop3A_707 = arith.index_cast %parallel_loop3A_706 : i32 to index
        %parallel_loop3A_708 = tpu.vector_load %arg10[%parallel_loop3A_707] {strides = array<i32>} : memref<32768xf32, #tpu.memory_space<vmem>>, vector<16xf32>,
        %parallel_loop3A_709 = vector.shape_cast %parallel_loop3A_708 : vector<16xf32> to vector<16xf32>
        %parallel_loop3A_710 = arith.constant 16 : i32
        %parallel_loop3A_711 = arith.muli %parallel_loop3A_412, %parallel_loop3A_710 : i32
        %parallel_loop3A_712 = arith.constant 23552 : i32
        %parallel_loop3A_713 = arith.addi %parallel_loop3A_712, %parallel_loop3A_711 : i32
        %parallel_loop3A_714 = arith.index_cast %parallel_loop3A_713 : i32 to index
        %parallel_loop3A_715 = tpu.vector_load %arg10[%parallel_loop3A_714] {strides = array<i32>} : memref<32768xf32, #tpu.memory_space<vmem>>, vector<16xf32>,
        %parallel_loop3A_716 = vector.shape_cast %parallel_loop3A_715 : vector<16xf32> to vector<16xf32>
        %parallel_loop3A_717 = arith.mulf %parallel_loop3A_422, %parallel_loop3A_709 : vector<16xf32>
        %parallel_loop3A_718 = arith.mulf %parallel_loop3A_432, %parallel_loop3A_716 : vector<16xf32>
        %parallel_loop3A_719 = arith.addf %parallel_loop3A_717, %parallel_loop3A_718 : vector<16xf32>
        %parallel_loop3A_720 = arith.constant 1 : i32
        %parallel_loop3A_721 = arith.constant 7 : i32
        %parallel_loop3A_722 = arith.index_cast %parallel_loop3A_720 : i32 to index
        %parallel_loop3A_723 = arith.index_cast %parallel_loop3A_721 : i32 to index
        %parallel_loop3A_724 = arith.index_cast %parallel_loop3A_414 : i32 to index
        %parallel_loop3A_725 = tpu.vector_load %arg8[%parallel_loop3A_722, %parallel_loop3A_723, %parallel_loop3A_724] {strides = array<i32>} : memref<2x32x1024xf32, #tpu.memory_space<vmem>>, vector<1x1x16xf32>,
        %parallel_loop3A_726 = vector.shape_cast %parallel_loop3A_725 : vector<1x1x16xf32> to vector<16xf32>
        %parallel_loop3A_727 = vector.shape_cast %parallel_loop3A_719 : vector<16xf32> to vector<1x1x16xf32>
        tpu.vector_store %arg8[%parallel_loop3A_722, %parallel_loop3A_723, %parallel_loop3A_724], %parallel_loop3A_727 {add = true, strides = array<i32>} : memref<2x32x1024xf32, #tpu.memory_space<vmem>>, vector<1x1x16xf32>,
        %parallel_loop3A_728 = arith.mulf %parallel_loop3A_440, %parallel_loop3A_709 : vector<16xf32>
        %parallel_loop3A_729 = arith.mulf %parallel_loop3A_450, %parallel_loop3A_716 : vector<16xf32>
        %parallel_loop3A_730 = arith.addf %parallel_loop3A_728, %parallel_loop3A_729 : vector<16xf32>
        %parallel_loop3A_731 = arith.constant 1 : i32
        %parallel_loop3A_732 = arith.constant 23 : i32
        %parallel_loop3A_733 = arith.index_cast %parallel_loop3A_731 : i32 to index
        %parallel_loop3A_734 = arith.index_cast %parallel_loop3A_732 : i32 to index
        %parallel_loop3A_735 = arith.index_cast %parallel_loop3A_414 : i32 to index
        %parallel_loop3A_736 = tpu.vector_load %arg8[%parallel_loop3A_733, %parallel_loop3A_734, %parallel_loop3A_735] {strides = array<i32>} : memref<2x32x1024xf32, #tpu.memory_space<vmem>>, vector<1x1x16xf32>,
        %parallel_loop3A_737 = vector.shape_cast %parallel_loop3A_736 : vector<1x1x16xf32> to vector<16xf32>
        %parallel_loop3A_738 = vector.shape_cast %parallel_loop3A_730 : vector<16xf32> to vector<1x1x16xf32>
        tpu.vector_store %arg8[%parallel_loop3A_733, %parallel_loop3A_734, %parallel_loop3A_735], %parallel_loop3A_738 {add = true, strides = array<i32>} : memref<2x32x1024xf32, #tpu.memory_space<vmem>>, vector<1x1x16xf32>,
        %parallel_loop3A_739 = arith.constant 16 : i32
        %parallel_loop3A_740 = arith.muli %parallel_loop3A_412, %parallel_loop3A_739 : i32
        %parallel_loop3A_741 = arith.constant 8192 : i32
        %parallel_loop3A_742 = arith.addi %parallel_loop3A_741, %parallel_loop3A_740 : i32
        %parallel_loop3A_743 = arith.index_cast %parallel_loop3A_742 : i32 to index
        %parallel_loop3A_744 = tpu.vector_load %arg10[%parallel_loop3A_743] {strides = array<i32>} : memref<32768xf32, #tpu.memory_space<vmem>>, vector<16xf32>,
        %parallel_loop3A_745 = vector.shape_cast %parallel_loop3A_744 : vector<16xf32> to vector<16xf32>
        %parallel_loop3A_746 = arith.constant 16 : i32
        %parallel_loop3A_747 = arith.muli %parallel_loop3A_412, %parallel_loop3A_746 : i32
        %parallel_loop3A_748 = arith.constant 24576 : i32
        %parallel_loop3A_749 = arith.addi %parallel_loop3A_748, %parallel_loop3A_747 : i32
        %parallel_loop3A_750 = arith.index_cast %parallel_loop3A_749 : i32 to index
        %parallel_loop3A_751 = tpu.vector_load %arg10[%parallel_loop3A_750] {strides = array<i32>} : memref<32768xf32, #tpu.memory_space<vmem>>, vector<16xf32>,
        %parallel_loop3A_752 = vector.shape_cast %parallel_loop3A_751 : vector<16xf32> to vector<16xf32>
        %parallel_loop3A_753 = arith.mulf %parallel_loop3A_422, %parallel_loop3A_745 : vector<16xf32>
        %parallel_loop3A_754 = arith.mulf %parallel_loop3A_432, %parallel_loop3A_752 : vector<16xf32>
        %parallel_loop3A_755 = arith.addf %parallel_loop3A_753, %parallel_loop3A_754 : vector<16xf32>
        %parallel_loop3A_756 = arith.constant 1 : i32
        %parallel_loop3A_757 = arith.constant 8 : i32
        %parallel_loop3A_758 = arith.index_cast %parallel_loop3A_756 : i32 to index
        %parallel_loop3A_759 = arith.index_cast %parallel_loop3A_757 : i32 to index
        %parallel_loop3A_760 = arith.index_cast %parallel_loop3A_414 : i32 to index
        %parallel_loop3A_761 = tpu.vector_load %arg8[%parallel_loop3A_758, %parallel_loop3A_759, %parallel_loop3A_760] {strides = array<i32>} : memref<2x32x1024xf32, #tpu.memory_space<vmem>>, vector<1x1x16xf32>,
        %parallel_loop3A_762 = vector.shape_cast %parallel_loop3A_761 : vector<1x1x16xf32> to vector<16xf32>
        %parallel_loop3A_763 = vector.shape_cast %parallel_loop3A_755 : vector<16xf32> to vector<1x1x16xf32>
        tpu.vector_store %arg8[%parallel_loop3A_758, %parallel_loop3A_759, %parallel_loop3A_760], %parallel_loop3A_763 {add = true, strides = array<i32>} : memref<2x32x1024xf32, #tpu.memory_space<vmem>>, vector<1x1x16xf32>,
        %parallel_loop3A_764 = arith.mulf %parallel_loop3A_440, %parallel_loop3A_745 : vector<16xf32>
        %parallel_loop3A_765 = arith.mulf %parallel_loop3A_450, %parallel_loop3A_752 : vector<16xf32>
        %parallel_loop3A_766 = arith.addf %parallel_loop3A_764, %parallel_loop3A_765 : vector<16xf32>
        %parallel_loop3A_767 = arith.constant 1 : i32
        %parallel_loop3A_768 = arith.constant 24 : i32
        %parallel_loop3A_769 = arith.index_cast %parallel_loop3A_767 : i32 to index
        %parallel_loop3A_770 = arith.index_cast %parallel_loop3A_768 : i32 to index
        %parallel_loop3A_771 = arith.index_cast %parallel_loop3A_414 : i32 to index
        %parallel_loop3A_772 = tpu.vector_load %arg8[%parallel_loop3A_769, %parallel_loop3A_770, %parallel_loop3A_771] {strides = array<i32>} : memref<2x32x1024xf32, #tpu.memory_space<vmem>>, vector<1x1x16xf32>,
        %parallel_loop3A_773 = vector.shape_cast %parallel_loop3A_772 : vector<1x1x16xf32> to vector<16xf32>
        %parallel_loop3A_774 = vector.shape_cast %parallel_loop3A_766 : vector<16xf32> to vector<1x1x16xf32>
        tpu.vector_store %arg8[%parallel_loop3A_769, %parallel_loop3A_770, %parallel_loop3A_771], %parallel_loop3A_774 {add = true, strides = array<i32>} : memref<2x32x1024xf32, #tpu.memory_space<vmem>>, vector<1x1x16xf32>,
        %parallel_loop3A_775 = arith.constant 16 : i32
        %parallel_loop3A_776 = arith.muli %parallel_loop3A_412, %parallel_loop3A_775 : i32
        %parallel_loop3A_777 = arith.constant 9216 : i32
        %parallel_loop3A_778 = arith.addi %parallel_loop3A_777, %parallel_loop3A_776 : i32
        %parallel_loop3A_779 = arith.index_cast %parallel_loop3A_778 : i32 to index
        %parallel_loop3A_780 = tpu.vector_load %arg10[%parallel_loop3A_779] {strides = array<i32>} : memref<32768xf32, #tpu.memory_space<vmem>>, vector<16xf32>,
        %parallel_loop3A_781 = vector.shape_cast %parallel_loop3A_780 : vector<16xf32> to vector<16xf32>
        %parallel_loop3A_782 = arith.constant 16 : i32
        %parallel_loop3A_783 = arith.muli %parallel_loop3A_412, %parallel_loop3A_782 : i32
        %parallel_loop3A_784 = arith.constant 25600 : i32
        %parallel_loop3A_785 = arith.addi %parallel_loop3A_784, %parallel_loop3A_783 : i32
        %parallel_loop3A_786 = arith.index_cast %parallel_loop3A_785 : i32 to index
        %parallel_loop3A_787 = tpu.vector_load %arg10[%parallel_loop3A_786] {strides = array<i32>} : memref<32768xf32, #tpu.memory_space<vmem>>, vector<16xf32>,
        %parallel_loop3A_788 = vector.shape_cast %parallel_loop3A_787 : vector<16xf32> to vector<16xf32>
        %parallel_loop3A_789 = arith.mulf %parallel_loop3A_422, %parallel_loop3A_781 : vector<16xf32>
        %parallel_loop3A_790 = arith.mulf %parallel_loop3A_432, %parallel_loop3A_788 : vector<16xf32>
        %parallel_loop3A_791 = arith.addf %parallel_loop3A_789, %parallel_loop3A_790 : vector<16xf32>
        %parallel_loop3A_792 = arith.constant 1 : i32
        %parallel_loop3A_793 = arith.constant 9 : i32
        %parallel_loop3A_794 = arith.index_cast %parallel_loop3A_792 : i32 to index
        %parallel_loop3A_795 = arith.index_cast %parallel_loop3A_793 : i32 to index
        %parallel_loop3A_796 = arith.index_cast %parallel_loop3A_414 : i32 to index
        %parallel_loop3A_797 = tpu.vector_load %arg8[%parallel_loop3A_794, %parallel_loop3A_795, %parallel_loop3A_796] {strides = array<i32>} : memref<2x32x1024xf32, #tpu.memory_space<vmem>>, vector<1x1x16xf32>,
        %parallel_loop3A_798 = vector.shape_cast %parallel_loop3A_797 : vector<1x1x16xf32> to vector<16xf32>
        %parallel_loop3A_799 = vector.shape_cast %parallel_loop3A_791 : vector<16xf32> to vector<1x1x16xf32>
        tpu.vector_store %arg8[%parallel_loop3A_794, %parallel_loop3A_795, %parallel_loop3A_796], %parallel_loop3A_799 {add = true, strides = array<i32>} : memref<2x32x1024xf32, #tpu.memory_space<vmem>>, vector<1x1x16xf32>,
        %parallel_loop3A_800 = arith.mulf %parallel_loop3A_440, %parallel_loop3A_781 : vector<16xf32>
        %parallel_loop3A_801 = arith.mulf %parallel_loop3A_450, %parallel_loop3A_788 : vector<16xf32>
        %parallel_loop3A_802 = arith.addf %parallel_loop3A_800, %parallel_loop3A_801 : vector<16xf32>
        %parallel_loop3A_803 = arith.constant 1 : i32
        %parallel_loop3A_804 = arith.constant 25 : i32
        %parallel_loop3A_805 = arith.index_cast %parallel_loop3A_803 : i32 to index
        %parallel_loop3A_806 = arith.index_cast %parallel_loop3A_804 : i32 to index
        %parallel_loop3A_807 = arith.index_cast %parallel_loop3A_414 : i32 to index
        %parallel_loop3A_808 = tpu.vector_load %arg8[%parallel_loop3A_805, %parallel_loop3A_806, %parallel_loop3A_807] {strides = array<i32>} : memref<2x32x1024xf32, #tpu.memory_space<vmem>>, vector<1x1x16xf32>,
        %parallel_loop3A_809 = vector.shape_cast %parallel_loop3A_808 : vector<1x1x16xf32> to vector<16xf32>
        %parallel_loop3A_810 = vector.shape_cast %parallel_loop3A_802 : vector<16xf32> to vector<1x1x16xf32>
        tpu.vector_store %arg8[%parallel_loop3A_805, %parallel_loop3A_806, %parallel_loop3A_807], %parallel_loop3A_810 {add = true, strides = array<i32>} : memref<2x32x1024xf32, #tpu.memory_space<vmem>>, vector<1x1x16xf32>,
        %parallel_loop3A_811 = arith.constant 16 : i32
        %parallel_loop3A_812 = arith.muli %parallel_loop3A_412, %parallel_loop3A_811 : i32
        %parallel_loop3A_813 = arith.constant 10240 : i32
        %parallel_loop3A_814 = arith.addi %parallel_loop3A_813, %parallel_loop3A_812 : i32
        %parallel_loop3A_815 = arith.index_cast %parallel_loop3A_814 : i32 to index
        %parallel_loop3A_816 = tpu.vector_load %arg10[%parallel_loop3A_815] {strides = array<i32>} : memref<32768xf32, #tpu.memory_space<vmem>>, vector<16xf32>,
        %parallel_loop3A_817 = vector.shape_cast %parallel_loop3A_816 : vector<16xf32> to vector<16xf32>
        %parallel_loop3A_818 = arith.constant 16 : i32
        %parallel_loop3A_819 = arith.muli %parallel_loop3A_412, %parallel_loop3A_818 : i32
        %parallel_loop3A_820 = arith.constant 26624 : i32
        %parallel_loop3A_821 = arith.addi %parallel_loop3A_820, %parallel_loop3A_819 : i32
        %parallel_loop3A_822 = arith.index_cast %parallel_loop3A_821 : i32 to index
        %parallel_loop3A_823 = tpu.vector_load %arg10[%parallel_loop3A_822] {strides = array<i32>} : memref<32768xf32, #tpu.memory_space<vmem>>, vector<16xf32>,
        %parallel_loop3A_824 = vector.shape_cast %parallel_loop3A_823 : vector<16xf32> to vector<16xf32>
        %parallel_loop3A_825 = arith.mulf %parallel_loop3A_422, %parallel_loop3A_817 : vector<16xf32>
        %parallel_loop3A_826 = arith.mulf %parallel_loop3A_432, %parallel_loop3A_824 : vector<16xf32>
        %parallel_loop3A_827 = arith.addf %parallel_loop3A_825, %parallel_loop3A_826 : vector<16xf32>
        %parallel_loop3A_828 = arith.constant 1 : i32
        %parallel_loop3A_829 = arith.constant 10 : i32
        %parallel_loop3A_830 = arith.index_cast %parallel_loop3A_828 : i32 to index
        %parallel_loop3A_831 = arith.index_cast %parallel_loop3A_829 : i32 to index
        %parallel_loop3A_832 = arith.index_cast %parallel_loop3A_414 : i32 to index
        %parallel_loop3A_833 = tpu.vector_load %arg8[%parallel_loop3A_830, %parallel_loop3A_831, %parallel_loop3A_832] {strides = array<i32>} : memref<2x32x1024xf32, #tpu.memory_space<vmem>>, vector<1x1x16xf32>,
        %parallel_loop3A_834 = vector.shape_cast %parallel_loop3A_833 : vector<1x1x16xf32> to vector<16xf32>
        %parallel_loop3A_835 = vector.shape_cast %parallel_loop3A_827 : vector<16xf32> to vector<1x1x16xf32>
        tpu.vector_store %arg8[%parallel_loop3A_830, %parallel_loop3A_831, %parallel_loop3A_832], %parallel_loop3A_835 {add = true, strides = array<i32>} : memref<2x32x1024xf32, #tpu.memory_space<vmem>>, vector<1x1x16xf32>,
        %parallel_loop3A_836 = arith.mulf %parallel_loop3A_440, %parallel_loop3A_817 : vector<16xf32>
        %parallel_loop3A_837 = arith.mulf %parallel_loop3A_450, %parallel_loop3A_824 : vector<16xf32>
        %parallel_loop3A_838 = arith.addf %parallel_loop3A_836, %parallel_loop3A_837 : vector<16xf32>
        %parallel_loop3A_839 = arith.constant 1 : i32
        %parallel_loop3A_840 = arith.constant 26 : i32
        %parallel_loop3A_841 = arith.index_cast %parallel_loop3A_839 : i32 to index
        %parallel_loop3A_842 = arith.index_cast %parallel_loop3A_840 : i32 to index
        %parallel_loop3A_843 = arith.index_cast %parallel_loop3A_414 : i32 to index
        %parallel_loop3A_844 = tpu.vector_load %arg8[%parallel_loop3A_841, %parallel_loop3A_842, %parallel_loop3A_843] {strides = array<i32>} : memref<2x32x1024xf32, #tpu.memory_space<vmem>>, vector<1x1x16xf32>,
        %parallel_loop3A_845 = vector.shape_cast %parallel_loop3A_844 : vector<1x1x16xf32> to vector<16xf32>
        %parallel_loop3A_846 = vector.shape_cast %parallel_loop3A_838 : vector<16xf32> to vector<1x1x16xf32>
        tpu.vector_store %arg8[%parallel_loop3A_841, %parallel_loop3A_842, %parallel_loop3A_843], %parallel_loop3A_846 {add = true, strides = array<i32>} : memref<2x32x1024xf32, #tpu.memory_space<vmem>>, vector<1x1x16xf32>,
        %parallel_loop3A_847 = arith.constant 16 : i32
        %parallel_loop3A_848 = arith.muli %parallel_loop3A_412, %parallel_loop3A_847 : i32
        %parallel_loop3A_849 = arith.constant 11264 : i32
        %parallel_loop3A_850 = arith.addi %parallel_loop3A_849, %parallel_loop3A_848 : i32
        %parallel_loop3A_851 = arith.index_cast %parallel_loop3A_850 : i32 to index
        %parallel_loop3A_852 = tpu.vector_load %arg10[%parallel_loop3A_851] {strides = array<i32>} : memref<32768xf32, #tpu.memory_space<vmem>>, vector<16xf32>,
        %parallel_loop3A_853 = vector.shape_cast %parallel_loop3A_852 : vector<16xf32> to vector<16xf32>
        %parallel_loop3A_854 = arith.constant 16 : i32
        %parallel_loop3A_855 = arith.muli %parallel_loop3A_412, %parallel_loop3A_854 : i32
        %parallel_loop3A_856 = arith.constant 27648 : i32
        %parallel_loop3A_857 = arith.addi %parallel_loop3A_856, %parallel_loop3A_855 : i32
        %parallel_loop3A_858 = arith.index_cast %parallel_loop3A_857 : i32 to index
        %parallel_loop3A_859 = tpu.vector_load %arg10[%parallel_loop3A_858] {strides = array<i32>} : memref<32768xf32, #tpu.memory_space<vmem>>, vector<16xf32>,
        %parallel_loop3A_860 = vector.shape_cast %parallel_loop3A_859 : vector<16xf32> to vector<16xf32>
        %parallel_loop3A_861 = arith.mulf %parallel_loop3A_422, %parallel_loop3A_853 : vector<16xf32>
        %parallel_loop3A_862 = arith.mulf %parallel_loop3A_432, %parallel_loop3A_860 : vector<16xf32>
        %parallel_loop3A_863 = arith.addf %parallel_loop3A_861, %parallel_loop3A_862 : vector<16xf32>
        %parallel_loop3A_864 = arith.constant 1 : i32
        %parallel_loop3A_865 = arith.constant 11 : i32
        %parallel_loop3A_866 = arith.index_cast %parallel_loop3A_864 : i32 to index
        %parallel_loop3A_867 = arith.index_cast %parallel_loop3A_865 : i32 to index
        %parallel_loop3A_868 = arith.index_cast %parallel_loop3A_414 : i32 to index
        %parallel_loop3A_869 = tpu.vector_load %arg8[%parallel_loop3A_866, %parallel_loop3A_867, %parallel_loop3A_868] {strides = array<i32>} : memref<2x32x1024xf32, #tpu.memory_space<vmem>>, vector<1x1x16xf32>,
        %parallel_loop3A_870 = vector.shape_cast %parallel_loop3A_869 : vector<1x1x16xf32> to vector<16xf32>
        %parallel_loop3A_871 = vector.shape_cast %parallel_loop3A_863 : vector<16xf32> to vector<1x1x16xf32>
        tpu.vector_store %arg8[%parallel_loop3A_866, %parallel_loop3A_867, %parallel_loop3A_868], %parallel_loop3A_871 {add = true, strides = array<i32>} : memref<2x32x1024xf32, #tpu.memory_space<vmem>>, vector<1x1x16xf32>,
        %parallel_loop3A_872 = arith.mulf %parallel_loop3A_440, %parallel_loop3A_853 : vector<16xf32>
        %parallel_loop3A_873 = arith.mulf %parallel_loop3A_450, %parallel_loop3A_860 : vector<16xf32>
        %parallel_loop3A_874 = arith.addf %parallel_loop3A_872, %parallel_loop3A_873 : vector<16xf32>
        %parallel_loop3A_875 = arith.constant 1 : i32
        %parallel_loop3A_876 = arith.constant 27 : i32
        %parallel_loop3A_877 = arith.index_cast %parallel_loop3A_875 : i32 to index
        %parallel_loop3A_878 = arith.index_cast %parallel_loop3A_876 : i32 to index
        %parallel_loop3A_879 = arith.index_cast %parallel_loop3A_414 : i32 to index
        %parallel_loop3A_880 = tpu.vector_load %arg8[%parallel_loop3A_877, %parallel_loop3A_878, %parallel_loop3A_879] {strides = array<i32>} : memref<2x32x1024xf32, #tpu.memory_space<vmem>>, vector<1x1x16xf32>,
        %parallel_loop3A_881 = vector.shape_cast %parallel_loop3A_880 : vector<1x1x16xf32> to vector<16xf32>
        %parallel_loop3A_882 = vector.shape_cast %parallel_loop3A_874 : vector<16xf32> to vector<1x1x16xf32>
        tpu.vector_store %arg8[%parallel_loop3A_877, %parallel_loop3A_878, %parallel_loop3A_879], %parallel_loop3A_882 {add = true, strides = array<i32>} : memref<2x32x1024xf32, #tpu.memory_space<vmem>>, vector<1x1x16xf32>,
        %parallel_loop3A_883 = arith.constant 16 : i32
        %parallel_loop3A_884 = arith.muli %parallel_loop3A_412, %parallel_loop3A_883 : i32
        %parallel_loop3A_885 = arith.constant 12288 : i32
        %parallel_loop3A_886 = arith.addi %parallel_loop3A_885, %parallel_loop3A_884 : i32
        %parallel_loop3A_887 = arith.index_cast %parallel_loop3A_886 : i32 to index
        %parallel_loop3A_888 = tpu.vector_load %arg10[%parallel_loop3A_887] {strides = array<i32>} : memref<32768xf32, #tpu.memory_space<vmem>>, vector<16xf32>,
        %parallel_loop3A_889 = vector.shape_cast %parallel_loop3A_888 : vector<16xf32> to vector<16xf32>
        %parallel_loop3A_890 = arith.constant 16 : i32
        %parallel_loop3A_891 = arith.muli %parallel_loop3A_412, %parallel_loop3A_890 : i32
        %parallel_loop3A_892 = arith.constant 28672 : i32
        %parallel_loop3A_893 = arith.addi %parallel_loop3A_892, %parallel_loop3A_891 : i32
        %parallel_loop3A_894 = arith.index_cast %parallel_loop3A_893 : i32 to index
        %parallel_loop3A_895 = tpu.vector_load %arg10[%parallel_loop3A_894] {strides = array<i32>} : memref<32768xf32, #tpu.memory_space<vmem>>, vector<16xf32>,
        %parallel_loop3A_896 = vector.shape_cast %parallel_loop3A_895 : vector<16xf32> to vector<16xf32>
        %parallel_loop3A_897 = arith.mulf %parallel_loop3A_422, %parallel_loop3A_889 : vector<16xf32>
        %parallel_loop3A_898 = arith.mulf %parallel_loop3A_432, %parallel_loop3A_896 : vector<16xf32>
        %parallel_loop3A_899 = arith.addf %parallel_loop3A_897, %parallel_loop3A_898 : vector<16xf32>
        %parallel_loop3A_900 = arith.constant 1 : i32
        %parallel_loop3A_901 = arith.constant 12 : i32
        %parallel_loop3A_902 = arith.index_cast %parallel_loop3A_900 : i32 to index
        %parallel_loop3A_903 = arith.index_cast %parallel_loop3A_901 : i32 to index
        %parallel_loop3A_904 = arith.index_cast %parallel_loop3A_414 : i32 to index
        %parallel_loop3A_905 = tpu.vector_load %arg8[%parallel_loop3A_902, %parallel_loop3A_903, %parallel_loop3A_904] {strides = array<i32>} : memref<2x32x1024xf32, #tpu.memory_space<vmem>>, vector<1x1x16xf32>,
        %parallel_loop3A_906 = vector.shape_cast %parallel_loop3A_905 : vector<1x1x16xf32> to vector<16xf32>
        %parallel_loop3A_907 = vector.shape_cast %parallel_loop3A_899 : vector<16xf32> to vector<1x1x16xf32>
        tpu.vector_store %arg8[%parallel_loop3A_902, %parallel_loop3A_903, %parallel_loop3A_904], %parallel_loop3A_907 {add = true, strides = array<i32>} : memref<2x32x1024xf32, #tpu.memory_space<vmem>>, vector<1x1x16xf32>,
        %parallel_loop3A_908 = arith.mulf %parallel_loop3A_440, %parallel_loop3A_889 : vector<16xf32>
        %parallel_loop3A_909 = arith.mulf %parallel_loop3A_450, %parallel_loop3A_896 : vector<16xf32>
        %parallel_loop3A_910 = arith.addf %parallel_loop3A_908, %parallel_loop3A_909 : vector<16xf32>
        %parallel_loop3A_911 = arith.constant 1 : i32
        %parallel_loop3A_912 = arith.constant 28 : i32
        %parallel_loop3A_913 = arith.index_cast %parallel_loop3A_911 : i32 to index
        %parallel_loop3A_914 = arith.index_cast %parallel_loop3A_912 : i32 to index
        %parallel_loop3A_915 = arith.index_cast %parallel_loop3A_414 : i32 to index
        %parallel_loop3A_916 = tpu.vector_load %arg8[%parallel_loop3A_913, %parallel_loop3A_914, %parallel_loop3A_915] {strides = array<i32>} : memref<2x32x1024xf32, #tpu.memory_space<vmem>>, vector<1x1x16xf32>,
        %parallel_loop3A_917 = vector.shape_cast %parallel_loop3A_916 : vector<1x1x16xf32> to vector<16xf32>
        %parallel_loop3A_918 = vector.shape_cast %parallel_loop3A_910 : vector<16xf32> to vector<1x1x16xf32>
        tpu.vector_store %arg8[%parallel_loop3A_913, %parallel_loop3A_914, %parallel_loop3A_915], %parallel_loop3A_918 {add = true, strides = array<i32>} : memref<2x32x1024xf32, #tpu.memory_space<vmem>>, vector<1x1x16xf32>,
        %parallel_loop3A_919 = arith.constant 16 : i32
        %parallel_loop3A_920 = arith.muli %parallel_loop3A_412, %parallel_loop3A_919 : i32
        %parallel_loop3A_921 = arith.constant 13312 : i32
        %parallel_loop3A_922 = arith.addi %parallel_loop3A_921, %parallel_loop3A_920 : i32
        %parallel_loop3A_923 = arith.index_cast %parallel_loop3A_922 : i32 to index
        %parallel_loop3A_924 = tpu.vector_load %arg10[%parallel_loop3A_923] {strides = array<i32>} : memref<32768xf32, #tpu.memory_space<vmem>>, vector<16xf32>,
        %parallel_loop3A_925 = vector.shape_cast %parallel_loop3A_924 : vector<16xf32> to vector<16xf32>
        %parallel_loop3A_926 = arith.constant 16 : i32
        %parallel_loop3A_927 = arith.muli %parallel_loop3A_412, %parallel_loop3A_926 : i32
        %parallel_loop3A_928 = arith.constant 29696 : i32
        %parallel_loop3A_929 = arith.addi %parallel_loop3A_928, %parallel_loop3A_927 : i32
        %parallel_loop3A_930 = arith.index_cast %parallel_loop3A_929 : i32 to index
        %parallel_loop3A_931 = tpu.vector_load %arg10[%parallel_loop3A_930] {strides = array<i32>} : memref<32768xf32, #tpu.memory_space<vmem>>, vector<16xf32>,
        %parallel_loop3A_932 = vector.shape_cast %parallel_loop3A_931 : vector<16xf32> to vector<16xf32>
        %parallel_loop3A_933 = arith.mulf %parallel_loop3A_422, %parallel_loop3A_925 : vector<16xf32>
        %parallel_loop3A_934 = arith.mulf %parallel_loop3A_432, %parallel_loop3A_932 : vector<16xf32>
        %parallel_loop3A_935 = arith.addf %parallel_loop3A_933, %parallel_loop3A_934 : vector<16xf32>
        %parallel_loop3A_936 = arith.constant 1 : i32
        %parallel_loop3A_937 = arith.constant 13 : i32
        %parallel_loop3A_938 = arith.index_cast %parallel_loop3A_936 : i32 to index
        %parallel_loop3A_939 = arith.index_cast %parallel_loop3A_937 : i32 to index
        %parallel_loop3A_940 = arith.index_cast %parallel_loop3A_414 : i32 to index
        %parallel_loop3A_941 = tpu.vector_load %arg8[%parallel_loop3A_938, %parallel_loop3A_939, %parallel_loop3A_940] {strides = array<i32>} : memref<2x32x1024xf32, #tpu.memory_space<vmem>>, vector<1x1x16xf32>,
        %parallel_loop3A_942 = vector.shape_cast %parallel_loop3A_941 : vector<1x1x16xf32> to vector<16xf32>
        %parallel_loop3A_943 = vector.shape_cast %parallel_loop3A_935 : vector<16xf32> to vector<1x1x16xf32>
        tpu.vector_store %arg8[%parallel_loop3A_938, %parallel_loop3A_939, %parallel_loop3A_940], %parallel_loop3A_943 {add = true, strides = array<i32>} : memref<2x32x1024xf32, #tpu.memory_space<vmem>>, vector<1x1x16xf32>,
        %parallel_loop3A_944 = arith.mulf %parallel_loop3A_440, %parallel_loop3A_925 : vector<16xf32>
        %parallel_loop3A_945 = arith.mulf %parallel_loop3A_450, %parallel_loop3A_932 : vector<16xf32>
        %parallel_loop3A_946 = arith.addf %parallel_loop3A_944, %parallel_loop3A_945 : vector<16xf32>
        %parallel_loop3A_947 = arith.constant 1 : i32
        %parallel_loop3A_948 = arith.constant 29 : i32
        %parallel_loop3A_949 = arith.index_cast %parallel_loop3A_947 : i32 to index
        %parallel_loop3A_950 = arith.index_cast %parallel_loop3A_948 : i32 to index
        %parallel_loop3A_951 = arith.index_cast %parallel_loop3A_414 : i32 to index
        %parallel_loop3A_952 = tpu.vector_load %arg8[%parallel_loop3A_949, %parallel_loop3A_950, %parallel_loop3A_951] {strides = array<i32>} : memref<2x32x1024xf32, #tpu.memory_space<vmem>>, vector<1x1x16xf32>,
        %parallel_loop3A_953 = vector.shape_cast %parallel_loop3A_952 : vector<1x1x16xf32> to vector<16xf32>
        %parallel_loop3A_954 = vector.shape_cast %parallel_loop3A_946 : vector<16xf32> to vector<1x1x16xf32>
        tpu.vector_store %arg8[%parallel_loop3A_949, %parallel_loop3A_950, %parallel_loop3A_951], %parallel_loop3A_954 {add = true, strides = array<i32>} : memref<2x32x1024xf32, #tpu.memory_space<vmem>>, vector<1x1x16xf32>,
        %parallel_loop3A_955 = arith.constant 16 : i32
        %parallel_loop3A_956 = arith.muli %parallel_loop3A_412, %parallel_loop3A_955 : i32
        %parallel_loop3A_957 = arith.constant 14336 : i32
        %parallel_loop3A_958 = arith.addi %parallel_loop3A_957, %parallel_loop3A_956 : i32
        %parallel_loop3A_959 = arith.index_cast %parallel_loop3A_958 : i32 to index
        %parallel_loop3A_960 = tpu.vector_load %arg10[%parallel_loop3A_959] {strides = array<i32>} : memref<32768xf32, #tpu.memory_space<vmem>>, vector<16xf32>,
        %parallel_loop3A_961 = vector.shape_cast %parallel_loop3A_960 : vector<16xf32> to vector<16xf32>
        %parallel_loop3A_962 = arith.constant 16 : i32
        %parallel_loop3A_963 = arith.muli %parallel_loop3A_412, %parallel_loop3A_962 : i32
        %parallel_loop3A_964 = arith.constant 30720 : i32
        %parallel_loop3A_965 = arith.addi %parallel_loop3A_964, %parallel_loop3A_963 : i32
        %parallel_loop3A_966 = arith.index_cast %parallel_loop3A_965 : i32 to index
        %parallel_loop3A_967 = tpu.vector_load %arg10[%parallel_loop3A_966] {strides = array<i32>} : memref<32768xf32, #tpu.memory_space<vmem>>, vector<16xf32>,
        %parallel_loop3A_968 = vector.shape_cast %parallel_loop3A_967 : vector<16xf32> to vector<16xf32>
        %parallel_loop3A_969 = arith.mulf %parallel_loop3A_422, %parallel_loop3A_961 : vector<16xf32>
        %parallel_loop3A_970 = arith.mulf %parallel_loop3A_432, %parallel_loop3A_968 : vector<16xf32>
        %parallel_loop3A_971 = arith.addf %parallel_loop3A_969, %parallel_loop3A_970 : vector<16xf32>
        %parallel_loop3A_972 = arith.constant 1 : i32
        %parallel_loop3A_973 = arith.constant 14 : i32
        %parallel_loop3A_974 = arith.index_cast %parallel_loop3A_972 : i32 to index
        %parallel_loop3A_975 = arith.index_cast %parallel_loop3A_973 : i32 to index
        %parallel_loop3A_976 = arith.index_cast %parallel_loop3A_414 : i32 to index
        %parallel_loop3A_977 = tpu.vector_load %arg8[%parallel_loop3A_974, %parallel_loop3A_975, %parallel_loop3A_976] {strides = array<i32>} : memref<2x32x1024xf32, #tpu.memory_space<vmem>>, vector<1x1x16xf32>,
        %parallel_loop3A_978 = vector.shape_cast %parallel_loop3A_977 : vector<1x1x16xf32> to vector<16xf32>
        %parallel_loop3A_979 = vector.shape_cast %parallel_loop3A_971 : vector<16xf32> to vector<1x1x16xf32>
        tpu.vector_store %arg8[%parallel_loop3A_974, %parallel_loop3A_975, %parallel_loop3A_976], %parallel_loop3A_979 {add = true, strides = array<i32>} : memref<2x32x1024xf32, #tpu.memory_space<vmem>>, vector<1x1x16xf32>,
        %parallel_loop3A_980 = arith.mulf %parallel_loop3A_440, %parallel_loop3A_961 : vector<16xf32>
        %parallel_loop3A_981 = arith.mulf %parallel_loop3A_450, %parallel_loop3A_968 : vector<16xf32>
        %parallel_loop3A_982 = arith.addf %parallel_loop3A_980, %parallel_loop3A_981 : vector<16xf32>
        %parallel_loop3A_983 = arith.constant 1 : i32
        %parallel_loop3A_984 = arith.constant 30 : i32
        %parallel_loop3A_985 = arith.index_cast %parallel_loop3A_983 : i32 to index
        %parallel_loop3A_986 = arith.index_cast %parallel_loop3A_984 : i32 to index
        %parallel_loop3A_987 = arith.index_cast %parallel_loop3A_414 : i32 to index
        %parallel_loop3A_988 = tpu.vector_load %arg8[%parallel_loop3A_985, %parallel_loop3A_986, %parallel_loop3A_987] {strides = array<i32>} : memref<2x32x1024xf32, #tpu.memory_space<vmem>>, vector<1x1x16xf32>,
        %parallel_loop3A_989 = vector.shape_cast %parallel_loop3A_988 : vector<1x1x16xf32> to vector<16xf32>
        %parallel_loop3A_990 = vector.shape_cast %parallel_loop3A_982 : vector<16xf32> to vector<1x1x16xf32>
        tpu.vector_store %arg8[%parallel_loop3A_985, %parallel_loop3A_986, %parallel_loop3A_987], %parallel_loop3A_990 {add = true, strides = array<i32>} : memref<2x32x1024xf32, #tpu.memory_space<vmem>>, vector<1x1x16xf32>,
        %parallel_loop3A_991 = arith.constant 16 : i32
        %parallel_loop3A_992 = arith.muli %parallel_loop3A_412, %parallel_loop3A_991 : i32
        %parallel_loop3A_993 = arith.constant 15360 : i32
        %parallel_loop3A_994 = arith.addi %parallel_loop3A_993, %parallel_loop3A_992 : i32
        %parallel_loop3A_995 = arith.index_cast %parallel_loop3A_994 : i32 to index
        %parallel_loop3A_996 = tpu.vector_load %arg10[%parallel_loop3A_995] {strides = array<i32>} : memref<32768xf32, #tpu.memory_space<vmem>>, vector<16xf32>,
        %parallel_loop3A_997 = vector.shape_cast %parallel_loop3A_996 : vector<16xf32> to vector<16xf32>
        %parallel_loop3A_998 = arith.constant 16 : i32
        %parallel_loop3A_999 = arith.muli %parallel_loop3A_412, %parallel_loop3A_998 : i32
        %parallel_loop3A_1000 = arith.constant 31744 : i32
        %parallel_loop3A_1001 = arith.addi %parallel_loop3A_1000, %parallel_loop3A_999 : i32
        %parallel_loop3A_1002 = arith.index_cast %parallel_loop3A_1001 : i32 to index
        %parallel_loop3A_1003 = tpu.vector_load %arg10[%parallel_loop3A_1002] {strides = array<i32>} : memref<32768xf32, #tpu.memory_space<vmem>>, vector<16xf32>,
        %parallel_loop3A_1004 = vector.shape_cast %parallel_loop3A_1003 : vector<16xf32> to vector<16xf32>
        %parallel_loop3A_1005 = arith.mulf %parallel_loop3A_422, %parallel_loop3A_997 : vector<16xf32>
        %parallel_loop3A_1006 = arith.mulf %parallel_loop3A_432, %parallel_loop3A_1004 : vector<16xf32>
        %parallel_loop3A_1007 = arith.addf %parallel_loop3A_1005, %parallel_loop3A_1006 : vector<16xf32>
        %parallel_loop3A_1008 = arith.constant 1 : i32
        %parallel_loop3A_1009 = arith.constant 15 : i32
        %parallel_loop3A_1010 = arith.index_cast %parallel_loop3A_1008 : i32 to index
        %parallel_loop3A_1011 = arith.index_cast %parallel_loop3A_1009 : i32 to index
        %parallel_loop3A_1012 = arith.index_cast %parallel_loop3A_414 : i32 to index
        %parallel_loop3A_1013 = tpu.vector_load %arg8[%parallel_loop3A_1010, %parallel_loop3A_1011, %parallel_loop3A_1012] {strides = array<i32>} : memref<2x32x1024xf32, #tpu.memory_space<vmem>>, vector<1x1x16xf32>,
        %parallel_loop3A_1014 = vector.shape_cast %parallel_loop3A_1013 : vector<1x1x16xf32> to vector<16xf32>
        %parallel_loop3A_1015 = vector.shape_cast %parallel_loop3A_1007 : vector<16xf32> to vector<1x1x16xf32>
        tpu.vector_store %arg8[%parallel_loop3A_1010, %parallel_loop3A_1011, %parallel_loop3A_1012], %parallel_loop3A_1015 {add = true, strides = array<i32>} : memref<2x32x1024xf32, #tpu.memory_space<vmem>>, vector<1x1x16xf32>,
        %parallel_loop3A_1016 = arith.mulf %parallel_loop3A_440, %parallel_loop3A_997 : vector<16xf32>
        %parallel_loop3A_1017 = arith.mulf %parallel_loop3A_450, %parallel_loop3A_1004 : vector<16xf32>
        %parallel_loop3A_1018 = arith.addf %parallel_loop3A_1016, %parallel_loop3A_1017 : vector<16xf32>
        %parallel_loop3A_1019 = arith.constant 1 : i32
        %parallel_loop3A_1020 = arith.constant 31 : i32
        %parallel_loop3A_1021 = arith.index_cast %parallel_loop3A_1019 : i32 to index
        %parallel_loop3A_1022 = arith.index_cast %parallel_loop3A_1020 : i32 to index
        %parallel_loop3A_1023 = arith.index_cast %parallel_loop3A_414 : i32 to index
        %parallel_loop3A_1024 = tpu.vector_load %arg8[%parallel_loop3A_1021, %parallel_loop3A_1022, %parallel_loop3A_1023] {strides = array<i32>} : memref<2x32x1024xf32, #tpu.memory_space<vmem>>, vector<1x1x16xf32>,
        %parallel_loop3A_1025 = vector.shape_cast %parallel_loop3A_1024 : vector<1x1x16xf32> to vector<16xf32>
        %parallel_loop3A_1026 = vector.shape_cast %parallel_loop3A_1018 : vector<16xf32> to vector<1x1x16xf32>
        tpu.vector_store %arg8[%parallel_loop3A_1021, %parallel_loop3A_1022, %parallel_loop3A_1023], %parallel_loop3A_1026 {add = true, strides = array<i32>} : memref<2x32x1024xf32, #tpu.memory_space<vmem>>, vector<1x1x16xf32>,
      } {sc.loop_unroll_factor = 1 : i64, sc.parallel_access}
      %rem3A_250 = arith.constant 4 : i32
      %rem3A_251 = arith.remsi %add3A_216, %rem3A_250 : i32
      %div3A_252 = arith.constant 4 : i32
      %div3A_253 = arith.divsi %add3A_216, %div3A_252 : i32
      %mul3A_254 = arith.constant 8192 : i32
      %mul3A_255 = arith.muli %rem3A_251, %mul3A_254 : i32
      %add3A_256 = arith.addi %mul3A_255, %multiple_of3A : i32
      %mul3A_257 = arith.constant 32 : i32
      %mul3A_258 = arith.muli %div3A_253, %mul3A_257 : i32
      %add3A_259 = arith.addi %add3A_256, %mul3A_258 : i32
      %multiple_of3A_260 = tpu.assume_multiple %add3A_259, 32 : i32
      %dma_start3A_261 = arith.constant 1 : i32
      %dma_start3A_262 = arith.constant 1 : i32
      %dma_start3A_263 = arith.constant 0 : i32
      %dma_start3A_264 = arith.constant 0 : i32
      %dma_start3A_265 = tpu.memref_slice %arg8[%dma_start3A_261, %dma_start3A_263, %dma_start3A_264] : memref<2x32x1024xf32, #tpu.memory_space<vmem>> -> memref<1x32x1024xf32, #tpu.memory_space<vmem>>
      %dma_start3A_266 = tpu.memref_squeeze %dma_start3A_265 : memref<1x32x1024xf32, #tpu.memory_space<vmem>> -> memref<32x1024xf32, #tpu.memory_space<vmem>>
      %dma_start3A_267 = arith.constant 0 : i32
      %dma_start3A_268 = tpu.memref_slice %arg6[%multiple_of3A_260, %dma_start3A_267] : memref<32768x1024xf32, #tpu.memory_space<hbm>> -> memref<32x1024xf32, #tpu.memory_space<hbm>>
      %dma_start3A_269 = tpu.memref_slice %arg12[%dma_start3A_262] : memref<2x!tpu.dma_semaphore, #tpu.memory_space<semaphore_mem>> -> memref<1x!tpu.dma_semaphore, #tpu.memory_space<semaphore_mem>>
      %dma_start3A_270 = tpu.memref_squeeze %dma_start3A_269 : memref<1x!tpu.dma_semaphore, #tpu.memory_space<semaphore_mem>> -> memref<!tpu.dma_semaphore, #tpu.memory_space<semaphore_mem>>
      %dma_start3A_271 = arith.constant 0 : i32
      %dma_start3A_272 = tpu.memref_slice %arg6[%multiple_of3A_260, %dma_start3A_271] : memref<32768x1024xf32, #tpu.memory_space<hbm>> -> memref<32x1024xf32, #tpu.memory_space<hbm>>
      %dma_start3A_273 = arith.constant 0 : i32
      %dma_start3A_274 = arith.constant 0 : i32
      %dma_start3A_275 = tpu.memref_slice %arg8[%dma_start3A_261, %dma_start3A_273, %dma_start3A_274] : memref<2x32x1024xf32, #tpu.memory_space<vmem>> -> memref<1x32x1024xf32, #tpu.memory_space<vmem>>
      %dma_start3A_276 = tpu.memref_squeeze %dma_start3A_275 : memref<1x32x1024xf32, #tpu.memory_space<vmem>> -> memref<32x1024xf32, #tpu.memory_space<vmem>>
      tpu.enqueue_dma source(%dma_start3A_276 : memref<32x1024xf32, #tpu.memory_space<vmem>>) target(%dma_start3A_272 : memref<32x1024xf32, #tpu.memory_space<hbm>>) target_semaphore(%dma_start3A_270 : memref<!tpu.dma_semaphore, #tpu.memory_space<semaphore_mem>>)
      %mul3A_277 = arith.constant 4 : i32
      %mul3A_278 = arith.muli %scan3A_132, %mul3A_277 : i32
      %add3A_279 = arith.constant 2 : i32
      %add3A_280 = arith.addi %mul3A_278, %add3A_279 : i32
      %add3A_281 = arith.constant 1 : i32
      %add3A_282 = arith.addi %add3A_280, %add3A_281 : i32
      %lt3A_283 = arith.constant 32 : i32
      %lt3A_284 = arith.cmpi slt, %add3A_282, %lt3A_283 : i32
      %convert_element_type3A_285 = arith.extui %lt3A_284 : i1 to i32
      %cond3A_286 = arith.constant 0 : i32
      %cond3A_287 = arith.cmpi ne, %convert_element_type3A_285, %cond3A_286 : i32
      scf.if %cond3A_287 {
        %ge3A = arith.constant 1 : i32
        %ge3A_412 = arith.cmpi sge, %add3A_280, %ge3A : i32
        %convert_element_type3A_413 = arith.extui %ge3A_412 : i1 to i32
        %cond3A_414 = arith.constant 0 : i32
        %cond3A_415 = arith.cmpi ne, %convert_element_type3A_413, %cond3A_414 : i32
        scf.if %cond3A_415 {
          %sub3A = arith.constant 1 : i32
          %sub3A_439 = arith.subi %add3A_280, %sub3A : i32
          %rem3A_440 = arith.constant 4 : i32
          %rem3A_441 = arith.remsi %sub3A_439, %rem3A_440 : i32
          %div3A_442 = arith.constant 4 : i32
          %div3A_443 = arith.divsi %sub3A_439, %div3A_442 : i32
          %mul3A_444 = arith.constant 8192 : i32
          %mul3A_445 = arith.muli %rem3A_441, %mul3A_444 : i32
          %add3A_446 = arith.addi %mul3A_445, %multiple_of3A : i32
          %mul3A_447 = arith.constant 32 : i32
          %mul3A_448 = arith.muli %div3A_443, %mul3A_447 : i32
          %add3A_449 = arith.addi %add3A_446, %mul3A_448 : i32
          %multiple_of3A_450 = tpu.assume_multiple %add3A_449, 32 : i32
          %dma_wait3A_451 = arith.constant 1 : i32
          %dma_wait3A_452 = arith.constant 1 : i32
          %dma_wait3A_453 = arith.constant 0 : i32
          %dma_wait3A_454 = arith.constant 0 : i32
          %dma_wait3A_455 = tpu.memref_slice %arg8[%dma_wait3A_451, %dma_wait3A_453, %dma_wait3A_454] : memref<2x32x1024xf32, #tpu.memory_space<vmem>> -> memref<1x32x1024xf32, #tpu.memory_space<vmem>>
          %dma_wait3A_456 = tpu.memref_squeeze %dma_wait3A_455 : memref<1x32x1024xf32, #tpu.memory_space<vmem>> -> memref<32x1024xf32, #tpu.memory_space<vmem>>
          %dma_wait3A_457 = arith.constant 0 : i32
          %dma_wait3A_458 = tpu.memref_slice %arg6[%multiple_of3A_450, %dma_wait3A_457] : memref<32768x1024xf32, #tpu.memory_space<hbm>> -> memref<32x1024xf32, #tpu.memory_space<hbm>>
          %dma_wait3A_459 = tpu.memref_slice %arg12[%dma_wait3A_452] : memref<2x!tpu.dma_semaphore, #tpu.memory_space<semaphore_mem>> -> memref<1x!tpu.dma_semaphore, #tpu.memory_space<semaphore_mem>>
          %dma_wait3A_460 = tpu.memref_squeeze %dma_wait3A_459 : memref<1x!tpu.dma_semaphore, #tpu.memory_space<semaphore_mem>> -> memref<!tpu.dma_semaphore, #tpu.memory_space<semaphore_mem>>
          %dma_wait3A_461 = arith.constant 0 : i32
          %dma_wait3A_462 = tpu.memref_slice %arg6[%multiple_of3A_450, %dma_wait3A_461] : memref<32768x1024xf32, #tpu.memory_space<hbm>> -> memref<32x1024xf32, #tpu.memory_space<hbm>>
          %dma_wait3A_463 = arith.constant 0 : i32
          %dma_wait3A_464 = arith.constant 0 : i32
          %dma_wait3A_465 = tpu.memref_slice %arg8[%dma_wait3A_451, %dma_wait3A_463, %dma_wait3A_464] : memref<2x32x1024xf32, #tpu.memory_space<vmem>> -> memref<1x32x1024xf32, #tpu.memory_space<vmem>>
          %dma_wait3A_466 = tpu.memref_squeeze %dma_wait3A_465 : memref<1x32x1024xf32, #tpu.memory_space<vmem>> -> memref<32x1024xf32, #tpu.memory_space<vmem>>
          tpu.wait_dma2 semaphore(%dma_wait3A_460 : memref<!tpu.dma_semaphore, #tpu.memory_space<semaphore_mem>>) src(%dma_wait3A_466 : memref<32x1024xf32, #tpu.memory_space<vmem>>) dst(%dma_wait3A_462 : memref<32x1024xf32, #tpu.memory_space<hbm>>)
        } else {
        }
        %add3A_416 = arith.constant 1 : i32
        %add3A_417 = arith.addi %add3A_280, %add3A_416 : i32
        %rem3A_418 = arith.constant 4 : i32
        %rem3A_419 = arith.remsi %add3A_417, %rem3A_418 : i32
        %div3A_420 = arith.constant 4 : i32
        %div3A_421 = arith.divsi %add3A_417, %div3A_420 : i32
        %mul3A_422 = arith.constant 8 : i32
        %mul3A_423 = arith.muli %rem3A_419, %mul3A_422 : i32
        %add3A_424 = arith.addi %mul3A_423, %div3A_421 : i32
        %dma_start3A_425 = arith.constant 1 : i32
        %dma_start3A_426 = arith.constant 1 : i32
        %dma_start3A_427 = arith.constant 0 : i32
        %dma_start3A_428 = arith.constant 0 : i32
        %dma_start3A_429 = tpu.memref_slice %arg8[%dma_start3A_425, %dma_start3A_427, %dma_start3A_428] : memref<2x32x1024xf32, #tpu.memory_space<vmem>> -> memref<1x32x1024xf32, #tpu.memory_space<vmem>>
        %dma_start3A_430 = tpu.memref_squeeze %dma_start3A_429 : memref<1x32x1024xf32, #tpu.memory_space<vmem>> -> memref<32x1024xf32, #tpu.memory_space<vmem>>
        %dma_start3A_431 = arith.constant 0 : i32
        %dma_start3A_432 = tpu.memref_slice %arg7[%add3A_424, %dma_start3A_431] : memref<32x32xi32, #tpu.memory_space<vmem>> -> memref<1x32xi32, #tpu.memory_space<vmem>>
        %dma_start3A_433 = tpu.memref_squeeze %dma_start3A_432 : memref<1x32xi32, #tpu.memory_space<vmem>> -> memref<32xi32, #tpu.memory_space<vmem>>
        %dma_start3A_434 = arith.constant 0 : i32
        %dma_start3A_435 = arith.constant 0 : i32
        %dma_start3A_436 = tpu.memref_slice %arg3[%dma_start3A_434, %dma_start3A_435] : memref<258x1024xf32, #tpu.memory_space<hbm>> -> memref<258x1024xf32, #tpu.memory_space<hbm>>
        %dma_start3A_437 = tpu.memref_slice %arg11[%dma_start3A_426] : memref<2x!tpu.dma_semaphore, #tpu.memory_space<semaphore_mem>> -> memref<1x!tpu.dma_semaphore, #tpu.memory_space<semaphore_mem>>
        %dma_start3A_438 = tpu.memref_squeeze %dma_start3A_437 : memref<1x!tpu.dma_semaphore, #tpu.memory_space<semaphore_mem>> -> memref<!tpu.dma_semaphore, #tpu.memory_space<semaphore_mem>>
        tpu.enqueue_indirect_dma source(%dma_start3A_436 : memref<258x1024xf32, #tpu.memory_space<hbm>>) target(%dma_start3A_430 : memref<32x1024xf32, #tpu.memory_space<vmem>>) offsets(%dma_start3A_433 : memref<32xi32, #tpu.memory_space<vmem>>) semaphore(%dma_start3A_438 : memref<!tpu.dma_semaphore, #tpu.memory_space<semaphore_mem>>)
      } else {
      }
      %rem3A_288 = arith.constant 4 : i32
      %rem3A_289 = arith.remsi %add3A_280, %rem3A_288 : i32
      %div3A_290 = arith.constant 4 : i32
      %div3A_291 = arith.divsi %add3A_280, %div3A_290 : i32
      %mul3A_292 = arith.constant 8 : i32
      %mul3A_293 = arith.muli %rem3A_289, %mul3A_292 : i32
      %add3A_294 = arith.addi %mul3A_293, %div3A_291 : i32
      %dma_wait3A_295 = arith.constant 0 : i32
      %dma_wait3A_296 = arith.constant 0 : i32
      %dma_wait3A_297 = arith.constant 0 : i32
      %dma_wait3A_298 = arith.constant 0 : i32
      %dma_wait3A_299 = tpu.memref_slice %arg8[%dma_wait3A_295, %dma_wait3A_297, %dma_wait3A_298] : memref<2x32x1024xf32, #tpu.memory_space<vmem>> -> memref<1x32x1024xf32, #tpu.memory_space<vmem>>
      %dma_wait3A_300 = tpu.memref_squeeze %dma_wait3A_299 : memref<1x32x1024xf32, #tpu.memory_space<vmem>> -> memref<32x1024xf32, #tpu.memory_space<vmem>>
      %dma_wait3A_301 = arith.constant 0 : i32
      %dma_wait3A_302 = tpu.memref_slice %arg7[%add3A_294, %dma_wait3A_301] : memref<32x32xi32, #tpu.memory_space<vmem>> -> memref<1x32xi32, #tpu.memory_space<vmem>>
      %dma_wait3A_303 = tpu.memref_squeeze %dma_wait3A_302 : memref<1x32xi32, #tpu.memory_space<vmem>> -> memref<32xi32, #tpu.memory_space<vmem>>
      %dma_wait3A_304 = arith.constant 0 : i32
      %dma_wait3A_305 = arith.constant 0 : i32
      %dma_wait3A_306 = tpu.memref_slice %arg3[%dma_wait3A_304, %dma_wait3A_305] : memref<258x1024xf32, #tpu.memory_space<hbm>> -> memref<258x1024xf32, #tpu.memory_space<hbm>>
      %dma_wait3A_307 = tpu.memref_slice %arg11[%dma_wait3A_296] : memref<2x!tpu.dma_semaphore, #tpu.memory_space<semaphore_mem>> -> memref<1x!tpu.dma_semaphore, #tpu.memory_space<semaphore_mem>>
      %dma_wait3A_308 = tpu.memref_squeeze %dma_wait3A_307 : memref<1x!tpu.dma_semaphore, #tpu.memory_space<semaphore_mem>> -> memref<!tpu.dma_semaphore, #tpu.memory_space<semaphore_mem>>
      tpu.wait_indirect_dma semaphore(%dma_wait3A_308 : memref<!tpu.dma_semaphore, #tpu.memory_space<semaphore_mem>>) src(%dma_wait3A_306 : memref<258x1024xf32, #tpu.memory_space<hbm>>) dst(%dma_wait3A_300 : memref<32x1024xf32, #tpu.memory_space<vmem>>)
      %mul3A_309 = arith.constant 4096 : i32
      %mul3A_310 = arith.muli %rem3A_134, %mul3A_309 : i32
      %parallel_loop3A_311 = arith.constant 0 : i32
      %parallel_loop3A_312 = arith.constant 64 : i32
      %parallel_loop3A_313 = arith.constant 1 : i32
      scf.for %parallel_loop3A_412 = %parallel_loop3A_311 to %parallel_loop3A_312 step %parallel_loop3A_313  : i32 {
        %parallel_loop3A_413 = arith.constant 16 : i32
        %parallel_loop3A_414 = arith.muli %parallel_loop3A_412, %parallel_loop3A_413 : i32
        %parallel_loop3A_415 = arith.constant 0 : i32
        %parallel_loop3A_416 = arith.addi %mul3A_310, %parallel_loop3A_415 : i32
        %parallel_loop3A_417 = arith.constant 16 : i32
        %parallel_loop3A_418 = arith.muli %parallel_loop3A_412, %parallel_loop3A_417 : i32
        %parallel_loop3A_419 = arith.addi %parallel_loop3A_416, %parallel_loop3A_418 : i32
        %parallel_loop3A_420 = arith.index_cast %parallel_loop3A_419 : i32 to index
        %parallel_loop3A_421 = tpu.vector_load %arg9[%parallel_loop3A_420] {strides = array<i32>} : memref<8192xf32, #tpu.memory_space<vmem>>, vector<16xf32>,
        %parallel_loop3A_422 = vector.shape_cast %parallel_loop3A_421 : vector<16xf32> to vector<16xf32>
        %parallel_loop3A_423 = arith.constant 0 : i32
        %parallel_loop3A_424 = arith.addi %mul3A_310, %parallel_loop3A_423 : i32
        %parallel_loop3A_425 = arith.constant 1024 : i32
        %parallel_loop3A_426 = arith.addi %parallel_loop3A_424, %parallel_loop3A_425 : i32
        %parallel_loop3A_427 = arith.constant 16 : i32
        %parallel_loop3A_428 = arith.muli %parallel_loop3A_412, %parallel_loop3A_427 : i32
        %parallel_loop3A_429 = arith.addi %parallel_loop3A_426, %parallel_loop3A_428 : i32
        %parallel_loop3A_430 = arith.index_cast %parallel_loop3A_429 : i32 to index
        %parallel_loop3A_431 = tpu.vector_load %arg9[%parallel_loop3A_430] {strides = array<i32>} : memref<8192xf32, #tpu.memory_space<vmem>>, vector<16xf32>,
        %parallel_loop3A_432 = vector.shape_cast %parallel_loop3A_431 : vector<16xf32> to vector<16xf32>
        %parallel_loop3A_433 = arith.constant 2048 : i32
        %parallel_loop3A_434 = arith.addi %mul3A_310, %parallel_loop3A_433 : i32
        %parallel_loop3A_435 = arith.constant 16 : i32
        %parallel_loop3A_436 = arith.muli %parallel_loop3A_412, %parallel_loop3A_435 : i32
        %parallel_loop3A_437 = arith.addi %parallel_loop3A_434, %parallel_loop3A_436 : i32
        %parallel_loop3A_438 = arith.index_cast %parallel_loop3A_437 : i32 to index
        %parallel_loop3A_439 = tpu.vector_load %arg9[%parallel_loop3A_438] {strides = array<i32>} : memref<8192xf32, #tpu.memory_space<vmem>>, vector<16xf32>,
        %parallel_loop3A_440 = vector.shape_cast %parallel_loop3A_439 : vector<16xf32> to vector<16xf32>
        %parallel_loop3A_441 = arith.constant 2048 : i32
        %parallel_loop3A_442 = arith.addi %mul3A_310, %parallel_loop3A_441 : i32
        %parallel_loop3A_443 = arith.constant 1024 : i32
        %parallel_loop3A_444 = arith.addi %parallel_loop3A_442, %parallel_loop3A_443 : i32
        %parallel_loop3A_445 = arith.constant 16 : i32
        %parallel_loop3A_446 = arith.muli %parallel_loop3A_412, %parallel_loop3A_445 : i32
        %parallel_loop3A_447 = arith.addi %parallel_loop3A_444, %parallel_loop3A_446 : i32
        %parallel_loop3A_448 = arith.index_cast %parallel_loop3A_447 : i32 to index
        %parallel_loop3A_449 = tpu.vector_load %arg9[%parallel_loop3A_448] {strides = array<i32>} : memref<8192xf32, #tpu.memory_space<vmem>>, vector<16xf32>,
        %parallel_loop3A_450 = vector.shape_cast %parallel_loop3A_449 : vector<16xf32> to vector<16xf32>
        %parallel_loop3A_451 = arith.constant 16 : i32
        %parallel_loop3A_452 = arith.muli %parallel_loop3A_412, %parallel_loop3A_451 : i32
        %parallel_loop3A_453 = arith.constant 0 : i32
        %parallel_loop3A_454 = arith.addi %parallel_loop3A_453, %parallel_loop3A_452 : i32
        %parallel_loop3A_455 = arith.index_cast %parallel_loop3A_454 : i32 to index
        %parallel_loop3A_456 = tpu.vector_load %arg10[%parallel_loop3A_455] {strides = array<i32>} : memref<32768xf32, #tpu.memory_space<vmem>>, vector<16xf32>,
        %parallel_loop3A_457 = vector.shape_cast %parallel_loop3A_456 : vector<16xf32> to vector<16xf32>
        %parallel_loop3A_458 = arith.constant 16 : i32
        %parallel_loop3A_459 = arith.muli %parallel_loop3A_412, %parallel_loop3A_458 : i32
        %parallel_loop3A_460 = arith.constant 16384 : i32
        %parallel_loop3A_461 = arith.addi %parallel_loop3A_460, %parallel_loop3A_459 : i32
        %parallel_loop3A_462 = arith.index_cast %parallel_loop3A_461 : i32 to index
        %parallel_loop3A_463 = tpu.vector_load %arg10[%parallel_loop3A_462] {strides = array<i32>} : memref<32768xf32, #tpu.memory_space<vmem>>, vector<16xf32>,
        %parallel_loop3A_464 = vector.shape_cast %parallel_loop3A_463 : vector<16xf32> to vector<16xf32>
        %parallel_loop3A_465 = arith.mulf %parallel_loop3A_422, %parallel_loop3A_457 : vector<16xf32>
        %parallel_loop3A_466 = arith.mulf %parallel_loop3A_432, %parallel_loop3A_464 : vector<16xf32>
        %parallel_loop3A_467 = arith.addf %parallel_loop3A_465, %parallel_loop3A_466 : vector<16xf32>
        %parallel_loop3A_468 = arith.constant 0 : i32
        %parallel_loop3A_469 = arith.constant 0 : i32
        %parallel_loop3A_470 = arith.index_cast %parallel_loop3A_468 : i32 to index
        %parallel_loop3A_471 = arith.index_cast %parallel_loop3A_469 : i32 to index
        %parallel_loop3A_472 = arith.index_cast %parallel_loop3A_414 : i32 to index
        %parallel_loop3A_473 = tpu.vector_load %arg8[%parallel_loop3A_470, %parallel_loop3A_471, %parallel_loop3A_472] {strides = array<i32>} : memref<2x32x1024xf32, #tpu.memory_space<vmem>>, vector<1x1x16xf32>,
        %parallel_loop3A_474 = vector.shape_cast %parallel_loop3A_473 : vector<1x1x16xf32> to vector<16xf32>
        %parallel_loop3A_475 = vector.shape_cast %parallel_loop3A_467 : vector<16xf32> to vector<1x1x16xf32>
        tpu.vector_store %arg8[%parallel_loop3A_470, %parallel_loop3A_471, %parallel_loop3A_472], %parallel_loop3A_475 {add = true, strides = array<i32>} : memref<2x32x1024xf32, #tpu.memory_space<vmem>>, vector<1x1x16xf32>,
        %parallel_loop3A_476 = arith.mulf %parallel_loop3A_440, %parallel_loop3A_457 : vector<16xf32>
        %parallel_loop3A_477 = arith.mulf %parallel_loop3A_450, %parallel_loop3A_464 : vector<16xf32>
        %parallel_loop3A_478 = arith.addf %parallel_loop3A_476, %parallel_loop3A_477 : vector<16xf32>
        %parallel_loop3A_479 = arith.constant 0 : i32
        %parallel_loop3A_480 = arith.constant 16 : i32
        %parallel_loop3A_481 = arith.index_cast %parallel_loop3A_479 : i32 to index
        %parallel_loop3A_482 = arith.index_cast %parallel_loop3A_480 : i32 to index
        %parallel_loop3A_483 = arith.index_cast %parallel_loop3A_414 : i32 to index
        %parallel_loop3A_484 = tpu.vector_load %arg8[%parallel_loop3A_481, %parallel_loop3A_482, %parallel_loop3A_483] {strides = array<i32>} : memref<2x32x1024xf32, #tpu.memory_space<vmem>>, vector<1x1x16xf32>,
        %parallel_loop3A_485 = vector.shape_cast %parallel_loop3A_484 : vector<1x1x16xf32> to vector<16xf32>
        %parallel_loop3A_486 = vector.shape_cast %parallel_loop3A_478 : vector<16xf32> to vector<1x1x16xf32>
        tpu.vector_store %arg8[%parallel_loop3A_481, %parallel_loop3A_482, %parallel_loop3A_483], %parallel_loop3A_486 {add = true, strides = array<i32>} : memref<2x32x1024xf32, #tpu.memory_space<vmem>>, vector<1x1x16xf32>,
        %parallel_loop3A_487 = arith.constant 16 : i32
        %parallel_loop3A_488 = arith.muli %parallel_loop3A_412, %parallel_loop3A_487 : i32
        %parallel_loop3A_489 = arith.constant 1024 : i32
        %parallel_loop3A_490 = arith.addi %parallel_loop3A_489, %parallel_loop3A_488 : i32
        %parallel_loop3A_491 = arith.index_cast %parallel_loop3A_490 : i32 to index
        %parallel_loop3A_492 = tpu.vector_load %arg10[%parallel_loop3A_491] {strides = array<i32>} : memref<32768xf32, #tpu.memory_space<vmem>>, vector<16xf32>,
        %parallel_loop3A_493 = vector.shape_cast %parallel_loop3A_492 : vector<16xf32> to vector<16xf32>
        %parallel_loop3A_494 = arith.constant 16 : i32
        %parallel_loop3A_495 = arith.muli %parallel_loop3A_412, %parallel_loop3A_494 : i32
        %parallel_loop3A_496 = arith.constant 17408 : i32
        %parallel_loop3A_497 = arith.addi %parallel_loop3A_496, %parallel_loop3A_495 : i32
        %parallel_loop3A_498 = arith.index_cast %parallel_loop3A_497 : i32 to index
        %parallel_loop3A_499 = tpu.vector_load %arg10[%parallel_loop3A_498] {strides = array<i32>} : memref<32768xf32, #tpu.memory_space<vmem>>, vector<16xf32>,
        %parallel_loop3A_500 = vector.shape_cast %parallel_loop3A_499 : vector<16xf32> to vector<16xf32>
        %parallel_loop3A_501 = arith.mulf %parallel_loop3A_422, %parallel_loop3A_493 : vector<16xf32>
        %parallel_loop3A_502 = arith.mulf %parallel_loop3A_432, %parallel_loop3A_500 : vector<16xf32>
        %parallel_loop3A_503 = arith.addf %parallel_loop3A_501, %parallel_loop3A_502 : vector<16xf32>
        %parallel_loop3A_504 = arith.constant 0 : i32
        %parallel_loop3A_505 = arith.constant 1 : i32
        %parallel_loop3A_506 = arith.index_cast %parallel_loop3A_504 : i32 to index
        %parallel_loop3A_507 = arith.index_cast %parallel_loop3A_505 : i32 to index
        %parallel_loop3A_508 = arith.index_cast %parallel_loop3A_414 : i32 to index
        %parallel_loop3A_509 = tpu.vector_load %arg8[%parallel_loop3A_506, %parallel_loop3A_507, %parallel_loop3A_508] {strides = array<i32>} : memref<2x32x1024xf32, #tpu.memory_space<vmem>>, vector<1x1x16xf32>,
        %parallel_loop3A_510 = vector.shape_cast %parallel_loop3A_509 : vector<1x1x16xf32> to vector<16xf32>
        %parallel_loop3A_511 = vector.shape_cast %parallel_loop3A_503 : vector<16xf32> to vector<1x1x16xf32>
        tpu.vector_store %arg8[%parallel_loop3A_506, %parallel_loop3A_507, %parallel_loop3A_508], %parallel_loop3A_511 {add = true, strides = array<i32>} : memref<2x32x1024xf32, #tpu.memory_space<vmem>>, vector<1x1x16xf32>,
        %parallel_loop3A_512 = arith.mulf %parallel_loop3A_440, %parallel_loop3A_493 : vector<16xf32>
        %parallel_loop3A_513 = arith.mulf %parallel_loop3A_450, %parallel_loop3A_500 : vector<16xf32>
        %parallel_loop3A_514 = arith.addf %parallel_loop3A_512, %parallel_loop3A_513 : vector<16xf32>
        %parallel_loop3A_515 = arith.constant 0 : i32
        %parallel_loop3A_516 = arith.constant 17 : i32
        %parallel_loop3A_517 = arith.index_cast %parallel_loop3A_515 : i32 to index
        %parallel_loop3A_518 = arith.index_cast %parallel_loop3A_516 : i32 to index
        %parallel_loop3A_519 = arith.index_cast %parallel_loop3A_414 : i32 to index
        %parallel_loop3A_520 = tpu.vector_load %arg8[%parallel_loop3A_517, %parallel_loop3A_518, %parallel_loop3A_519] {strides = array<i32>} : memref<2x32x1024xf32, #tpu.memory_space<vmem>>, vector<1x1x16xf32>,
        %parallel_loop3A_521 = vector.shape_cast %parallel_loop3A_520 : vector<1x1x16xf32> to vector<16xf32>
        %parallel_loop3A_522 = vector.shape_cast %parallel_loop3A_514 : vector<16xf32> to vector<1x1x16xf32>
        tpu.vector_store %arg8[%parallel_loop3A_517, %parallel_loop3A_518, %parallel_loop3A_519], %parallel_loop3A_522 {add = true, strides = array<i32>} : memref<2x32x1024xf32, #tpu.memory_space<vmem>>, vector<1x1x16xf32>,
        %parallel_loop3A_523 = arith.constant 16 : i32
        %parallel_loop3A_524 = arith.muli %parallel_loop3A_412, %parallel_loop3A_523 : i32
        %parallel_loop3A_525 = arith.constant 2048 : i32
        %parallel_loop3A_526 = arith.addi %parallel_loop3A_525, %parallel_loop3A_524 : i32
        %parallel_loop3A_527 = arith.index_cast %parallel_loop3A_526 : i32 to index
        %parallel_loop3A_528 = tpu.vector_load %arg10[%parallel_loop3A_527] {strides = array<i32>} : memref<32768xf32, #tpu.memory_space<vmem>>, vector<16xf32>,
        %parallel_loop3A_529 = vector.shape_cast %parallel_loop3A_528 : vector<16xf32> to vector<16xf32>
        %parallel_loop3A_530 = arith.constant 16 : i32
        %parallel_loop3A_531 = arith.muli %parallel_loop3A_412, %parallel_loop3A_530 : i32
        %parallel_loop3A_532 = arith.constant 18432 : i32
        %parallel_loop3A_533 = arith.addi %parallel_loop3A_532, %parallel_loop3A_531 : i32
        %parallel_loop3A_534 = arith.index_cast %parallel_loop3A_533 : i32 to index
        %parallel_loop3A_535 = tpu.vector_load %arg10[%parallel_loop3A_534] {strides = array<i32>} : memref<32768xf32, #tpu.memory_space<vmem>>, vector<16xf32>,
        %parallel_loop3A_536 = vector.shape_cast %parallel_loop3A_535 : vector<16xf32> to vector<16xf32>
        %parallel_loop3A_537 = arith.mulf %parallel_loop3A_422, %parallel_loop3A_529 : vector<16xf32>
        %parallel_loop3A_538 = arith.mulf %parallel_loop3A_432, %parallel_loop3A_536 : vector<16xf32>
        %parallel_loop3A_539 = arith.addf %parallel_loop3A_537, %parallel_loop3A_538 : vector<16xf32>
        %parallel_loop3A_540 = arith.constant 0 : i32
        %parallel_loop3A_541 = arith.constant 2 : i32
        %parallel_loop3A_542 = arith.index_cast %parallel_loop3A_540 : i32 to index
        %parallel_loop3A_543 = arith.index_cast %parallel_loop3A_541 : i32 to index
        %parallel_loop3A_544 = arith.index_cast %parallel_loop3A_414 : i32 to index
        %parallel_loop3A_545 = tpu.vector_load %arg8[%parallel_loop3A_542, %parallel_loop3A_543, %parallel_loop3A_544] {strides = array<i32>} : memref<2x32x1024xf32, #tpu.memory_space<vmem>>, vector<1x1x16xf32>,
        %parallel_loop3A_546 = vector.shape_cast %parallel_loop3A_545 : vector<1x1x16xf32> to vector<16xf32>
        %parallel_loop3A_547 = vector.shape_cast %parallel_loop3A_539 : vector<16xf32> to vector<1x1x16xf32>
        tpu.vector_store %arg8[%parallel_loop3A_542, %parallel_loop3A_543, %parallel_loop3A_544], %parallel_loop3A_547 {add = true, strides = array<i32>} : memref<2x32x1024xf32, #tpu.memory_space<vmem>>, vector<1x1x16xf32>,
        %parallel_loop3A_548 = arith.mulf %parallel_loop3A_440, %parallel_loop3A_529 : vector<16xf32>
        %parallel_loop3A_549 = arith.mulf %parallel_loop3A_450, %parallel_loop3A_536 : vector<16xf32>
        %parallel_loop3A_550 = arith.addf %parallel_loop3A_548, %parallel_loop3A_549 : vector<16xf32>
        %parallel_loop3A_551 = arith.constant 0 : i32
        %parallel_loop3A_552 = arith.constant 18 : i32
        %parallel_loop3A_553 = arith.index_cast %parallel_loop3A_551 : i32 to index
        %parallel_loop3A_554 = arith.index_cast %parallel_loop3A_552 : i32 to index
        %parallel_loop3A_555 = arith.index_cast %parallel_loop3A_414 : i32 to index
        %parallel_loop3A_556 = tpu.vector_load %arg8[%parallel_loop3A_553, %parallel_loop3A_554, %parallel_loop3A_555] {strides = array<i32>} : memref<2x32x1024xf32, #tpu.memory_space<vmem>>, vector<1x1x16xf32>,
        %parallel_loop3A_557 = vector.shape_cast %parallel_loop3A_556 : vector<1x1x16xf32> to vector<16xf32>
        %parallel_loop3A_558 = vector.shape_cast %parallel_loop3A_550 : vector<16xf32> to vector<1x1x16xf32>
        tpu.vector_store %arg8[%parallel_loop3A_553, %parallel_loop3A_554, %parallel_loop3A_555], %parallel_loop3A_558 {add = true, strides = array<i32>} : memref<2x32x1024xf32, #tpu.memory_space<vmem>>, vector<1x1x16xf32>,
        %parallel_loop3A_559 = arith.constant 16 : i32
        %parallel_loop3A_560 = arith.muli %parallel_loop3A_412, %parallel_loop3A_559 : i32
        %parallel_loop3A_561 = arith.constant 3072 : i32
        %parallel_loop3A_562 = arith.addi %parallel_loop3A_561, %parallel_loop3A_560 : i32
        %parallel_loop3A_563 = arith.index_cast %parallel_loop3A_562 : i32 to index
        %parallel_loop3A_564 = tpu.vector_load %arg10[%parallel_loop3A_563] {strides = array<i32>} : memref<32768xf32, #tpu.memory_space<vmem>>, vector<16xf32>,
        %parallel_loop3A_565 = vector.shape_cast %parallel_loop3A_564 : vector<16xf32> to vector<16xf32>
        %parallel_loop3A_566 = arith.constant 16 : i32
        %parallel_loop3A_567 = arith.muli %parallel_loop3A_412, %parallel_loop3A_566 : i32
        %parallel_loop3A_568 = arith.constant 19456 : i32
        %parallel_loop3A_569 = arith.addi %parallel_loop3A_568, %parallel_loop3A_567 : i32
        %parallel_loop3A_570 = arith.index_cast %parallel_loop3A_569 : i32 to index
        %parallel_loop3A_571 = tpu.vector_load %arg10[%parallel_loop3A_570] {strides = array<i32>} : memref<32768xf32, #tpu.memory_space<vmem>>, vector<16xf32>,
        %parallel_loop3A_572 = vector.shape_cast %parallel_loop3A_571 : vector<16xf32> to vector<16xf32>
        %parallel_loop3A_573 = arith.mulf %parallel_loop3A_422, %parallel_loop3A_565 : vector<16xf32>
        %parallel_loop3A_574 = arith.mulf %parallel_loop3A_432, %parallel_loop3A_572 : vector<16xf32>
        %parallel_loop3A_575 = arith.addf %parallel_loop3A_573, %parallel_loop3A_574 : vector<16xf32>
        %parallel_loop3A_576 = arith.constant 0 : i32
        %parallel_loop3A_577 = arith.constant 3 : i32
        %parallel_loop3A_578 = arith.index_cast %parallel_loop3A_576 : i32 to index
        %parallel_loop3A_579 = arith.index_cast %parallel_loop3A_577 : i32 to index
        %parallel_loop3A_580 = arith.index_cast %parallel_loop3A_414 : i32 to index
        %parallel_loop3A_581 = tpu.vector_load %arg8[%parallel_loop3A_578, %parallel_loop3A_579, %parallel_loop3A_580] {strides = array<i32>} : memref<2x32x1024xf32, #tpu.memory_space<vmem>>, vector<1x1x16xf32>,
        %parallel_loop3A_582 = vector.shape_cast %parallel_loop3A_581 : vector<1x1x16xf32> to vector<16xf32>
        %parallel_loop3A_583 = vector.shape_cast %parallel_loop3A_575 : vector<16xf32> to vector<1x1x16xf32>
        tpu.vector_store %arg8[%parallel_loop3A_578, %parallel_loop3A_579, %parallel_loop3A_580], %parallel_loop3A_583 {add = true, strides = array<i32>} : memref<2x32x1024xf32, #tpu.memory_space<vmem>>, vector<1x1x16xf32>,
        %parallel_loop3A_584 = arith.mulf %parallel_loop3A_440, %parallel_loop3A_565 : vector<16xf32>
        %parallel_loop3A_585 = arith.mulf %parallel_loop3A_450, %parallel_loop3A_572 : vector<16xf32>
        %parallel_loop3A_586 = arith.addf %parallel_loop3A_584, %parallel_loop3A_585 : vector<16xf32>
        %parallel_loop3A_587 = arith.constant 0 : i32
        %parallel_loop3A_588 = arith.constant 19 : i32
        %parallel_loop3A_589 = arith.index_cast %parallel_loop3A_587 : i32 to index
        %parallel_loop3A_590 = arith.index_cast %parallel_loop3A_588 : i32 to index
        %parallel_loop3A_591 = arith.index_cast %parallel_loop3A_414 : i32 to index
        %parallel_loop3A_592 = tpu.vector_load %arg8[%parallel_loop3A_589, %parallel_loop3A_590, %parallel_loop3A_591] {strides = array<i32>} : memref<2x32x1024xf32, #tpu.memory_space<vmem>>, vector<1x1x16xf32>,
        %parallel_loop3A_593 = vector.shape_cast %parallel_loop3A_592 : vector<1x1x16xf32> to vector<16xf32>
        %parallel_loop3A_594 = vector.shape_cast %parallel_loop3A_586 : vector<16xf32> to vector<1x1x16xf32>
        tpu.vector_store %arg8[%parallel_loop3A_589, %parallel_loop3A_590, %parallel_loop3A_591], %parallel_loop3A_594 {add = true, strides = array<i32>} : memref<2x32x1024xf32, #tpu.memory_space<vmem>>, vector<1x1x16xf32>,
        %parallel_loop3A_595 = arith.constant 16 : i32
        %parallel_loop3A_596 = arith.muli %parallel_loop3A_412, %parallel_loop3A_595 : i32
        %parallel_loop3A_597 = arith.constant 4096 : i32
        %parallel_loop3A_598 = arith.addi %parallel_loop3A_597, %parallel_loop3A_596 : i32
        %parallel_loop3A_599 = arith.index_cast %parallel_loop3A_598 : i32 to index
        %parallel_loop3A_600 = tpu.vector_load %arg10[%parallel_loop3A_599] {strides = array<i32>} : memref<32768xf32, #tpu.memory_space<vmem>>, vector<16xf32>,
        %parallel_loop3A_601 = vector.shape_cast %parallel_loop3A_600 : vector<16xf32> to vector<16xf32>
        %parallel_loop3A_602 = arith.constant 16 : i32
        %parallel_loop3A_603 = arith.muli %parallel_loop3A_412, %parallel_loop3A_602 : i32
        %parallel_loop3A_604 = arith.constant 20480 : i32
        %parallel_loop3A_605 = arith.addi %parallel_loop3A_604, %parallel_loop3A_603 : i32
        %parallel_loop3A_606 = arith.index_cast %parallel_loop3A_605 : i32 to index
        %parallel_loop3A_607 = tpu.vector_load %arg10[%parallel_loop3A_606] {strides = array<i32>} : memref<32768xf32, #tpu.memory_space<vmem>>, vector<16xf32>,
        %parallel_loop3A_608 = vector.shape_cast %parallel_loop3A_607 : vector<16xf32> to vector<16xf32>
        %parallel_loop3A_609 = arith.mulf %parallel_loop3A_422, %parallel_loop3A_601 : vector<16xf32>
        %parallel_loop3A_610 = arith.mulf %parallel_loop3A_432, %parallel_loop3A_608 : vector<16xf32>
        %parallel_loop3A_611 = arith.addf %parallel_loop3A_609, %parallel_loop3A_610 : vector<16xf32>
        %parallel_loop3A_612 = arith.constant 0 : i32
        %parallel_loop3A_613 = arith.constant 4 : i32
        %parallel_loop3A_614 = arith.index_cast %parallel_loop3A_612 : i32 to index
        %parallel_loop3A_615 = arith.index_cast %parallel_loop3A_613 : i32 to index
        %parallel_loop3A_616 = arith.index_cast %parallel_loop3A_414 : i32 to index
        %parallel_loop3A_617 = tpu.vector_load %arg8[%parallel_loop3A_614, %parallel_loop3A_615, %parallel_loop3A_616] {strides = array<i32>} : memref<2x32x1024xf32, #tpu.memory_space<vmem>>, vector<1x1x16xf32>,
        %parallel_loop3A_618 = vector.shape_cast %parallel_loop3A_617 : vector<1x1x16xf32> to vector<16xf32>
        %parallel_loop3A_619 = vector.shape_cast %parallel_loop3A_611 : vector<16xf32> to vector<1x1x16xf32>
        tpu.vector_store %arg8[%parallel_loop3A_614, %parallel_loop3A_615, %parallel_loop3A_616], %parallel_loop3A_619 {add = true, strides = array<i32>} : memref<2x32x1024xf32, #tpu.memory_space<vmem>>, vector<1x1x16xf32>,
        %parallel_loop3A_620 = arith.mulf %parallel_loop3A_440, %parallel_loop3A_601 : vector<16xf32>
        %parallel_loop3A_621 = arith.mulf %parallel_loop3A_450, %parallel_loop3A_608 : vector<16xf32>
        %parallel_loop3A_622 = arith.addf %parallel_loop3A_620, %parallel_loop3A_621 : vector<16xf32>
        %parallel_loop3A_623 = arith.constant 0 : i32
        %parallel_loop3A_624 = arith.constant 20 : i32
        %parallel_loop3A_625 = arith.index_cast %parallel_loop3A_623 : i32 to index
        %parallel_loop3A_626 = arith.index_cast %parallel_loop3A_624 : i32 to index
        %parallel_loop3A_627 = arith.index_cast %parallel_loop3A_414 : i32 to index
        %parallel_loop3A_628 = tpu.vector_load %arg8[%parallel_loop3A_625, %parallel_loop3A_626, %parallel_loop3A_627] {strides = array<i32>} : memref<2x32x1024xf32, #tpu.memory_space<vmem>>, vector<1x1x16xf32>,
        %parallel_loop3A_629 = vector.shape_cast %parallel_loop3A_628 : vector<1x1x16xf32> to vector<16xf32>
        %parallel_loop3A_630 = vector.shape_cast %parallel_loop3A_622 : vector<16xf32> to vector<1x1x16xf32>
        tpu.vector_store %arg8[%parallel_loop3A_625, %parallel_loop3A_626, %parallel_loop3A_627], %parallel_loop3A_630 {add = true, strides = array<i32>} : memref<2x32x1024xf32, #tpu.memory_space<vmem>>, vector<1x1x16xf32>,
        %parallel_loop3A_631 = arith.constant 16 : i32
        %parallel_loop3A_632 = arith.muli %parallel_loop3A_412, %parallel_loop3A_631 : i32
        %parallel_loop3A_633 = arith.constant 5120 : i32
        %parallel_loop3A_634 = arith.addi %parallel_loop3A_633, %parallel_loop3A_632 : i32
        %parallel_loop3A_635 = arith.index_cast %parallel_loop3A_634 : i32 to index
        %parallel_loop3A_636 = tpu.vector_load %arg10[%parallel_loop3A_635] {strides = array<i32>} : memref<32768xf32, #tpu.memory_space<vmem>>, vector<16xf32>,
        %parallel_loop3A_637 = vector.shape_cast %parallel_loop3A_636 : vector<16xf32> to vector<16xf32>
        %parallel_loop3A_638 = arith.constant 16 : i32
        %parallel_loop3A_639 = arith.muli %parallel_loop3A_412, %parallel_loop3A_638 : i32
        %parallel_loop3A_640 = arith.constant 21504 : i32
        %parallel_loop3A_641 = arith.addi %parallel_loop3A_640, %parallel_loop3A_639 : i32
        %parallel_loop3A_642 = arith.index_cast %parallel_loop3A_641 : i32 to index
        %parallel_loop3A_643 = tpu.vector_load %arg10[%parallel_loop3A_642] {strides = array<i32>} : memref<32768xf32, #tpu.memory_space<vmem>>, vector<16xf32>,
        %parallel_loop3A_644 = vector.shape_cast %parallel_loop3A_643 : vector<16xf32> to vector<16xf32>
        %parallel_loop3A_645 = arith.mulf %parallel_loop3A_422, %parallel_loop3A_637 : vector<16xf32>
        %parallel_loop3A_646 = arith.mulf %parallel_loop3A_432, %parallel_loop3A_644 : vector<16xf32>
        %parallel_loop3A_647 = arith.addf %parallel_loop3A_645, %parallel_loop3A_646 : vector<16xf32>
        %parallel_loop3A_648 = arith.constant 0 : i32
        %parallel_loop3A_649 = arith.constant 5 : i32
        %parallel_loop3A_650 = arith.index_cast %parallel_loop3A_648 : i32 to index
        %parallel_loop3A_651 = arith.index_cast %parallel_loop3A_649 : i32 to index
        %parallel_loop3A_652 = arith.index_cast %parallel_loop3A_414 : i32 to index
        %parallel_loop3A_653 = tpu.vector_load %arg8[%parallel_loop3A_650, %parallel_loop3A_651, %parallel_loop3A_652] {strides = array<i32>} : memref<2x32x1024xf32, #tpu.memory_space<vmem>>, vector<1x1x16xf32>,
        %parallel_loop3A_654 = vector.shape_cast %parallel_loop3A_653 : vector<1x1x16xf32> to vector<16xf32>
        %parallel_loop3A_655 = vector.shape_cast %parallel_loop3A_647 : vector<16xf32> to vector<1x1x16xf32>
        tpu.vector_store %arg8[%parallel_loop3A_650, %parallel_loop3A_651, %parallel_loop3A_652], %parallel_loop3A_655 {add = true, strides = array<i32>} : memref<2x32x1024xf32, #tpu.memory_space<vmem>>, vector<1x1x16xf32>,
        %parallel_loop3A_656 = arith.mulf %parallel_loop3A_440, %parallel_loop3A_637 : vector<16xf32>
        %parallel_loop3A_657 = arith.mulf %parallel_loop3A_450, %parallel_loop3A_644 : vector<16xf32>
        %parallel_loop3A_658 = arith.addf %parallel_loop3A_656, %parallel_loop3A_657 : vector<16xf32>
        %parallel_loop3A_659 = arith.constant 0 : i32
        %parallel_loop3A_660 = arith.constant 21 : i32
        %parallel_loop3A_661 = arith.index_cast %parallel_loop3A_659 : i32 to index
        %parallel_loop3A_662 = arith.index_cast %parallel_loop3A_660 : i32 to index
        %parallel_loop3A_663 = arith.index_cast %parallel_loop3A_414 : i32 to index
        %parallel_loop3A_664 = tpu.vector_load %arg8[%parallel_loop3A_661, %parallel_loop3A_662, %parallel_loop3A_663] {strides = array<i32>} : memref<2x32x1024xf32, #tpu.memory_space<vmem>>, vector<1x1x16xf32>,
        %parallel_loop3A_665 = vector.shape_cast %parallel_loop3A_664 : vector<1x1x16xf32> to vector<16xf32>
        %parallel_loop3A_666 = vector.shape_cast %parallel_loop3A_658 : vector<16xf32> to vector<1x1x16xf32>
        tpu.vector_store %arg8[%parallel_loop3A_661, %parallel_loop3A_662, %parallel_loop3A_663], %parallel_loop3A_666 {add = true, strides = array<i32>} : memref<2x32x1024xf32, #tpu.memory_space<vmem>>, vector<1x1x16xf32>,
        %parallel_loop3A_667 = arith.constant 16 : i32
        %parallel_loop3A_668 = arith.muli %parallel_loop3A_412, %parallel_loop3A_667 : i32
        %parallel_loop3A_669 = arith.constant 6144 : i32
        %parallel_loop3A_670 = arith.addi %parallel_loop3A_669, %parallel_loop3A_668 : i32
        %parallel_loop3A_671 = arith.index_cast %parallel_loop3A_670 : i32 to index
        %parallel_loop3A_672 = tpu.vector_load %arg10[%parallel_loop3A_671] {strides = array<i32>} : memref<32768xf32, #tpu.memory_space<vmem>>, vector<16xf32>,
        %parallel_loop3A_673 = vector.shape_cast %parallel_loop3A_672 : vector<16xf32> to vector<16xf32>
        %parallel_loop3A_674 = arith.constant 16 : i32
        %parallel_loop3A_675 = arith.muli %parallel_loop3A_412, %parallel_loop3A_674 : i32
        %parallel_loop3A_676 = arith.constant 22528 : i32
        %parallel_loop3A_677 = arith.addi %parallel_loop3A_676, %parallel_loop3A_675 : i32
        %parallel_loop3A_678 = arith.index_cast %parallel_loop3A_677 : i32 to index
        %parallel_loop3A_679 = tpu.vector_load %arg10[%parallel_loop3A_678] {strides = array<i32>} : memref<32768xf32, #tpu.memory_space<vmem>>, vector<16xf32>,
        %parallel_loop3A_680 = vector.shape_cast %parallel_loop3A_679 : vector<16xf32> to vector<16xf32>
        %parallel_loop3A_681 = arith.mulf %parallel_loop3A_422, %parallel_loop3A_673 : vector<16xf32>
        %parallel_loop3A_682 = arith.mulf %parallel_loop3A_432, %parallel_loop3A_680 : vector<16xf32>
        %parallel_loop3A_683 = arith.addf %parallel_loop3A_681, %parallel_loop3A_682 : vector<16xf32>
        %parallel_loop3A_684 = arith.constant 0 : i32
        %parallel_loop3A_685 = arith.constant 6 : i32
        %parallel_loop3A_686 = arith.index_cast %parallel_loop3A_684 : i32 to index
        %parallel_loop3A_687 = arith.index_cast %parallel_loop3A_685 : i32 to index
        %parallel_loop3A_688 = arith.index_cast %parallel_loop3A_414 : i32 to index
        %parallel_loop3A_689 = tpu.vector_load %arg8[%parallel_loop3A_686, %parallel_loop3A_687, %parallel_loop3A_688] {strides = array<i32>} : memref<2x32x1024xf32, #tpu.memory_space<vmem>>, vector<1x1x16xf32>,
        %parallel_loop3A_690 = vector.shape_cast %parallel_loop3A_689 : vector<1x1x16xf32> to vector<16xf32>
        %parallel_loop3A_691 = vector.shape_cast %parallel_loop3A_683 : vector<16xf32> to vector<1x1x16xf32>
        tpu.vector_store %arg8[%parallel_loop3A_686, %parallel_loop3A_687, %parallel_loop3A_688], %parallel_loop3A_691 {add = true, strides = array<i32>} : memref<2x32x1024xf32, #tpu.memory_space<vmem>>, vector<1x1x16xf32>,
        %parallel_loop3A_692 = arith.mulf %parallel_loop3A_440, %parallel_loop3A_673 : vector<16xf32>
        %parallel_loop3A_693 = arith.mulf %parallel_loop3A_450, %parallel_loop3A_680 : vector<16xf32>
        %parallel_loop3A_694 = arith.addf %parallel_loop3A_692, %parallel_loop3A_693 : vector<16xf32>
        %parallel_loop3A_695 = arith.constant 0 : i32
        %parallel_loop3A_696 = arith.constant 22 : i32
        %parallel_loop3A_697 = arith.index_cast %parallel_loop3A_695 : i32 to index
        %parallel_loop3A_698 = arith.index_cast %parallel_loop3A_696 : i32 to index
        %parallel_loop3A_699 = arith.index_cast %parallel_loop3A_414 : i32 to index
        %parallel_loop3A_700 = tpu.vector_load %arg8[%parallel_loop3A_697, %parallel_loop3A_698, %parallel_loop3A_699] {strides = array<i32>} : memref<2x32x1024xf32, #tpu.memory_space<vmem>>, vector<1x1x16xf32>,
        %parallel_loop3A_701 = vector.shape_cast %parallel_loop3A_700 : vector<1x1x16xf32> to vector<16xf32>
        %parallel_loop3A_702 = vector.shape_cast %parallel_loop3A_694 : vector<16xf32> to vector<1x1x16xf32>
        tpu.vector_store %arg8[%parallel_loop3A_697, %parallel_loop3A_698, %parallel_loop3A_699], %parallel_loop3A_702 {add = true, strides = array<i32>} : memref<2x32x1024xf32, #tpu.memory_space<vmem>>, vector<1x1x16xf32>,
        %parallel_loop3A_703 = arith.constant 16 : i32
        %parallel_loop3A_704 = arith.muli %parallel_loop3A_412, %parallel_loop3A_703 : i32
        %parallel_loop3A_705 = arith.constant 7168 : i32
        %parallel_loop3A_706 = arith.addi %parallel_loop3A_705, %parallel_loop3A_704 : i32
        %parallel_loop3A_707 = arith.index_cast %parallel_loop3A_706 : i32 to index
        %parallel_loop3A_708 = tpu.vector_load %arg10[%parallel_loop3A_707] {strides = array<i32>} : memref<32768xf32, #tpu.memory_space<vmem>>, vector<16xf32>,
        %parallel_loop3A_709 = vector.shape_cast %parallel_loop3A_708 : vector<16xf32> to vector<16xf32>
        %parallel_loop3A_710 = arith.constant 16 : i32
        %parallel_loop3A_711 = arith.muli %parallel_loop3A_412, %parallel_loop3A_710 : i32
        %parallel_loop3A_712 = arith.constant 23552 : i32
        %parallel_loop3A_713 = arith.addi %parallel_loop3A_712, %parallel_loop3A_711 : i32
        %parallel_loop3A_714 = arith.index_cast %parallel_loop3A_713 : i32 to index
        %parallel_loop3A_715 = tpu.vector_load %arg10[%parallel_loop3A_714] {strides = array<i32>} : memref<32768xf32, #tpu.memory_space<vmem>>, vector<16xf32>,
        %parallel_loop3A_716 = vector.shape_cast %parallel_loop3A_715 : vector<16xf32> to vector<16xf32>
        %parallel_loop3A_717 = arith.mulf %parallel_loop3A_422, %parallel_loop3A_709 : vector<16xf32>
        %parallel_loop3A_718 = arith.mulf %parallel_loop3A_432, %parallel_loop3A_716 : vector<16xf32>
        %parallel_loop3A_719 = arith.addf %parallel_loop3A_717, %parallel_loop3A_718 : vector<16xf32>
        %parallel_loop3A_720 = arith.constant 0 : i32
        %parallel_loop3A_721 = arith.constant 7 : i32
        %parallel_loop3A_722 = arith.index_cast %parallel_loop3A_720 : i32 to index
        %parallel_loop3A_723 = arith.index_cast %parallel_loop3A_721 : i32 to index
        %parallel_loop3A_724 = arith.index_cast %parallel_loop3A_414 : i32 to index
        %parallel_loop3A_725 = tpu.vector_load %arg8[%parallel_loop3A_722, %parallel_loop3A_723, %parallel_loop3A_724] {strides = array<i32>} : memref<2x32x1024xf32, #tpu.memory_space<vmem>>, vector<1x1x16xf32>,
        %parallel_loop3A_726 = vector.shape_cast %parallel_loop3A_725 : vector<1x1x16xf32> to vector<16xf32>
        %parallel_loop3A_727 = vector.shape_cast %parallel_loop3A_719 : vector<16xf32> to vector<1x1x16xf32>
        tpu.vector_store %arg8[%parallel_loop3A_722, %parallel_loop3A_723, %parallel_loop3A_724], %parallel_loop3A_727 {add = true, strides = array<i32>} : memref<2x32x1024xf32, #tpu.memory_space<vmem>>, vector<1x1x16xf32>,
        %parallel_loop3A_728 = arith.mulf %parallel_loop3A_440, %parallel_loop3A_709 : vector<16xf32>
        %parallel_loop3A_729 = arith.mulf %parallel_loop3A_450, %parallel_loop3A_716 : vector<16xf32>
        %parallel_loop3A_730 = arith.addf %parallel_loop3A_728, %parallel_loop3A_729 : vector<16xf32>
        %parallel_loop3A_731 = arith.constant 0 : i32
        %parallel_loop3A_732 = arith.constant 23 : i32
        %parallel_loop3A_733 = arith.index_cast %parallel_loop3A_731 : i32 to index
        %parallel_loop3A_734 = arith.index_cast %parallel_loop3A_732 : i32 to index
        %parallel_loop3A_735 = arith.index_cast %parallel_loop3A_414 : i32 to index
        %parallel_loop3A_736 = tpu.vector_load %arg8[%parallel_loop3A_733, %parallel_loop3A_734, %parallel_loop3A_735] {strides = array<i32>} : memref<2x32x1024xf32, #tpu.memory_space<vmem>>, vector<1x1x16xf32>,
        %parallel_loop3A_737 = vector.shape_cast %parallel_loop3A_736 : vector<1x1x16xf32> to vector<16xf32>
        %parallel_loop3A_738 = vector.shape_cast %parallel_loop3A_730 : vector<16xf32> to vector<1x1x16xf32>
        tpu.vector_store %arg8[%parallel_loop3A_733, %parallel_loop3A_734, %parallel_loop3A_735], %parallel_loop3A_738 {add = true, strides = array<i32>} : memref<2x32x1024xf32, #tpu.memory_space<vmem>>, vector<1x1x16xf32>,
        %parallel_loop3A_739 = arith.constant 16 : i32
        %parallel_loop3A_740 = arith.muli %parallel_loop3A_412, %parallel_loop3A_739 : i32
        %parallel_loop3A_741 = arith.constant 8192 : i32
        %parallel_loop3A_742 = arith.addi %parallel_loop3A_741, %parallel_loop3A_740 : i32
        %parallel_loop3A_743 = arith.index_cast %parallel_loop3A_742 : i32 to index
        %parallel_loop3A_744 = tpu.vector_load %arg10[%parallel_loop3A_743] {strides = array<i32>} : memref<32768xf32, #tpu.memory_space<vmem>>, vector<16xf32>,
        %parallel_loop3A_745 = vector.shape_cast %parallel_loop3A_744 : vector<16xf32> to vector<16xf32>
        %parallel_loop3A_746 = arith.constant 16 : i32
        %parallel_loop3A_747 = arith.muli %parallel_loop3A_412, %parallel_loop3A_746 : i32
        %parallel_loop3A_748 = arith.constant 24576 : i32
        %parallel_loop3A_749 = arith.addi %parallel_loop3A_748, %parallel_loop3A_747 : i32
        %parallel_loop3A_750 = arith.index_cast %parallel_loop3A_749 : i32 to index
        %parallel_loop3A_751 = tpu.vector_load %arg10[%parallel_loop3A_750] {strides = array<i32>} : memref<32768xf32, #tpu.memory_space<vmem>>, vector<16xf32>,
        %parallel_loop3A_752 = vector.shape_cast %parallel_loop3A_751 : vector<16xf32> to vector<16xf32>
        %parallel_loop3A_753 = arith.mulf %parallel_loop3A_422, %parallel_loop3A_745 : vector<16xf32>
        %parallel_loop3A_754 = arith.mulf %parallel_loop3A_432, %parallel_loop3A_752 : vector<16xf32>
        %parallel_loop3A_755 = arith.addf %parallel_loop3A_753, %parallel_loop3A_754 : vector<16xf32>
        %parallel_loop3A_756 = arith.constant 0 : i32
        %parallel_loop3A_757 = arith.constant 8 : i32
        %parallel_loop3A_758 = arith.index_cast %parallel_loop3A_756 : i32 to index
        %parallel_loop3A_759 = arith.index_cast %parallel_loop3A_757 : i32 to index
        %parallel_loop3A_760 = arith.index_cast %parallel_loop3A_414 : i32 to index
        %parallel_loop3A_761 = tpu.vector_load %arg8[%parallel_loop3A_758, %parallel_loop3A_759, %parallel_loop3A_760] {strides = array<i32>} : memref<2x32x1024xf32, #tpu.memory_space<vmem>>, vector<1x1x16xf32>,
        %parallel_loop3A_762 = vector.shape_cast %parallel_loop3A_761 : vector<1x1x16xf32> to vector<16xf32>
        %parallel_loop3A_763 = vector.shape_cast %parallel_loop3A_755 : vector<16xf32> to vector<1x1x16xf32>
        tpu.vector_store %arg8[%parallel_loop3A_758, %parallel_loop3A_759, %parallel_loop3A_760], %parallel_loop3A_763 {add = true, strides = array<i32>} : memref<2x32x1024xf32, #tpu.memory_space<vmem>>, vector<1x1x16xf32>,
        %parallel_loop3A_764 = arith.mulf %parallel_loop3A_440, %parallel_loop3A_745 : vector<16xf32>
        %parallel_loop3A_765 = arith.mulf %parallel_loop3A_450, %parallel_loop3A_752 : vector<16xf32>
        %parallel_loop3A_766 = arith.addf %parallel_loop3A_764, %parallel_loop3A_765 : vector<16xf32>
        %parallel_loop3A_767 = arith.constant 0 : i32
        %parallel_loop3A_768 = arith.constant 24 : i32
        %parallel_loop3A_769 = arith.index_cast %parallel_loop3A_767 : i32 to index
        %parallel_loop3A_770 = arith.index_cast %parallel_loop3A_768 : i32 to index
        %parallel_loop3A_771 = arith.index_cast %parallel_loop3A_414 : i32 to index
        %parallel_loop3A_772 = tpu.vector_load %arg8[%parallel_loop3A_769, %parallel_loop3A_770, %parallel_loop3A_771] {strides = array<i32>} : memref<2x32x1024xf32, #tpu.memory_space<vmem>>, vector<1x1x16xf32>,
        %parallel_loop3A_773 = vector.shape_cast %parallel_loop3A_772 : vector<1x1x16xf32> to vector<16xf32>
        %parallel_loop3A_774 = vector.shape_cast %parallel_loop3A_766 : vector<16xf32> to vector<1x1x16xf32>
        tpu.vector_store %arg8[%parallel_loop3A_769, %parallel_loop3A_770, %parallel_loop3A_771], %parallel_loop3A_774 {add = true, strides = array<i32>} : memref<2x32x1024xf32, #tpu.memory_space<vmem>>, vector<1x1x16xf32>,
        %parallel_loop3A_775 = arith.constant 16 : i32
        %parallel_loop3A_776 = arith.muli %parallel_loop3A_412, %parallel_loop3A_775 : i32
        %parallel_loop3A_777 = arith.constant 9216 : i32
        %parallel_loop3A_778 = arith.addi %parallel_loop3A_777, %parallel_loop3A_776 : i32
        %parallel_loop3A_779 = arith.index_cast %parallel_loop3A_778 : i32 to index
        %parallel_loop3A_780 = tpu.vector_load %arg10[%parallel_loop3A_779] {strides = array<i32>} : memref<32768xf32, #tpu.memory_space<vmem>>, vector<16xf32>,
        %parallel_loop3A_781 = vector.shape_cast %parallel_loop3A_780 : vector<16xf32> to vector<16xf32>
        %parallel_loop3A_782 = arith.constant 16 : i32
        %parallel_loop3A_783 = arith.muli %parallel_loop3A_412, %parallel_loop3A_782 : i32
        %parallel_loop3A_784 = arith.constant 25600 : i32
        %parallel_loop3A_785 = arith.addi %parallel_loop3A_784, %parallel_loop3A_783 : i32
        %parallel_loop3A_786 = arith.index_cast %parallel_loop3A_785 : i32 to index
        %parallel_loop3A_787 = tpu.vector_load %arg10[%parallel_loop3A_786] {strides = array<i32>} : memref<32768xf32, #tpu.memory_space<vmem>>, vector<16xf32>,
        %parallel_loop3A_788 = vector.shape_cast %parallel_loop3A_787 : vector<16xf32> to vector<16xf32>
        %parallel_loop3A_789 = arith.mulf %parallel_loop3A_422, %parallel_loop3A_781 : vector<16xf32>
        %parallel_loop3A_790 = arith.mulf %parallel_loop3A_432, %parallel_loop3A_788 : vector<16xf32>
        %parallel_loop3A_791 = arith.addf %parallel_loop3A_789, %parallel_loop3A_790 : vector<16xf32>
        %parallel_loop3A_792 = arith.constant 0 : i32
        %parallel_loop3A_793 = arith.constant 9 : i32
        %parallel_loop3A_794 = arith.index_cast %parallel_loop3A_792 : i32 to index
        %parallel_loop3A_795 = arith.index_cast %parallel_loop3A_793 : i32 to index
        %parallel_loop3A_796 = arith.index_cast %parallel_loop3A_414 : i32 to index
        %parallel_loop3A_797 = tpu.vector_load %arg8[%parallel_loop3A_794, %parallel_loop3A_795, %parallel_loop3A_796] {strides = array<i32>} : memref<2x32x1024xf32, #tpu.memory_space<vmem>>, vector<1x1x16xf32>,
        %parallel_loop3A_798 = vector.shape_cast %parallel_loop3A_797 : vector<1x1x16xf32> to vector<16xf32>
        %parallel_loop3A_799 = vector.shape_cast %parallel_loop3A_791 : vector<16xf32> to vector<1x1x16xf32>
        tpu.vector_store %arg8[%parallel_loop3A_794, %parallel_loop3A_795, %parallel_loop3A_796], %parallel_loop3A_799 {add = true, strides = array<i32>} : memref<2x32x1024xf32, #tpu.memory_space<vmem>>, vector<1x1x16xf32>,
        %parallel_loop3A_800 = arith.mulf %parallel_loop3A_440, %parallel_loop3A_781 : vector<16xf32>
        %parallel_loop3A_801 = arith.mulf %parallel_loop3A_450, %parallel_loop3A_788 : vector<16xf32>
        %parallel_loop3A_802 = arith.addf %parallel_loop3A_800, %parallel_loop3A_801 : vector<16xf32>
        %parallel_loop3A_803 = arith.constant 0 : i32
        %parallel_loop3A_804 = arith.constant 25 : i32
        %parallel_loop3A_805 = arith.index_cast %parallel_loop3A_803 : i32 to index
        %parallel_loop3A_806 = arith.index_cast %parallel_loop3A_804 : i32 to index
        %parallel_loop3A_807 = arith.index_cast %parallel_loop3A_414 : i32 to index
        %parallel_loop3A_808 = tpu.vector_load %arg8[%parallel_loop3A_805, %parallel_loop3A_806, %parallel_loop3A_807] {strides = array<i32>} : memref<2x32x1024xf32, #tpu.memory_space<vmem>>, vector<1x1x16xf32>,
        %parallel_loop3A_809 = vector.shape_cast %parallel_loop3A_808 : vector<1x1x16xf32> to vector<16xf32>
        %parallel_loop3A_810 = vector.shape_cast %parallel_loop3A_802 : vector<16xf32> to vector<1x1x16xf32>
        tpu.vector_store %arg8[%parallel_loop3A_805, %parallel_loop3A_806, %parallel_loop3A_807], %parallel_loop3A_810 {add = true, strides = array<i32>} : memref<2x32x1024xf32, #tpu.memory_space<vmem>>, vector<1x1x16xf32>,
        %parallel_loop3A_811 = arith.constant 16 : i32
        %parallel_loop3A_812 = arith.muli %parallel_loop3A_412, %parallel_loop3A_811 : i32
        %parallel_loop3A_813 = arith.constant 10240 : i32
        %parallel_loop3A_814 = arith.addi %parallel_loop3A_813, %parallel_loop3A_812 : i32
        %parallel_loop3A_815 = arith.index_cast %parallel_loop3A_814 : i32 to index
        %parallel_loop3A_816 = tpu.vector_load %arg10[%parallel_loop3A_815] {strides = array<i32>} : memref<32768xf32, #tpu.memory_space<vmem>>, vector<16xf32>,
        %parallel_loop3A_817 = vector.shape_cast %parallel_loop3A_816 : vector<16xf32> to vector<16xf32>
        %parallel_loop3A_818 = arith.constant 16 : i32
        %parallel_loop3A_819 = arith.muli %parallel_loop3A_412, %parallel_loop3A_818 : i32
        %parallel_loop3A_820 = arith.constant 26624 : i32
        %parallel_loop3A_821 = arith.addi %parallel_loop3A_820, %parallel_loop3A_819 : i32
        %parallel_loop3A_822 = arith.index_cast %parallel_loop3A_821 : i32 to index
        %parallel_loop3A_823 = tpu.vector_load %arg10[%parallel_loop3A_822] {strides = array<i32>} : memref<32768xf32, #tpu.memory_space<vmem>>, vector<16xf32>,
        %parallel_loop3A_824 = vector.shape_cast %parallel_loop3A_823 : vector<16xf32> to vector<16xf32>
        %parallel_loop3A_825 = arith.mulf %parallel_loop3A_422, %parallel_loop3A_817 : vector<16xf32>
        %parallel_loop3A_826 = arith.mulf %parallel_loop3A_432, %parallel_loop3A_824 : vector<16xf32>
        %parallel_loop3A_827 = arith.addf %parallel_loop3A_825, %parallel_loop3A_826 : vector<16xf32>
        %parallel_loop3A_828 = arith.constant 0 : i32
        %parallel_loop3A_829 = arith.constant 10 : i32
        %parallel_loop3A_830 = arith.index_cast %parallel_loop3A_828 : i32 to index
        %parallel_loop3A_831 = arith.index_cast %parallel_loop3A_829 : i32 to index
        %parallel_loop3A_832 = arith.index_cast %parallel_loop3A_414 : i32 to index
        %parallel_loop3A_833 = tpu.vector_load %arg8[%parallel_loop3A_830, %parallel_loop3A_831, %parallel_loop3A_832] {strides = array<i32>} : memref<2x32x1024xf32, #tpu.memory_space<vmem>>, vector<1x1x16xf32>,
        %parallel_loop3A_834 = vector.shape_cast %parallel_loop3A_833 : vector<1x1x16xf32> to vector<16xf32>
        %parallel_loop3A_835 = vector.shape_cast %parallel_loop3A_827 : vector<16xf32> to vector<1x1x16xf32>
        tpu.vector_store %arg8[%parallel_loop3A_830, %parallel_loop3A_831, %parallel_loop3A_832], %parallel_loop3A_835 {add = true, strides = array<i32>} : memref<2x32x1024xf32, #tpu.memory_space<vmem>>, vector<1x1x16xf32>,
        %parallel_loop3A_836 = arith.mulf %parallel_loop3A_440, %parallel_loop3A_817 : vector<16xf32>
        %parallel_loop3A_837 = arith.mulf %parallel_loop3A_450, %parallel_loop3A_824 : vector<16xf32>
        %parallel_loop3A_838 = arith.addf %parallel_loop3A_836, %parallel_loop3A_837 : vector<16xf32>
        %parallel_loop3A_839 = arith.constant 0 : i32
        %parallel_loop3A_840 = arith.constant 26 : i32
        %parallel_loop3A_841 = arith.index_cast %parallel_loop3A_839 : i32 to index
        %parallel_loop3A_842 = arith.index_cast %parallel_loop3A_840 : i32 to index
        %parallel_loop3A_843 = arith.index_cast %parallel_loop3A_414 : i32 to index
        %parallel_loop3A_844 = tpu.vector_load %arg8[%parallel_loop3A_841, %parallel_loop3A_842, %parallel_loop3A_843] {strides = array<i32>} : memref<2x32x1024xf32, #tpu.memory_space<vmem>>, vector<1x1x16xf32>,
        %parallel_loop3A_845 = vector.shape_cast %parallel_loop3A_844 : vector<1x1x16xf32> to vector<16xf32>
        %parallel_loop3A_846 = vector.shape_cast %parallel_loop3A_838 : vector<16xf32> to vector<1x1x16xf32>
        tpu.vector_store %arg8[%parallel_loop3A_841, %parallel_loop3A_842, %parallel_loop3A_843], %parallel_loop3A_846 {add = true, strides = array<i32>} : memref<2x32x1024xf32, #tpu.memory_space<vmem>>, vector<1x1x16xf32>,
        %parallel_loop3A_847 = arith.constant 16 : i32
        %parallel_loop3A_848 = arith.muli %parallel_loop3A_412, %parallel_loop3A_847 : i32
        %parallel_loop3A_849 = arith.constant 11264 : i32
        %parallel_loop3A_850 = arith.addi %parallel_loop3A_849, %parallel_loop3A_848 : i32
        %parallel_loop3A_851 = arith.index_cast %parallel_loop3A_850 : i32 to index
        %parallel_loop3A_852 = tpu.vector_load %arg10[%parallel_loop3A_851] {strides = array<i32>} : memref<32768xf32, #tpu.memory_space<vmem>>, vector<16xf32>,
        %parallel_loop3A_853 = vector.shape_cast %parallel_loop3A_852 : vector<16xf32> to vector<16xf32>
        %parallel_loop3A_854 = arith.constant 16 : i32
        %parallel_loop3A_855 = arith.muli %parallel_loop3A_412, %parallel_loop3A_854 : i32
        %parallel_loop3A_856 = arith.constant 27648 : i32
        %parallel_loop3A_857 = arith.addi %parallel_loop3A_856, %parallel_loop3A_855 : i32
        %parallel_loop3A_858 = arith.index_cast %parallel_loop3A_857 : i32 to index
        %parallel_loop3A_859 = tpu.vector_load %arg10[%parallel_loop3A_858] {strides = array<i32>} : memref<32768xf32, #tpu.memory_space<vmem>>, vector<16xf32>,
        %parallel_loop3A_860 = vector.shape_cast %parallel_loop3A_859 : vector<16xf32> to vector<16xf32>
        %parallel_loop3A_861 = arith.mulf %parallel_loop3A_422, %parallel_loop3A_853 : vector<16xf32>
        %parallel_loop3A_862 = arith.mulf %parallel_loop3A_432, %parallel_loop3A_860 : vector<16xf32>
        %parallel_loop3A_863 = arith.addf %parallel_loop3A_861, %parallel_loop3A_862 : vector<16xf32>
        %parallel_loop3A_864 = arith.constant 0 : i32
        %parallel_loop3A_865 = arith.constant 11 : i32
        %parallel_loop3A_866 = arith.index_cast %parallel_loop3A_864 : i32 to index
        %parallel_loop3A_867 = arith.index_cast %parallel_loop3A_865 : i32 to index
        %parallel_loop3A_868 = arith.index_cast %parallel_loop3A_414 : i32 to index
        %parallel_loop3A_869 = tpu.vector_load %arg8[%parallel_loop3A_866, %parallel_loop3A_867, %parallel_loop3A_868] {strides = array<i32>} : memref<2x32x1024xf32, #tpu.memory_space<vmem>>, vector<1x1x16xf32>,
        %parallel_loop3A_870 = vector.shape_cast %parallel_loop3A_869 : vector<1x1x16xf32> to vector<16xf32>
        %parallel_loop3A_871 = vector.shape_cast %parallel_loop3A_863 : vector<16xf32> to vector<1x1x16xf32>
        tpu.vector_store %arg8[%parallel_loop3A_866, %parallel_loop3A_867, %parallel_loop3A_868], %parallel_loop3A_871 {add = true, strides = array<i32>} : memref<2x32x1024xf32, #tpu.memory_space<vmem>>, vector<1x1x16xf32>,
        %parallel_loop3A_872 = arith.mulf %parallel_loop3A_440, %parallel_loop3A_853 : vector<16xf32>
        %parallel_loop3A_873 = arith.mulf %parallel_loop3A_450, %parallel_loop3A_860 : vector<16xf32>
        %parallel_loop3A_874 = arith.addf %parallel_loop3A_872, %parallel_loop3A_873 : vector<16xf32>
        %parallel_loop3A_875 = arith.constant 0 : i32
        %parallel_loop3A_876 = arith.constant 27 : i32
        %parallel_loop3A_877 = arith.index_cast %parallel_loop3A_875 : i32 to index
        %parallel_loop3A_878 = arith.index_cast %parallel_loop3A_876 : i32 to index
        %parallel_loop3A_879 = arith.index_cast %parallel_loop3A_414 : i32 to index
        %parallel_loop3A_880 = tpu.vector_load %arg8[%parallel_loop3A_877, %parallel_loop3A_878, %parallel_loop3A_879] {strides = array<i32>} : memref<2x32x1024xf32, #tpu.memory_space<vmem>>, vector<1x1x16xf32>,
        %parallel_loop3A_881 = vector.shape_cast %parallel_loop3A_880 : vector<1x1x16xf32> to vector<16xf32>
        %parallel_loop3A_882 = vector.shape_cast %parallel_loop3A_874 : vector<16xf32> to vector<1x1x16xf32>
        tpu.vector_store %arg8[%parallel_loop3A_877, %parallel_loop3A_878, %parallel_loop3A_879], %parallel_loop3A_882 {add = true, strides = array<i32>} : memref<2x32x1024xf32, #tpu.memory_space<vmem>>, vector<1x1x16xf32>,
        %parallel_loop3A_883 = arith.constant 16 : i32
        %parallel_loop3A_884 = arith.muli %parallel_loop3A_412, %parallel_loop3A_883 : i32
        %parallel_loop3A_885 = arith.constant 12288 : i32
        %parallel_loop3A_886 = arith.addi %parallel_loop3A_885, %parallel_loop3A_884 : i32
        %parallel_loop3A_887 = arith.index_cast %parallel_loop3A_886 : i32 to index
        %parallel_loop3A_888 = tpu.vector_load %arg10[%parallel_loop3A_887] {strides = array<i32>} : memref<32768xf32, #tpu.memory_space<vmem>>, vector<16xf32>,
        %parallel_loop3A_889 = vector.shape_cast %parallel_loop3A_888 : vector<16xf32> to vector<16xf32>
        %parallel_loop3A_890 = arith.constant 16 : i32
        %parallel_loop3A_891 = arith.muli %parallel_loop3A_412, %parallel_loop3A_890 : i32
        %parallel_loop3A_892 = arith.constant 28672 : i32
        %parallel_loop3A_893 = arith.addi %parallel_loop3A_892, %parallel_loop3A_891 : i32
        %parallel_loop3A_894 = arith.index_cast %parallel_loop3A_893 : i32 to index
        %parallel_loop3A_895 = tpu.vector_load %arg10[%parallel_loop3A_894] {strides = array<i32>} : memref<32768xf32, #tpu.memory_space<vmem>>, vector<16xf32>,
        %parallel_loop3A_896 = vector.shape_cast %parallel_loop3A_895 : vector<16xf32> to vector<16xf32>
        %parallel_loop3A_897 = arith.mulf %parallel_loop3A_422, %parallel_loop3A_889 : vector<16xf32>
        %parallel_loop3A_898 = arith.mulf %parallel_loop3A_432, %parallel_loop3A_896 : vector<16xf32>
        %parallel_loop3A_899 = arith.addf %parallel_loop3A_897, %parallel_loop3A_898 : vector<16xf32>
        %parallel_loop3A_900 = arith.constant 0 : i32
        %parallel_loop3A_901 = arith.constant 12 : i32
        %parallel_loop3A_902 = arith.index_cast %parallel_loop3A_900 : i32 to index
        %parallel_loop3A_903 = arith.index_cast %parallel_loop3A_901 : i32 to index
        %parallel_loop3A_904 = arith.index_cast %parallel_loop3A_414 : i32 to index
        %parallel_loop3A_905 = tpu.vector_load %arg8[%parallel_loop3A_902, %parallel_loop3A_903, %parallel_loop3A_904] {strides = array<i32>} : memref<2x32x1024xf32, #tpu.memory_space<vmem>>, vector<1x1x16xf32>,
        %parallel_loop3A_906 = vector.shape_cast %parallel_loop3A_905 : vector<1x1x16xf32> to vector<16xf32>
        %parallel_loop3A_907 = vector.shape_cast %parallel_loop3A_899 : vector<16xf32> to vector<1x1x16xf32>
        tpu.vector_store %arg8[%parallel_loop3A_902, %parallel_loop3A_903, %parallel_loop3A_904], %parallel_loop3A_907 {add = true, strides = array<i32>} : memref<2x32x1024xf32, #tpu.memory_space<vmem>>, vector<1x1x16xf32>,
        %parallel_loop3A_908 = arith.mulf %parallel_loop3A_440, %parallel_loop3A_889 : vector<16xf32>
        %parallel_loop3A_909 = arith.mulf %parallel_loop3A_450, %parallel_loop3A_896 : vector<16xf32>
        %parallel_loop3A_910 = arith.addf %parallel_loop3A_908, %parallel_loop3A_909 : vector<16xf32>
        %parallel_loop3A_911 = arith.constant 0 : i32
        %parallel_loop3A_912 = arith.constant 28 : i32
        %parallel_loop3A_913 = arith.index_cast %parallel_loop3A_911 : i32 to index
        %parallel_loop3A_914 = arith.index_cast %parallel_loop3A_912 : i32 to index
        %parallel_loop3A_915 = arith.index_cast %parallel_loop3A_414 : i32 to index
        %parallel_loop3A_916 = tpu.vector_load %arg8[%parallel_loop3A_913, %parallel_loop3A_914, %parallel_loop3A_915] {strides = array<i32>} : memref<2x32x1024xf32, #tpu.memory_space<vmem>>, vector<1x1x16xf32>,
        %parallel_loop3A_917 = vector.shape_cast %parallel_loop3A_916 : vector<1x1x16xf32> to vector<16xf32>
        %parallel_loop3A_918 = vector.shape_cast %parallel_loop3A_910 : vector<16xf32> to vector<1x1x16xf32>
        tpu.vector_store %arg8[%parallel_loop3A_913, %parallel_loop3A_914, %parallel_loop3A_915], %parallel_loop3A_918 {add = true, strides = array<i32>} : memref<2x32x1024xf32, #tpu.memory_space<vmem>>, vector<1x1x16xf32>,
        %parallel_loop3A_919 = arith.constant 16 : i32
        %parallel_loop3A_920 = arith.muli %parallel_loop3A_412, %parallel_loop3A_919 : i32
        %parallel_loop3A_921 = arith.constant 13312 : i32
        %parallel_loop3A_922 = arith.addi %parallel_loop3A_921, %parallel_loop3A_920 : i32
        %parallel_loop3A_923 = arith.index_cast %parallel_loop3A_922 : i32 to index
        %parallel_loop3A_924 = tpu.vector_load %arg10[%parallel_loop3A_923] {strides = array<i32>} : memref<32768xf32, #tpu.memory_space<vmem>>, vector<16xf32>,
        %parallel_loop3A_925 = vector.shape_cast %parallel_loop3A_924 : vector<16xf32> to vector<16xf32>
        %parallel_loop3A_926 = arith.constant 16 : i32
        %parallel_loop3A_927 = arith.muli %parallel_loop3A_412, %parallel_loop3A_926 : i32
        %parallel_loop3A_928 = arith.constant 29696 : i32
        %parallel_loop3A_929 = arith.addi %parallel_loop3A_928, %parallel_loop3A_927 : i32
        %parallel_loop3A_930 = arith.index_cast %parallel_loop3A_929 : i32 to index
        %parallel_loop3A_931 = tpu.vector_load %arg10[%parallel_loop3A_930] {strides = array<i32>} : memref<32768xf32, #tpu.memory_space<vmem>>, vector<16xf32>,
        %parallel_loop3A_932 = vector.shape_cast %parallel_loop3A_931 : vector<16xf32> to vector<16xf32>
        %parallel_loop3A_933 = arith.mulf %parallel_loop3A_422, %parallel_loop3A_925 : vector<16xf32>
        %parallel_loop3A_934 = arith.mulf %parallel_loop3A_432, %parallel_loop3A_932 : vector<16xf32>
        %parallel_loop3A_935 = arith.addf %parallel_loop3A_933, %parallel_loop3A_934 : vector<16xf32>
        %parallel_loop3A_936 = arith.constant 0 : i32
        %parallel_loop3A_937 = arith.constant 13 : i32
        %parallel_loop3A_938 = arith.index_cast %parallel_loop3A_936 : i32 to index
        %parallel_loop3A_939 = arith.index_cast %parallel_loop3A_937 : i32 to index
        %parallel_loop3A_940 = arith.index_cast %parallel_loop3A_414 : i32 to index
        %parallel_loop3A_941 = tpu.vector_load %arg8[%parallel_loop3A_938, %parallel_loop3A_939, %parallel_loop3A_940] {strides = array<i32>} : memref<2x32x1024xf32, #tpu.memory_space<vmem>>, vector<1x1x16xf32>,
        %parallel_loop3A_942 = vector.shape_cast %parallel_loop3A_941 : vector<1x1x16xf32> to vector<16xf32>
        %parallel_loop3A_943 = vector.shape_cast %parallel_loop3A_935 : vector<16xf32> to vector<1x1x16xf32>
        tpu.vector_store %arg8[%parallel_loop3A_938, %parallel_loop3A_939, %parallel_loop3A_940], %parallel_loop3A_943 {add = true, strides = array<i32>} : memref<2x32x1024xf32, #tpu.memory_space<vmem>>, vector<1x1x16xf32>,
        %parallel_loop3A_944 = arith.mulf %parallel_loop3A_440, %parallel_loop3A_925 : vector<16xf32>
        %parallel_loop3A_945 = arith.mulf %parallel_loop3A_450, %parallel_loop3A_932 : vector<16xf32>
        %parallel_loop3A_946 = arith.addf %parallel_loop3A_944, %parallel_loop3A_945 : vector<16xf32>
        %parallel_loop3A_947 = arith.constant 0 : i32
        %parallel_loop3A_948 = arith.constant 29 : i32
        %parallel_loop3A_949 = arith.index_cast %parallel_loop3A_947 : i32 to index
        %parallel_loop3A_950 = arith.index_cast %parallel_loop3A_948 : i32 to index
        %parallel_loop3A_951 = arith.index_cast %parallel_loop3A_414 : i32 to index
        %parallel_loop3A_952 = tpu.vector_load %arg8[%parallel_loop3A_949, %parallel_loop3A_950, %parallel_loop3A_951] {strides = array<i32>} : memref<2x32x1024xf32, #tpu.memory_space<vmem>>, vector<1x1x16xf32>,
        %parallel_loop3A_953 = vector.shape_cast %parallel_loop3A_952 : vector<1x1x16xf32> to vector<16xf32>
        %parallel_loop3A_954 = vector.shape_cast %parallel_loop3A_946 : vector<16xf32> to vector<1x1x16xf32>
        tpu.vector_store %arg8[%parallel_loop3A_949, %parallel_loop3A_950, %parallel_loop3A_951], %parallel_loop3A_954 {add = true, strides = array<i32>} : memref<2x32x1024xf32, #tpu.memory_space<vmem>>, vector<1x1x16xf32>,
        %parallel_loop3A_955 = arith.constant 16 : i32
        %parallel_loop3A_956 = arith.muli %parallel_loop3A_412, %parallel_loop3A_955 : i32
        %parallel_loop3A_957 = arith.constant 14336 : i32
        %parallel_loop3A_958 = arith.addi %parallel_loop3A_957, %parallel_loop3A_956 : i32
        %parallel_loop3A_959 = arith.index_cast %parallel_loop3A_958 : i32 to index
        %parallel_loop3A_960 = tpu.vector_load %arg10[%parallel_loop3A_959] {strides = array<i32>} : memref<32768xf32, #tpu.memory_space<vmem>>, vector<16xf32>,
        %parallel_loop3A_961 = vector.shape_cast %parallel_loop3A_960 : vector<16xf32> to vector<16xf32>
        %parallel_loop3A_962 = arith.constant 16 : i32
        %parallel_loop3A_963 = arith.muli %parallel_loop3A_412, %parallel_loop3A_962 : i32
        %parallel_loop3A_964 = arith.constant 30720 : i32
        %parallel_loop3A_965 = arith.addi %parallel_loop3A_964, %parallel_loop3A_963 : i32
        %parallel_loop3A_966 = arith.index_cast %parallel_loop3A_965 : i32 to index
        %parallel_loop3A_967 = tpu.vector_load %arg10[%parallel_loop3A_966] {strides = array<i32>} : memref<32768xf32, #tpu.memory_space<vmem>>, vector<16xf32>,
        %parallel_loop3A_968 = vector.shape_cast %parallel_loop3A_967 : vector<16xf32> to vector<16xf32>
        %parallel_loop3A_969 = arith.mulf %parallel_loop3A_422, %parallel_loop3A_961 : vector<16xf32>
        %parallel_loop3A_970 = arith.mulf %parallel_loop3A_432, %parallel_loop3A_968 : vector<16xf32>
        %parallel_loop3A_971 = arith.addf %parallel_loop3A_969, %parallel_loop3A_970 : vector<16xf32>
        %parallel_loop3A_972 = arith.constant 0 : i32
        %parallel_loop3A_973 = arith.constant 14 : i32
        %parallel_loop3A_974 = arith.index_cast %parallel_loop3A_972 : i32 to index
        %parallel_loop3A_975 = arith.index_cast %parallel_loop3A_973 : i32 to index
        %parallel_loop3A_976 = arith.index_cast %parallel_loop3A_414 : i32 to index
        %parallel_loop3A_977 = tpu.vector_load %arg8[%parallel_loop3A_974, %parallel_loop3A_975, %parallel_loop3A_976] {strides = array<i32>} : memref<2x32x1024xf32, #tpu.memory_space<vmem>>, vector<1x1x16xf32>,
        %parallel_loop3A_978 = vector.shape_cast %parallel_loop3A_977 : vector<1x1x16xf32> to vector<16xf32>
        %parallel_loop3A_979 = vector.shape_cast %parallel_loop3A_971 : vector<16xf32> to vector<1x1x16xf32>
        tpu.vector_store %arg8[%parallel_loop3A_974, %parallel_loop3A_975, %parallel_loop3A_976], %parallel_loop3A_979 {add = true, strides = array<i32>} : memref<2x32x1024xf32, #tpu.memory_space<vmem>>, vector<1x1x16xf32>,
        %parallel_loop3A_980 = arith.mulf %parallel_loop3A_440, %parallel_loop3A_961 : vector<16xf32>
        %parallel_loop3A_981 = arith.mulf %parallel_loop3A_450, %parallel_loop3A_968 : vector<16xf32>
        %parallel_loop3A_982 = arith.addf %parallel_loop3A_980, %parallel_loop3A_981 : vector<16xf32>
        %parallel_loop3A_983 = arith.constant 0 : i32
        %parallel_loop3A_984 = arith.constant 30 : i32
        %parallel_loop3A_985 = arith.index_cast %parallel_loop3A_983 : i32 to index
        %parallel_loop3A_986 = arith.index_cast %parallel_loop3A_984 : i32 to index
        %parallel_loop3A_987 = arith.index_cast %parallel_loop3A_414 : i32 to index
        %parallel_loop3A_988 = tpu.vector_load %arg8[%parallel_loop3A_985, %parallel_loop3A_986, %parallel_loop3A_987] {strides = array<i32>} : memref<2x32x1024xf32, #tpu.memory_space<vmem>>, vector<1x1x16xf32>,
        %parallel_loop3A_989 = vector.shape_cast %parallel_loop3A_988 : vector<1x1x16xf32> to vector<16xf32>
        %parallel_loop3A_990 = vector.shape_cast %parallel_loop3A_982 : vector<16xf32> to vector<1x1x16xf32>
        tpu.vector_store %arg8[%parallel_loop3A_985, %parallel_loop3A_986, %parallel_loop3A_987], %parallel_loop3A_990 {add = true, strides = array<i32>} : memref<2x32x1024xf32, #tpu.memory_space<vmem>>, vector<1x1x16xf32>,
        %parallel_loop3A_991 = arith.constant 16 : i32
        %parallel_loop3A_992 = arith.muli %parallel_loop3A_412, %parallel_loop3A_991 : i32
        %parallel_loop3A_993 = arith.constant 15360 : i32
        %parallel_loop3A_994 = arith.addi %parallel_loop3A_993, %parallel_loop3A_992 : i32
        %parallel_loop3A_995 = arith.index_cast %parallel_loop3A_994 : i32 to index
        %parallel_loop3A_996 = tpu.vector_load %arg10[%parallel_loop3A_995] {strides = array<i32>} : memref<32768xf32, #tpu.memory_space<vmem>>, vector<16xf32>,
        %parallel_loop3A_997 = vector.shape_cast %parallel_loop3A_996 : vector<16xf32> to vector<16xf32>
        %parallel_loop3A_998 = arith.constant 16 : i32
        %parallel_loop3A_999 = arith.muli %parallel_loop3A_412, %parallel_loop3A_998 : i32
        %parallel_loop3A_1000 = arith.constant 31744 : i32
        %parallel_loop3A_1001 = arith.addi %parallel_loop3A_1000, %parallel_loop3A_999 : i32
        %parallel_loop3A_1002 = arith.index_cast %parallel_loop3A_1001 : i32 to index
        %parallel_loop3A_1003 = tpu.vector_load %arg10[%parallel_loop3A_1002] {strides = array<i32>} : memref<32768xf32, #tpu.memory_space<vmem>>, vector<16xf32>,
        %parallel_loop3A_1004 = vector.shape_cast %parallel_loop3A_1003 : vector<16xf32> to vector<16xf32>
        %parallel_loop3A_1005 = arith.mulf %parallel_loop3A_422, %parallel_loop3A_997 : vector<16xf32>
        %parallel_loop3A_1006 = arith.mulf %parallel_loop3A_432, %parallel_loop3A_1004 : vector<16xf32>
        %parallel_loop3A_1007 = arith.addf %parallel_loop3A_1005, %parallel_loop3A_1006 : vector<16xf32>
        %parallel_loop3A_1008 = arith.constant 0 : i32
        %parallel_loop3A_1009 = arith.constant 15 : i32
        %parallel_loop3A_1010 = arith.index_cast %parallel_loop3A_1008 : i32 to index
        %parallel_loop3A_1011 = arith.index_cast %parallel_loop3A_1009 : i32 to index
        %parallel_loop3A_1012 = arith.index_cast %parallel_loop3A_414 : i32 to index
        %parallel_loop3A_1013 = tpu.vector_load %arg8[%parallel_loop3A_1010, %parallel_loop3A_1011, %parallel_loop3A_1012] {strides = array<i32>} : memref<2x32x1024xf32, #tpu.memory_space<vmem>>, vector<1x1x16xf32>,
        %parallel_loop3A_1014 = vector.shape_cast %parallel_loop3A_1013 : vector<1x1x16xf32> to vector<16xf32>
        %parallel_loop3A_1015 = vector.shape_cast %parallel_loop3A_1007 : vector<16xf32> to vector<1x1x16xf32>
        tpu.vector_store %arg8[%parallel_loop3A_1010, %parallel_loop3A_1011, %parallel_loop3A_1012], %parallel_loop3A_1015 {add = true, strides = array<i32>} : memref<2x32x1024xf32, #tpu.memory_space<vmem>>, vector<1x1x16xf32>,
        %parallel_loop3A_1016 = arith.mulf %parallel_loop3A_440, %parallel_loop3A_997 : vector<16xf32>
        %parallel_loop3A_1017 = arith.mulf %parallel_loop3A_450, %parallel_loop3A_1004 : vector<16xf32>
        %parallel_loop3A_1018 = arith.addf %parallel_loop3A_1016, %parallel_loop3A_1017 : vector<16xf32>
        %parallel_loop3A_1019 = arith.constant 0 : i32
        %parallel_loop3A_1020 = arith.constant 31 : i32
        %parallel_loop3A_1021 = arith.index_cast %parallel_loop3A_1019 : i32 to index
        %parallel_loop3A_1022 = arith.index_cast %parallel_loop3A_1020 : i32 to index
        %parallel_loop3A_1023 = arith.index_cast %parallel_loop3A_414 : i32 to index
        %parallel_loop3A_1024 = tpu.vector_load %arg8[%parallel_loop3A_1021, %parallel_loop3A_1022, %parallel_loop3A_1023] {strides = array<i32>} : memref<2x32x1024xf32, #tpu.memory_space<vmem>>, vector<1x1x16xf32>,
        %parallel_loop3A_1025 = vector.shape_cast %parallel_loop3A_1024 : vector<1x1x16xf32> to vector<16xf32>
        %parallel_loop3A_1026 = vector.shape_cast %parallel_loop3A_1018 : vector<16xf32> to vector<1x1x16xf32>
        tpu.vector_store %arg8[%parallel_loop3A_1021, %parallel_loop3A_1022, %parallel_loop3A_1023], %parallel_loop3A_1026 {add = true, strides = array<i32>} : memref<2x32x1024xf32, #tpu.memory_space<vmem>>, vector<1x1x16xf32>,
      } {sc.loop_unroll_factor = 1 : i64, sc.parallel_access}
      %rem3A_314 = arith.constant 4 : i32
      %rem3A_315 = arith.remsi %add3A_280, %rem3A_314 : i32
      %div3A_316 = arith.constant 4 : i32
      %div3A_317 = arith.divsi %add3A_280, %div3A_316 : i32
      %mul3A_318 = arith.constant 8192 : i32
      %mul3A_319 = arith.muli %rem3A_315, %mul3A_318 : i32
      %add3A_320 = arith.addi %mul3A_319, %multiple_of3A : i32
      %mul3A_321 = arith.constant 32 : i32
      %mul3A_322 = arith.muli %div3A_317, %mul3A_321 : i32
      %add3A_323 = arith.addi %add3A_320, %mul3A_322 : i32
      %multiple_of3A_324 = tpu.assume_multiple %add3A_323, 32 : i32
      %dma_start3A_325 = arith.constant 0 : i32
      %dma_start3A_326 = arith.constant 0 : i32
      %dma_start3A_327 = arith.constant 0 : i32
      %dma_start3A_328 = arith.constant 0 : i32
      %dma_start3A_329 = tpu.memref_slice %arg8[%dma_start3A_325, %dma_start3A_327, %dma_start3A_328] : memref<2x32x1024xf32, #tpu.memory_space<vmem>> -> memref<1x32x1024xf32, #tpu.memory_space<vmem>>
      %dma_start3A_330 = tpu.memref_squeeze %dma_start3A_329 : memref<1x32x1024xf32, #tpu.memory_space<vmem>> -> memref<32x1024xf32, #tpu.memory_space<vmem>>
      %dma_start3A_331 = arith.constant 0 : i32
      %dma_start3A_332 = tpu.memref_slice %arg6[%multiple_of3A_324, %dma_start3A_331] : memref<32768x1024xf32, #tpu.memory_space<hbm>> -> memref<32x1024xf32, #tpu.memory_space<hbm>>
      %dma_start3A_333 = tpu.memref_slice %arg12[%dma_start3A_326] : memref<2x!tpu.dma_semaphore, #tpu.memory_space<semaphore_mem>> -> memref<1x!tpu.dma_semaphore, #tpu.memory_space<semaphore_mem>>
      %dma_start3A_334 = tpu.memref_squeeze %dma_start3A_333 : memref<1x!tpu.dma_semaphore, #tpu.memory_space<semaphore_mem>> -> memref<!tpu.dma_semaphore, #tpu.memory_space<semaphore_mem>>
      %dma_start3A_335 = arith.constant 0 : i32
      %dma_start3A_336 = tpu.memref_slice %arg6[%multiple_of3A_324, %dma_start3A_335] : memref<32768x1024xf32, #tpu.memory_space<hbm>> -> memref<32x1024xf32, #tpu.memory_space<hbm>>
      %dma_start3A_337 = arith.constant 0 : i32
      %dma_start3A_338 = arith.constant 0 : i32
      %dma_start3A_339 = tpu.memref_slice %arg8[%dma_start3A_325, %dma_start3A_337, %dma_start3A_338] : memref<2x32x1024xf32, #tpu.memory_space<vmem>> -> memref<1x32x1024xf32, #tpu.memory_space<vmem>>
      %dma_start3A_340 = tpu.memref_squeeze %dma_start3A_339 : memref<1x32x1024xf32, #tpu.memory_space<vmem>> -> memref<32x1024xf32, #tpu.memory_space<vmem>>
      tpu.enqueue_dma source(%dma_start3A_340 : memref<32x1024xf32, #tpu.memory_space<vmem>>) target(%dma_start3A_336 : memref<32x1024xf32, #tpu.memory_space<hbm>>) target_semaphore(%dma_start3A_334 : memref<!tpu.dma_semaphore, #tpu.memory_space<semaphore_mem>>)
      %mul3A_341 = arith.constant 4 : i32
      %mul3A_342 = arith.muli %scan3A_132, %mul3A_341 : i32
      %add3A_343 = arith.constant 3 : i32
      %add3A_344 = arith.addi %mul3A_342, %add3A_343 : i32
      %add3A_345 = arith.constant 1 : i32
      %add3A_346 = arith.addi %add3A_344, %add3A_345 : i32
      %lt3A_347 = arith.constant 32 : i32
      %lt3A_348 = arith.cmpi slt, %add3A_346, %lt3A_347 : i32
      %convert_element_type3A_349 = arith.extui %lt3A_348 : i1 to i32
      %cond3A_350 = arith.constant 0 : i32
      %cond3A_351 = arith.cmpi ne, %convert_element_type3A_349, %cond3A_350 : i32
      scf.if %cond3A_351 {
        %ge3A = arith.constant 1 : i32
        %ge3A_412 = arith.cmpi sge, %add3A_344, %ge3A : i32
        %convert_element_type3A_413 = arith.extui %ge3A_412 : i1 to i32
        %cond3A_414 = arith.constant 0 : i32
        %cond3A_415 = arith.cmpi ne, %convert_element_type3A_413, %cond3A_414 : i32
        scf.if %cond3A_415 {
          %sub3A = arith.constant 1 : i32
          %sub3A_439 = arith.subi %add3A_344, %sub3A : i32
          %rem3A_440 = arith.constant 4 : i32
          %rem3A_441 = arith.remsi %sub3A_439, %rem3A_440 : i32
          %div3A_442 = arith.constant 4 : i32
          %div3A_443 = arith.divsi %sub3A_439, %div3A_442 : i32
          %mul3A_444 = arith.constant 8192 : i32
          %mul3A_445 = arith.muli %rem3A_441, %mul3A_444 : i32
          %add3A_446 = arith.addi %mul3A_445, %multiple_of3A : i32
          %mul3A_447 = arith.constant 32 : i32
          %mul3A_448 = arith.muli %div3A_443, %mul3A_447 : i32
          %add3A_449 = arith.addi %add3A_446, %mul3A_448 : i32
          %multiple_of3A_450 = tpu.assume_multiple %add3A_449, 32 : i32
          %dma_wait3A_451 = arith.constant 0 : i32
          %dma_wait3A_452 = arith.constant 0 : i32
          %dma_wait3A_453 = arith.constant 0 : i32
          %dma_wait3A_454 = arith.constant 0 : i32
          %dma_wait3A_455 = tpu.memref_slice %arg8[%dma_wait3A_451, %dma_wait3A_453, %dma_wait3A_454] : memref<2x32x1024xf32, #tpu.memory_space<vmem>> -> memref<1x32x1024xf32, #tpu.memory_space<vmem>>
          %dma_wait3A_456 = tpu.memref_squeeze %dma_wait3A_455 : memref<1x32x1024xf32, #tpu.memory_space<vmem>> -> memref<32x1024xf32, #tpu.memory_space<vmem>>
          %dma_wait3A_457 = arith.constant 0 : i32
          %dma_wait3A_458 = tpu.memref_slice %arg6[%multiple_of3A_450, %dma_wait3A_457] : memref<32768x1024xf32, #tpu.memory_space<hbm>> -> memref<32x1024xf32, #tpu.memory_space<hbm>>
          %dma_wait3A_459 = tpu.memref_slice %arg12[%dma_wait3A_452] : memref<2x!tpu.dma_semaphore, #tpu.memory_space<semaphore_mem>> -> memref<1x!tpu.dma_semaphore, #tpu.memory_space<semaphore_mem>>
          %dma_wait3A_460 = tpu.memref_squeeze %dma_wait3A_459 : memref<1x!tpu.dma_semaphore, #tpu.memory_space<semaphore_mem>> -> memref<!tpu.dma_semaphore, #tpu.memory_space<semaphore_mem>>
          %dma_wait3A_461 = arith.constant 0 : i32
          %dma_wait3A_462 = tpu.memref_slice %arg6[%multiple_of3A_450, %dma_wait3A_461] : memref<32768x1024xf32, #tpu.memory_space<hbm>> -> memref<32x1024xf32, #tpu.memory_space<hbm>>
          %dma_wait3A_463 = arith.constant 0 : i32
          %dma_wait3A_464 = arith.constant 0 : i32
          %dma_wait3A_465 = tpu.memref_slice %arg8[%dma_wait3A_451, %dma_wait3A_463, %dma_wait3A_464] : memref<2x32x1024xf32, #tpu.memory_space<vmem>> -> memref<1x32x1024xf32, #tpu.memory_space<vmem>>
          %dma_wait3A_466 = tpu.memref_squeeze %dma_wait3A_465 : memref<1x32x1024xf32, #tpu.memory_space<vmem>> -> memref<32x1024xf32, #tpu.memory_space<vmem>>
          tpu.wait_dma2 semaphore(%dma_wait3A_460 : memref<!tpu.dma_semaphore, #tpu.memory_space<semaphore_mem>>) src(%dma_wait3A_466 : memref<32x1024xf32, #tpu.memory_space<vmem>>) dst(%dma_wait3A_462 : memref<32x1024xf32, #tpu.memory_space<hbm>>)
        } else {
        }
        %add3A_416 = arith.constant 1 : i32
        %add3A_417 = arith.addi %add3A_344, %add3A_416 : i32
        %rem3A_418 = arith.constant 4 : i32
        %rem3A_419 = arith.remsi %add3A_417, %rem3A_418 : i32
        %div3A_420 = arith.constant 4 : i32
        %div3A_421 = arith.divsi %add3A_417, %div3A_420 : i32
        %mul3A_422 = arith.constant 8 : i32
        %mul3A_423 = arith.muli %rem3A_419, %mul3A_422 : i32
        %add3A_424 = arith.addi %mul3A_423, %div3A_421 : i32
        %dma_start3A_425 = arith.constant 0 : i32
        %dma_start3A_426 = arith.constant 0 : i32
        %dma_start3A_427 = arith.constant 0 : i32
        %dma_start3A_428 = arith.constant 0 : i32
        %dma_start3A_429 = tpu.memref_slice %arg8[%dma_start3A_425, %dma_start3A_427, %dma_start3A_428] : memref<2x32x1024xf32, #tpu.memory_space<vmem>> -> memref<1x32x1024xf32, #tpu.memory_space<vmem>>
        %dma_start3A_430 = tpu.memref_squeeze %dma_start3A_429 : memref<1x32x1024xf32, #tpu.memory_space<vmem>> -> memref<32x1024xf32, #tpu.memory_space<vmem>>
        %dma_start3A_431 = arith.constant 0 : i32
        %dma_start3A_432 = tpu.memref_slice %arg7[%add3A_424, %dma_start3A_431] : memref<32x32xi32, #tpu.memory_space<vmem>> -> memref<1x32xi32, #tpu.memory_space<vmem>>
        %dma_start3A_433 = tpu.memref_squeeze %dma_start3A_432 : memref<1x32xi32, #tpu.memory_space<vmem>> -> memref<32xi32, #tpu.memory_space<vmem>>
        %dma_start3A_434 = arith.constant 0 : i32
        %dma_start3A_435 = arith.constant 0 : i32
        %dma_start3A_436 = tpu.memref_slice %arg3[%dma_start3A_434, %dma_start3A_435] : memref<258x1024xf32, #tpu.memory_space<hbm>> -> memref<258x1024xf32, #tpu.memory_space<hbm>>
        %dma_start3A_437 = tpu.memref_slice %arg11[%dma_start3A_426] : memref<2x!tpu.dma_semaphore, #tpu.memory_space<semaphore_mem>> -> memref<1x!tpu.dma_semaphore, #tpu.memory_space<semaphore_mem>>
        %dma_start3A_438 = tpu.memref_squeeze %dma_start3A_437 : memref<1x!tpu.dma_semaphore, #tpu.memory_space<semaphore_mem>> -> memref<!tpu.dma_semaphore, #tpu.memory_space<semaphore_mem>>
        tpu.enqueue_indirect_dma source(%dma_start3A_436 : memref<258x1024xf32, #tpu.memory_space<hbm>>) target(%dma_start3A_430 : memref<32x1024xf32, #tpu.memory_space<vmem>>) offsets(%dma_start3A_433 : memref<32xi32, #tpu.memory_space<vmem>>) semaphore(%dma_start3A_438 : memref<!tpu.dma_semaphore, #tpu.memory_space<semaphore_mem>>)
      } else {
      }
      %rem3A_352 = arith.constant 4 : i32
      %rem3A_353 = arith.remsi %add3A_344, %rem3A_352 : i32
      %div3A_354 = arith.constant 4 : i32
      %div3A_355 = arith.divsi %add3A_344, %div3A_354 : i32
      %mul3A_356 = arith.constant 8 : i32
      %mul3A_357 = arith.muli %rem3A_353, %mul3A_356 : i32
      %add3A_358 = arith.addi %mul3A_357, %div3A_355 : i32
      %dma_wait3A_359 = arith.constant 1 : i32
      %dma_wait3A_360 = arith.constant 1 : i32
      %dma_wait3A_361 = arith.constant 0 : i32
      %dma_wait3A_362 = arith.constant 0 : i32
      %dma_wait3A_363 = tpu.memref_slice %arg8[%dma_wait3A_359, %dma_wait3A_361, %dma_wait3A_362] : memref<2x32x1024xf32, #tpu.memory_space<vmem>> -> memref<1x32x1024xf32, #tpu.memory_space<vmem>>
      %dma_wait3A_364 = tpu.memref_squeeze %dma_wait3A_363 : memref<1x32x1024xf32, #tpu.memory_space<vmem>> -> memref<32x1024xf32, #tpu.memory_space<vmem>>
      %dma_wait3A_365 = arith.constant 0 : i32
      %dma_wait3A_366 = tpu.memref_slice %arg7[%add3A_358, %dma_wait3A_365] : memref<32x32xi32, #tpu.memory_space<vmem>> -> memref<1x32xi32, #tpu.memory_space<vmem>>
      %dma_wait3A_367 = tpu.memref_squeeze %dma_wait3A_366 : memref<1x32xi32, #tpu.memory_space<vmem>> -> memref<32xi32, #tpu.memory_space<vmem>>
      %dma_wait3A_368 = arith.constant 0 : i32
      %dma_wait3A_369 = arith.constant 0 : i32
      %dma_wait3A_370 = tpu.memref_slice %arg3[%dma_wait3A_368, %dma_wait3A_369] : memref<258x1024xf32, #tpu.memory_space<hbm>> -> memref<258x1024xf32, #tpu.memory_space<hbm>>
      %dma_wait3A_371 = tpu.memref_slice %arg11[%dma_wait3A_360] : memref<2x!tpu.dma_semaphore, #tpu.memory_space<semaphore_mem>> -> memref<1x!tpu.dma_semaphore, #tpu.memory_space<semaphore_mem>>
      %dma_wait3A_372 = tpu.memref_squeeze %dma_wait3A_371 : memref<1x!tpu.dma_semaphore, #tpu.memory_space<semaphore_mem>> -> memref<!tpu.dma_semaphore, #tpu.memory_space<semaphore_mem>>
      tpu.wait_indirect_dma semaphore(%dma_wait3A_372 : memref<!tpu.dma_semaphore, #tpu.memory_space<semaphore_mem>>) src(%dma_wait3A_370 : memref<258x1024xf32, #tpu.memory_space<hbm>>) dst(%dma_wait3A_364 : memref<32x1024xf32, #tpu.memory_space<vmem>>)
      %mul3A_373 = arith.constant 4096 : i32
      %mul3A_374 = arith.muli %rem3A_134, %mul3A_373 : i32
      %parallel_loop3A_375 = arith.constant 0 : i32
      %parallel_loop3A_376 = arith.constant 64 : i32
      %parallel_loop3A_377 = arith.constant 1 : i32
      scf.for %parallel_loop3A_412 = %parallel_loop3A_375 to %parallel_loop3A_376 step %parallel_loop3A_377  : i32 {
        %parallel_loop3A_413 = arith.constant 16 : i32
        %parallel_loop3A_414 = arith.muli %parallel_loop3A_412, %parallel_loop3A_413 : i32
        %parallel_loop3A_415 = arith.constant 0 : i32
        %parallel_loop3A_416 = arith.addi %mul3A_374, %parallel_loop3A_415 : i32
        %parallel_loop3A_417 = arith.constant 16 : i32
        %parallel_loop3A_418 = arith.muli %parallel_loop3A_412, %parallel_loop3A_417 : i32
        %parallel_loop3A_419 = arith.addi %parallel_loop3A_416, %parallel_loop3A_418 : i32
        %parallel_loop3A_420 = arith.index_cast %parallel_loop3A_419 : i32 to index
        %parallel_loop3A_421 = tpu.vector_load %arg9[%parallel_loop3A_420] {strides = array<i32>} : memref<8192xf32, #tpu.memory_space<vmem>>, vector<16xf32>,
        %parallel_loop3A_422 = vector.shape_cast %parallel_loop3A_421 : vector<16xf32> to vector<16xf32>
        %parallel_loop3A_423 = arith.constant 0 : i32
        %parallel_loop3A_424 = arith.addi %mul3A_374, %parallel_loop3A_423 : i32
        %parallel_loop3A_425 = arith.constant 1024 : i32
        %parallel_loop3A_426 = arith.addi %parallel_loop3A_424, %parallel_loop3A_425 : i32
        %parallel_loop3A_427 = arith.constant 16 : i32
        %parallel_loop3A_428 = arith.muli %parallel_loop3A_412, %parallel_loop3A_427 : i32
        %parallel_loop3A_429 = arith.addi %parallel_loop3A_426, %parallel_loop3A_428 : i32
        %parallel_loop3A_430 = arith.index_cast %parallel_loop3A_429 : i32 to index
        %parallel_loop3A_431 = tpu.vector_load %arg9[%parallel_loop3A_430] {strides = array<i32>} : memref<8192xf32, #tpu.memory_space<vmem>>, vector<16xf32>,
        %parallel_loop3A_432 = vector.shape_cast %parallel_loop3A_431 : vector<16xf32> to vector<16xf32>
        %parallel_loop3A_433 = arith.constant 2048 : i32
        %parallel_loop3A_434 = arith.addi %mul3A_374, %parallel_loop3A_433 : i32
        %parallel_loop3A_435 = arith.constant 16 : i32
        %parallel_loop3A_436 = arith.muli %parallel_loop3A_412, %parallel_loop3A_435 : i32
        %parallel_loop3A_437 = arith.addi %parallel_loop3A_434, %parallel_loop3A_436 : i32
        %parallel_loop3A_438 = arith.index_cast %parallel_loop3A_437 : i32 to index
        %parallel_loop3A_439 = tpu.vector_load %arg9[%parallel_loop3A_438] {strides = array<i32>} : memref<8192xf32, #tpu.memory_space<vmem>>, vector<16xf32>,
        %parallel_loop3A_440 = vector.shape_cast %parallel_loop3A_439 : vector<16xf32> to vector<16xf32>
        %parallel_loop3A_441 = arith.constant 2048 : i32
        %parallel_loop3A_442 = arith.addi %mul3A_374, %parallel_loop3A_441 : i32
        %parallel_loop3A_443 = arith.constant 1024 : i32
        %parallel_loop3A_444 = arith.addi %parallel_loop3A_442, %parallel_loop3A_443 : i32
        %parallel_loop3A_445 = arith.constant 16 : i32
        %parallel_loop3A_446 = arith.muli %parallel_loop3A_412, %parallel_loop3A_445 : i32
        %parallel_loop3A_447 = arith.addi %parallel_loop3A_444, %parallel_loop3A_446 : i32
        %parallel_loop3A_448 = arith.index_cast %parallel_loop3A_447 : i32 to index
        %parallel_loop3A_449 = tpu.vector_load %arg9[%parallel_loop3A_448] {strides = array<i32>} : memref<8192xf32, #tpu.memory_space<vmem>>, vector<16xf32>,
        %parallel_loop3A_450 = vector.shape_cast %parallel_loop3A_449 : vector<16xf32> to vector<16xf32>
        %parallel_loop3A_451 = arith.constant 16 : i32
        %parallel_loop3A_452 = arith.muli %parallel_loop3A_412, %parallel_loop3A_451 : i32
        %parallel_loop3A_453 = arith.constant 0 : i32
        %parallel_loop3A_454 = arith.addi %parallel_loop3A_453, %parallel_loop3A_452 : i32
        %parallel_loop3A_455 = arith.index_cast %parallel_loop3A_454 : i32 to index
        %parallel_loop3A_456 = tpu.vector_load %arg10[%parallel_loop3A_455] {strides = array<i32>} : memref<32768xf32, #tpu.memory_space<vmem>>, vector<16xf32>,
        %parallel_loop3A_457 = vector.shape_cast %parallel_loop3A_456 : vector<16xf32> to vector<16xf32>
        %parallel_loop3A_458 = arith.constant 16 : i32
        %parallel_loop3A_459 = arith.muli %parallel_loop3A_412, %parallel_loop3A_458 : i32
        %parallel_loop3A_460 = arith.constant 16384 : i32
        %parallel_loop3A_461 = arith.addi %parallel_loop3A_460, %parallel_loop3A_459 : i32
        %parallel_loop3A_462 = arith.index_cast %parallel_loop3A_461 : i32 to index
        %parallel_loop3A_463 = tpu.vector_load %arg10[%parallel_loop3A_462] {strides = array<i32>} : memref<32768xf32, #tpu.memory_space<vmem>>, vector<16xf32>,
        %parallel_loop3A_464 = vector.shape_cast %parallel_loop3A_463 : vector<16xf32> to vector<16xf32>
        %parallel_loop3A_465 = arith.mulf %parallel_loop3A_422, %parallel_loop3A_457 : vector<16xf32>
        %parallel_loop3A_466 = arith.mulf %parallel_loop3A_432, %parallel_loop3A_464 : vector<16xf32>
        %parallel_loop3A_467 = arith.addf %parallel_loop3A_465, %parallel_loop3A_466 : vector<16xf32>
        %parallel_loop3A_468 = arith.constant 1 : i32
        %parallel_loop3A_469 = arith.constant 0 : i32
        %parallel_loop3A_470 = arith.index_cast %parallel_loop3A_468 : i32 to index
        %parallel_loop3A_471 = arith.index_cast %parallel_loop3A_469 : i32 to index
        %parallel_loop3A_472 = arith.index_cast %parallel_loop3A_414 : i32 to index
        %parallel_loop3A_473 = tpu.vector_load %arg8[%parallel_loop3A_470, %parallel_loop3A_471, %parallel_loop3A_472] {strides = array<i32>} : memref<2x32x1024xf32, #tpu.memory_space<vmem>>, vector<1x1x16xf32>,
        %parallel_loop3A_474 = vector.shape_cast %parallel_loop3A_473 : vector<1x1x16xf32> to vector<16xf32>
        %parallel_loop3A_475 = vector.shape_cast %parallel_loop3A_467 : vector<16xf32> to vector<1x1x16xf32>
        tpu.vector_store %arg8[%parallel_loop3A_470, %parallel_loop3A_471, %parallel_loop3A_472], %parallel_loop3A_475 {add = true, strides = array<i32>} : memref<2x32x1024xf32, #tpu.memory_space<vmem>>, vector<1x1x16xf32>,
        %parallel_loop3A_476 = arith.mulf %parallel_loop3A_440, %parallel_loop3A_457 : vector<16xf32>
        %parallel_loop3A_477 = arith.mulf %parallel_loop3A_450, %parallel_loop3A_464 : vector<16xf32>
        %parallel_loop3A_478 = arith.addf %parallel_loop3A_476, %parallel_loop3A_477 : vector<16xf32>
        %parallel_loop3A_479 = arith.constant 1 : i32
        %parallel_loop3A_480 = arith.constant 16 : i32
        %parallel_loop3A_481 = arith.index_cast %parallel_loop3A_479 : i32 to index
        %parallel_loop3A_482 = arith.index_cast %parallel_loop3A_480 : i32 to index
        %parallel_loop3A_483 = arith.index_cast %parallel_loop3A_414 : i32 to index
        %parallel_loop3A_484 = tpu.vector_load %arg8[%parallel_loop3A_481, %parallel_loop3A_482, %parallel_loop3A_483] {strides = array<i32>} : memref<2x32x1024xf32, #tpu.memory_space<vmem>>, vector<1x1x16xf32>,
        %parallel_loop3A_485 = vector.shape_cast %parallel_loop3A_484 : vector<1x1x16xf32> to vector<16xf32>
        %parallel_loop3A_486 = vector.shape_cast %parallel_loop3A_478 : vector<16xf32> to vector<1x1x16xf32>
        tpu.vector_store %arg8[%parallel_loop3A_481, %parallel_loop3A_482, %parallel_loop3A_483], %parallel_loop3A_486 {add = true, strides = array<i32>} : memref<2x32x1024xf32, #tpu.memory_space<vmem>>, vector<1x1x16xf32>,
        %parallel_loop3A_487 = arith.constant 16 : i32
        %parallel_loop3A_488 = arith.muli %parallel_loop3A_412, %parallel_loop3A_487 : i32
        %parallel_loop3A_489 = arith.constant 1024 : i32
        %parallel_loop3A_490 = arith.addi %parallel_loop3A_489, %parallel_loop3A_488 : i32
        %parallel_loop3A_491 = arith.index_cast %parallel_loop3A_490 : i32 to index
        %parallel_loop3A_492 = tpu.vector_load %arg10[%parallel_loop3A_491] {strides = array<i32>} : memref<32768xf32, #tpu.memory_space<vmem>>, vector<16xf32>,
        %parallel_loop3A_493 = vector.shape_cast %parallel_loop3A_492 : vector<16xf32> to vector<16xf32>
        %parallel_loop3A_494 = arith.constant 16 : i32
        %parallel_loop3A_495 = arith.muli %parallel_loop3A_412, %parallel_loop3A_494 : i32
        %parallel_loop3A_496 = arith.constant 17408 : i32
        %parallel_loop3A_497 = arith.addi %parallel_loop3A_496, %parallel_loop3A_495 : i32
        %parallel_loop3A_498 = arith.index_cast %parallel_loop3A_497 : i32 to index
        %parallel_loop3A_499 = tpu.vector_load %arg10[%parallel_loop3A_498] {strides = array<i32>} : memref<32768xf32, #tpu.memory_space<vmem>>, vector<16xf32>,
        %parallel_loop3A_500 = vector.shape_cast %parallel_loop3A_499 : vector<16xf32> to vector<16xf32>
        %parallel_loop3A_501 = arith.mulf %parallel_loop3A_422, %parallel_loop3A_493 : vector<16xf32>
        %parallel_loop3A_502 = arith.mulf %parallel_loop3A_432, %parallel_loop3A_500 : vector<16xf32>
        %parallel_loop3A_503 = arith.addf %parallel_loop3A_501, %parallel_loop3A_502 : vector<16xf32>
        %parallel_loop3A_504 = arith.constant 1 : i32
        %parallel_loop3A_505 = arith.constant 1 : i32
        %parallel_loop3A_506 = arith.index_cast %parallel_loop3A_504 : i32 to index
        %parallel_loop3A_507 = arith.index_cast %parallel_loop3A_505 : i32 to index
        %parallel_loop3A_508 = arith.index_cast %parallel_loop3A_414 : i32 to index
        %parallel_loop3A_509 = tpu.vector_load %arg8[%parallel_loop3A_506, %parallel_loop3A_507, %parallel_loop3A_508] {strides = array<i32>} : memref<2x32x1024xf32, #tpu.memory_space<vmem>>, vector<1x1x16xf32>,
        %parallel_loop3A_510 = vector.shape_cast %parallel_loop3A_509 : vector<1x1x16xf32> to vector<16xf32>
        %parallel_loop3A_511 = vector.shape_cast %parallel_loop3A_503 : vector<16xf32> to vector<1x1x16xf32>
        tpu.vector_store %arg8[%parallel_loop3A_506, %parallel_loop3A_507, %parallel_loop3A_508], %parallel_loop3A_511 {add = true, strides = array<i32>} : memref<2x32x1024xf32, #tpu.memory_space<vmem>>, vector<1x1x16xf32>,
        %parallel_loop3A_512 = arith.mulf %parallel_loop3A_440, %parallel_loop3A_493 : vector<16xf32>
        %parallel_loop3A_513 = arith.mulf %parallel_loop3A_450, %parallel_loop3A_500 : vector<16xf32>
        %parallel_loop3A_514 = arith.addf %parallel_loop3A_512, %parallel_loop3A_513 : vector<16xf32>
        %parallel_loop3A_515 = arith.constant 1 : i32
        %parallel_loop3A_516 = arith.constant 17 : i32
        %parallel_loop3A_517 = arith.index_cast %parallel_loop3A_515 : i32 to index
        %parallel_loop3A_518 = arith.index_cast %parallel_loop3A_516 : i32 to index
        %parallel_loop3A_519 = arith.index_cast %parallel_loop3A_414 : i32 to index
        %parallel_loop3A_520 = tpu.vector_load %arg8[%parallel_loop3A_517, %parallel_loop3A_518, %parallel_loop3A_519] {strides = array<i32>} : memref<2x32x1024xf32, #tpu.memory_space<vmem>>, vector<1x1x16xf32>,
        %parallel_loop3A_521 = vector.shape_cast %parallel_loop3A_520 : vector<1x1x16xf32> to vector<16xf32>
        %parallel_loop3A_522 = vector.shape_cast %parallel_loop3A_514 : vector<16xf32> to vector<1x1x16xf32>
        tpu.vector_store %arg8[%parallel_loop3A_517, %parallel_loop3A_518, %parallel_loop3A_519], %parallel_loop3A_522 {add = true, strides = array<i32>} : memref<2x32x1024xf32, #tpu.memory_space<vmem>>, vector<1x1x16xf32>,
        %parallel_loop3A_523 = arith.constant 16 : i32
        %parallel_loop3A_524 = arith.muli %parallel_loop3A_412, %parallel_loop3A_523 : i32
        %parallel_loop3A_525 = arith.constant 2048 : i32
        %parallel_loop3A_526 = arith.addi %parallel_loop3A_525, %parallel_loop3A_524 : i32
        %parallel_loop3A_527 = arith.index_cast %parallel_loop3A_526 : i32 to index
        %parallel_loop3A_528 = tpu.vector_load %arg10[%parallel_loop3A_527] {strides = array<i32>} : memref<32768xf32, #tpu.memory_space<vmem>>, vector<16xf32>,
        %parallel_loop3A_529 = vector.shape_cast %parallel_loop3A_528 : vector<16xf32> to vector<16xf32>
        %parallel_loop3A_530 = arith.constant 16 : i32
        %parallel_loop3A_531 = arith.muli %parallel_loop3A_412, %parallel_loop3A_530 : i32
        %parallel_loop3A_532 = arith.constant 18432 : i32
        %parallel_loop3A_533 = arith.addi %parallel_loop3A_532, %parallel_loop3A_531 : i32
        %parallel_loop3A_534 = arith.index_cast %parallel_loop3A_533 : i32 to index
        %parallel_loop3A_535 = tpu.vector_load %arg10[%parallel_loop3A_534] {strides = array<i32>} : memref<32768xf32, #tpu.memory_space<vmem>>, vector<16xf32>,
        %parallel_loop3A_536 = vector.shape_cast %parallel_loop3A_535 : vector<16xf32> to vector<16xf32>
        %parallel_loop3A_537 = arith.mulf %parallel_loop3A_422, %parallel_loop3A_529 : vector<16xf32>
        %parallel_loop3A_538 = arith.mulf %parallel_loop3A_432, %parallel_loop3A_536 : vector<16xf32>
        %parallel_loop3A_539 = arith.addf %parallel_loop3A_537, %parallel_loop3A_538 : vector<16xf32>
        %parallel_loop3A_540 = arith.constant 1 : i32
        %parallel_loop3A_541 = arith.constant 2 : i32
        %parallel_loop3A_542 = arith.index_cast %parallel_loop3A_540 : i32 to index
        %parallel_loop3A_543 = arith.index_cast %parallel_loop3A_541 : i32 to index
        %parallel_loop3A_544 = arith.index_cast %parallel_loop3A_414 : i32 to index
        %parallel_loop3A_545 = tpu.vector_load %arg8[%parallel_loop3A_542, %parallel_loop3A_543, %parallel_loop3A_544] {strides = array<i32>} : memref<2x32x1024xf32, #tpu.memory_space<vmem>>, vector<1x1x16xf32>,
        %parallel_loop3A_546 = vector.shape_cast %parallel_loop3A_545 : vector<1x1x16xf32> to vector<16xf32>
        %parallel_loop3A_547 = vector.shape_cast %parallel_loop3A_539 : vector<16xf32> to vector<1x1x16xf32>
        tpu.vector_store %arg8[%parallel_loop3A_542, %parallel_loop3A_543, %parallel_loop3A_544], %parallel_loop3A_547 {add = true, strides = array<i32>} : memref<2x32x1024xf32, #tpu.memory_space<vmem>>, vector<1x1x16xf32>,
        %parallel_loop3A_548 = arith.mulf %parallel_loop3A_440, %parallel_loop3A_529 : vector<16xf32>
        %parallel_loop3A_549 = arith.mulf %parallel_loop3A_450, %parallel_loop3A_536 : vector<16xf32>
        %parallel_loop3A_550 = arith.addf %parallel_loop3A_548, %parallel_loop3A_549 : vector<16xf32>
        %parallel_loop3A_551 = arith.constant 1 : i32
        %parallel_loop3A_552 = arith.constant 18 : i32
        %parallel_loop3A_553 = arith.index_cast %parallel_loop3A_551 : i32 to index
        %parallel_loop3A_554 = arith.index_cast %parallel_loop3A_552 : i32 to index
        %parallel_loop3A_555 = arith.index_cast %parallel_loop3A_414 : i32 to index
        %parallel_loop3A_556 = tpu.vector_load %arg8[%parallel_loop3A_553, %parallel_loop3A_554, %parallel_loop3A_555] {strides = array<i32>} : memref<2x32x1024xf32, #tpu.memory_space<vmem>>, vector<1x1x16xf32>,
        %parallel_loop3A_557 = vector.shape_cast %parallel_loop3A_556 : vector<1x1x16xf32> to vector<16xf32>
        %parallel_loop3A_558 = vector.shape_cast %parallel_loop3A_550 : vector<16xf32> to vector<1x1x16xf32>
        tpu.vector_store %arg8[%parallel_loop3A_553, %parallel_loop3A_554, %parallel_loop3A_555], %parallel_loop3A_558 {add = true, strides = array<i32>} : memref<2x32x1024xf32, #tpu.memory_space<vmem>>, vector<1x1x16xf32>,
        %parallel_loop3A_559 = arith.constant 16 : i32
        %parallel_loop3A_560 = arith.muli %parallel_loop3A_412, %parallel_loop3A_559 : i32
        %parallel_loop3A_561 = arith.constant 3072 : i32
        %parallel_loop3A_562 = arith.addi %parallel_loop3A_561, %parallel_loop3A_560 : i32
        %parallel_loop3A_563 = arith.index_cast %parallel_loop3A_562 : i32 to index
        %parallel_loop3A_564 = tpu.vector_load %arg10[%parallel_loop3A_563] {strides = array<i32>} : memref<32768xf32, #tpu.memory_space<vmem>>, vector<16xf32>,
        %parallel_loop3A_565 = vector.shape_cast %parallel_loop3A_564 : vector<16xf32> to vector<16xf32>
        %parallel_loop3A_566 = arith.constant 16 : i32
        %parallel_loop3A_567 = arith.muli %parallel_loop3A_412, %parallel_loop3A_566 : i32
        %parallel_loop3A_568 = arith.constant 19456 : i32
        %parallel_loop3A_569 = arith.addi %parallel_loop3A_568, %parallel_loop3A_567 : i32
        %parallel_loop3A_570 = arith.index_cast %parallel_loop3A_569 : i32 to index
        %parallel_loop3A_571 = tpu.vector_load %arg10[%parallel_loop3A_570] {strides = array<i32>} : memref<32768xf32, #tpu.memory_space<vmem>>, vector<16xf32>,
        %parallel_loop3A_572 = vector.shape_cast %parallel_loop3A_571 : vector<16xf32> to vector<16xf32>
        %parallel_loop3A_573 = arith.mulf %parallel_loop3A_422, %parallel_loop3A_565 : vector<16xf32>
        %parallel_loop3A_574 = arith.mulf %parallel_loop3A_432, %parallel_loop3A_572 : vector<16xf32>
        %parallel_loop3A_575 = arith.addf %parallel_loop3A_573, %parallel_loop3A_574 : vector<16xf32>
        %parallel_loop3A_576 = arith.constant 1 : i32
        %parallel_loop3A_577 = arith.constant 3 : i32
        %parallel_loop3A_578 = arith.index_cast %parallel_loop3A_576 : i32 to index
        %parallel_loop3A_579 = arith.index_cast %parallel_loop3A_577 : i32 to index
        %parallel_loop3A_580 = arith.index_cast %parallel_loop3A_414 : i32 to index
        %parallel_loop3A_581 = tpu.vector_load %arg8[%parallel_loop3A_578, %parallel_loop3A_579, %parallel_loop3A_580] {strides = array<i32>} : memref<2x32x1024xf32, #tpu.memory_space<vmem>>, vector<1x1x16xf32>,
        %parallel_loop3A_582 = vector.shape_cast %parallel_loop3A_581 : vector<1x1x16xf32> to vector<16xf32>
        %parallel_loop3A_583 = vector.shape_cast %parallel_loop3A_575 : vector<16xf32> to vector<1x1x16xf32>
        tpu.vector_store %arg8[%parallel_loop3A_578, %parallel_loop3A_579, %parallel_loop3A_580], %parallel_loop3A_583 {add = true, strides = array<i32>} : memref<2x32x1024xf32, #tpu.memory_space<vmem>>, vector<1x1x16xf32>,
        %parallel_loop3A_584 = arith.mulf %parallel_loop3A_440, %parallel_loop3A_565 : vector<16xf32>
        %parallel_loop3A_585 = arith.mulf %parallel_loop3A_450, %parallel_loop3A_572 : vector<16xf32>
        %parallel_loop3A_586 = arith.addf %parallel_loop3A_584, %parallel_loop3A_585 : vector<16xf32>
        %parallel_loop3A_587 = arith.constant 1 : i32
        %parallel_loop3A_588 = arith.constant 19 : i32
        %parallel_loop3A_589 = arith.index_cast %parallel_loop3A_587 : i32 to index
        %parallel_loop3A_590 = arith.index_cast %parallel_loop3A_588 : i32 to index
        %parallel_loop3A_591 = arith.index_cast %parallel_loop3A_414 : i32 to index
        %parallel_loop3A_592 = tpu.vector_load %arg8[%parallel_loop3A_589, %parallel_loop3A_590, %parallel_loop3A_591] {strides = array<i32>} : memref<2x32x1024xf32, #tpu.memory_space<vmem>>, vector<1x1x16xf32>,
        %parallel_loop3A_593 = vector.shape_cast %parallel_loop3A_592 : vector<1x1x16xf32> to vector<16xf32>
        %parallel_loop3A_594 = vector.shape_cast %parallel_loop3A_586 : vector<16xf32> to vector<1x1x16xf32>
        tpu.vector_store %arg8[%parallel_loop3A_589, %parallel_loop3A_590, %parallel_loop3A_591], %parallel_loop3A_594 {add = true, strides = array<i32>} : memref<2x32x1024xf32, #tpu.memory_space<vmem>>, vector<1x1x16xf32>,
        %parallel_loop3A_595 = arith.constant 16 : i32
        %parallel_loop3A_596 = arith.muli %parallel_loop3A_412, %parallel_loop3A_595 : i32
        %parallel_loop3A_597 = arith.constant 4096 : i32
        %parallel_loop3A_598 = arith.addi %parallel_loop3A_597, %parallel_loop3A_596 : i32
        %parallel_loop3A_599 = arith.index_cast %parallel_loop3A_598 : i32 to index
        %parallel_loop3A_600 = tpu.vector_load %arg10[%parallel_loop3A_599] {strides = array<i32>} : memref<32768xf32, #tpu.memory_space<vmem>>, vector<16xf32>,
        %parallel_loop3A_601 = vector.shape_cast %parallel_loop3A_600 : vector<16xf32> to vector<16xf32>
        %parallel_loop3A_602 = arith.constant 16 : i32
        %parallel_loop3A_603 = arith.muli %parallel_loop3A_412, %parallel_loop3A_602 : i32
        %parallel_loop3A_604 = arith.constant 20480 : i32
        %parallel_loop3A_605 = arith.addi %parallel_loop3A_604, %parallel_loop3A_603 : i32
        %parallel_loop3A_606 = arith.index_cast %parallel_loop3A_605 : i32 to index
        %parallel_loop3A_607 = tpu.vector_load %arg10[%parallel_loop3A_606] {strides = array<i32>} : memref<32768xf32, #tpu.memory_space<vmem>>, vector<16xf32>,
        %parallel_loop3A_608 = vector.shape_cast %parallel_loop3A_607 : vector<16xf32> to vector<16xf32>
        %parallel_loop3A_609 = arith.mulf %parallel_loop3A_422, %parallel_loop3A_601 : vector<16xf32>
        %parallel_loop3A_610 = arith.mulf %parallel_loop3A_432, %parallel_loop3A_608 : vector<16xf32>
        %parallel_loop3A_611 = arith.addf %parallel_loop3A_609, %parallel_loop3A_610 : vector<16xf32>
        %parallel_loop3A_612 = arith.constant 1 : i32
        %parallel_loop3A_613 = arith.constant 4 : i32
        %parallel_loop3A_614 = arith.index_cast %parallel_loop3A_612 : i32 to index
        %parallel_loop3A_615 = arith.index_cast %parallel_loop3A_613 : i32 to index
        %parallel_loop3A_616 = arith.index_cast %parallel_loop3A_414 : i32 to index
        %parallel_loop3A_617 = tpu.vector_load %arg8[%parallel_loop3A_614, %parallel_loop3A_615, %parallel_loop3A_616] {strides = array<i32>} : memref<2x32x1024xf32, #tpu.memory_space<vmem>>, vector<1x1x16xf32>,
        %parallel_loop3A_618 = vector.shape_cast %parallel_loop3A_617 : vector<1x1x16xf32> to vector<16xf32>
        %parallel_loop3A_619 = vector.shape_cast %parallel_loop3A_611 : vector<16xf32> to vector<1x1x16xf32>
        tpu.vector_store %arg8[%parallel_loop3A_614, %parallel_loop3A_615, %parallel_loop3A_616], %parallel_loop3A_619 {add = true, strides = array<i32>} : memref<2x32x1024xf32, #tpu.memory_space<vmem>>, vector<1x1x16xf32>,
        %parallel_loop3A_620 = arith.mulf %parallel_loop3A_440, %parallel_loop3A_601 : vector<16xf32>
        %parallel_loop3A_621 = arith.mulf %parallel_loop3A_450, %parallel_loop3A_608 : vector<16xf32>
        %parallel_loop3A_622 = arith.addf %parallel_loop3A_620, %parallel_loop3A_621 : vector<16xf32>
        %parallel_loop3A_623 = arith.constant 1 : i32
        %parallel_loop3A_624 = arith.constant 20 : i32
        %parallel_loop3A_625 = arith.index_cast %parallel_loop3A_623 : i32 to index
        %parallel_loop3A_626 = arith.index_cast %parallel_loop3A_624 : i32 to index
        %parallel_loop3A_627 = arith.index_cast %parallel_loop3A_414 : i32 to index
        %parallel_loop3A_628 = tpu.vector_load %arg8[%parallel_loop3A_625, %parallel_loop3A_626, %parallel_loop3A_627] {strides = array<i32>} : memref<2x32x1024xf32, #tpu.memory_space<vmem>>, vector<1x1x16xf32>,
        %parallel_loop3A_629 = vector.shape_cast %parallel_loop3A_628 : vector<1x1x16xf32> to vector<16xf32>
        %parallel_loop3A_630 = vector.shape_cast %parallel_loop3A_622 : vector<16xf32> to vector<1x1x16xf32>
        tpu.vector_store %arg8[%parallel_loop3A_625, %parallel_loop3A_626, %parallel_loop3A_627], %parallel_loop3A_630 {add = true, strides = array<i32>} : memref<2x32x1024xf32, #tpu.memory_space<vmem>>, vector<1x1x16xf32>,
        %parallel_loop3A_631 = arith.constant 16 : i32
        %parallel_loop3A_632 = arith.muli %parallel_loop3A_412, %parallel_loop3A_631 : i32
        %parallel_loop3A_633 = arith.constant 5120 : i32
        %parallel_loop3A_634 = arith.addi %parallel_loop3A_633, %parallel_loop3A_632 : i32
        %parallel_loop3A_635 = arith.index_cast %parallel_loop3A_634 : i32 to index
        %parallel_loop3A_636 = tpu.vector_load %arg10[%parallel_loop3A_635] {strides = array<i32>} : memref<32768xf32, #tpu.memory_space<vmem>>, vector<16xf32>,
        %parallel_loop3A_637 = vector.shape_cast %parallel_loop3A_636 : vector<16xf32> to vector<16xf32>
        %parallel_loop3A_638 = arith.constant 16 : i32
        %parallel_loop3A_639 = arith.muli %parallel_loop3A_412, %parallel_loop3A_638 : i32
        %parallel_loop3A_640 = arith.constant 21504 : i32
        %parallel_loop3A_641 = arith.addi %parallel_loop3A_640, %parallel_loop3A_639 : i32
        %parallel_loop3A_642 = arith.index_cast %parallel_loop3A_641 : i32 to index
        %parallel_loop3A_643 = tpu.vector_load %arg10[%parallel_loop3A_642] {strides = array<i32>} : memref<32768xf32, #tpu.memory_space<vmem>>, vector<16xf32>,
        %parallel_loop3A_644 = vector.shape_cast %parallel_loop3A_643 : vector<16xf32> to vector<16xf32>
        %parallel_loop3A_645 = arith.mulf %parallel_loop3A_422, %parallel_loop3A_637 : vector<16xf32>
        %parallel_loop3A_646 = arith.mulf %parallel_loop3A_432, %parallel_loop3A_644 : vector<16xf32>
        %parallel_loop3A_647 = arith.addf %parallel_loop3A_645, %parallel_loop3A_646 : vector<16xf32>
        %parallel_loop3A_648 = arith.constant 1 : i32
        %parallel_loop3A_649 = arith.constant 5 : i32
        %parallel_loop3A_650 = arith.index_cast %parallel_loop3A_648 : i32 to index
        %parallel_loop3A_651 = arith.index_cast %parallel_loop3A_649 : i32 to index
        %parallel_loop3A_652 = arith.index_cast %parallel_loop3A_414 : i32 to index
        %parallel_loop3A_653 = tpu.vector_load %arg8[%parallel_loop3A_650, %parallel_loop3A_651, %parallel_loop3A_652] {strides = array<i32>} : memref<2x32x1024xf32, #tpu.memory_space<vmem>>, vector<1x1x16xf32>,
        %parallel_loop3A_654 = vector.shape_cast %parallel_loop3A_653 : vector<1x1x16xf32> to vector<16xf32>
        %parallel_loop3A_655 = vector.shape_cast %parallel_loop3A_647 : vector<16xf32> to vector<1x1x16xf32>
        tpu.vector_store %arg8[%parallel_loop3A_650, %parallel_loop3A_651, %parallel_loop3A_652], %parallel_loop3A_655 {add = true, strides = array<i32>} : memref<2x32x1024xf32, #tpu.memory_space<vmem>>, vector<1x1x16xf32>,
        %parallel_loop3A_656 = arith.mulf %parallel_loop3A_440, %parallel_loop3A_637 : vector<16xf32>
        %parallel_loop3A_657 = arith.mulf %parallel_loop3A_450, %parallel_loop3A_644 : vector<16xf32>
        %parallel_loop3A_658 = arith.addf %parallel_loop3A_656, %parallel_loop3A_657 : vector<16xf32>
        %parallel_loop3A_659 = arith.constant 1 : i32
        %parallel_loop3A_660 = arith.constant 21 : i32
        %parallel_loop3A_661 = arith.index_cast %parallel_loop3A_659 : i32 to index
        %parallel_loop3A_662 = arith.index_cast %parallel_loop3A_660 : i32 to index
        %parallel_loop3A_663 = arith.index_cast %parallel_loop3A_414 : i32 to index
        %parallel_loop3A_664 = tpu.vector_load %arg8[%parallel_loop3A_661, %parallel_loop3A_662, %parallel_loop3A_663] {strides = array<i32>} : memref<2x32x1024xf32, #tpu.memory_space<vmem>>, vector<1x1x16xf32>,
        %parallel_loop3A_665 = vector.shape_cast %parallel_loop3A_664 : vector<1x1x16xf32> to vector<16xf32>
        %parallel_loop3A_666 = vector.shape_cast %parallel_loop3A_658 : vector<16xf32> to vector<1x1x16xf32>
        tpu.vector_store %arg8[%parallel_loop3A_661, %parallel_loop3A_662, %parallel_loop3A_663], %parallel_loop3A_666 {add = true, strides = array<i32>} : memref<2x32x1024xf32, #tpu.memory_space<vmem>>, vector<1x1x16xf32>,
        %parallel_loop3A_667 = arith.constant 16 : i32
        %parallel_loop3A_668 = arith.muli %parallel_loop3A_412, %parallel_loop3A_667 : i32
        %parallel_loop3A_669 = arith.constant 6144 : i32
        %parallel_loop3A_670 = arith.addi %parallel_loop3A_669, %parallel_loop3A_668 : i32
        %parallel_loop3A_671 = arith.index_cast %parallel_loop3A_670 : i32 to index
        %parallel_loop3A_672 = tpu.vector_load %arg10[%parallel_loop3A_671] {strides = array<i32>} : memref<32768xf32, #tpu.memory_space<vmem>>, vector<16xf32>,
        %parallel_loop3A_673 = vector.shape_cast %parallel_loop3A_672 : vector<16xf32> to vector<16xf32>
        %parallel_loop3A_674 = arith.constant 16 : i32
        %parallel_loop3A_675 = arith.muli %parallel_loop3A_412, %parallel_loop3A_674 : i32
        %parallel_loop3A_676 = arith.constant 22528 : i32
        %parallel_loop3A_677 = arith.addi %parallel_loop3A_676, %parallel_loop3A_675 : i32
        %parallel_loop3A_678 = arith.index_cast %parallel_loop3A_677 : i32 to index
        %parallel_loop3A_679 = tpu.vector_load %arg10[%parallel_loop3A_678] {strides = array<i32>} : memref<32768xf32, #tpu.memory_space<vmem>>, vector<16xf32>,
        %parallel_loop3A_680 = vector.shape_cast %parallel_loop3A_679 : vector<16xf32> to vector<16xf32>
        %parallel_loop3A_681 = arith.mulf %parallel_loop3A_422, %parallel_loop3A_673 : vector<16xf32>
        %parallel_loop3A_682 = arith.mulf %parallel_loop3A_432, %parallel_loop3A_680 : vector<16xf32>
        %parallel_loop3A_683 = arith.addf %parallel_loop3A_681, %parallel_loop3A_682 : vector<16xf32>
        %parallel_loop3A_684 = arith.constant 1 : i32
        %parallel_loop3A_685 = arith.constant 6 : i32
        %parallel_loop3A_686 = arith.index_cast %parallel_loop3A_684 : i32 to index
        %parallel_loop3A_687 = arith.index_cast %parallel_loop3A_685 : i32 to index
        %parallel_loop3A_688 = arith.index_cast %parallel_loop3A_414 : i32 to index
        %parallel_loop3A_689 = tpu.vector_load %arg8[%parallel_loop3A_686, %parallel_loop3A_687, %parallel_loop3A_688] {strides = array<i32>} : memref<2x32x1024xf32, #tpu.memory_space<vmem>>, vector<1x1x16xf32>,
        %parallel_loop3A_690 = vector.shape_cast %parallel_loop3A_689 : vector<1x1x16xf32> to vector<16xf32>
        %parallel_loop3A_691 = vector.shape_cast %parallel_loop3A_683 : vector<16xf32> to vector<1x1x16xf32>
        tpu.vector_store %arg8[%parallel_loop3A_686, %parallel_loop3A_687, %parallel_loop3A_688], %parallel_loop3A_691 {add = true, strides = array<i32>} : memref<2x32x1024xf32, #tpu.memory_space<vmem>>, vector<1x1x16xf32>,
        %parallel_loop3A_692 = arith.mulf %parallel_loop3A_440, %parallel_loop3A_673 : vector<16xf32>
        %parallel_loop3A_693 = arith.mulf %parallel_loop3A_450, %parallel_loop3A_680 : vector<16xf32>
        %parallel_loop3A_694 = arith.addf %parallel_loop3A_692, %parallel_loop3A_693 : vector<16xf32>
        %parallel_loop3A_695 = arith.constant 1 : i32
        %parallel_loop3A_696 = arith.constant 22 : i32
        %parallel_loop3A_697 = arith.index_cast %parallel_loop3A_695 : i32 to index
        %parallel_loop3A_698 = arith.index_cast %parallel_loop3A_696 : i32 to index
        %parallel_loop3A_699 = arith.index_cast %parallel_loop3A_414 : i32 to index
        %parallel_loop3A_700 = tpu.vector_load %arg8[%parallel_loop3A_697, %parallel_loop3A_698, %parallel_loop3A_699] {strides = array<i32>} : memref<2x32x1024xf32, #tpu.memory_space<vmem>>, vector<1x1x16xf32>,
        %parallel_loop3A_701 = vector.shape_cast %parallel_loop3A_700 : vector<1x1x16xf32> to vector<16xf32>
        %parallel_loop3A_702 = vector.shape_cast %parallel_loop3A_694 : vector<16xf32> to vector<1x1x16xf32>
        tpu.vector_store %arg8[%parallel_loop3A_697, %parallel_loop3A_698, %parallel_loop3A_699], %parallel_loop3A_702 {add = true, strides = array<i32>} : memref<2x32x1024xf32, #tpu.memory_space<vmem>>, vector<1x1x16xf32>,
        %parallel_loop3A_703 = arith.constant 16 : i32
        %parallel_loop3A_704 = arith.muli %parallel_loop3A_412, %parallel_loop3A_703 : i32
        %parallel_loop3A_705 = arith.constant 7168 : i32
        %parallel_loop3A_706 = arith.addi %parallel_loop3A_705, %parallel_loop3A_704 : i32
        %parallel_loop3A_707 = arith.index_cast %parallel_loop3A_706 : i32 to index
        %parallel_loop3A_708 = tpu.vector_load %arg10[%parallel_loop3A_707] {strides = array<i32>} : memref<32768xf32, #tpu.memory_space<vmem>>, vector<16xf32>,
        %parallel_loop3A_709 = vector.shape_cast %parallel_loop3A_708 : vector<16xf32> to vector<16xf32>
        %parallel_loop3A_710 = arith.constant 16 : i32
        %parallel_loop3A_711 = arith.muli %parallel_loop3A_412, %parallel_loop3A_710 : i32
        %parallel_loop3A_712 = arith.constant 23552 : i32
        %parallel_loop3A_713 = arith.addi %parallel_loop3A_712, %parallel_loop3A_711 : i32
        %parallel_loop3A_714 = arith.index_cast %parallel_loop3A_713 : i32 to index
        %parallel_loop3A_715 = tpu.vector_load %arg10[%parallel_loop3A_714] {strides = array<i32>} : memref<32768xf32, #tpu.memory_space<vmem>>, vector<16xf32>,
        %parallel_loop3A_716 = vector.shape_cast %parallel_loop3A_715 : vector<16xf32> to vector<16xf32>
        %parallel_loop3A_717 = arith.mulf %parallel_loop3A_422, %parallel_loop3A_709 : vector<16xf32>
        %parallel_loop3A_718 = arith.mulf %parallel_loop3A_432, %parallel_loop3A_716 : vector<16xf32>
        %parallel_loop3A_719 = arith.addf %parallel_loop3A_717, %parallel_loop3A_718 : vector<16xf32>
        %parallel_loop3A_720 = arith.constant 1 : i32
        %parallel_loop3A_721 = arith.constant 7 : i32
        %parallel_loop3A_722 = arith.index_cast %parallel_loop3A_720 : i32 to index
        %parallel_loop3A_723 = arith.index_cast %parallel_loop3A_721 : i32 to index
        %parallel_loop3A_724 = arith.index_cast %parallel_loop3A_414 : i32 to index
        %parallel_loop3A_725 = tpu.vector_load %arg8[%parallel_loop3A_722, %parallel_loop3A_723, %parallel_loop3A_724] {strides = array<i32>} : memref<2x32x1024xf32, #tpu.memory_space<vmem>>, vector<1x1x16xf32>,
        %parallel_loop3A_726 = vector.shape_cast %parallel_loop3A_725 : vector<1x1x16xf32> to vector<16xf32>
        %parallel_loop3A_727 = vector.shape_cast %parallel_loop3A_719 : vector<16xf32> to vector<1x1x16xf32>
        tpu.vector_store %arg8[%parallel_loop3A_722, %parallel_loop3A_723, %parallel_loop3A_724], %parallel_loop3A_727 {add = true, strides = array<i32>} : memref<2x32x1024xf32, #tpu.memory_space<vmem>>, vector<1x1x16xf32>,
        %parallel_loop3A_728 = arith.mulf %parallel_loop3A_440, %parallel_loop3A_709 : vector<16xf32>
        %parallel_loop3A_729 = arith.mulf %parallel_loop3A_450, %parallel_loop3A_716 : vector<16xf32>
        %parallel_loop3A_730 = arith.addf %parallel_loop3A_728, %parallel_loop3A_729 : vector<16xf32>
        %parallel_loop3A_731 = arith.constant 1 : i32
        %parallel_loop3A_732 = arith.constant 23 : i32
        %parallel_loop3A_733 = arith.index_cast %parallel_loop3A_731 : i32 to index
        %parallel_loop3A_734 = arith.index_cast %parallel_loop3A_732 : i32 to index
        %parallel_loop3A_735 = arith.index_cast %parallel_loop3A_414 : i32 to index
        %parallel_loop3A_736 = tpu.vector_load %arg8[%parallel_loop3A_733, %parallel_loop3A_734, %parallel_loop3A_735] {strides = array<i32>} : memref<2x32x1024xf32, #tpu.memory_space<vmem>>, vector<1x1x16xf32>,
        %parallel_loop3A_737 = vector.shape_cast %parallel_loop3A_736 : vector<1x1x16xf32> to vector<16xf32>
        %parallel_loop3A_738 = vector.shape_cast %parallel_loop3A_730 : vector<16xf32> to vector<1x1x16xf32>
        tpu.vector_store %arg8[%parallel_loop3A_733, %parallel_loop3A_734, %parallel_loop3A_735], %parallel_loop3A_738 {add = true, strides = array<i32>} : memref<2x32x1024xf32, #tpu.memory_space<vmem>>, vector<1x1x16xf32>,
        %parallel_loop3A_739 = arith.constant 16 : i32
        %parallel_loop3A_740 = arith.muli %parallel_loop3A_412, %parallel_loop3A_739 : i32
        %parallel_loop3A_741 = arith.constant 8192 : i32
        %parallel_loop3A_742 = arith.addi %parallel_loop3A_741, %parallel_loop3A_740 : i32
        %parallel_loop3A_743 = arith.index_cast %parallel_loop3A_742 : i32 to index
        %parallel_loop3A_744 = tpu.vector_load %arg10[%parallel_loop3A_743] {strides = array<i32>} : memref<32768xf32, #tpu.memory_space<vmem>>, vector<16xf32>,
        %parallel_loop3A_745 = vector.shape_cast %parallel_loop3A_744 : vector<16xf32> to vector<16xf32>
        %parallel_loop3A_746 = arith.constant 16 : i32
        %parallel_loop3A_747 = arith.muli %parallel_loop3A_412, %parallel_loop3A_746 : i32
        %parallel_loop3A_748 = arith.constant 24576 : i32
        %parallel_loop3A_749 = arith.addi %parallel_loop3A_748, %parallel_loop3A_747 : i32
        %parallel_loop3A_750 = arith.index_cast %parallel_loop3A_749 : i32 to index
        %parallel_loop3A_751 = tpu.vector_load %arg10[%parallel_loop3A_750] {strides = array<i32>} : memref<32768xf32, #tpu.memory_space<vmem>>, vector<16xf32>,
        %parallel_loop3A_752 = vector.shape_cast %parallel_loop3A_751 : vector<16xf32> to vector<16xf32>
        %parallel_loop3A_753 = arith.mulf %parallel_loop3A_422, %parallel_loop3A_745 : vector<16xf32>
        %parallel_loop3A_754 = arith.mulf %parallel_loop3A_432, %parallel_loop3A_752 : vector<16xf32>
        %parallel_loop3A_755 = arith.addf %parallel_loop3A_753, %parallel_loop3A_754 : vector<16xf32>
        %parallel_loop3A_756 = arith.constant 1 : i32
        %parallel_loop3A_757 = arith.constant 8 : i32
        %parallel_loop3A_758 = arith.index_cast %parallel_loop3A_756 : i32 to index
        %parallel_loop3A_759 = arith.index_cast %parallel_loop3A_757 : i32 to index
        %parallel_loop3A_760 = arith.index_cast %parallel_loop3A_414 : i32 to index
        %parallel_loop3A_761 = tpu.vector_load %arg8[%parallel_loop3A_758, %parallel_loop3A_759, %parallel_loop3A_760] {strides = array<i32>} : memref<2x32x1024xf32, #tpu.memory_space<vmem>>, vector<1x1x16xf32>,
        %parallel_loop3A_762 = vector.shape_cast %parallel_loop3A_761 : vector<1x1x16xf32> to vector<16xf32>
        %parallel_loop3A_763 = vector.shape_cast %parallel_loop3A_755 : vector<16xf32> to vector<1x1x16xf32>
        tpu.vector_store %arg8[%parallel_loop3A_758, %parallel_loop3A_759, %parallel_loop3A_760], %parallel_loop3A_763 {add = true, strides = array<i32>} : memref<2x32x1024xf32, #tpu.memory_space<vmem>>, vector<1x1x16xf32>,
        %parallel_loop3A_764 = arith.mulf %parallel_loop3A_440, %parallel_loop3A_745 : vector<16xf32>
        %parallel_loop3A_765 = arith.mulf %parallel_loop3A_450, %parallel_loop3A_752 : vector<16xf32>
        %parallel_loop3A_766 = arith.addf %parallel_loop3A_764, %parallel_loop3A_765 : vector<16xf32>
        %parallel_loop3A_767 = arith.constant 1 : i32
        %parallel_loop3A_768 = arith.constant 24 : i32
        %parallel_loop3A_769 = arith.index_cast %parallel_loop3A_767 : i32 to index
        %parallel_loop3A_770 = arith.index_cast %parallel_loop3A_768 : i32 to index
        %parallel_loop3A_771 = arith.index_cast %parallel_loop3A_414 : i32 to index
        %parallel_loop3A_772 = tpu.vector_load %arg8[%parallel_loop3A_769, %parallel_loop3A_770, %parallel_loop3A_771] {strides = array<i32>} : memref<2x32x1024xf32, #tpu.memory_space<vmem>>, vector<1x1x16xf32>,
        %parallel_loop3A_773 = vector.shape_cast %parallel_loop3A_772 : vector<1x1x16xf32> to vector<16xf32>
        %parallel_loop3A_774 = vector.shape_cast %parallel_loop3A_766 : vector<16xf32> to vector<1x1x16xf32>
        tpu.vector_store %arg8[%parallel_loop3A_769, %parallel_loop3A_770, %parallel_loop3A_771], %parallel_loop3A_774 {add = true, strides = array<i32>} : memref<2x32x1024xf32, #tpu.memory_space<vmem>>, vector<1x1x16xf32>,
        %parallel_loop3A_775 = arith.constant 16 : i32
        %parallel_loop3A_776 = arith.muli %parallel_loop3A_412, %parallel_loop3A_775 : i32
        %parallel_loop3A_777 = arith.constant 9216 : i32
        %parallel_loop3A_778 = arith.addi %parallel_loop3A_777, %parallel_loop3A_776 : i32
        %parallel_loop3A_779 = arith.index_cast %parallel_loop3A_778 : i32 to index
        %parallel_loop3A_780 = tpu.vector_load %arg10[%parallel_loop3A_779] {strides = array<i32>} : memref<32768xf32, #tpu.memory_space<vmem>>, vector<16xf32>,
        %parallel_loop3A_781 = vector.shape_cast %parallel_loop3A_780 : vector<16xf32> to vector<16xf32>
        %parallel_loop3A_782 = arith.constant 16 : i32
        %parallel_loop3A_783 = arith.muli %parallel_loop3A_412, %parallel_loop3A_782 : i32
        %parallel_loop3A_784 = arith.constant 25600 : i32
        %parallel_loop3A_785 = arith.addi %parallel_loop3A_784, %parallel_loop3A_783 : i32
        %parallel_loop3A_786 = arith.index_cast %parallel_loop3A_785 : i32 to index
        %parallel_loop3A_787 = tpu.vector_load %arg10[%parallel_loop3A_786] {strides = array<i32>} : memref<32768xf32, #tpu.memory_space<vmem>>, vector<16xf32>,
        %parallel_loop3A_788 = vector.shape_cast %parallel_loop3A_787 : vector<16xf32> to vector<16xf32>
        %parallel_loop3A_789 = arith.mulf %parallel_loop3A_422, %parallel_loop3A_781 : vector<16xf32>
        %parallel_loop3A_790 = arith.mulf %parallel_loop3A_432, %parallel_loop3A_788 : vector<16xf32>
        %parallel_loop3A_791 = arith.addf %parallel_loop3A_789, %parallel_loop3A_790 : vector<16xf32>
        %parallel_loop3A_792 = arith.constant 1 : i32
        %parallel_loop3A_793 = arith.constant 9 : i32
        %parallel_loop3A_794 = arith.index_cast %parallel_loop3A_792 : i32 to index
        %parallel_loop3A_795 = arith.index_cast %parallel_loop3A_793 : i32 to index
        %parallel_loop3A_796 = arith.index_cast %parallel_loop3A_414 : i32 to index
        %parallel_loop3A_797 = tpu.vector_load %arg8[%parallel_loop3A_794, %parallel_loop3A_795, %parallel_loop3A_796] {strides = array<i32>} : memref<2x32x1024xf32, #tpu.memory_space<vmem>>, vector<1x1x16xf32>,
        %parallel_loop3A_798 = vector.shape_cast %parallel_loop3A_797 : vector<1x1x16xf32> to vector<16xf32>
        %parallel_loop3A_799 = vector.shape_cast %parallel_loop3A_791 : vector<16xf32> to vector<1x1x16xf32>
        tpu.vector_store %arg8[%parallel_loop3A_794, %parallel_loop3A_795, %parallel_loop3A_796], %parallel_loop3A_799 {add = true, strides = array<i32>} : memref<2x32x1024xf32, #tpu.memory_space<vmem>>, vector<1x1x16xf32>,
        %parallel_loop3A_800 = arith.mulf %parallel_loop3A_440, %parallel_loop3A_781 : vector<16xf32>
        %parallel_loop3A_801 = arith.mulf %parallel_loop3A_450, %parallel_loop3A_788 : vector<16xf32>
        %parallel_loop3A_802 = arith.addf %parallel_loop3A_800, %parallel_loop3A_801 : vector<16xf32>
        %parallel_loop3A_803 = arith.constant 1 : i32
        %parallel_loop3A_804 = arith.constant 25 : i32
        %parallel_loop3A_805 = arith.index_cast %parallel_loop3A_803 : i32 to index
        %parallel_loop3A_806 = arith.index_cast %parallel_loop3A_804 : i32 to index
        %parallel_loop3A_807 = arith.index_cast %parallel_loop3A_414 : i32 to index
        %parallel_loop3A_808 = tpu.vector_load %arg8[%parallel_loop3A_805, %parallel_loop3A_806, %parallel_loop3A_807] {strides = array<i32>} : memref<2x32x1024xf32, #tpu.memory_space<vmem>>, vector<1x1x16xf32>,
        %parallel_loop3A_809 = vector.shape_cast %parallel_loop3A_808 : vector<1x1x16xf32> to vector<16xf32>
        %parallel_loop3A_810 = vector.shape_cast %parallel_loop3A_802 : vector<16xf32> to vector<1x1x16xf32>
        tpu.vector_store %arg8[%parallel_loop3A_805, %parallel_loop3A_806, %parallel_loop3A_807], %parallel_loop3A_810 {add = true, strides = array<i32>} : memref<2x32x1024xf32, #tpu.memory_space<vmem>>, vector<1x1x16xf32>,
        %parallel_loop3A_811 = arith.constant 16 : i32
        %parallel_loop3A_812 = arith.muli %parallel_loop3A_412, %parallel_loop3A_811 : i32
        %parallel_loop3A_813 = arith.constant 10240 : i32
        %parallel_loop3A_814 = arith.addi %parallel_loop3A_813, %parallel_loop3A_812 : i32
        %parallel_loop3A_815 = arith.index_cast %parallel_loop3A_814 : i32 to index
        %parallel_loop3A_816 = tpu.vector_load %arg10[%parallel_loop3A_815] {strides = array<i32>} : memref<32768xf32, #tpu.memory_space<vmem>>, vector<16xf32>,
        %parallel_loop3A_817 = vector.shape_cast %parallel_loop3A_816 : vector<16xf32> to vector<16xf32>
        %parallel_loop3A_818 = arith.constant 16 : i32
        %parallel_loop3A_819 = arith.muli %parallel_loop3A_412, %parallel_loop3A_818 : i32
        %parallel_loop3A_820 = arith.constant 26624 : i32
        %parallel_loop3A_821 = arith.addi %parallel_loop3A_820, %parallel_loop3A_819 : i32
        %parallel_loop3A_822 = arith.index_cast %parallel_loop3A_821 : i32 to index
        %parallel_loop3A_823 = tpu.vector_load %arg10[%parallel_loop3A_822] {strides = array<i32>} : memref<32768xf32, #tpu.memory_space<vmem>>, vector<16xf32>,
        %parallel_loop3A_824 = vector.shape_cast %parallel_loop3A_823 : vector<16xf32> to vector<16xf32>
        %parallel_loop3A_825 = arith.mulf %parallel_loop3A_422, %parallel_loop3A_817 : vector<16xf32>
        %parallel_loop3A_826 = arith.mulf %parallel_loop3A_432, %parallel_loop3A_824 : vector<16xf32>
        %parallel_loop3A_827 = arith.addf %parallel_loop3A_825, %parallel_loop3A_826 : vector<16xf32>
        %parallel_loop3A_828 = arith.constant 1 : i32
        %parallel_loop3A_829 = arith.constant 10 : i32
        %parallel_loop3A_830 = arith.index_cast %parallel_loop3A_828 : i32 to index
        %parallel_loop3A_831 = arith.index_cast %parallel_loop3A_829 : i32 to index
        %parallel_loop3A_832 = arith.index_cast %parallel_loop3A_414 : i32 to index
        %parallel_loop3A_833 = tpu.vector_load %arg8[%parallel_loop3A_830, %parallel_loop3A_831, %parallel_loop3A_832] {strides = array<i32>} : memref<2x32x1024xf32, #tpu.memory_space<vmem>>, vector<1x1x16xf32>,
        %parallel_loop3A_834 = vector.shape_cast %parallel_loop3A_833 : vector<1x1x16xf32> to vector<16xf32>
        %parallel_loop3A_835 = vector.shape_cast %parallel_loop3A_827 : vector<16xf32> to vector<1x1x16xf32>
        tpu.vector_store %arg8[%parallel_loop3A_830, %parallel_loop3A_831, %parallel_loop3A_832], %parallel_loop3A_835 {add = true, strides = array<i32>} : memref<2x32x1024xf32, #tpu.memory_space<vmem>>, vector<1x1x16xf32>,
        %parallel_loop3A_836 = arith.mulf %parallel_loop3A_440, %parallel_loop3A_817 : vector<16xf32>
        %parallel_loop3A_837 = arith.mulf %parallel_loop3A_450, %parallel_loop3A_824 : vector<16xf32>
        %parallel_loop3A_838 = arith.addf %parallel_loop3A_836, %parallel_loop3A_837 : vector<16xf32>
        %parallel_loop3A_839 = arith.constant 1 : i32
        %parallel_loop3A_840 = arith.constant 26 : i32
        %parallel_loop3A_841 = arith.index_cast %parallel_loop3A_839 : i32 to index
        %parallel_loop3A_842 = arith.index_cast %parallel_loop3A_840 : i32 to index
        %parallel_loop3A_843 = arith.index_cast %parallel_loop3A_414 : i32 to index
        %parallel_loop3A_844 = tpu.vector_load %arg8[%parallel_loop3A_841, %parallel_loop3A_842, %parallel_loop3A_843] {strides = array<i32>} : memref<2x32x1024xf32, #tpu.memory_space<vmem>>, vector<1x1x16xf32>,
        %parallel_loop3A_845 = vector.shape_cast %parallel_loop3A_844 : vector<1x1x16xf32> to vector<16xf32>
        %parallel_loop3A_846 = vector.shape_cast %parallel_loop3A_838 : vector<16xf32> to vector<1x1x16xf32>
        tpu.vector_store %arg8[%parallel_loop3A_841, %parallel_loop3A_842, %parallel_loop3A_843], %parallel_loop3A_846 {add = true, strides = array<i32>} : memref<2x32x1024xf32, #tpu.memory_space<vmem>>, vector<1x1x16xf32>,
        %parallel_loop3A_847 = arith.constant 16 : i32
        %parallel_loop3A_848 = arith.muli %parallel_loop3A_412, %parallel_loop3A_847 : i32
        %parallel_loop3A_849 = arith.constant 11264 : i32
        %parallel_loop3A_850 = arith.addi %parallel_loop3A_849, %parallel_loop3A_848 : i32
        %parallel_loop3A_851 = arith.index_cast %parallel_loop3A_850 : i32 to index
        %parallel_loop3A_852 = tpu.vector_load %arg10[%parallel_loop3A_851] {strides = array<i32>} : memref<32768xf32, #tpu.memory_space<vmem>>, vector<16xf32>,
        %parallel_loop3A_853 = vector.shape_cast %parallel_loop3A_852 : vector<16xf32> to vector<16xf32>
        %parallel_loop3A_854 = arith.constant 16 : i32
        %parallel_loop3A_855 = arith.muli %parallel_loop3A_412, %parallel_loop3A_854 : i32
        %parallel_loop3A_856 = arith.constant 27648 : i32
        %parallel_loop3A_857 = arith.addi %parallel_loop3A_856, %parallel_loop3A_855 : i32
        %parallel_loop3A_858 = arith.index_cast %parallel_loop3A_857 : i32 to index
        %parallel_loop3A_859 = tpu.vector_load %arg10[%parallel_loop3A_858] {strides = array<i32>} : memref<32768xf32, #tpu.memory_space<vmem>>, vector<16xf32>,
        %parallel_loop3A_860 = vector.shape_cast %parallel_loop3A_859 : vector<16xf32> to vector<16xf32>
        %parallel_loop3A_861 = arith.mulf %parallel_loop3A_422, %parallel_loop3A_853 : vector<16xf32>
        %parallel_loop3A_862 = arith.mulf %parallel_loop3A_432, %parallel_loop3A_860 : vector<16xf32>
        %parallel_loop3A_863 = arith.addf %parallel_loop3A_861, %parallel_loop3A_862 : vector<16xf32>
        %parallel_loop3A_864 = arith.constant 1 : i32
        %parallel_loop3A_865 = arith.constant 11 : i32
        %parallel_loop3A_866 = arith.index_cast %parallel_loop3A_864 : i32 to index
        %parallel_loop3A_867 = arith.index_cast %parallel_loop3A_865 : i32 to index
        %parallel_loop3A_868 = arith.index_cast %parallel_loop3A_414 : i32 to index
        %parallel_loop3A_869 = tpu.vector_load %arg8[%parallel_loop3A_866, %parallel_loop3A_867, %parallel_loop3A_868] {strides = array<i32>} : memref<2x32x1024xf32, #tpu.memory_space<vmem>>, vector<1x1x16xf32>,
        %parallel_loop3A_870 = vector.shape_cast %parallel_loop3A_869 : vector<1x1x16xf32> to vector<16xf32>
        %parallel_loop3A_871 = vector.shape_cast %parallel_loop3A_863 : vector<16xf32> to vector<1x1x16xf32>
        tpu.vector_store %arg8[%parallel_loop3A_866, %parallel_loop3A_867, %parallel_loop3A_868], %parallel_loop3A_871 {add = true, strides = array<i32>} : memref<2x32x1024xf32, #tpu.memory_space<vmem>>, vector<1x1x16xf32>,
        %parallel_loop3A_872 = arith.mulf %parallel_loop3A_440, %parallel_loop3A_853 : vector<16xf32>
        %parallel_loop3A_873 = arith.mulf %parallel_loop3A_450, %parallel_loop3A_860 : vector<16xf32>
        %parallel_loop3A_874 = arith.addf %parallel_loop3A_872, %parallel_loop3A_873 : vector<16xf32>
        %parallel_loop3A_875 = arith.constant 1 : i32
        %parallel_loop3A_876 = arith.constant 27 : i32
        %parallel_loop3A_877 = arith.index_cast %parallel_loop3A_875 : i32 to index
        %parallel_loop3A_878 = arith.index_cast %parallel_loop3A_876 : i32 to index
        %parallel_loop3A_879 = arith.index_cast %parallel_loop3A_414 : i32 to index
        %parallel_loop3A_880 = tpu.vector_load %arg8[%parallel_loop3A_877, %parallel_loop3A_878, %parallel_loop3A_879] {strides = array<i32>} : memref<2x32x1024xf32, #tpu.memory_space<vmem>>, vector<1x1x16xf32>,
        %parallel_loop3A_881 = vector.shape_cast %parallel_loop3A_880 : vector<1x1x16xf32> to vector<16xf32>
        %parallel_loop3A_882 = vector.shape_cast %parallel_loop3A_874 : vector<16xf32> to vector<1x1x16xf32>
        tpu.vector_store %arg8[%parallel_loop3A_877, %parallel_loop3A_878, %parallel_loop3A_879], %parallel_loop3A_882 {add = true, strides = array<i32>} : memref<2x32x1024xf32, #tpu.memory_space<vmem>>, vector<1x1x16xf32>,
        %parallel_loop3A_883 = arith.constant 16 : i32
        %parallel_loop3A_884 = arith.muli %parallel_loop3A_412, %parallel_loop3A_883 : i32
        %parallel_loop3A_885 = arith.constant 12288 : i32
        %parallel_loop3A_886 = arith.addi %parallel_loop3A_885, %parallel_loop3A_884 : i32
        %parallel_loop3A_887 = arith.index_cast %parallel_loop3A_886 : i32 to index
        %parallel_loop3A_888 = tpu.vector_load %arg10[%parallel_loop3A_887] {strides = array<i32>} : memref<32768xf32, #tpu.memory_space<vmem>>, vector<16xf32>,
        %parallel_loop3A_889 = vector.shape_cast %parallel_loop3A_888 : vector<16xf32> to vector<16xf32>
        %parallel_loop3A_890 = arith.constant 16 : i32
        %parallel_loop3A_891 = arith.muli %parallel_loop3A_412, %parallel_loop3A_890 : i32
        %parallel_loop3A_892 = arith.constant 28672 : i32
        %parallel_loop3A_893 = arith.addi %parallel_loop3A_892, %parallel_loop3A_891 : i32
        %parallel_loop3A_894 = arith.index_cast %parallel_loop3A_893 : i32 to index
        %parallel_loop3A_895 = tpu.vector_load %arg10[%parallel_loop3A_894] {strides = array<i32>} : memref<32768xf32, #tpu.memory_space<vmem>>, vector<16xf32>,
        %parallel_loop3A_896 = vector.shape_cast %parallel_loop3A_895 : vector<16xf32> to vector<16xf32>
        %parallel_loop3A_897 = arith.mulf %parallel_loop3A_422, %parallel_loop3A_889 : vector<16xf32>
        %parallel_loop3A_898 = arith.mulf %parallel_loop3A_432, %parallel_loop3A_896 : vector<16xf32>
        %parallel_loop3A_899 = arith.addf %parallel_loop3A_897, %parallel_loop3A_898 : vector<16xf32>
        %parallel_loop3A_900 = arith.constant 1 : i32
        %parallel_loop3A_901 = arith.constant 12 : i32
        %parallel_loop3A_902 = arith.index_cast %parallel_loop3A_900 : i32 to index
        %parallel_loop3A_903 = arith.index_cast %parallel_loop3A_901 : i32 to index
        %parallel_loop3A_904 = arith.index_cast %parallel_loop3A_414 : i32 to index
        %parallel_loop3A_905 = tpu.vector_load %arg8[%parallel_loop3A_902, %parallel_loop3A_903, %parallel_loop3A_904] {strides = array<i32>} : memref<2x32x1024xf32, #tpu.memory_space<vmem>>, vector<1x1x16xf32>,
        %parallel_loop3A_906 = vector.shape_cast %parallel_loop3A_905 : vector<1x1x16xf32> to vector<16xf32>
        %parallel_loop3A_907 = vector.shape_cast %parallel_loop3A_899 : vector<16xf32> to vector<1x1x16xf32>
        tpu.vector_store %arg8[%parallel_loop3A_902, %parallel_loop3A_903, %parallel_loop3A_904], %parallel_loop3A_907 {add = true, strides = array<i32>} : memref<2x32x1024xf32, #tpu.memory_space<vmem>>, vector<1x1x16xf32>,
        %parallel_loop3A_908 = arith.mulf %parallel_loop3A_440, %parallel_loop3A_889 : vector<16xf32>
        %parallel_loop3A_909 = arith.mulf %parallel_loop3A_450, %parallel_loop3A_896 : vector<16xf32>
        %parallel_loop3A_910 = arith.addf %parallel_loop3A_908, %parallel_loop3A_909 : vector<16xf32>
        %parallel_loop3A_911 = arith.constant 1 : i32
        %parallel_loop3A_912 = arith.constant 28 : i32
        %parallel_loop3A_913 = arith.index_cast %parallel_loop3A_911 : i32 to index
        %parallel_loop3A_914 = arith.index_cast %parallel_loop3A_912 : i32 to index
        %parallel_loop3A_915 = arith.index_cast %parallel_loop3A_414 : i32 to index
        %parallel_loop3A_916 = tpu.vector_load %arg8[%parallel_loop3A_913, %parallel_loop3A_914, %parallel_loop3A_915] {strides = array<i32>} : memref<2x32x1024xf32, #tpu.memory_space<vmem>>, vector<1x1x16xf32>,
        %parallel_loop3A_917 = vector.shape_cast %parallel_loop3A_916 : vector<1x1x16xf32> to vector<16xf32>
        %parallel_loop3A_918 = vector.shape_cast %parallel_loop3A_910 : vector<16xf32> to vector<1x1x16xf32>
        tpu.vector_store %arg8[%parallel_loop3A_913, %parallel_loop3A_914, %parallel_loop3A_915], %parallel_loop3A_918 {add = true, strides = array<i32>} : memref<2x32x1024xf32, #tpu.memory_space<vmem>>, vector<1x1x16xf32>,
        %parallel_loop3A_919 = arith.constant 16 : i32
        %parallel_loop3A_920 = arith.muli %parallel_loop3A_412, %parallel_loop3A_919 : i32
        %parallel_loop3A_921 = arith.constant 13312 : i32
        %parallel_loop3A_922 = arith.addi %parallel_loop3A_921, %parallel_loop3A_920 : i32
        %parallel_loop3A_923 = arith.index_cast %parallel_loop3A_922 : i32 to index
        %parallel_loop3A_924 = tpu.vector_load %arg10[%parallel_loop3A_923] {strides = array<i32>} : memref<32768xf32, #tpu.memory_space<vmem>>, vector<16xf32>,
        %parallel_loop3A_925 = vector.shape_cast %parallel_loop3A_924 : vector<16xf32> to vector<16xf32>
        %parallel_loop3A_926 = arith.constant 16 : i32
        %parallel_loop3A_927 = arith.muli %parallel_loop3A_412, %parallel_loop3A_926 : i32
        %parallel_loop3A_928 = arith.constant 29696 : i32
        %parallel_loop3A_929 = arith.addi %parallel_loop3A_928, %parallel_loop3A_927 : i32
        %parallel_loop3A_930 = arith.index_cast %parallel_loop3A_929 : i32 to index
        %parallel_loop3A_931 = tpu.vector_load %arg10[%parallel_loop3A_930] {strides = array<i32>} : memref<32768xf32, #tpu.memory_space<vmem>>, vector<16xf32>,
        %parallel_loop3A_932 = vector.shape_cast %parallel_loop3A_931 : vector<16xf32> to vector<16xf32>
        %parallel_loop3A_933 = arith.mulf %parallel_loop3A_422, %parallel_loop3A_925 : vector<16xf32>
        %parallel_loop3A_934 = arith.mulf %parallel_loop3A_432, %parallel_loop3A_932 : vector<16xf32>
        %parallel_loop3A_935 = arith.addf %parallel_loop3A_933, %parallel_loop3A_934 : vector<16xf32>
        %parallel_loop3A_936 = arith.constant 1 : i32
        %parallel_loop3A_937 = arith.constant 13 : i32
        %parallel_loop3A_938 = arith.index_cast %parallel_loop3A_936 : i32 to index
        %parallel_loop3A_939 = arith.index_cast %parallel_loop3A_937 : i32 to index
        %parallel_loop3A_940 = arith.index_cast %parallel_loop3A_414 : i32 to index
        %parallel_loop3A_941 = tpu.vector_load %arg8[%parallel_loop3A_938, %parallel_loop3A_939, %parallel_loop3A_940] {strides = array<i32>} : memref<2x32x1024xf32, #tpu.memory_space<vmem>>, vector<1x1x16xf32>,
        %parallel_loop3A_942 = vector.shape_cast %parallel_loop3A_941 : vector<1x1x16xf32> to vector<16xf32>
        %parallel_loop3A_943 = vector.shape_cast %parallel_loop3A_935 : vector<16xf32> to vector<1x1x16xf32>
        tpu.vector_store %arg8[%parallel_loop3A_938, %parallel_loop3A_939, %parallel_loop3A_940], %parallel_loop3A_943 {add = true, strides = array<i32>} : memref<2x32x1024xf32, #tpu.memory_space<vmem>>, vector<1x1x16xf32>,
        %parallel_loop3A_944 = arith.mulf %parallel_loop3A_440, %parallel_loop3A_925 : vector<16xf32>
        %parallel_loop3A_945 = arith.mulf %parallel_loop3A_450, %parallel_loop3A_932 : vector<16xf32>
        %parallel_loop3A_946 = arith.addf %parallel_loop3A_944, %parallel_loop3A_945 : vector<16xf32>
        %parallel_loop3A_947 = arith.constant 1 : i32
        %parallel_loop3A_948 = arith.constant 29 : i32
        %parallel_loop3A_949 = arith.index_cast %parallel_loop3A_947 : i32 to index
        %parallel_loop3A_950 = arith.index_cast %parallel_loop3A_948 : i32 to index
        %parallel_loop3A_951 = arith.index_cast %parallel_loop3A_414 : i32 to index
        %parallel_loop3A_952 = tpu.vector_load %arg8[%parallel_loop3A_949, %parallel_loop3A_950, %parallel_loop3A_951] {strides = array<i32>} : memref<2x32x1024xf32, #tpu.memory_space<vmem>>, vector<1x1x16xf32>,
        %parallel_loop3A_953 = vector.shape_cast %parallel_loop3A_952 : vector<1x1x16xf32> to vector<16xf32>
        %parallel_loop3A_954 = vector.shape_cast %parallel_loop3A_946 : vector<16xf32> to vector<1x1x16xf32>
        tpu.vector_store %arg8[%parallel_loop3A_949, %parallel_loop3A_950, %parallel_loop3A_951], %parallel_loop3A_954 {add = true, strides = array<i32>} : memref<2x32x1024xf32, #tpu.memory_space<vmem>>, vector<1x1x16xf32>,
        %parallel_loop3A_955 = arith.constant 16 : i32
        %parallel_loop3A_956 = arith.muli %parallel_loop3A_412, %parallel_loop3A_955 : i32
        %parallel_loop3A_957 = arith.constant 14336 : i32
        %parallel_loop3A_958 = arith.addi %parallel_loop3A_957, %parallel_loop3A_956 : i32
        %parallel_loop3A_959 = arith.index_cast %parallel_loop3A_958 : i32 to index
        %parallel_loop3A_960 = tpu.vector_load %arg10[%parallel_loop3A_959] {strides = array<i32>} : memref<32768xf32, #tpu.memory_space<vmem>>, vector<16xf32>,
        %parallel_loop3A_961 = vector.shape_cast %parallel_loop3A_960 : vector<16xf32> to vector<16xf32>
        %parallel_loop3A_962 = arith.constant 16 : i32
        %parallel_loop3A_963 = arith.muli %parallel_loop3A_412, %parallel_loop3A_962 : i32
        %parallel_loop3A_964 = arith.constant 30720 : i32
        %parallel_loop3A_965 = arith.addi %parallel_loop3A_964, %parallel_loop3A_963 : i32
        %parallel_loop3A_966 = arith.index_cast %parallel_loop3A_965 : i32 to index
        %parallel_loop3A_967 = tpu.vector_load %arg10[%parallel_loop3A_966] {strides = array<i32>} : memref<32768xf32, #tpu.memory_space<vmem>>, vector<16xf32>,
        %parallel_loop3A_968 = vector.shape_cast %parallel_loop3A_967 : vector<16xf32> to vector<16xf32>
        %parallel_loop3A_969 = arith.mulf %parallel_loop3A_422, %parallel_loop3A_961 : vector<16xf32>
        %parallel_loop3A_970 = arith.mulf %parallel_loop3A_432, %parallel_loop3A_968 : vector<16xf32>
        %parallel_loop3A_971 = arith.addf %parallel_loop3A_969, %parallel_loop3A_970 : vector<16xf32>
        %parallel_loop3A_972 = arith.constant 1 : i32
        %parallel_loop3A_973 = arith.constant 14 : i32
        %parallel_loop3A_974 = arith.index_cast %parallel_loop3A_972 : i32 to index
        %parallel_loop3A_975 = arith.index_cast %parallel_loop3A_973 : i32 to index
        %parallel_loop3A_976 = arith.index_cast %parallel_loop3A_414 : i32 to index
        %parallel_loop3A_977 = tpu.vector_load %arg8[%parallel_loop3A_974, %parallel_loop3A_975, %parallel_loop3A_976] {strides = array<i32>} : memref<2x32x1024xf32, #tpu.memory_space<vmem>>, vector<1x1x16xf32>,
        %parallel_loop3A_978 = vector.shape_cast %parallel_loop3A_977 : vector<1x1x16xf32> to vector<16xf32>
        %parallel_loop3A_979 = vector.shape_cast %parallel_loop3A_971 : vector<16xf32> to vector<1x1x16xf32>
        tpu.vector_store %arg8[%parallel_loop3A_974, %parallel_loop3A_975, %parallel_loop3A_976], %parallel_loop3A_979 {add = true, strides = array<i32>} : memref<2x32x1024xf32, #tpu.memory_space<vmem>>, vector<1x1x16xf32>,
        %parallel_loop3A_980 = arith.mulf %parallel_loop3A_440, %parallel_loop3A_961 : vector<16xf32>
        %parallel_loop3A_981 = arith.mulf %parallel_loop3A_450, %parallel_loop3A_968 : vector<16xf32>
        %parallel_loop3A_982 = arith.addf %parallel_loop3A_980, %parallel_loop3A_981 : vector<16xf32>
        %parallel_loop3A_983 = arith.constant 1 : i32
        %parallel_loop3A_984 = arith.constant 30 : i32
        %parallel_loop3A_985 = arith.index_cast %parallel_loop3A_983 : i32 to index
        %parallel_loop3A_986 = arith.index_cast %parallel_loop3A_984 : i32 to index
        %parallel_loop3A_987 = arith.index_cast %parallel_loop3A_414 : i32 to index
        %parallel_loop3A_988 = tpu.vector_load %arg8[%parallel_loop3A_985, %parallel_loop3A_986, %parallel_loop3A_987] {strides = array<i32>} : memref<2x32x1024xf32, #tpu.memory_space<vmem>>, vector<1x1x16xf32>,
        %parallel_loop3A_989 = vector.shape_cast %parallel_loop3A_988 : vector<1x1x16xf32> to vector<16xf32>
        %parallel_loop3A_990 = vector.shape_cast %parallel_loop3A_982 : vector<16xf32> to vector<1x1x16xf32>
        tpu.vector_store %arg8[%parallel_loop3A_985, %parallel_loop3A_986, %parallel_loop3A_987], %parallel_loop3A_990 {add = true, strides = array<i32>} : memref<2x32x1024xf32, #tpu.memory_space<vmem>>, vector<1x1x16xf32>,
        %parallel_loop3A_991 = arith.constant 16 : i32
        %parallel_loop3A_992 = arith.muli %parallel_loop3A_412, %parallel_loop3A_991 : i32
        %parallel_loop3A_993 = arith.constant 15360 : i32
        %parallel_loop3A_994 = arith.addi %parallel_loop3A_993, %parallel_loop3A_992 : i32
        %parallel_loop3A_995 = arith.index_cast %parallel_loop3A_994 : i32 to index
        %parallel_loop3A_996 = tpu.vector_load %arg10[%parallel_loop3A_995] {strides = array<i32>} : memref<32768xf32, #tpu.memory_space<vmem>>, vector<16xf32>,
        %parallel_loop3A_997 = vector.shape_cast %parallel_loop3A_996 : vector<16xf32> to vector<16xf32>
        %parallel_loop3A_998 = arith.constant 16 : i32
        %parallel_loop3A_999 = arith.muli %parallel_loop3A_412, %parallel_loop3A_998 : i32
        %parallel_loop3A_1000 = arith.constant 31744 : i32
        %parallel_loop3A_1001 = arith.addi %parallel_loop3A_1000, %parallel_loop3A_999 : i32
        %parallel_loop3A_1002 = arith.index_cast %parallel_loop3A_1001 : i32 to index
        %parallel_loop3A_1003 = tpu.vector_load %arg10[%parallel_loop3A_1002] {strides = array<i32>} : memref<32768xf32, #tpu.memory_space<vmem>>, vector<16xf32>,
        %parallel_loop3A_1004 = vector.shape_cast %parallel_loop3A_1003 : vector<16xf32> to vector<16xf32>
        %parallel_loop3A_1005 = arith.mulf %parallel_loop3A_422, %parallel_loop3A_997 : vector<16xf32>
        %parallel_loop3A_1006 = arith.mulf %parallel_loop3A_432, %parallel_loop3A_1004 : vector<16xf32>
        %parallel_loop3A_1007 = arith.addf %parallel_loop3A_1005, %parallel_loop3A_1006 : vector<16xf32>
        %parallel_loop3A_1008 = arith.constant 1 : i32
        %parallel_loop3A_1009 = arith.constant 15 : i32
        %parallel_loop3A_1010 = arith.index_cast %parallel_loop3A_1008 : i32 to index
        %parallel_loop3A_1011 = arith.index_cast %parallel_loop3A_1009 : i32 to index
        %parallel_loop3A_1012 = arith.index_cast %parallel_loop3A_414 : i32 to index
        %parallel_loop3A_1013 = tpu.vector_load %arg8[%parallel_loop3A_1010, %parallel_loop3A_1011, %parallel_loop3A_1012] {strides = array<i32>} : memref<2x32x1024xf32, #tpu.memory_space<vmem>>, vector<1x1x16xf32>,
        %parallel_loop3A_1014 = vector.shape_cast %parallel_loop3A_1013 : vector<1x1x16xf32> to vector<16xf32>
        %parallel_loop3A_1015 = vector.shape_cast %parallel_loop3A_1007 : vector<16xf32> to vector<1x1x16xf32>
        tpu.vector_store %arg8[%parallel_loop3A_1010, %parallel_loop3A_1011, %parallel_loop3A_1012], %parallel_loop3A_1015 {add = true, strides = array<i32>} : memref<2x32x1024xf32, #tpu.memory_space<vmem>>, vector<1x1x16xf32>,
        %parallel_loop3A_1016 = arith.mulf %parallel_loop3A_440, %parallel_loop3A_997 : vector<16xf32>
        %parallel_loop3A_1017 = arith.mulf %parallel_loop3A_450, %parallel_loop3A_1004 : vector<16xf32>
        %parallel_loop3A_1018 = arith.addf %parallel_loop3A_1016, %parallel_loop3A_1017 : vector<16xf32>
        %parallel_loop3A_1019 = arith.constant 1 : i32
        %parallel_loop3A_1020 = arith.constant 31 : i32
        %parallel_loop3A_1021 = arith.index_cast %parallel_loop3A_1019 : i32 to index
        %parallel_loop3A_1022 = arith.index_cast %parallel_loop3A_1020 : i32 to index
        %parallel_loop3A_1023 = arith.index_cast %parallel_loop3A_414 : i32 to index
        %parallel_loop3A_1024 = tpu.vector_load %arg8[%parallel_loop3A_1021, %parallel_loop3A_1022, %parallel_loop3A_1023] {strides = array<i32>} : memref<2x32x1024xf32, #tpu.memory_space<vmem>>, vector<1x1x16xf32>,
        %parallel_loop3A_1025 = vector.shape_cast %parallel_loop3A_1024 : vector<1x1x16xf32> to vector<16xf32>
        %parallel_loop3A_1026 = vector.shape_cast %parallel_loop3A_1018 : vector<16xf32> to vector<1x1x16xf32>
        tpu.vector_store %arg8[%parallel_loop3A_1021, %parallel_loop3A_1022, %parallel_loop3A_1023], %parallel_loop3A_1026 {add = true, strides = array<i32>} : memref<2x32x1024xf32, #tpu.memory_space<vmem>>, vector<1x1x16xf32>,
      } {sc.loop_unroll_factor = 1 : i64, sc.parallel_access}
      %rem3A_378 = arith.constant 4 : i32
      %rem3A_379 = arith.remsi %add3A_344, %rem3A_378 : i32
      %div3A_380 = arith.constant 4 : i32
      %div3A_381 = arith.divsi %add3A_344, %div3A_380 : i32
      %mul3A_382 = arith.constant 8192 : i32
      %mul3A_383 = arith.muli %rem3A_379, %mul3A_382 : i32
      %add3A_384 = arith.addi %mul3A_383, %multiple_of3A : i32
      %mul3A_385 = arith.constant 32 : i32
      %mul3A_386 = arith.muli %div3A_381, %mul3A_385 : i32
      %add3A_387 = arith.addi %add3A_384, %mul3A_386 : i32
      %multiple_of3A_388 = tpu.assume_multiple %add3A_387, 32 : i32
      %dma_start3A_389 = arith.constant 1 : i32
      %dma_start3A_390 = arith.constant 1 : i32
      %dma_start3A_391 = arith.constant 0 : i32
      %dma_start3A_392 = arith.constant 0 : i32
      %dma_start3A_393 = tpu.memref_slice %arg8[%dma_start3A_389, %dma_start3A_391, %dma_start3A_392] : memref<2x32x1024xf32, #tpu.memory_space<vmem>> -> memref<1x32x1024xf32, #tpu.memory_space<vmem>>
      %dma_start3A_394 = tpu.memref_squeeze %dma_start3A_393 : memref<1x32x1024xf32, #tpu.memory_space<vmem>> -> memref<32x1024xf32, #tpu.memory_space<vmem>>
      %dma_start3A_395 = arith.constant 0 : i32
      %dma_start3A_396 = tpu.memref_slice %arg6[%multiple_of3A_388, %dma_start3A_395] : memref<32768x1024xf32, #tpu.memory_space<hbm>> -> memref<32x1024xf32, #tpu.memory_space<hbm>>
      %dma_start3A_397 = tpu.memref_slice %arg12[%dma_start3A_390] : memref<2x!tpu.dma_semaphore, #tpu.memory_space<semaphore_mem>> -> memref<1x!tpu.dma_semaphore, #tpu.memory_space<semaphore_mem>>
      %dma_start3A_398 = tpu.memref_squeeze %dma_start3A_397 : memref<1x!tpu.dma_semaphore, #tpu.memory_space<semaphore_mem>> -> memref<!tpu.dma_semaphore, #tpu.memory_space<semaphore_mem>>
      %dma_start3A_399 = arith.constant 0 : i32
      %dma_start3A_400 = tpu.memref_slice %arg6[%multiple_of3A_388, %dma_start3A_399] : memref<32768x1024xf32, #tpu.memory_space<hbm>> -> memref<32x1024xf32, #tpu.memory_space<hbm>>
      %dma_start3A_401 = arith.constant 0 : i32
      %dma_start3A_402 = arith.constant 0 : i32
      %dma_start3A_403 = tpu.memref_slice %arg8[%dma_start3A_389, %dma_start3A_401, %dma_start3A_402] : memref<2x32x1024xf32, #tpu.memory_space<vmem>> -> memref<1x32x1024xf32, #tpu.memory_space<vmem>>
      %dma_start3A_404 = tpu.memref_squeeze %dma_start3A_403 : memref<1x32x1024xf32, #tpu.memory_space<vmem>> -> memref<32x1024xf32, #tpu.memory_space<vmem>>
      tpu.enqueue_dma source(%dma_start3A_404 : memref<32x1024xf32, #tpu.memory_space<vmem>>) target(%dma_start3A_400 : memref<32x1024xf32, #tpu.memory_space<hbm>>) target_semaphore(%dma_start3A_398 : memref<!tpu.dma_semaphore, #tpu.memory_space<semaphore_mem>>)
      %add3A_405 = arith.constant 2 : i32
      %add3A_406 = arith.addi %scan3A_132, %add3A_405 : i32
      %lt3A_407 = arith.constant 8 : i32
      %lt3A_408 = arith.cmpi slt, %add3A_406, %lt3A_407 : i32
      %convert_element_type3A_409 = arith.extui %lt3A_408 : i1 to i32
      %cond3A_410 = arith.constant 0 : i32
      %cond3A_411 = arith.cmpi ne, %convert_element_type3A_409, %cond3A_410 : i32
      scf.if %cond3A_411 {
        %add3A_412 = arith.constant 2 : i32
        %add3A_413 = arith.addi %scan3A_132, %add3A_412 : i32
        %mul3A_414 = arith.constant 16 : i32
        %mul3A_415 = arith.muli %add3A, %mul3A_414 : i32
        %mul3A_416 = arith.constant 2 : i32
        %mul3A_417 = arith.muli %mul3A_416, %add3A_413 : i32
        %add3A_418 = arith.addi %mul3A_415, %mul3A_417 : i32
        %mul3A_419 = arith.constant 2 : i32
        %mul3A_420 = arith.muli %add3A_418, %mul3A_419 : i32
        %mul3A_421 = arith.constant 1024 : i32
        %mul3A_422 = arith.muli %mul3A_420, %mul3A_421 : i32
        %multiple_of3A_423 = tpu.assume_multiple %mul3A_422, 2048 : i32
        %mul3A_424 = arith.constant 4096 : i32
        %mul3A_425 = arith.muli %rem3A_134, %mul3A_424 : i32
        %dma_start3A_426 = tpu.memref_slice %arg9[%mul3A_425] : memref<8192xf32, #tpu.memory_space<vmem>> -> memref<4096xf32, #tpu.memory_space<vmem>>
        %dma_start3A_427 = tpu.memref_slice %arg4[%multiple_of3A_423] : memref<1048576xf32, #tpu.memory_space<hbm>> -> memref<4096xf32, #tpu.memory_space<hbm>>
        %dma_start3A_428 = tpu.memref_slice %arg13[%rem3A_134] : memref<2x!tpu.dma_semaphore, #tpu.memory_space<semaphore_mem>> -> memref<1x!tpu.dma_semaphore, #tpu.memory_space<semaphore_mem>>
        %dma_start3A_429 = tpu.memref_squeeze %dma_start3A_428 : memref<1x!tpu.dma_semaphore, #tpu.memory_space<semaphore_mem>> -> memref<!tpu.dma_semaphore, #tpu.memory_space<semaphore_mem>>
        %dma_start3A_430 = tpu.memref_slice %arg9[%mul3A_425] : memref<8192xf32, #tpu.memory_space<vmem>> -> memref<4096xf32, #tpu.memory_space<vmem>>
        %dma_start3A_431 = tpu.memref_slice %arg4[%multiple_of3A_423] : memref<1048576xf32, #tpu.memory_space<hbm>> -> memref<4096xf32, #tpu.memory_space<hbm>>
        tpu.enqueue_dma source(%dma_start3A_431 : memref<4096xf32, #tpu.memory_space<hbm>>) target(%dma_start3A_430 : memref<4096xf32, #tpu.memory_space<vmem>>) target_semaphore(%dma_start3A_429 : memref<!tpu.dma_semaphore, #tpu.memory_space<semaphore_mem>>)
      } else {
      }
    }
    %scan3A_74 = arith.constant 8 : i32
    %rem3A_75 = arith.constant 30 : i32
    %rem3A_76 = arith.constant 4 : i32
    %rem3A_77 = arith.remsi %rem3A_75, %rem3A_76 : i32
    %div3A_78 = arith.constant 30 : i32
    %div3A_79 = arith.constant 4 : i32
    %div3A_80 = arith.divsi %div3A_78, %div3A_79 : i32
    %mul3A_81 = arith.constant 8192 : i32
    %mul3A_82 = arith.muli %rem3A_77, %mul3A_81 : i32
    %add3A_83 = arith.addi %mul3A_82, %multiple_of3A : i32
    %mul3A_84 = arith.constant 32 : i32
    %mul3A_85 = arith.muli %div3A_80, %mul3A_84 : i32
    %add3A_86 = arith.addi %add3A_83, %mul3A_85 : i32
    %multiple_of3A_87 = tpu.assume_multiple %add3A_86, 32 : i32
    %dma_wait3A = arith.constant 0 : i32
    %dma_wait3A_88 = arith.constant 0 : i32
    %dma_wait3A_89 = arith.constant 0 : i32
    %dma_wait3A_90 = arith.constant 0 : i32
    %dma_wait3A_91 = tpu.memref_slice %arg8[%dma_wait3A, %dma_wait3A_89, %dma_wait3A_90] : memref<2x32x1024xf32, #tpu.memory_space<vmem>> -> memref<1x32x1024xf32, #tpu.memory_space<vmem>>
    %dma_wait3A_92 = tpu.memref_squeeze %dma_wait3A_91 : memref<1x32x1024xf32, #tpu.memory_space<vmem>> -> memref<32x1024xf32, #tpu.memory_space<vmem>>
    %dma_wait3A_93 = arith.constant 0 : i32
    %dma_wait3A_94 = tpu.memref_slice %arg6[%multiple_of3A_87, %dma_wait3A_93] : memref<32768x1024xf32, #tpu.memory_space<hbm>> -> memref<32x1024xf32, #tpu.memory_space<hbm>>
    %dma_wait3A_95 = tpu.memref_slice %arg12[%dma_wait3A_88] : memref<2x!tpu.dma_semaphore, #tpu.memory_space<semaphore_mem>> -> memref<1x!tpu.dma_semaphore, #tpu.memory_space<semaphore_mem>>
    %dma_wait3A_96 = tpu.memref_squeeze %dma_wait3A_95 : memref<1x!tpu.dma_semaphore, #tpu.memory_space<semaphore_mem>> -> memref<!tpu.dma_semaphore, #tpu.memory_space<semaphore_mem>>
    %dma_wait3A_97 = arith.constant 0 : i32
    %dma_wait3A_98 = tpu.memref_slice %arg6[%multiple_of3A_87, %dma_wait3A_97] : memref<32768x1024xf32, #tpu.memory_space<hbm>> -> memref<32x1024xf32, #tpu.memory_space<hbm>>
    %dma_wait3A_99 = arith.constant 0 : i32
    %dma_wait3A_100 = arith.constant 0 : i32
    %dma_wait3A_101 = tpu.memref_slice %arg8[%dma_wait3A, %dma_wait3A_99, %dma_wait3A_100] : memref<2x32x1024xf32, #tpu.memory_space<vmem>> -> memref<1x32x1024xf32, #tpu.memory_space<vmem>>
    %dma_wait3A_102 = tpu.memref_squeeze %dma_wait3A_101 : memref<1x32x1024xf32, #tpu.memory_space<vmem>> -> memref<32x1024xf32, #tpu.memory_space<vmem>>
    tpu.wait_dma2 semaphore(%dma_wait3A_96 : memref<!tpu.dma_semaphore, #tpu.memory_space<semaphore_mem>>) src(%dma_wait3A_102 : memref<32x1024xf32, #tpu.memory_space<vmem>>) dst(%dma_wait3A_98 : memref<32x1024xf32, #tpu.memory_space<hbm>>)
    %rem3A_103 = arith.constant 31 : i32
    %rem3A_104 = arith.constant 4 : i32
    %rem3A_105 = arith.remsi %rem3A_103, %rem3A_104 : i32
    %div3A_106 = arith.constant 31 : i32
    %div3A_107 = arith.constant 4 : i32
    %div3A_108 = arith.divsi %div3A_106, %div3A_107 : i32
    %mul3A_109 = arith.constant 8192 : i32
    %mul3A_110 = arith.muli %rem3A_105, %mul3A_109 : i32
    %add3A_111 = arith.addi %mul3A_110, %multiple_of3A : i32
    %mul3A_112 = arith.constant 32 : i32
    %mul3A_113 = arith.muli %div3A_108, %mul3A_112 : i32
    %add3A_114 = arith.addi %add3A_111, %mul3A_113 : i32
    %multiple_of3A_115 = tpu.assume_multiple %add3A_114, 32 : i32
    %dma_wait3A_116 = arith.constant 1 : i32
    %dma_wait3A_117 = arith.constant 1 : i32
    %dma_wait3A_118 = arith.constant 0 : i32
    %dma_wait3A_119 = arith.constant 0 : i32
    %dma_wait3A_120 = tpu.memref_slice %arg8[%dma_wait3A_116, %dma_wait3A_118, %dma_wait3A_119] : memref<2x32x1024xf32, #tpu.memory_space<vmem>> -> memref<1x32x1024xf32, #tpu.memory_space<vmem>>
    %dma_wait3A_121 = tpu.memref_squeeze %dma_wait3A_120 : memref<1x32x1024xf32, #tpu.memory_space<vmem>> -> memref<32x1024xf32, #tpu.memory_space<vmem>>
    %dma_wait3A_122 = arith.constant 0 : i32
    %dma_wait3A_123 = tpu.memref_slice %arg6[%multiple_of3A_115, %dma_wait3A_122] : memref<32768x1024xf32, #tpu.memory_space<hbm>> -> memref<32x1024xf32, #tpu.memory_space<hbm>>
    %dma_wait3A_124 = tpu.memref_slice %arg12[%dma_wait3A_117] : memref<2x!tpu.dma_semaphore, #tpu.memory_space<semaphore_mem>> -> memref<1x!tpu.dma_semaphore, #tpu.memory_space<semaphore_mem>>
    %dma_wait3A_125 = tpu.memref_squeeze %dma_wait3A_124 : memref<1x!tpu.dma_semaphore, #tpu.memory_space<semaphore_mem>> -> memref<!tpu.dma_semaphore, #tpu.memory_space<semaphore_mem>>
    %dma_wait3A_126 = arith.constant 0 : i32
    %dma_wait3A_127 = tpu.memref_slice %arg6[%multiple_of3A_115, %dma_wait3A_126] : memref<32768x1024xf32, #tpu.memory_space<hbm>> -> memref<32x1024xf32, #tpu.memory_space<hbm>>
    %dma_wait3A_128 = arith.constant 0 : i32
    %dma_wait3A_129 = arith.constant 0 : i32
    %dma_wait3A_130 = tpu.memref_slice %arg8[%dma_wait3A_116, %dma_wait3A_128, %dma_wait3A_129] : memref<2x32x1024xf32, #tpu.memory_space<vmem>> -> memref<1x32x1024xf32, #tpu.memory_space<vmem>>
    %dma_wait3A_131 = tpu.memref_squeeze %dma_wait3A_130 : memref<1x32x1024xf32, #tpu.memory_space<vmem>> -> memref<32x1024xf32, #tpu.memory_space<vmem>>
    tpu.wait_dma2 semaphore(%dma_wait3A_125 : memref<!tpu.dma_semaphore, #tpu.memory_space<semaphore_mem>>) src(%dma_wait3A_131 : memref<32x1024xf32, #tpu.memory_space<vmem>>) dst(%dma_wait3A_127 : memref<32x1024xf32, #tpu.memory_space<hbm>>)
    return
  }
}

</mosaic_0001>

<sc_bundles>
// kernel: kernel.3.cloned.1.call-start
scs
__scs_entry_jumppad:
0x0: {  	(pc) =	sbr.rel $0x88, $3  }
0x1: {  	(tag) =	ssettag $0x0;
	lr =	simm.s32 $0x1  }
0x2: {  	[smem:$0x3F9F] =	sst lr;
	_ =	strace $0xD0000000  }
0x3: {  	_ = 	snop  }
0x4: {  	_ = 	snop  }
0x5: {  	_ = 	snop  }
0x6: {  	_ = 	snop  }
0x7: {  	_ = 	snop  }
__scs_overlays_trampoline_lowered:
0x8: {  	[smem:$0x3FAE] =	sst s0  }
0x9: {  	[smem:$0x3FAF] =	sst s1  }
0xa: {  	[smem:$0x3FB0] =	sst s2  }
0xb: {  	[smem:$0x3FB1] =	sst s3  }
0xc: {  	[smem:$0x3FB2] =	sst s4  }
0xd: {  	[smem:$0x3FB3] =	sst s5  }
0xe: {  	[smem:$0x3FB4] =	sst s6  }
0xf: {  	[smem:$0x3FB5] =	sst s7  }
0x10: {  	[smem:$0x3FB6] =	sst s8  }
0x11: {  	[smem:$0x3FB7] =	sst s9;
	s0 =	simm.s32 @!p0 $0x0  }
0x12: {  	s1 =	sld [smem:$0x3F9D];
	s0 =	simm.s32 @p0 $0x1  }
0x13: {  	[smem:$0x3FB8] =	sst s0;
	s0 =	simm.s32 @!p1 $0x0  }
0x14: {  	s2 =	sld [smem:$0x3F9C];
	s0 =	simm.s32 @p1 $0x1  }
0x15: {  	[smem:$0x3FB9] =	sst s0;
	s0 =	simm.s32 @!p2 $0x0  }
0x16: {  	s3 =	sld [smem:$0x3FDB];
	s0 =	simm.s32 @p2 $0x1  }
0x17: {  	s4 =	simm.s32 $0x1BF5;
	[smem:$0x3FBB] =	sst s0  }
0x18: {  	s0 =	sld [smem:$0x3F9E];
	_ =	swait.ge [sflag:s4], $0x0  }
0x19: {  	s7 =	sld [smem:$0x3F9F]  }
0x1a: {  	s8 =	sadd.s32 $0xFFFFE003, lr  }
0x1b: {  	s9 =	sadd.s32 $0xFFFFFEF7, lr;
	s5 =	simm.s32 $0xFFFFFFFF;
	p2 =	slt.u32 s8, $0xFFFFF086  }
0x1c: {  	p1 =	slt.u32 s9, $0xF7A;
	s5 =	simm.s32 @!p2 $0x0  }
0x1d: {  	s5 =	simm.s32 @p1 $0x1;
	p0 =	seq.s32 s7, s2  }
0x1e: {  	s7 =	smul.u32 @!p0 $0xF7A, s2;
	p2 =	seq.s32 @!p0 s5, $0x0  }
0x1f: {  	s9 =	smul.u32 $0xF7A, s1;
	s8 =	simm.s32 @!p0 $0x1BF5;
	p2 =	por !p2, p0  }
0x20: {  	[sflag:s8] =	ssyncset.s32 @!p0 $0xFFFFF086;
	s6 =	sadd.s32 @!p0 s3, s7;
	s7 =	simm.s32 @!p0 $0x108  }
0x21: {  	s3 =	sadd.s32 s3, s9;
	s6 =	sadd.s32 @!p0 $0x88, s6;
	s7 =	simm.s32 @p2 $0x1082  }
0x22: {  	[simem:s7], [sflag:s8] =	dma.local @!p0 [hbm:s6], $0xF7A  }
0x23: {  	s9 =	sor.u32 $0xD0000000, s2;
	s6 =	simm.s32 $0x108;
	_ =	swait.ge @!p0 [sflag:s8], $0x0  }
0x24: {  	s3 =	sadd.s32 $0x88, s3;
	s6 =	simm.s32 @!p1 $0x1082;
	[sflag:s4] =	ssyncset.s32 $0xFFFFF086  }
0x25: {  	[simem:s6], [sflag:s4] =	dma.local [hbm:s3], $0xF7A  }
0x26: {  	[smem:$0x3F9F] =	sst s1;
	(tag) =	ssettag s2;
	_ =	strace s9  }
0x27: {  	s1 =	sld [smem:$0x3FAF]  }
0x28: {  	s2 =	sld [smem:$0x3FB0]  }
0x29: {  	s4 =	sld [smem:$0x3FB2]  }
0x2a: {  	p0 =	seq.s32 s5, $0x0;
	s5 =	sld [smem:$0x3FB3]  }
0x2b: {  	s6 =	sld [smem:$0x3FB4]  }
0x2c: {  	s7 =	sld [smem:$0x3FB5]  }
0x2d: {  	s3 =	simm.s32 $0x108;
	s8 =	sld [smem:$0x3FB6]  }
0x2e: {  	s3 =	simm.s32 @!p0 $0x1082;
	s9 =	sld [smem:$0x3FB7]  }
0x2f: {  	lr =	sadd.s32 s0, s3;
	s0 =	sld [smem:$0x3FAE]  }
0x30: {  	s3 =	sld [smem:$0x3FB1]  }
0x31: {  	[smem:$0x3FBA] =	sst s10  }
0x32: {  	s10 =	sld [smem:$0x3FB8];
	_ =	sdelay $0x3  }
0x33: {  	p0 =	seq.s32 s10, $0x1;
	s10 =	sld [smem:$0x3FBA];
	_ =	sdelay $0x3  }
0x34: {  	[smem:$0x3FBA] =	sst s10  }
0x35: {  	s10 =	sld [smem:$0x3FB9];
	_ =	sdelay $0x3  }
0x36: {  	p1 =	seq.s32 s10, $0x1;
	s10 =	sld [smem:$0x3FBA];
	_ =	sdelay $0x3  }
0x37: {  	[smem:$0x3FBA] =	sst s10  }
0x38: {  	s10 =	sld [smem:$0x3FBB]  }
0x39: {  	_ = 	snop;
	(pc) =	sbr.ind lr, $3  }
0x3a: {  	_ = 	snop  }
0x3b: {  	_ = 	snop  }
0x3c: {  	p2 =	seq.s32 s10, $0x1;
	s10 =	sld [smem:$0x3FBA]  }
0x3d: {  	_ =	shalt  }
0x3e: {  	_ =	shalt  }
0x3f: {  	_ =	shalt  }
0x40: {  	_ =	shalt  }
0x41: {  	_ =	shalt  }
0x42: {  	_ =	shalt  }
0x43: {  	_ =	shalt  }
0x44: {  	_ =	shalt  }
0x45: {  	_ =	shalt  }
0x46: {  	_ =	shalt  }
0x47: {  	_ =	shalt  }
0x48: {  	_ =	shalt  }
0x49: {  	_ =	shalt  }
0x4a: {  	_ =	shalt  }
0x4b: {  	_ =	shalt  }
0x4c: {  	_ =	shalt  }
0x4d: {  	_ =	shalt  }
0x4e: {  	_ =	shalt  }
0x4f: {  	_ =	shalt  }
0x50: {  	_ =	shalt  }
0x51: {  	_ =	shalt  }
0x52: {  	_ =	shalt  }
0x53: {  	_ =	shalt  }
0x54: {  	_ =	shalt  }
0x55: {  	_ =	shalt  }
0x56: {  	_ =	shalt  }
0x57: {  	_ =	shalt  }
0x58: {  	_ =	shalt  }
0x59: {  	_ =	shalt  }
0x5a: {  	_ =	shalt  }
0x5b: {  	_ =	shalt  }
0x5c: {  	_ =	shalt  }
0x5d: {  	_ =	shalt  }
0x5e: {  	_ =	shalt  }
0x5f: {  	_ =	shalt  }
0x60: {  	_ =	shalt  }
0x61: {  	_ =	shalt  }
0x62: {  	_ =	shalt  }
0x63: {  	_ =	shalt  }
0x64: {  	_ =	shalt  }
0x65: {  	_ =	shalt  }
0x66: {  	_ =	shalt  }
0x67: {  	_ =	shalt  }
0x68: {  	_ =	shalt  }
0x69: {  	_ =	shalt  }
0x6a: {  	_ =	shalt  }
0x6b: {  	_ =	shalt  }
0x6c: {  	_ =	shalt  }
0x6d: {  	_ =	shalt  }
0x6e: {  	_ =	shalt  }
0x6f: {  	_ =	shalt  }
0x70: {  	_ =	shalt  }
0x71: {  	_ =	shalt  }
0x72: {  	_ =	shalt  }
0x73: {  	_ =	shalt  }
0x74: {  	_ =	shalt  }
0x75: {  	_ =	shalt  }
0x76: {  	_ =	shalt  }
0x77: {  	_ =	shalt  }
0x78: {  	_ =	shalt  }
0x79: {  	_ =	shalt  }
0x7a: {  	_ =	shalt  }
0x7b: {  	_ =	shalt  }
0x7c: {  	_ =	shalt  }
0x7d: {  	_ =	shalt  }
0x7e: {  	_ =	shalt  }
0x7f: {  	_ =	shalt  }
0x80: {  	_ =	shalt  }
0x81: {  	_ =	shalt  }
0x82: {  	_ =	shalt  }
0x83: {  	_ =	shalt  }
0x84: {  	_ =	shalt  }
0x85: {  	_ =	shalt  }
0x86: {  	_ =	shalt  }
0x87: {  	_ =	shalt  }
.Lfunc_end0:
.L_simem_size_0:
called_computation_lowered:
.L_overlay_start_0:
0x88: {  	s2 =	sld [smem:$0x3FD9]  }
0x89: {  	s3 =	sld [smem:$0x3FFE];
	_ =	sdelay $0x1  }
0x8a: {  	s1 =	srdreg.scid  }
0x8b: {  	s0 =	sand.u32 $0x1, s1  }
0x8c: {  	s17 =	sshll.u32 s0, $0xA;
	s2 =	sadd.s32 s3, s2  }
0x8d: {  	s2 =	sadd.s32 s2, s17  }
0x8e: {  	[smem:$0x3FC6] =	sst s2  }
0x8f: {  	_ = 	snop  }
0x90: {  	s2 =	sld [smem:$0x3FC8]  }
0x91: {  	s18 =	sld [smem:$0x3FD0];
	(tm) =	ssettm $0x1  }
0x92: {  	s4 =	sld [smem:$0x3FFB];
	_ =	sdelay $0x3  }
0x93: {  	_ =	strace s4  }
0x94: {  	s4 =	sld [smem:$0x3FFC];
	_ =	sdelay $0x3  }
0x95: {  	_ =	strace s4  }
0x96: {  	s4 =	sld [smem:$0x3FFD];
	_ =	sdelay $0x3  }
0x97: {  	_ =	strace s4  }
0x98: {  	_ =	strace $0x8FFFFFFF  }
0x99: {  	s19 =	sld [smem:$0x3FDB];
	_ =	sdelay $0x1  }
0x9a: {  	s5 =	simm.s32 $_scs_section_size  }
0x9b: {  	s6 =	simm.s32 $_size__tile_overlayer_lowered;
	s7 =	simm.s32 $_tile_overlayer_lowered  }
0x9c: {  	s22 =	simm.s32 $0x1BFF;
	s21 =	sshll.u32 s7, $0x1;
	s4 =	sadd.s32 s5, s19  }
0x9d: {  	s8 =	simm.s32 $0x0;
	s20 =	sshll.u32 s6, $0x1;
	s6 =	sadd.s32 s21, s4  }
0x9e: {  	[timem:s8], [sflag:s22] =	dma.local [hbm:s6], s20  }
0x9f: {  	_ =	swait.ge [sflag:s22], s20  }
0xa0: {  	s5 =	ssub.s32 $0x0, s20;
	[sflag:s22] =	ssyncset.done $0x0  }
0xa1: {  	[sflag:s22] =	ssyncadd.s32 s5;
	_ =	sdelay $0x1  }
0xa2: {  	s23 =	simm.s32 $0x1B8B  }
0xa3: {  	_ =	swait.ge [sflag:s23], $0x1  }
0xa4: {  	[sflag:s23] =	ssyncset.done $0x0  }
0xa5: {  	s25 =	simm.s32 $0x1B8E;
	s24 =	sld [smem:$0x3FFE];
	[sflag:s23] =	ssyncadd.s32 $0xFFFFFFFF  }
0xa6: {  	s26 =	simm.s32 $execute0_lowered;
	[smem:$0x3FD2] =	sst s25  }
0xa7: {  	s6 =	sshll.u32 s26, $0x1;
	_ =	strace $0x80000046;
	[dreg:$0x1] =	wrdreg $0xFFFFFFFF  }
0xa8: {  	s28 =	simm.s32 $_size_execute0_lowered;
	s4 =	sadd.s32 s4, s6;
	[dreg:$0x0] =	wrdreg $0x0  }
0xa9: {  	s6 =	sshll.u32 s28, $0x1;
	[dreg:$0x2] =	wrdreg s4  }
0xaa: {  	[dreg:$0x3] =	wrdreg s6  }
0xab: {  	[dreg:$0x4] =	wrdreg $0xC0  }
0xac: {  	_ =	task [dreg:s8], $0x5FFFF  }
0xad: {  	[dreg:$0x1] =	wrdreg $0xFFFFFFFF  }
0xae: {  	[dreg:$0x0] =	wrdreg $0x60  }
0xaf: {  	[dreg:$0x2] =	wrdreg s24  }
0xb0: {  	[dreg:$0x3] =	wrdreg s2  }
0xb1: {  	[dreg:$0x4] =	wrdreg s18  }
0xb2: {  	[dreg:$0x5] =	wrdreg $0x9  }
0xb3: {  	_ =	task.clear_ibuf [dreg:s8], $0x6FFFF;
	_ =	strace $0x90000046  }
0xb4: {  	s29 =	simm.s32 $0x9;
	_ =	strace $0x80000048  }
0xb5: {  	_ =	swait.ge [sflag:s29], $0x1  }
0xb6: {  	[sflag:s29] =	ssyncadd.s32 $0xFFFFFFFF  }
0xb7: {  	_ =	strace $0x90000048  }
0xb8: {  	_ =	sfence  }
0xb9: {  	s30 =	sld [smem:$0x0];
	_ =	sdelay $0x2  }
0xba: {  	s31 =	sshll.u32 s1, $0xD;
	s1 =	sshrl.u32 s1, $0x2  }
0xbb: {  	s3 =	sand.u32 $0x4000, s31;
	s1 =	sadd.s32 s1, s30  }
0xbc: {  	s0 =	sor.u32 s3, s0;
	s1 =	sshll.u32 s1, $0x11  }
0xbd: {  	s0 =	sor.u32 s1, s0  }
0xbe: {  	s0 =	sadd.s32 $0x8F2B, s0  }
0xbf: {  	[sflag:s0] =	ssyncadd.remote.s32 $0x1  }
0xc0: {  	_ =	sfence.sel $0xFFFF  }
0xc1: {  	[dreg:$0x0] =	wrdreg $0xFFFFFFFF;
	(pc) =	sbr.abs _section_cstart, $3  }
0xc2: {  	[dreg:$0x1] =	wrdreg $0xFFFFFFFF  }
0xc3: {  	_ =	task.clear_ibuf [dreg:s8], $0x2FFFF;
	_ =	strace $0x9FFFFFFF  }
0xc4: {  	(tm) =	ssettm $0x7FFFFFFF  }
0xc5: {  	_ =	shalt  }
tec
execute0_lowered:
.L_overlay_start_1:
0x0: {  	(tag) =	ssettag $0x1  }
0x1: {  	s0 =	rddreg [dreg:$0x0]  }
0x2: {  	s2 =	rddreg [dreg:$0x1]  }
0x3: {  	s8 =	rddreg [dreg:$0x2]  }
0x4: {  	s1 =	srdreg.scid;
	s3 =	stileid.u32;
	s4 =	simm.s32 $0x0  }
0x5: {  	s29 =	simm.s32 $0x1000;
	s11 =	simm.s32 $0x9000;
	s28 =	simm.s32 $0x9800  }
0x6: {  	s9 =	simm.s32 $0x2;
	s1 =	sand.u32 $0x1, s1;
	s3 =	sshll.u32 s3, $0x1  }
0x7: {  	[smem:$0x7FF] =	sst s4;
	s30 =	sadd.s32 $0x300000, s8;
	s3 =	sor.u32 s1, s3  }
0x8: {  	_ =	strace $0x80000047;
	[dreg:$0xe] =	wrdreg s30;
	s5 =	sshll.u32 s3, $0x7  }
0x9: {  	s6 =	sshll.u32 s3, $0xC;
	s19 =	sshll.u32 s3, $0xF;
	s5 =	sadd.s32 s5, s0  }
0xa: {  	s6 =	sadd.s32 s6, s0;
	s0 =	sadd.s32 $0x4400, s0;
	[dreg:$0x5] =	wrdreg s19  }
0xb: {  	s10 =	simm.s32 $0x4;
	[dreg:$0x4] =	wrdreg s0;
	s20 =	sadd.s32 $0x400, s5  }
0xc: {  	s13 =	sadd.s32 $0x100, s2;
	s21 =	sadd.s32 $0x1400, s5;
	[dreg:$0x6] =	wrdreg s20  }
0xd: {  	s1 =	ssub.s32 $0x2, s1;
	s22 =	sadd.s32 $0x2400, s5;
	[dreg:$0x7] =	wrdreg s21  }
0xe: {  	s7 =	sshrl.u32 s1, $0x1;
	s23 =	sadd.s32 $0x3400, s5;
	[dreg:$0x8] =	wrdreg s22  }
0xf: {  	s18 =	ssub.s32 s1, s7;
	s24 =	sadd.s32 $0x5400, s6;
	[dreg:$0x9] =	wrdreg s23  }
0x10: {  	s1 =	sadd.s32 s19, s8;
	s25 =	sadd.s32 $0x5600, s6;
	[dreg:$0xa] =	wrdreg s24  }
0x11: {  	s14 =	sadd.s32 $0x200, s2;
	s26 =	sadd.s32 $0x100000, s1;
	[dreg:$0xb] =	wrdreg s25  }
0x12: {  	s15 =	sadd.s32 $0x300, s2;
	s1 =	sadd.s32 $0x200000, s1;
	[dreg:$0xc] =	wrdreg s26  }
0x13: {  	v2 =	vlaneseq.u32;
	s7 =	simm.s32 $0x1;
	s31 =	sadd.s32 $0x5800, s6;
	[dreg:$0xd] =	wrdreg s1  }
0x14: {  	vm0 =	vmmov $0xffff;
	v1 =	vshrl.u32 v2, $0x3;
	s8 =	simm.s32 $0x3;
	s0 =	smax.u32 s18, $0x1;
	[dreg:$0xf] =	wrdreg s31  }
0x15: {  	v0 =	vand.u32 $0x7, v2;
	v2 =	vor.u32 $0x8, v2;
	v1 =	vmul.u32 $0x8, v1;
	s5 =	simm.s32 $0x10800;
	[dreg:$0x10] =	wrdreg s0;
	s1 =	simm.s32 $0x0  }
.LBB2_1:
0x16: {  	[dreg:$0x11] =	wrdreg s1  }
0x17: {  	s0 =	rddreg [dreg:$0x6];
	s19 =	simm.s32 $0x7  }
0x18: {  	[tilespmem:s4], [sflag:$0x7] =	stream.linear.gather [hbm4b:s0+s4], $0x400, $0x38;
	[tilespmem:$0x1B000] =	vst v63  }
0x19: {  	_ =	swait.ge [sflag:s19], $0x400  }
0x1a: {  	[sflag:s19] =	ssyncset.done $0x0  }
0x1b: {  	s3 =	simm.s32 $0x400;
	s20 =	rddreg [dreg:$0x7];
	[sflag:s19] =	ssyncadd.s32 $0xFFFFFC00  }
0x1c: {  	[tilespmem:s3], [sflag:$0x7] =	stream.linear.gather [hbm4b:s20+s4], $0x400, $0x38;
	[tilespmem:$0x1B000] =	vst v63  }
0x1d: {  	_ =	swait.ge [sflag:s19], $0x400  }
0x1e: {  	[sflag:s19] =	ssyncset.done $0x0  }
0x1f: {  	s22 =	simm.s32 $0x800;
	s21 =	rddreg [dreg:$0x8];
	[sflag:s19] =	ssyncadd.s32 $0xFFFFFC00  }
0x20: {  	[tilespmem:s22], [sflag:$0x7] =	stream.linear.gather [hbm4b:s21+s4], $0x400, $0x38;
	[tilespmem:$0x1B000] =	vst v63  }
0x21: {  	_ =	swait.ge [sflag:s19], $0x400  }
0x22: {  	[sflag:s19] =	ssyncset.done $0x0  }
0x23: {  	s24 =	simm.s32 $0xC00;
	s23 =	rddreg [dreg:$0x9];
	[sflag:s19] =	ssyncadd.s32 $0xFFFFFC00  }
0x24: {  	[tilespmem:s24], [sflag:$0x7] =	stream.linear.gather [hbm4b:s23+s4], $0x400, $0x38;
	[tilespmem:$0x1B000] =	vst v63  }
0x25: {  	_ =	swait.ge [sflag:s19], $0x400  }
0x26: {  	[sflag:s19] =	ssyncset.done $0x0  }
0x27: {  	s26 =	simm.s32 $0x13000;
	s25 =	rddreg [dreg:$0x4];
	[sflag:s19] =	ssyncadd.s32 $0xFFFFFC00  }
0x28: {  	[tilespmem:s26], [sflag:$0x7] =	stream.linear.gather [hbm4b:s25+s4], $0x8000, $0x38;
	[tilespmem:$0x1B000] =	vst v63  }
0x29: {  	_ =	swait.ge [sflag:s19], $0x8000  }
0x2a: {  	[sflag:s19] =	ssyncset.done $0x0  }
0x2b: {  	s31 =	simm.s32 $0x11000;
	s30 =	rddreg [dreg:$0xa];
	[sflag:s19] =	ssyncadd.s32 $0xFFFF8000  }
0x2c: {  	[tilespmem:s31], [sflag:$0x5] =	stream.linear.gather [hbm4b:s30+s4], $0x1000, $0x38;
	[tilespmem:$0x1B000] =	vst v63  }
0x2d: {  	s3 =	simm.s32 $0x12000;
	s1 =	rddreg [dreg:$0xb]  }
0x2e: {  	[tilespmem:s3], [sflag:$0x6] =	stream.linear.gather [hbm4b:s1+s4], $0x1000, $0x38;
	[tilespmem:$0x1B000] =	vst v63  }
0x2f: {  	v3 =	vld [tilespmem:$0x0];
	_ =	sdelay $0x4  }
0x30: {  	v4 =	vshll.u32 v3, $0x3  }
0x31: {  	v3 =	vand.u32 $0x7, v3;
	v4 =	vand.u32 $0xFFFFFFC0, v4  }
0x32: {  	v3 =	vor.u32 v3, v4  }
0x33: {  	v4 =	vperm.xlane v3, v0;
	_ =	sdelay $0x1  }
0x34: {  	v4 =	vadd.s32 v1, v4;
	_ =	sdelay $0x4  }
0x35: {  	[tilespmem:s29], [sflag:$0x1] =	stream.indirect_vreg.gather [hbm4b:s2+s4], $0x80, v4, vm0, $0xb8;
	[tilespmem:$0x1B000] =	vst v63  }
0x36: {  	s6 =	simm.s32 $0x1800;
	v3 =	vperm.xlane v3, v2  }
0x37: {  	[tilespmem:s6], [sflag:$0x1] =	stream.indirect_vreg.gather [hbm4b:s13+s4], $0x80, v4, vm0, $0xb8;
	[tilespmem:$0x1B000] =	vst v63  }
0x38: {  	s12 =	simm.s32 $0x2000;
	v3 =	vadd.s32 v1, v3  }
0x39: {  	[tilespmem:s12], [sflag:$0x1] =	stream.indirect_vreg.gather [hbm4b:s14+s4], $0x80, v4, vm0, $0xb8;
	[tilespmem:$0x1B000] =	vst v63  }
0x3a: {  	s16 =	simm.s32 $0x2800  }
0x3b: {  	[tilespmem:s16], [sflag:$0x1] =	stream.indirect_vreg.gather [hbm4b:s15+s4], $0x80, v4, vm0, $0xb8;
	[tilespmem:$0x1B000] =	vst v63  }
0x3c: {  	s17 =	simm.s32 $0x3000  }
0x3d: {  	[tilespmem:s17], [sflag:$0x1] =	stream.indirect_vreg.gather [hbm4b:s2+s4], $0x80, v3, vm0, $0xb8;
	[tilespmem:$0x1B000] =	vst v63  }
0x3e: {  	s18 =	simm.s32 $0x3800  }
0x3f: {  	[tilespmem:s18], [sflag:$0x1] =	stream.indirect_vreg.gather [hbm4b:s13+s4], $0x80, v3, vm0, $0xb8;
	[tilespmem:$0x1B000] =	vst v63  }
0x40: {  	s19 =	simm.s32 $0x4000  }
0x41: {  	[tilespmem:s19], [sflag:$0x1] =	stream.indirect_vreg.gather [hbm4b:s14+s4], $0x80, v3, vm0, $0xb8;
	[tilespmem:$0x1B000] =	vst v63  }
0x42: {  	s20 =	simm.s32 $0x4800  }
0x43: {  	[tilespmem:s20], [sflag:$0x1] =	stream.indirect_vreg.gather [hbm4b:s15+s4], $0x80, v3, vm0, $0xb8;
	[tilespmem:$0x1B000] =	vst v63  }
0x44: {  	v3 =	vld [tilespmem:$0x10];
	_ =	sdelay $0x4  }
0x45: {  	v63 =	vshll.u32 v3, $0x3  }
0x46: {  	v3 =	vand.u32 $0x7, v3;
	v4 =	vand.u32 $0xFFFFFFC0, v63  }
0x47: {  	v3 =	vor.u32 v3, v4  }
0x48: {  	v4 =	vperm.xlane v3, v0;
	_ =	sdelay $0x1  }
0x49: {  	v4 =	vadd.s32 v1, v4;
	_ =	sdelay $0x3  }
0x4a: {  	s21 =	simm.s32 $0x5000  }
0x4b: {  	[tilespmem:s21], [sflag:$0x1] =	stream.indirect_vreg.gather [hbm4b:s2+s4], $0x80, v4, vm0, $0xb8;
	[tilespmem:$0x1B000] =	vst v63  }
0x4c: {  	s22 =	simm.s32 $0x5800;
	v3 =	vperm.xlane v3, v2  }
0x4d: {  	[tilespmem:s22], [sflag:$0x1] =	stream.indirect_vreg.gather [hbm4b:s13+s4], $0x80, v4, vm0, $0xb8;
	[tilespmem:$0x1B000] =	vst v63  }
0x4e: {  	s23 =	simm.s32 $0x6000;
	v3 =	vadd.s32 v1, v3  }
0x4f: {  	[tilespmem:s23], [sflag:$0x1] =	stream.indirect_vreg.gather [hbm4b:s14+s4], $0x80, v4, vm0, $0xb8;
	[tilespmem:$0x1B000] =	vst v63  }
0x50: {  	s24 =	simm.s32 $0x6800  }
0x51: {  	[tilespmem:s24], [sflag:$0x1] =	stream.indirect_vreg.gather [hbm4b:s15+s4], $0x80, v4, vm0, $0xb8;
	[tilespmem:$0x1B000] =	vst v63  }
0x52: {  	s25 =	simm.s32 $0x7000  }
0x53: {  	[tilespmem:s25], [sflag:$0x1] =	stream.indirect_vreg.gather [hbm4b:s2+s4], $0x80, v3, vm0, $0xb8;
	[tilespmem:$0x1B000] =	vst v63  }
0x54: {  	s26 =	simm.s32 $0x7800  }
0x55: {  	[tilespmem:s26], [sflag:$0x1] =	stream.indirect_vreg.gather [hbm4b:s13+s4], $0x80, v3, vm0, $0xb8;
	[tilespmem:$0x1B000] =	vst v63  }
0x56: {  	s30 =	simm.s32 $0x8000  }
0x57: {  	[tilespmem:s30], [sflag:$0x1] =	stream.indirect_vreg.gather [hbm4b:s14+s4], $0x80, v3, vm0, $0xb8;
	[tilespmem:$0x1B000] =	vst v63  }
0x58: {  	s31 =	simm.s32 $0x8800;
	s6 =	simm.s32 $0x0  }
0x59: {  	[tilespmem:s31], [sflag:$0x1] =	stream.indirect_vreg.gather [hbm4b:s15+s4], $0x80, v3, vm0, $0xb8;
	[tilespmem:$0x1B000] =	vst v63  }
.LBB2_2:
0x5a: {  	s1 =	sand.u32 $0x1, s6  }
0x5b: {  	s16 =	sadd.s32 $0x5, s1  }
0x5c: {  	_ =	swait.ge [sflag:s16], $0x1000  }
0x5d: {  	p0 =	seq.s32 s6, $0x0;
	[sflag:s16] =	ssyncset.done $0x0  }
0x5e: {  	s0 =	simm.s32 @!p0 $0x4;
	[sflag:s16] =	ssyncadd.s32 $0xFFFFF000  }
0x5f: {  	_ =	swait.ge @!p0 [sflag:s0], $0x8000  }
0x60: {  	s17 =	sshll.u32 s6, $0x9;
	[sflag:s0] =	ssyncset.done @!p0 $0x0  }
0x61: {  	s12 =	sshrl.u32 s17, $0x2;
	[sflag:s0] =	ssyncadd.s32 @!p0 $0xFFFF8000  }
0x62: {  	v3 =	vld [tilespmem:s12+$0x400];
	_ =	sdelay $0x4  }
0x63: {  	v4 =	vshll.u32 v3, $0x3  }
0x64: {  	v3 =	vand.u32 $0x7, v3;
	v4 =	vand.u32 $0xFFFFFFC0, v4  }
0x65: {  	v3 =	vor.u32 v3, v4  }
0x66: {  	v4 =	vperm.xlane v3, v0;
	_ =	sdelay $0x1  }
0x67: {  	v4 =	vadd.s32 v1, v4;
	_ =	sdelay $0x3  }
0x68: {  	s0 =	simm.s32 $0x0  }
0x69: {  	[tilespmem:s11], [sflag:$0x2] =	stream.indirect_vreg.gather [hbm4b:s2+s0], $0x80, v4, vm0, $0xb8;
	[tilespmem:$0x1B000] =	vst v63  }
0x6a: {  	v3 =	vperm.xlane v3, v2  }
0x6b: {  	[tilespmem:s28], [sflag:$0x2] =	stream.indirect_vreg.gather [hbm4b:s13+s0], $0x80, v4, vm0, $0xb8;
	[tilespmem:$0x1B000] =	vst v63  }
0x6c: {  	s3 =	simm.s32 $0xA000;
	v3 =	vadd.s32 v1, v3  }
0x6d: {  	[tilespmem:s3], [sflag:$0x2] =	stream.indirect_vreg.gather [hbm4b:s14+s0], $0x80, v4, vm0, $0xb8;
	[tilespmem:$0x1B000] =	vst v63  }
0x6e: {  	s26 =	simm.s32 $0xA800  }
0x6f: {  	[tilespmem:s26], [sflag:$0x2] =	stream.indirect_vreg.gather [hbm4b:s15+s0], $0x80, v4, vm0, $0xb8;
	[tilespmem:$0x1B000] =	vst v63  }
0x70: {  	s18 =	simm.s32 $0xB000  }
0x71: {  	[tilespmem:s18], [sflag:$0x2] =	stream.indirect_vreg.gather [hbm4b:s2+s0], $0x80, v3, vm0, $0xb8;
	[tilespmem:$0x1B000] =	vst v63  }
0x72: {  	s19 =	simm.s32 $0xB800  }
0x73: {  	[tilespmem:s19], [sflag:$0x2] =	stream.indirect_vreg.gather [hbm4b:s13+s0], $0x80, v3, vm0, $0xb8;
	[tilespmem:$0x1B000] =	vst v63  }
0x74: {  	s20 =	simm.s32 $0xC000  }
0x75: {  	[tilespmem:s20], [sflag:$0x2] =	stream.indirect_vreg.gather [hbm4b:s14+s0], $0x80, v3, vm0, $0xb8;
	[tilespmem:$0x1B000] =	vst v63  }
0x76: {  	s21 =	simm.s32 $0xC800  }
0x77: {  	[tilespmem:s21], [sflag:$0x2] =	stream.indirect_vreg.gather [hbm4b:s15+s0], $0x80, v3, vm0, $0xb8;
	[tilespmem:$0x1B000] =	vst v63  }
0x78: {  	v3 =	vld [tilespmem:s12+$0x410];
	_ =	sdelay $0x4  }
0x79: {  	v4 =	vshll.u32 v3, $0x3  }
0x7a: {  	v3 =	vand.u32 $0x7, v3;
	v4 =	vand.u32 $0xFFFFFFC0, v4  }
0x7b: {  	v3 =	vor.u32 v3, v4  }
0x7c: {  	v4 =	vperm.xlane v3, v0;
	_ =	sdelay $0x1  }
0x7d: {  	v4 =	vadd.s32 v1, v4;
	_ =	sdelay $0x3  }
0x7e: {  	s22 =	simm.s32 $0xD000  }
0x7f: {  	[tilespmem:s22], [sflag:$0x2] =	stream.indirect_vreg.gather [hbm4b:s2+s0], $0x80, v4, vm0, $0xb8;
	[tilespmem:$0x1B000] =	vst v63  }
0x80: {  	s23 =	simm.s32 $0xD800;
	v3 =	vperm.xlane v3, v2  }
0x81: {  	[tilespmem:s23], [sflag:$0x2] =	stream.indirect_vreg.gather [hbm4b:s13+s0], $0x80, v4, vm0, $0xb8;
	[tilespmem:$0x1B000] =	vst v63  }
0x82: {  	s24 =	simm.s32 $0xE000;
	v3 =	vadd.s32 v1, v3  }
0x83: {  	[tilespmem:s24], [sflag:$0x2] =	stream.indirect_vreg.gather [hbm4b:s14+s0], $0x80, v4, vm0, $0xb8;
	[tilespmem:$0x1B000] =	vst v63  }
0x84: {  	s25 =	simm.s32 $0xE800  }
0x85: {  	[tilespmem:s25], [sflag:$0x2] =	stream.indirect_vreg.gather [hbm4b:s15+s0], $0x80, v4, vm0, $0xb8;
	[tilespmem:$0x1B000] =	vst v63  }
0x86: {  	s26 =	simm.s32 $0xF000  }
0x87: {  	[tilespmem:s26], [sflag:$0x2] =	stream.indirect_vreg.gather [hbm4b:s2+s0], $0x80, v3, vm0, $0xb8;
	[tilespmem:$0x1B000] =	vst v63  }
0x88: {  	s18 =	simm.s32 $0xF800  }
0x89: {  	[tilespmem:s18], [sflag:$0x2] =	stream.indirect_vreg.gather [hbm4b:s13+s0], $0x80, v3, vm0, $0xb8;
	[tilespmem:$0x1B000] =	vst v63  }
0x8a: {  	s19 =	simm.s32 $0x10000  }
0x8b: {  	[tilespmem:s19], [sflag:$0x2] =	stream.indirect_vreg.gather [hbm4b:s14+s0], $0x80, v3, vm0, $0xb8;
	[tilespmem:$0x1B000] =	vst v63  }
0x8c: {  	_ = 	snop  }
0x8d: {  	[tilespmem:s5], [sflag:$0x2] =	stream.indirect_vreg.gather [hbm4b:s15+s0], $0x80, v3, vm0, $0xb8;
	[tilespmem:$0x1B000] =	vst v63  }
0x8e: {  	s1 =	sshll.u32 s1, $0xC;
	s20 =	simm.s32 $0x13000;
	_ =	swait.ge [sflag:s7], $0x8000  }
0x8f: {  	s21 =	sand.u32 $0x380, s0;
	s18 =	sadd.s32 $0x11000, s1;
	[sflag:s7] =	ssyncset.done $0x0  }
0x90: {  	s22 =	sadd.s32 s21, s18;
	s19 =	sand.u32 $0x70, s0;
	[sflag:s7] =	ssyncadd.s32 $0xFFFF8000  }
0x91: {  	s1 =	sadd.s32 s19, s22;
	v7 =	vld [tilespmem:s20+$0x0]  }
0x92: {  	v3 =	vld [tilespmem:s1+$0x0]  }
0x93: {  	v4 =	vld [tilespmem:s1+$0x400]  }
0x94: {  	s20 =	sor.u32 s19, s21;
	v5 =	vld [tilespmem:s1+$0x800]  }
0x95: {  	v8 =	vld [tilespmem:s20+$0x17000]  }
0x96: {  	v6 =	vld [tilespmem:s1+$0xC00];
	_ =	sdelay $0x3  }
0x97: {  	v9 =	vmul.f32 v7, v3;
	v10 =	vmul.f32 v8, v4  }
0x98: {  	v7 =	vmul.f32 v7, v5;
	v8 =	vmul.f32 v8, v6  }
0x99: {  	s23 =	sand.u32 $0x1C00, s0;
	v9 =	vadd.f32 v10, v9  }
0x9a: {  	s19 =	sor.u32 s19, s23;
	v7 =	vadd.f32 v8, v7  }
0x9b: {  	[tilespmem:s19+$0x1000] =	vst.add.f32.msk $0xffff, v9  }
0x9c: {  	[tilespmem:s19+$0x5000] =	vst.add.f32.msk $0xffff, v7  }
0x9d: {  	v7 =	vld [tilespmem:s20+$0x13400]  }
0x9e: {  	v8 =	vld [tilespmem:s20+$0x17400];
	_ =	sdelay $0x4  }
0x9f: {  	v9 =	vmul.f32 v7, v3;
	v10 =	vmul.f32 v8, v4  }
0xa0: {  	v7 =	vmul.f32 v7, v5;
	v8 =	vmul.f32 v8, v6  }
0xa1: {  	v9 =	vadd.f32 v10, v9  }
0xa2: {  	v7 =	vadd.f32 v8, v7  }
0xa3: {  	[tilespmem:s19+$0x1080] =	vst.add.f32.msk $0xffff, v9  }
0xa4: {  	[tilespmem:s19+$0x5080] =	vst.add.f32.msk $0xffff, v7  }
0xa5: {  	v7 =	vld [tilespmem:s20+$0x13800]  }
0xa6: {  	v8 =	vld [tilespmem:s20+$0x17800];
	_ =	sdelay $0x4  }
0xa7: {  	v9 =	vmul.f32 v7, v3;
	v10 =	vmul.f32 v8, v4  }
0xa8: {  	v7 =	vmul.f32 v7, v5;
	v8 =	vmul.f32 v8, v6  }
0xa9: {  	v9 =	vadd.f32 v10, v9  }
0xaa: {  	v7 =	vadd.f32 v8, v7  }
0xab: {  	[tilespmem:s19+$0x1100] =	vst.add.f32.msk $0xffff, v9  }
0xac: {  	[tilespmem:s19+$0x5100] =	vst.add.f32.msk $0xffff, v7  }
0xad: {  	v7 =	vld [tilespmem:s20+$0x13C00]  }
0xae: {  	v8 =	vld [tilespmem:s20+$0x17C00];
	_ =	sdelay $0x4  }
0xaf: {  	v9 =	vmul.f32 v7, v3;
	v10 =	vmul.f32 v8, v4  }
0xb0: {  	v7 =	vmul.f32 v7, v5;
	v8 =	vmul.f32 v8, v6  }
0xb1: {  	v9 =	vadd.f32 v10, v9  }
0xb2: {  	v7 =	vadd.f32 v8, v7  }
0xb3: {  	[tilespmem:s19+$0x1180] =	vst.add.f32.msk $0xffff, v9  }
0xb4: {  	[tilespmem:s19+$0x5180] =	vst.add.f32.msk $0xffff, v7  }
0xb5: {  	v7 =	vld [tilespmem:s20+$0x14000]  }
0xb6: {  	v8 =	vld [tilespmem:s20+$0x18000];
	_ =	sdelay $0x4  }
0xb7: {  	v9 =	vmul.f32 v7, v3;
	v10 =	vmul.f32 v8, v4  }
0xb8: {  	v7 =	vmul.f32 v7, v5;
	v8 =	vmul.f32 v8, v6  }
0xb9: {  	v9 =	vadd.f32 v10, v9  }
0xba: {  	v7 =	vadd.f32 v8, v7  }
0xbb: {  	[tilespmem:s19+$0x1200] =	vst.add.f32.msk $0xffff, v9  }
0xbc: {  	[tilespmem:s19+$0x5200] =	vst.add.f32.msk $0xffff, v7  }
0xbd: {  	v9 =	vld [tilespmem:s20+$0x14400]  }
0xbe: {  	v10 =	vld [tilespmem:s20+$0x18400]  }
0xbf: {  	s23 =	simm.s32 $0x10  }
0xc0: {  	s21 =	simm.s32 $0x13010;
	s24 =	sand.u32 $0x380, s23;
	s25 =	sand.u32 $0x70, s23  }
0xc1: {  	v11 =	vld [tilespmem:s21+$0x0];
	s21 =	sor.u32 s25, s24;
	s1 =	sadd.s32 s24, s18  }
0xc2: {  	v12 =	vld [tilespmem:s21+$0x17000];
	s1 =	sadd.s32 s25, s1  }
0xc3: {  	v8 =	vld [tilespmem:s1+$0x400];
	v13 =	vmul.f32 v9, v3;
	v14 =	vmul.f32 v10, v4  }
0xc4: {  	v7 =	vld [tilespmem:s1+$0x0];
	v15 =	vmul.f32 v9, v5;
	v16 =	vmul.f32 v10, v6  }
0xc5: {  	v9 =	vld [tilespmem:s1+$0x800];
	v13 =	vadd.f32 v14, v13  }
0xc6: {  	v10 =	vld [tilespmem:s1+$0xC00];
	v14 =	vadd.f32 v16, v15  }
0xc7: {  	[tilespmem:s19+$0x1280] =	vst.add.f32.msk $0xffff, v13  }
0xc8: {  	[tilespmem:s19+$0x5280] =	vst.add.f32.msk $0xffff, v14  }
0xc9: {  	v13 =	vld [tilespmem:s20+$0x14800]  }
0xca: {  	v14 =	vld [tilespmem:s20+$0x18800]  }
0xcb: {  	v15 =	vmul.f32 v11, v7;
	v16 =	vmul.f32 v12, v8  }
0xcc: {  	s24 =	simm.s32 $0x80;
	v11 =	vmul.f32 v11, v9;
	v12 =	vmul.f32 v12, v10  }
0xcd: {  	s26 =	sand.u32 $0x1C00, s24;
	v15 =	vadd.f32 v16, v15  }
0xce: {  	s3 =	sor.u32 s25, s26;
	v11 =	vadd.f32 v12, v11  }
0xcf: {  	[tilespmem:s3+$0x1000] =	vst.add.f32.msk $0xffff, v15;
	v12 =	vmul.f32 v13, v3;
	v15 =	vmul.f32 v14, v4  }
0xd0: {  	[tilespmem:s3+$0x5000] =	vst.add.f32.msk $0xffff, v11;
	v11 =	vmul.f32 v13, v5;
	v13 =	vmul.f32 v14, v6  }
0xd1: {  	v14 =	vld [tilespmem:s21+$0x13400];
	v12 =	vadd.f32 v15, v12  }
0xd2: {  	v15 =	vld [tilespmem:s21+$0x17400];
	v11 =	vadd.f32 v13, v11  }
0xd3: {  	[tilespmem:s19+$0x1300] =	vst.add.f32.msk $0xffff, v12  }
0xd4: {  	[tilespmem:s19+$0x5300] =	vst.add.f32.msk $0xffff, v11  }
0xd5: {  	v11 =	vld [tilespmem:s20+$0x14C00]  }
0xd6: {  	v12 =	vld [tilespmem:s20+$0x18C00]  }
0xd7: {  	v13 =	vmul.f32 v14, v7;
	v16 =	vmul.f32 v15, v8  }
0xd8: {  	v14 =	vmul.f32 v14, v9;
	v15 =	vmul.f32 v15, v10  }
0xd9: {  	v13 =	vadd.f32 v16, v13  }
0xda: {  	v14 =	vadd.f32 v15, v14  }
0xdb: {  	v15 =	vmul.f32 v12, v4;
	[tilespmem:s3+$0x1080] =	vst.add.f32.msk $0xffff, v13;
	v13 =	vmul.f32 v11, v3  }
0xdc: {  	v12 =	vmul.f32 v12, v6;
	[tilespmem:s3+$0x5080] =	vst.add.f32.msk $0xffff, v14;
	v11 =	vmul.f32 v11, v5  }
0xdd: {  	s0 =	sor.u32 s0, s0;
	v14 =	vld [tilespmem:s21+$0x13800];
	v13 =	vadd.f32 v15, v13  }
0xde: {  	s0 =	sor.u32 $0x380, s0;
	v15 =	vld [tilespmem:s21+$0x17800];
	v11 =	vadd.f32 v12, v11  }
0xdf: {  	[tilespmem:s0+$0x1000] =	vst.add.f32.msk $0xffff, v13  }
0xe0: {  	[tilespmem:s19+$0x5380] =	vst.add.f32.msk $0xffff, v11  }
0xe1: {  	v11 =	vld [tilespmem:s20+$0x15000]  }
0xe2: {  	v12 =	vld [tilespmem:s20+$0x19000]  }
0xe3: {  	v13 =	vmul.f32 v14, v7;
	v16 =	vmul.f32 v15, v8  }
0xe4: {  	v14 =	vmul.f32 v14, v9;
	v15 =	vmul.f32 v15, v10  }
0xe5: {  	v13 =	vadd.f32 v16, v13  }
0xe6: {  	v14 =	vadd.f32 v15, v14  }
0xe7: {  	[tilespmem:s3+$0x1100] =	vst.add.f32.msk $0xffff, v13;
	v13 =	vmul.f32 v11, v3;
	v15 =	vmul.f32 v12, v4  }
0xe8: {  	[tilespmem:s3+$0x5100] =	vst.add.f32.msk $0xffff, v14;
	v11 =	vmul.f32 v11, v5;
	v12 =	vmul.f32 v12, v6  }
0xe9: {  	v14 =	vld [tilespmem:s21+$0x13C00];
	v13 =	vadd.f32 v15, v13  }
0xea: {  	v15 =	vld [tilespmem:s21+$0x17C00];
	v11 =	vadd.f32 v12, v11  }
0xeb: {  	[tilespmem:s19+$0x3000] =	vst.add.f32.msk $0xffff, v13  }
0xec: {  	[tilespmem:s19+$0x7000] =	vst.add.f32.msk $0xffff, v11  }
0xed: {  	v11 =	vld [tilespmem:s20+$0x15400]  }
0xee: {  	v12 =	vld [tilespmem:s20+$0x19400]  }
0xef: {  	v13 =	vmul.f32 v14, v7;
	v16 =	vmul.f32 v15, v8  }
0xf0: {  	v14 =	vmul.f32 v14, v9;
	v15 =	vmul.f32 v15, v10  }
0xf1: {  	v13 =	vadd.f32 v16, v13  }
0xf2: {  	v14 =	vadd.f32 v15, v14  }
0xf3: {  	v15 =	vmul.f32 v12, v4;
	[tilespmem:s3+$0x1180] =	vst.add.f32.msk $0xffff, v13;
	v13 =	vmul.f32 v11, v3  }
0xf4: {  	v12 =	vmul.f32 v12, v6;
	[tilespmem:s3+$0x5180] =	vst.add.f32.msk $0xffff, v14;
	v11 =	vmul.f32 v11, v5  }
0xf5: {  	v14 =	vld [tilespmem:s21+$0x14000];
	v13 =	vadd.f32 v15, v13  }
0xf6: {  	v15 =	vld [tilespmem:s21+$0x18000];
	v11 =	vadd.f32 v12, v11  }
0xf7: {  	[tilespmem:s19+$0x3080] =	vst.add.f32.msk $0xffff, v13  }
0xf8: {  	[tilespmem:s19+$0x7080] =	vst.add.f32.msk $0xffff, v11  }
0xf9: {  	v11 =	vld [tilespmem:s20+$0x15800]  }
0xfa: {  	v12 =	vld [tilespmem:s20+$0x19800]  }
0xfb: {  	s1 =	simm.s32 $0x20;
	v13 =	vmul.f32 v14, v7;
	v16 =	vmul.f32 v15, v8  }
0xfc: {  	s31 =	simm.s32 $0x13020;
	s22 =	sand.u32 $0x380, s1;
	s25 =	sand.u32 $0x70, s1;
	v14 =	vmul.f32 v14, v9;
	v15 =	vmul.f32 v15, v10  }
0xfd: {  	v17 =	vld [tilespmem:s31+$0x0];
	s30 =	sor.u32 s25, s22;
	v13 =	vadd.f32 v16, v13  }
0xfe: {  	v16 =	vld [tilespmem:s30+$0x17000];
	v14 =	vadd.f32 v15, v14  }
0xff: {  	v15 =	vmul.f32 v12, v4;
	[tilespmem:s3+$0x1200] =	vst.add.f32.msk $0xffff, v13;
	v13 =	vmul.f32 v11, v3  }
0x100: {  	v12 =	vmul.f32 v12, v6;
	[tilespmem:s3+$0x5200] =	vst.add.f32.msk $0xffff, v14;
	v11 =	vmul.f32 v11, v5  }
0x101: {  	v14 =	vld [tilespmem:s21+$0x14400];
	v13 =	vadd.f32 v15, v13  }
0x102: {  	v15 =	vld [tilespmem:s21+$0x18400];
	v11 =	vadd.f32 v12, v11  }
0x103: {  	[tilespmem:s19+$0x3100] =	vst.add.f32.msk $0xffff, v13  }
0x104: {  	[tilespmem:s19+$0x7100] =	vst.add.f32.msk $0xffff, v11  }
0x105: {  	s0 =	sadd.s32 s22, s18;
	v18 =	vld [tilespmem:s20+$0x15C00]  }
0x106: {  	s0 =	sadd.s32 s25, s0;
	v19 =	vld [tilespmem:s20+$0x19C00]  }
0x107: {  	v12 =	vld [tilespmem:s0+$0x0];
	v13 =	vmul.f32 v14, v7;
	v20 =	vmul.f32 v15, v8  }
0x108: {  	v11 =	vld [tilespmem:s0+$0x400];
	v21 =	vmul.f32 v14, v9;
	v15 =	vmul.f32 v15, v10  }
0x109: {  	v14 =	vld [tilespmem:s0+$0x800];
	v20 =	vadd.f32 v20, v13  }
0x10a: {  	v13 =	vld [tilespmem:s0+$0xC00];
	v15 =	vadd.f32 v15, v21  }
0x10b: {  	v21 =	vmul.f32 v19, v4;
	[tilespmem:s3+$0x1280] =	vst.add.f32.msk $0xffff, v20;
	v20 =	vmul.f32 v18, v3  }
0x10c: {  	[tilespmem:s3+$0x5280] =	vst.add.f32.msk $0xffff, v15;
	v15 =	vmul.f32 v18, v5;
	v18 =	vmul.f32 v19, v6  }
0x10d: {  	v19 =	vld [tilespmem:s21+$0x14800];
	v20 =	vadd.f32 v21, v20  }
0x10e: {  	v21 =	vld [tilespmem:s21+$0x18800];
	v15 =	vadd.f32 v18, v15  }
0x10f: {  	v22 =	vmul.f32 v16, v11;
	v18 =	vmul.f32 v17, v12;
	[tilespmem:s19+$0x3180] =	vst.add.f32.msk $0xffff, v20  }
0x110: {  	s22 =	simm.s32 $0x100;
	v17 =	vmul.f32 v17, v14;
	v16 =	vmul.f32 v16, v13;
	[tilespmem:s19+$0x7180] =	vst.add.f32.msk $0xffff, v15  }
0x111: {  	s26 =	sand.u32 $0x1C00, s22;
	v15 =	vadd.f32 v22, v18;
	v18 =	vld [tilespmem:s20+$0x16000]  }
0x112: {  	s0 =	sor.u32 s25, s26;
	v16 =	vadd.f32 v16, v17;
	v17 =	vld [tilespmem:s20+$0x1A000]  }
0x113: {  	[tilespmem:s0+$0x1000] =	vst.add.f32.msk $0xffff, v15;
	v15 =	vmul.f32 v19, v7;
	v20 =	vmul.f32 v21, v8  }
0x114: {  	[tilespmem:s0+$0x5000] =	vst.add.f32.msk $0xffff, v16;
	v16 =	vmul.f32 v19, v9;
	v19 =	vmul.f32 v21, v10  }
0x115: {  	v21 =	vld [tilespmem:s30+$0x13400];
	v15 =	vadd.f32 v20, v15  }
0x116: {  	v20 =	vld [tilespmem:s30+$0x17400];
	v16 =	vadd.f32 v19, v16  }
0x117: {  	v19 =	vmul.f32 v17, v4;
	[tilespmem:s3+$0x1300] =	vst.add.f32.msk $0xffff, v15;
	v15 =	vmul.f32 v18, v3  }
0x118: {  	v17 =	vmul.f32 v17, v6;
	[tilespmem:s3+$0x5300] =	vst.add.f32.msk $0xffff, v16;
	v16 =	vmul.f32 v18, v5  }
0x119: {  	v18 =	vld [tilespmem:s21+$0x14C00];
	v15 =	vadd.f32 v19, v15  }
0x11a: {  	v19 =	vld [tilespmem:s21+$0x18C00];
	v16 =	vadd.f32 v17, v16  }
0x11b: {  	v17 =	vmul.f32 v21, v12;
	v22 =	vmul.f32 v20, v11;
	[tilespmem:s19+$0x3200] =	vst.add.f32.msk $0xffff, v15  }
0x11c: {  	v20 =	vmul.f32 v20, v13;
	v15 =	vmul.f32 v21, v14;
	[tilespmem:s19+$0x7200] =	vst.add.f32.msk $0xffff, v16  }
0x11d: {  	v16 =	vadd.f32 v22, v17;
	v17 =	vld [tilespmem:s20+$0x16400]  }
0x11e: {  	v21 =	vld [tilespmem:s20+$0x1A400];
	v15 =	vadd.f32 v20, v15  }
0x11f: {  	[tilespmem:s0+$0x1080] =	vst.add.f32.msk $0xffff, v16;
	v16 =	vmul.f32 v18, v7;
	v20 =	vmul.f32 v19, v8  }
0x120: {  	[tilespmem:s0+$0x5080] =	vst.add.f32.msk $0xffff, v15;
	v15 =	vmul.f32 v18, v9;
	v18 =	vmul.f32 v19, v10  }
0x121: {  	s23 =	sor.u32 s24, s23;
	v19 =	vld [tilespmem:s30+$0x13800];
	v16 =	vadd.f32 v20, v16  }
0x122: {  	s23 =	sor.u32 $0x380, s23;
	v20 =	vld [tilespmem:s30+$0x17800];
	v15 =	vadd.f32 v18, v15  }
0x123: {  	v22 =	vmul.f32 v17, v3;
	v23 =	vmul.f32 v21, v4;
	[tilespmem:s23+$0x1000] =	vst.add.f32.msk $0xffff, v16  }
0x124: {  	v16 =	vmul.f32 v21, v6;
	[tilespmem:s3+$0x5380] =	vst.add.f32.msk $0xffff, v15;
	v15 =	vmul.f32 v17, v5  }
0x125: {  	s24 =	simm.s32 $0x30;
	s23 =	simm.s32 $0x100;
	v17 =	vadd.f32 v23, v22;
	v18 =	vld [tilespmem:s21+$0x15000]  }
.LBB2_3:
0x126: {  	p0 =	sne.s32 s24, $0x3F0;
	v21 =	vld [tilespmem:s21+$0x19000];
	v15 =	vadd.f32 v16, v15  }
0x127: {  	v16 =	vmul.f32 v19, v12;
	v22 =	vmul.f32 v20, v11;
	[tilespmem:s19+$0x3280] =	vst.add.f32.msk $0xffff, v17  }
0x128: {  	v17 =	vmul.f32 v19, v14;
	v19 =	vmul.f32 v20, v13;
	[tilespmem:s19+$0x7280] =	vst.add.f32.msk $0xffff, v15  }
0x129: {  	v15 =	vadd.f32 v22, v16;
	v16 =	vld [tilespmem:s20+$0x16800]  }
0x12a: {  	v17 =	vadd.f32 v19, v17;
	v19 =	vld [tilespmem:s20+$0x1A800]  }
0x12b: {  	[tilespmem:s0+$0x1100] =	vst.add.f32.msk $0xffff, v15;
	v15 =	vmul.f32 v18, v7;
	v20 =	vmul.f32 v21, v8  }
0x12c: {  	[tilespmem:s0+$0x5100] =	vst.add.f32.msk $0xffff, v17;
	v17 =	vmul.f32 v18, v9;
	v18 =	vmul.f32 v21, v10  }
0x12d: {  	v21 =	vld [tilespmem:s30+$0x13C00];
	v15 =	vadd.f32 v20, v15  }
0x12e: {  	v20 =	vld [tilespmem:s30+$0x17C00];
	v17 =	vadd.f32 v18, v17  }
0x12f: {  	[tilespmem:s3+$0x3000] =	vst.add.f32.msk $0xffff, v15;
	v15 =	vmul.f32 v16, v3;
	v18 =	vmul.f32 v19, v4  }
0x130: {  	v16 =	vmul.f32 v16, v5;
	[tilespmem:s3+$0x7000] =	vst.add.f32.msk $0xffff, v17;
	v17 =	vmul.f32 v19, v6  }
0x131: {  	v19 =	vld [tilespmem:s21+$0x15400];
	v15 =	vadd.f32 v18, v15  }
0x132: {  	v18 =	vld [tilespmem:s21+$0x19400];
	v16 =	vadd.f32 v17, v16  }
0x133: {  	v17 =	vmul.f32 v21, v12;
	v22 =	vmul.f32 v20, v11;
	[tilespmem:s19+$0x3300] =	vst.add.f32.msk $0xffff, v15  }
0x134: {  	v15 =	vmul.f32 v21, v14;
	v20 =	vmul.f32 v20, v13;
	[tilespmem:s19+$0x7300] =	vst.add.f32.msk $0xffff, v16  }
0x135: {  	v16 =	vadd.f32 v22, v17;
	v17 =	vld [tilespmem:s20+$0x16C00]  }
0x136: {  	v15 =	vadd.f32 v20, v15;
	v20 =	vld [tilespmem:s20+$0x1AC00];
	s20 =	smov.u32 s21;
	s21 =	smov.u32 s30  }
0x137: {  	[tilespmem:s0+$0x1180] =	vst.add.f32.msk $0xffff, v16;
	v16 =	vmul.f32 v19, v7;
	v21 =	vmul.f32 v18, v8  }
0x138: {  	v18 =	vmul.f32 v18, v10;
	[tilespmem:s0+$0x5180] =	vst.add.f32.msk $0xffff, v15;
	v15 =	vmul.f32 v19, v9  }
0x139: {  	v19 =	vld [tilespmem:s21+$0x14000];
	v16 =	vadd.f32 v21, v16  }
0x13a: {  	v21 =	vld [tilespmem:s21+$0x18000];
	v15 =	vadd.f32 v18, v15;
	v18 =	vmul.f32 v17, v3;
	v3 =	vmovc v7;
	v7 =	vmov v12  }
0x13b: {  	v12 =	vmul.f32 v17, v5;
	v5 =	vmovc v9;
	v9 =	vmov v14;
	[tilespmem:s3+$0x3080] =	vst.add.f32.msk $0xffff, v16;
	v16 =	vmul.f32 v20, v6  }
0x13c: {  	v14 =	vmul.f32 v20, v4;
	v4 =	vmovc v8;
	v8 =	vmovc v11;
	v6 =	vmov v10;
	v10 =	vmov v13;
	[tilespmem:s3+$0x7080] =	vst.add.f32.msk $0xffff, v15  }
0x13d: {  	v11 =	vld [tilespmem:s20+$0x15800];
	v12 =	vadd.f32 v16, v12  }
0x13e: {  	v14 =	vadd.f32 v14, v18;
	v13 =	vld [tilespmem:s20+$0x19800]  }
0x13f: {  	v15 =	vmul.f32 v19, v7;
	v16 =	vmul.f32 v21, v8;
	[tilespmem:s19+$0x7380] =	vst.add.f32.msk $0xffff, v12  }
0x140: {  	s26 =	sand.u32 $0x380, s24;
	s25 =	sand.u32 $0x70, s24;
	s31 =	sadd.s32 $0x10, s31;
	v12 =	vmul.f32 v19, v9;
	v17 =	vmul.f32 v21, v10;
	[tilespmem:s19+$0x3380] =	vst.add.f32.msk $0xffff, v14  }
0x141: {  	s30 =	sor.u32 s25, s26;
	s19 =	smov.u32 s3;
	s3 =	smov.u32 s0;
	v18 =	vld [tilespmem:s31+$0x0];
	v14 =	vadd.f32 v16, v15  }
0x142: {  	v12 =	vadd.f32 v17, v12;
	v15 =	vld [tilespmem:s30+$0x17000]  }
0x143: {  	[tilespmem:s3+$0x1200] =	vst.add.f32.msk $0xffff, v14;
	v14 =	vmul.f32 v11, v3;
	v16 =	vmul.f32 v13, v4  }
0x144: {  	v11 =	vmul.f32 v11, v5;
	[tilespmem:s3+$0x5200] =	vst.add.f32.msk $0xffff, v12;
	v12 =	vmul.f32 v13, v6  }
0x145: {  	v13 =	vld [tilespmem:s21+$0x14400];
	v14 =	vadd.f32 v16, v14  }
0x146: {  	v16 =	vld [tilespmem:s21+$0x18400];
	v11 =	vadd.f32 v12, v11  }
0x147: {  	[tilespmem:s19+$0x3100] =	vst.add.f32.msk $0xffff, v14  }
0x148: {  	[tilespmem:s19+$0x7100] =	vst.add.f32.msk $0xffff, v11  }
0x149: {  	s0 =	sadd.s32 s26, s18;
	v17 =	vld [tilespmem:s20+$0x15C00]  }
0x14a: {  	s0 =	sadd.s32 s25, s0;
	v19 =	vld [tilespmem:s20+$0x19C00]  }
0x14b: {  	v20 =	vmul.f32 v13, v7;
	v12 =	vld [tilespmem:s0+$0x0];
	v21 =	vmul.f32 v16, v8  }
0x14c: {  	v22 =	vmul.f32 v13, v9;
	v16 =	vmul.f32 v16, v10;
	v11 =	vld [tilespmem:s0+$0x400]  }
0x14d: {  	v14 =	vld [tilespmem:s0+$0x800];
	v20 =	vadd.f32 v21, v20  }
0x14e: {  	v16 =	vadd.f32 v16, v22;
	v13 =	vld [tilespmem:s0+$0xC00]  }
0x14f: {  	[tilespmem:s3+$0x1280] =	vst.add.f32.msk $0xffff, v20;
	v20 =	vmul.f32 v17, v3;
	v21 =	vmul.f32 v19, v4  }
0x150: {  	[tilespmem:s3+$0x5280] =	vst.add.f32.msk $0xffff, v16;
	v16 =	vmul.f32 v17, v5;
	v17 =	vmul.f32 v19, v6  }
0x151: {  	v19 =	vld [tilespmem:s21+$0x14800];
	v20 =	vadd.f32 v21, v20  }
0x152: {  	v21 =	vld [tilespmem:s21+$0x18800];
	v16 =	vadd.f32 v17, v16  }
0x153: {  	v22 =	vmul.f32 v15, v11;
	v17 =	vmul.f32 v18, v12;
	[tilespmem:s19+$0x3180] =	vst.add.f32.msk $0xffff, v20  }
0x154: {  	s22 =	sadd.s32 $0x80, s22;
	v18 =	vmul.f32 v18, v14;
	v15 =	vmul.f32 v15, v13;
	[tilespmem:s19+$0x7180] =	vst.add.f32.msk $0xffff, v16  }
0x155: {  	s0 =	sand.u32 $0x1C00, s22;
	v16 =	vadd.f32 v22, v17;
	v17 =	vld [tilespmem:s20+$0x16000]  }
0x156: {  	s0 =	sor.u32 s25, s0;
	v15 =	vadd.f32 v15, v18;
	v18 =	vld [tilespmem:s20+$0x1A000]  }
0x157: {  	[tilespmem:s0+$0x1000] =	vst.add.f32.msk $0xffff, v16;
	v16 =	vmul.f32 v19, v7;
	v20 =	vmul.f32 v21, v8  }
0x158: {  	[tilespmem:s0+$0x5000] =	vst.add.f32.msk $0xffff, v15;
	v15 =	vmul.f32 v19, v9;
	v19 =	vmul.f32 v21, v10  }
0x159: {  	v21 =	vld [tilespmem:s30+$0x13400];
	v16 =	vadd.f32 v20, v16  }
0x15a: {  	v20 =	vld [tilespmem:s30+$0x17400];
	v15 =	vadd.f32 v19, v15  }
0x15b: {  	[tilespmem:s3+$0x1300] =	vst.add.f32.msk $0xffff, v16;
	v16 =	vmul.f32 v17, v3;
	v19 =	vmul.f32 v18, v4  }
0x15c: {  	[tilespmem:s3+$0x5300] =	vst.add.f32.msk $0xffff, v15;
	v15 =	vmul.f32 v17, v5;
	v17 =	vmul.f32 v18, v6  }
0x15d: {  	v18 =	vld [tilespmem:s21+$0x14C00];
	v16 =	vadd.f32 v19, v16  }
0x15e: {  	v19 =	vld [tilespmem:s21+$0x18C00];
	v15 =	vadd.f32 v17, v15  }
0x15f: {  	v17 =	vmul.f32 v21, v12;
	v22 =	vmul.f32 v20, v11;
	[tilespmem:s19+$0x3200] =	vst.add.f32.msk $0xffff, v16  }
0x160: {  	v16 =	vmul.f32 v21, v14;
	v20 =	vmul.f32 v20, v13;
	[tilespmem:s19+$0x7200] =	vst.add.f32.msk $0xffff, v15  }
0x161: {  	v15 =	vadd.f32 v22, v17;
	v17 =	vld [tilespmem:s20+$0x16400]  }
0x162: {  	v16 =	vadd.f32 v20, v16;
	v21 =	vld [tilespmem:s20+$0x1A400]  }
0x163: {  	[tilespmem:s0+$0x1080] =	vst.add.f32.msk $0xffff, v15;
	v15 =	vmul.f32 v18, v7;
	v20 =	vmul.f32 v19, v8  }
0x164: {  	[tilespmem:s0+$0x5080] =	vst.add.f32.msk $0xffff, v16;
	v16 =	vmul.f32 v18, v9;
	v18 =	vmul.f32 v19, v10  }
.Ltmp0:
0x165: {  	s1 =	sor.u32 s23, s1;
	s23 =	smov.u32 s22;
	v19 =	vld [tilespmem:s30+$0x13800];
	v15 =	vadd.f32 v20, v15;
	(pc) =	sbr.rel @p0 .LBB2_3-.Ltmp0, $4  }
0x166: {  	s25 =	sor.u32 $0x380, s1;
	s1 =	smov.u32 s24;
	v20 =	vld [tilespmem:s30+$0x17800];
	v16 =	vadd.f32 v18, v16  }
0x167: {  	v22 =	vmul.f32 v17, v3;
	[tilespmem:s25+$0x1000] =	vst.add.f32.msk $0xffff, v15;
	v23 =	vmul.f32 v21, v4  }
0x168: {  	v15 =	vmul.f32 v17, v5;
	[tilespmem:s3+$0x5380] =	vst.add.f32.msk $0xffff, v16;
	v16 =	vmul.f32 v21, v6  }
0x169: {  	s24 =	sadd.s32 $0x10, s24;
	v18 =	vld [tilespmem:s21+$0x15000];
	v17 =	vadd.f32 v23, v22  }
0x16a: {  	_ = 	snop  }
0x16b: {  	v21 =	vmul.f32 v19, v12;
	v22 =	vmul.f32 v20, v11  }
0x16c: {  	v19 =	vmul.f32 v19, v14;
	v20 =	vmul.f32 v20, v13  }
0x16d: {  	v21 =	vadd.f32 v22, v21  }
0x16e: {  	v19 =	vadd.f32 v20, v19  }
0x16f: {  	[tilespmem:s0+$0x1100] =	vst.add.f32.msk $0xffff, v21  }
0x170: {  	[tilespmem:s0+$0x5100] =	vst.add.f32.msk $0xffff, v19  }
0x171: {  	v19 =	vld [tilespmem:s30+$0x13C00]  }
0x172: {  	v20 =	vld [tilespmem:s30+$0x17C00];
	_ =	sdelay $0x4  }
0x173: {  	v21 =	vmul.f32 v19, v12;
	v22 =	vmul.f32 v20, v11  }
0x174: {  	v19 =	vmul.f32 v19, v14;
	v20 =	vmul.f32 v20, v13  }
0x175: {  	v21 =	vadd.f32 v22, v21  }
0x176: {  	v19 =	vadd.f32 v20, v19  }
0x177: {  	[tilespmem:s0+$0x1180] =	vst.add.f32.msk $0xffff, v21  }
0x178: {  	[tilespmem:s0+$0x5180] =	vst.add.f32.msk $0xffff, v19  }
0x179: {  	v19 =	vld [tilespmem:s30+$0x14000]  }
0x17a: {  	v20 =	vld [tilespmem:s30+$0x18000];
	_ =	sdelay $0x4  }
0x17b: {  	v21 =	vmul.f32 v19, v12;
	v22 =	vmul.f32 v20, v11  }
0x17c: {  	v19 =	vmul.f32 v19, v14;
	v20 =	vmul.f32 v20, v13  }
0x17d: {  	v21 =	vadd.f32 v22, v21  }
0x17e: {  	v19 =	vadd.f32 v20, v19  }
0x17f: {  	[tilespmem:s0+$0x1200] =	vst.add.f32.msk $0xffff, v21  }
0x180: {  	[tilespmem:s0+$0x5200] =	vst.add.f32.msk $0xffff, v19  }
0x181: {  	v19 =	vld [tilespmem:s30+$0x14400]  }
0x182: {  	v20 =	vld [tilespmem:s30+$0x18400];
	_ =	sdelay $0x4  }
0x183: {  	v21 =	vmul.f32 v19, v12;
	v22 =	vmul.f32 v20, v11  }
0x184: {  	v19 =	vmul.f32 v19, v14;
	v20 =	vmul.f32 v20, v13  }
0x185: {  	v21 =	vadd.f32 v22, v21  }
0x186: {  	v19 =	vadd.f32 v20, v19  }
0x187: {  	[tilespmem:s0+$0x1280] =	vst.add.f32.msk $0xffff, v21  }
0x188: {  	[tilespmem:s0+$0x5280] =	vst.add.f32.msk $0xffff, v19  }
0x189: {  	v19 =	vld [tilespmem:s30+$0x14800]  }
0x18a: {  	v20 =	vld [tilespmem:s30+$0x18800];
	_ =	sdelay $0x4  }
0x18b: {  	v21 =	vmul.f32 v19, v12;
	v22 =	vmul.f32 v20, v11  }
0x18c: {  	v19 =	vmul.f32 v19, v14;
	v20 =	vmul.f32 v20, v13  }
0x18d: {  	v21 =	vadd.f32 v22, v21  }
0x18e: {  	v19 =	vadd.f32 v20, v19  }
0x18f: {  	[tilespmem:s0+$0x1300] =	vst.add.f32.msk $0xffff, v21  }
0x190: {  	[tilespmem:s0+$0x5300] =	vst.add.f32.msk $0xffff, v19  }
0x191: {  	v19 =	vld [tilespmem:s30+$0x14C00]  }
0x192: {  	v20 =	vld [tilespmem:s30+$0x18C00];
	_ =	sdelay $0x4  }
0x193: {  	v21 =	vmul.f32 v19, v12;
	v22 =	vmul.f32 v20, v11  }
0x194: {  	v19 =	vmul.f32 v19, v14;
	v20 =	vmul.f32 v20, v13  }
0x195: {  	s1 =	sor.u32 s23, s1;
	v21 =	vadd.f32 v22, v21  }
0x196: {  	s1 =	sor.u32 $0x380, s1;
	v22 =	vld [tilespmem:s21+$0x19000];
	v19 =	vadd.f32 v20, v19  }
0x197: {  	[tilespmem:s1+$0x1000] =	vst.add.f32.msk $0xffff, v21  }
0x198: {  	[tilespmem:s0+$0x5380] =	vst.add.f32.msk $0xffff, v19  }
0x199: {  	v19 =	vld [tilespmem:s30+$0x15000]  }
0x19a: {  	v20 =	vld [tilespmem:s30+$0x19000]  }
0x19b: {  	v21 =	vmul.f32 v18, v7;
	v23 =	vmul.f32 v22, v8  }
0x19c: {  	v18 =	vmul.f32 v18, v9;
	v22 =	vmul.f32 v22, v10  }
0x19d: {  	v21 =	vadd.f32 v23, v21  }
0x19e: {  	v18 =	vadd.f32 v22, v18  }
0x19f: {  	[tilespmem:s3+$0x3000] =	vst.add.f32.msk $0xffff, v21;
	v21 =	vmul.f32 v19, v12;
	v22 =	vmul.f32 v20, v11  }
0x1a0: {  	[tilespmem:s3+$0x7000] =	vst.add.f32.msk $0xffff, v18;
	v18 =	vmul.f32 v19, v14;
	v19 =	vmul.f32 v20, v13  }
0x1a1: {  	v20 =	vld [tilespmem:s21+$0x15400];
	v21 =	vadd.f32 v22, v21  }
0x1a2: {  	v22 =	vld [tilespmem:s21+$0x19400];
	v18 =	vadd.f32 v19, v18  }
0x1a3: {  	[tilespmem:s0+$0x3000] =	vst.add.f32.msk $0xffff, v21  }
0x1a4: {  	[tilespmem:s0+$0x7000] =	vst.add.f32.msk $0xffff, v18  }
0x1a5: {  	v18 =	vld [tilespmem:s30+$0x15400]  }
0x1a6: {  	v19 =	vld [tilespmem:s30+$0x19400]  }
0x1a7: {  	v21 =	vmul.f32 v20, v7;
	v23 =	vmul.f32 v22, v8  }
0x1a8: {  	v20 =	vmul.f32 v20, v9;
	v22 =	vmul.f32 v22, v10  }
0x1a9: {  	v21 =	vadd.f32 v23, v21  }
0x1aa: {  	v20 =	vadd.f32 v22, v20  }
0x1ab: {  	v22 =	vmul.f32 v19, v11;
	[tilespmem:s3+$0x3080] =	vst.add.f32.msk $0xffff, v21;
	v21 =	vmul.f32 v18, v12  }
0x1ac: {  	v19 =	vmul.f32 v19, v13;
	[tilespmem:s3+$0x7080] =	vst.add.f32.msk $0xffff, v20;
	v18 =	vmul.f32 v18, v14  }
0x1ad: {  	v20 =	vld [tilespmem:s21+$0x15800];
	v21 =	vadd.f32 v22, v21  }
0x1ae: {  	v22 =	vld [tilespmem:s21+$0x19800];
	v18 =	vadd.f32 v19, v18  }
0x1af: {  	[tilespmem:s0+$0x3080] =	vst.add.f32.msk $0xffff, v21  }
0x1b0: {  	[tilespmem:s0+$0x7080] =	vst.add.f32.msk $0xffff, v18  }
0x1b1: {  	v18 =	vld [tilespmem:s30+$0x15800]  }
0x1b2: {  	v19 =	vld [tilespmem:s30+$0x19800]  }
0x1b3: {  	v21 =	vmul.f32 v20, v7;
	v23 =	vmul.f32 v22, v8  }
0x1b4: {  	v20 =	vmul.f32 v20, v9;
	v22 =	vmul.f32 v22, v10  }
0x1b5: {  	v21 =	vadd.f32 v23, v21  }
0x1b6: {  	v20 =	vadd.f32 v22, v20  }
0x1b7: {  	v22 =	vmul.f32 v19, v11;
	[tilespmem:s3+$0x3100] =	vst.add.f32.msk $0xffff, v21;
	v21 =	vmul.f32 v18, v12  }
0x1b8: {  	v19 =	vmul.f32 v19, v13;
	[tilespmem:s3+$0x7100] =	vst.add.f32.msk $0xffff, v20;
	v18 =	vmul.f32 v18, v14  }
0x1b9: {  	v20 =	vld [tilespmem:s21+$0x15C00];
	v21 =	vadd.f32 v22, v21  }
0x1ba: {  	v22 =	vld [tilespmem:s21+$0x19C00];
	v18 =	vadd.f32 v19, v18  }
0x1bb: {  	[tilespmem:s0+$0x3100] =	vst.add.f32.msk $0xffff, v21  }
0x1bc: {  	[tilespmem:s0+$0x7100] =	vst.add.f32.msk $0xffff, v18  }
0x1bd: {  	v18 =	vld [tilespmem:s30+$0x15C00]  }
0x1be: {  	v19 =	vld [tilespmem:s30+$0x19C00]  }
0x1bf: {  	v21 =	vmul.f32 v20, v7;
	v23 =	vmul.f32 v22, v8  }
0x1c0: {  	v20 =	vmul.f32 v20, v9;
	v22 =	vmul.f32 v22, v10  }
0x1c1: {  	v21 =	vadd.f32 v23, v21  }
0x1c2: {  	v20 =	vadd.f32 v22, v20  }
0x1c3: {  	v22 =	vmul.f32 v19, v11;
	[tilespmem:s3+$0x3180] =	vst.add.f32.msk $0xffff, v21;
	v21 =	vmul.f32 v18, v12  }
0x1c4: {  	v19 =	vmul.f32 v19, v13;
	[tilespmem:s3+$0x7180] =	vst.add.f32.msk $0xffff, v20;
	v18 =	vmul.f32 v18, v14  }
0x1c5: {  	v20 =	vld [tilespmem:s21+$0x16000];
	v21 =	vadd.f32 v22, v21  }
0x1c6: {  	v22 =	vld [tilespmem:s21+$0x1A000];
	v18 =	vadd.f32 v19, v18  }
0x1c7: {  	[tilespmem:s0+$0x3180] =	vst.add.f32.msk $0xffff, v21  }
0x1c8: {  	[tilespmem:s0+$0x7180] =	vst.add.f32.msk $0xffff, v18  }
0x1c9: {  	v18 =	vld [tilespmem:s30+$0x16000]  }
0x1ca: {  	v19 =	vld [tilespmem:s30+$0x1A000]  }
0x1cb: {  	v21 =	vmul.f32 v20, v7;
	v23 =	vmul.f32 v22, v8  }
0x1cc: {  	v20 =	vmul.f32 v20, v9;
	v22 =	vmul.f32 v22, v10  }
0x1cd: {  	v21 =	vadd.f32 v23, v21  }
0x1ce: {  	v20 =	vadd.f32 v22, v20  }
0x1cf: {  	v22 =	vmul.f32 v19, v11;
	[tilespmem:s3+$0x3200] =	vst.add.f32.msk $0xffff, v21;
	v21 =	vmul.f32 v18, v12  }
0x1d0: {  	v19 =	vmul.f32 v19, v13;
	[tilespmem:s3+$0x7200] =	vst.add.f32.msk $0xffff, v20;
	v18 =	vmul.f32 v18, v14  }
0x1d1: {  	v20 =	vld [tilespmem:s21+$0x16400];
	v21 =	vadd.f32 v22, v21  }
0x1d2: {  	v22 =	vld [tilespmem:s21+$0x1A400];
	v18 =	vadd.f32 v19, v18  }
0x1d3: {  	[tilespmem:s0+$0x3200] =	vst.add.f32.msk $0xffff, v21  }
0x1d4: {  	[tilespmem:s0+$0x7200] =	vst.add.f32.msk $0xffff, v18  }
0x1d5: {  	v18 =	vld [tilespmem:s30+$0x16400]  }
0x1d6: {  	v15 =	vadd.f32 v16, v15;
	v16 =	vld [tilespmem:s30+$0x1A400]  }
0x1d7: {  	[tilespmem:s19+$0x3280] =	vst.add.f32.msk $0xffff, v17;
	v17 =	vmul.f32 v20, v7;
	v19 =	vmul.f32 v22, v8  }
0x1d8: {  	[tilespmem:s19+$0x7280] =	vst.add.f32.msk $0xffff, v15;
	v15 =	vmul.f32 v20, v9;
	v20 =	vmul.f32 v22, v10  }
0x1d9: {  	v21 =	vld [tilespmem:s20+$0x16800];
	v17 =	vadd.f32 v19, v17  }
0x1da: {  	v19 =	vld [tilespmem:s20+$0x1A800];
	v15 =	vadd.f32 v20, v15  }
0x1db: {  	v20 =	vmul.f32 v16, v11;
	[tilespmem:s3+$0x3280] =	vst.add.f32.msk $0xffff, v17;
	v17 =	vmul.f32 v18, v12  }
0x1dc: {  	v16 =	vmul.f32 v16, v13;
	[tilespmem:s3+$0x7280] =	vst.add.f32.msk $0xffff, v15;
	v15 =	vmul.f32 v18, v14  }
0x1dd: {  	v18 =	vld [tilespmem:s21+$0x16800];
	v17 =	vadd.f32 v20, v17  }
0x1de: {  	v20 =	vld [tilespmem:s21+$0x1A800];
	v15 =	vadd.f32 v16, v15  }
0x1df: {  	v16 =	vmul.f32 v21, v3;
	v22 =	vmul.f32 v19, v4;
	[tilespmem:s0+$0x3280] =	vst.add.f32.msk $0xffff, v17  }
0x1e0: {  	v19 =	vmul.f32 v19, v6;
	v17 =	vmul.f32 v21, v5;
	[tilespmem:s0+$0x7280] =	vst.add.f32.msk $0xffff, v15  }
0x1e1: {  	v15 =	vadd.f32 v22, v16;
	v16 =	vld [tilespmem:s30+$0x16800]  }
0x1e2: {  	v17 =	vadd.f32 v19, v17;
	v19 =	vld [tilespmem:s30+$0x1A800]  }
0x1e3: {  	[tilespmem:s19+$0x3300] =	vst.add.f32.msk $0xffff, v15;
	v15 =	vmul.f32 v18, v7;
	v21 =	vmul.f32 v20, v8  }
0x1e4: {  	[tilespmem:s19+$0x7300] =	vst.add.f32.msk $0xffff, v17;
	v17 =	vmul.f32 v18, v9;
	v18 =	vmul.f32 v20, v10  }
0x1e5: {  	v20 =	vld [tilespmem:s20+$0x16C00];
	v15 =	vadd.f32 v21, v15  }
0x1e6: {  	v21 =	vld [tilespmem:s20+$0x1AC00];
	v17 =	vadd.f32 v18, v17  }
0x1e7: {  	[tilespmem:s3+$0x3300] =	vst.add.f32.msk $0xffff, v15;
	v15 =	vmul.f32 v16, v12;
	v18 =	vmul.f32 v19, v11  }
0x1e8: {  	v16 =	vmul.f32 v16, v14;
	[tilespmem:s3+$0x7300] =	vst.add.f32.msk $0xffff, v17;
	v17 =	vmul.f32 v19, v13  }
0x1e9: {  	v19 =	vld [tilespmem:s21+$0x16C00];
	v15 =	vadd.f32 v18, v15  }
0x1ea: {  	v18 =	vld [tilespmem:s21+$0x1AC00];
	v16 =	vadd.f32 v17, v16  }
0x1eb: {  	[tilespmem:s0+$0x3300] =	vst.add.f32.msk $0xffff, v15  }
0x1ec: {  	[tilespmem:s0+$0x7300] =	vst.add.f32.msk $0xffff, v16  }
0x1ed: {  	v15 =	vld [tilespmem:s30+$0x16C00]  }
0x1ee: {  	v16 =	vld [tilespmem:s30+$0x1AC00]  }
0x1ef: {  	v5 =	vmul.f32 v20, v5;
	v6 =	vmul.f32 v21, v6  }
0x1f0: {  	v3 =	vmul.f32 v20, v3;
	v4 =	vmul.f32 v21, v4  }
0x1f1: {  	v5 =	vadd.f32 v6, v5;
	v6 =	vmul.f32 v19, v9;
	v9 =	vmul.f32 v18, v10  }
0x1f2: {  	v3 =	vadd.f32 v4, v3;
	v4 =	vmul.f32 v19, v7;
	v7 =	vmul.f32 v18, v8  }
0x1f3: {  	[tilespmem:s19+$0x7380] =	vst.add.f32.msk $0xffff, v5;
	v5 =	vadd.f32 v9, v6;
	v6 =	vmul.f32 v15, v14;
	v8 =	vmul.f32 v16, v13  }
0x1f4: {  	[tilespmem:s19+$0x3380] =	vst.add.f32.msk $0xffff, v3;
	v3 =	vadd.f32 v7, v4  }
0x1f5: {  	[tilespmem:s3+$0x7380] =	vst.add.f32.msk $0xffff, v5;
	v5 =	vadd.f32 v8, v6  }
0x1f6: {  	v4 =	vmul.f32 v15, v12;
	v7 =	vmul.f32 v16, v11;
	[tilespmem:s3+$0x3380] =	vst.add.f32.msk $0xffff, v3  }
0x1f7: {  	[tilespmem:s0+$0x7380] =	vst.add.f32.msk $0xffff, v5  }
0x1f8: {  	s20 =	sshll.u32 s6, $0xC;
	v3 =	vadd.f32 v7, v4;
	s1 =	rddreg [dreg:$0x5]  }
0x1f9: {  	s23 =	rddreg [dreg:$0x2];
	s19 =	sor.u32 s1, s20  }
0x1fa: {  	[tilespmem:s0+$0x3380] =	vst.add.f32.msk $0xffff, v3;
	s1 =	simm.s32 $0x0;
	s0 =	sadd.s32 s23, s19  }
0x1fb: {  	[hbm4b:s0+s1] =	stream.linear.scatter [tilespmem:s29], [sflag:$0x3], $0x8000, $0x38;
	[tilespmem:$0x1B000] =	vst v63  }
0x1fc: {  	_ =	swait.ge [sflag:s8], $0x8000  }
0x1fd: {  	[sflag:s8] =	ssyncset.done $0x0  }
0x1fe: {  	[sflag:s8] =	ssyncadd.s32 $0xFFFF8000  }
0x1ff: {  	v3 =	vld [tilespmem:s12+$0x800];
	_ =	sdelay $0x4  }
0x200: {  	v4 =	vshll.u32 v3, $0x3  }
0x201: {  	v3 =	vand.u32 $0x7, v3;
	v4 =	vand.u32 $0xFFFFFFC0, v4  }
0x202: {  	v3 =	vor.u32 v3, v4  }
0x203: {  	v4 =	vperm.xlane v3, v0;
	_ =	sdelay $0x1  }
0x204: {  	v4 =	vadd.s32 v1, v4;
	_ =	sdelay $0x4  }
0x205: {  	[tilespmem:s29], [sflag:$0x1] =	stream.indirect_vreg.gather [hbm4b:s2+s1], $0x80, v4, vm0, $0xb8;
	[tilespmem:$0x1B000] =	vst v63  }
0x206: {  	s24 =	simm.s32 $0x1800;
	v3 =	vperm.xlane v3, v2  }
0x207: {  	[tilespmem:s24], [sflag:$0x1] =	stream.indirect_vreg.gather [hbm4b:s13+s1], $0x80, v4, vm0, $0xb8;
	[tilespmem:$0x1B000] =	vst v63  }
0x208: {  	s25 =	simm.s32 $0x2000;
	v3 =	vadd.s32 v1, v3  }
0x209: {  	[tilespmem:s25], [sflag:$0x1] =	stream.indirect_vreg.gather [hbm4b:s14+s1], $0x80, v4, vm0, $0xb8;
	[tilespmem:$0x1B000] =	vst v63  }
0x20a: {  	s26 =	simm.s32 $0x2800  }
0x20b: {  	[tilespmem:s26], [sflag:$0x1] =	stream.indirect_vreg.gather [hbm4b:s15+s1], $0x80, v4, vm0, $0xb8;
	[tilespmem:$0x1B000] =	vst v63  }
0x20c: {  	s3 =	simm.s32 $0x3000  }
0x20d: {  	[tilespmem:s3], [sflag:$0x1] =	stream.indirect_vreg.gather [hbm4b:s2+s1], $0x80, v3, vm0, $0xb8;
	[tilespmem:$0x1B000] =	vst v63  }
0x20e: {  	s21 =	simm.s32 $0x3800  }
0x20f: {  	[tilespmem:s21], [sflag:$0x1] =	stream.indirect_vreg.gather [hbm4b:s13+s1], $0x80, v3, vm0, $0xb8;
	[tilespmem:$0x1B000] =	vst v63  }
0x210: {  	s22 =	simm.s32 $0x4000  }
0x211: {  	[tilespmem:s22], [sflag:$0x1] =	stream.indirect_vreg.gather [hbm4b:s14+s1], $0x80, v3, vm0, $0xb8;
	[tilespmem:$0x1B000] =	vst v63  }
0x212: {  	s23 =	simm.s32 $0x4800  }
0x213: {  	[tilespmem:s23], [sflag:$0x1] =	stream.indirect_vreg.gather [hbm4b:s15+s1], $0x80, v3, vm0, $0xb8;
	[tilespmem:$0x1B000] =	vst v63  }
0x214: {  	v3 =	vld [tilespmem:s12+$0x810];
	_ =	sdelay $0x4  }
0x215: {  	v4 =	vshll.u32 v3, $0x3  }
0x216: {  	v3 =	vand.u32 $0x7, v3;
	v4 =	vand.u32 $0xFFFFFFC0, v4  }
0x217: {  	v3 =	vor.u32 v3, v4  }
0x218: {  	v4 =	vperm.xlane v3, v0;
	_ =	sdelay $0x1  }
0x219: {  	v4 =	vadd.s32 v1, v4;
	_ =	sdelay $0x3  }
0x21a: {  	s24 =	simm.s32 $0x5000  }
0x21b: {  	[tilespmem:s24], [sflag:$0x1] =	stream.indirect_vreg.gather [hbm4b:s2+s1], $0x80, v4, vm0, $0xb8;
	[tilespmem:$0x1B000] =	vst v63  }
0x21c: {  	s25 =	simm.s32 $0x5800;
	v3 =	vperm.xlane v3, v2  }
0x21d: {  	[tilespmem:s25], [sflag:$0x1] =	stream.indirect_vreg.gather [hbm4b:s13+s1], $0x80, v4, vm0, $0xb8;
	[tilespmem:$0x1B000] =	vst v63  }
0x21e: {  	s26 =	simm.s32 $0x6000;
	v3 =	vadd.s32 v1, v3  }
0x21f: {  	[tilespmem:s26], [sflag:$0x1] =	stream.indirect_vreg.gather [hbm4b:s14+s1], $0x80, v4, vm0, $0xb8;
	[tilespmem:$0x1B000] =	vst v63  }
0x220: {  	s3 =	simm.s32 $0x6800  }
0x221: {  	[tilespmem:s3], [sflag:$0x1] =	stream.indirect_vreg.gather [hbm4b:s15+s1], $0x80, v4, vm0, $0xb8;
	[tilespmem:$0x1B000] =	vst v63  }
0x222: {  	s21 =	simm.s32 $0x7000  }
0x223: {  	[tilespmem:s21], [sflag:$0x1] =	stream.indirect_vreg.gather [hbm4b:s2+s1], $0x80, v3, vm0, $0xb8;
	[tilespmem:$0x1B000] =	vst v63  }
0x224: {  	s22 =	simm.s32 $0x7800  }
0x225: {  	[tilespmem:s22], [sflag:$0x1] =	stream.indirect_vreg.gather [hbm4b:s13+s1], $0x80, v3, vm0, $0xb8;
	[tilespmem:$0x1B000] =	vst v63  }
0x226: {  	s23 =	simm.s32 $0x8000  }
0x227: {  	[tilespmem:s23], [sflag:$0x1] =	stream.indirect_vreg.gather [hbm4b:s14+s1], $0x80, v3, vm0, $0xb8;
	[tilespmem:$0x1B000] =	vst v63  }
0x228: {  	s24 =	simm.s32 $0x8800  }
0x229: {  	[tilespmem:s24], [sflag:$0x1] =	stream.indirect_vreg.gather [hbm4b:s15+s1], $0x80, v3, vm0, $0xb8;
	[tilespmem:$0x1B000] =	vst v63  }
0x22a: {  	_ =	swait.ge [sflag:s9], $0x8000  }
0x22b: {  	s25 =	simm.s32 $0x13000;
	[sflag:s9] =	ssyncset.done $0x0  }
0x22c: {  	s26 =	sand.u32 $0x380, s1;
	s22 =	sand.u32 $0x70, s1;
	[sflag:s9] =	ssyncadd.s32 $0xFFFF8000  }
0x22d: {  	s21 =	sadd.s32 s26, s18;
	s3 =	sor.u32 s22, s26;
	v7 =	vld [tilespmem:s25+$0x0]  }
0x22e: {  	s0 =	sadd.s32 s22, s21;
	v8 =	vld [tilespmem:s3+$0x17000]  }
0x22f: {  	v3 =	vld [tilespmem:s0+$0x0]  }
0x230: {  	v4 =	vld [tilespmem:s0+$0x400]  }
0x231: {  	v5 =	vld [tilespmem:s0+$0x800]  }
0x232: {  	v6 =	vld [tilespmem:s0+$0xC00];
	_ =	sdelay $0x3  }
0x233: {  	v9 =	vmul.f32 v7, v3;
	v10 =	vmul.f32 v8, v4  }
0x234: {  	v7 =	vmul.f32 v7, v5;
	v8 =	vmul.f32 v8, v6  }
0x235: {  	s23 =	sand.u32 $0x1C00, s1;
	v9 =	vadd.f32 v10, v9  }
0x236: {  	s21 =	sor.u32 s22, s23;
	v7 =	vadd.f32 v8, v7  }
0x237: {  	[tilespmem:s21+$0x9000] =	vst.add.f32.msk $0xffff, v9  }
0x238: {  	[tilespmem:s21+$0xD000] =	vst.add.f32.msk $0xffff, v7  }
0x239: {  	v7 =	vld [tilespmem:s3+$0x13400]  }
0x23a: {  	v8 =	vld [tilespmem:s3+$0x17400];
	_ =	sdelay $0x4  }
0x23b: {  	v9 =	vmul.f32 v7, v3;
	v10 =	vmul.f32 v8, v4  }
0x23c: {  	v7 =	vmul.f32 v7, v5;
	v8 =	vmul.f32 v8, v6  }
0x23d: {  	v9 =	vadd.f32 v10, v9  }
0x23e: {  	v7 =	vadd.f32 v8, v7  }
0x23f: {  	[tilespmem:s21+$0x9080] =	vst.add.f32.msk $0xffff, v9  }
0x240: {  	[tilespmem:s21+$0xD080] =	vst.add.f32.msk $0xffff, v7  }
0x241: {  	v7 =	vld [tilespmem:s3+$0x13800]  }
0x242: {  	v8 =	vld [tilespmem:s3+$0x17800];
	_ =	sdelay $0x4  }
0x243: {  	v9 =	vmul.f32 v7, v3;
	v10 =	vmul.f32 v8, v4  }
0x244: {  	v7 =	vmul.f32 v7, v5;
	v8 =	vmul.f32 v8, v6  }
0x245: {  	v9 =	vadd.f32 v10, v9  }
0x246: {  	v7 =	vadd.f32 v8, v7  }
0x247: {  	[tilespmem:s21+$0x9100] =	vst.add.f32.msk $0xffff, v9  }
0x248: {  	[tilespmem:s21+$0xD100] =	vst.add.f32.msk $0xffff, v7  }
0x249: {  	v7 =	vld [tilespmem:s3+$0x13C00]  }
0x24a: {  	v8 =	vld [tilespmem:s3+$0x17C00];
	_ =	sdelay $0x4  }
0x24b: {  	v9 =	vmul.f32 v7, v3;
	v10 =	vmul.f32 v8, v4  }
0x24c: {  	v7 =	vmul.f32 v7, v5;
	v8 =	vmul.f32 v8, v6  }
0x24d: {  	v9 =	vadd.f32 v10, v9  }
0x24e: {  	v7 =	vadd.f32 v8, v7  }
0x24f: {  	[tilespmem:s21+$0x9180] =	vst.add.f32.msk $0xffff, v9  }
0x250: {  	[tilespmem:s21+$0xD180] =	vst.add.f32.msk $0xffff, v7  }
0x251: {  	v7 =	vld [tilespmem:s3+$0x14000]  }
0x252: {  	v8 =	vld [tilespmem:s3+$0x18000];
	_ =	sdelay $0x4  }
0x253: {  	v9 =	vmul.f32 v7, v3;
	v10 =	vmul.f32 v8, v4  }
0x254: {  	v7 =	vmul.f32 v7, v5;
	v8 =	vmul.f32 v8, v6  }
0x255: {  	v9 =	vadd.f32 v10, v9  }
0x256: {  	v7 =	vadd.f32 v8, v7  }
0x257: {  	[tilespmem:s21+$0x9200] =	vst.add.f32.msk $0xffff, v9  }
0x258: {  	[tilespmem:s21+$0xD200] =	vst.add.f32.msk $0xffff, v7  }
0x259: {  	v9 =	vld [tilespmem:s3+$0x14400]  }
0x25a: {  	v10 =	vld [tilespmem:s3+$0x18400]  }
0x25b: {  	s24 =	simm.s32 $0x10  }
0x25c: {  	s26 =	simm.s32 $0x13010;
	s25 =	sand.u32 $0x380, s24;
	s0 =	sand.u32 $0x70, s24  }
0x25d: {  	v11 =	vld [tilespmem:s26+$0x0];
	s31 =	sor.u32 s0, s25;
	s1 =	sadd.s32 s25, s18  }
0x25e: {  	v12 =	vld [tilespmem:s31+$0x17000];
	s1 =	sadd.s32 s0, s1  }
0x25f: {  	v8 =	vld [tilespmem:s1+$0x400];
	v13 =	vmul.f32 v9, v3;
	v14 =	vmul.f32 v10, v4  }
0x260: {  	v7 =	vld [tilespmem:s1+$0x0];
	v15 =	vmul.f32 v9, v5;
	v16 =	vmul.f32 v10, v6  }
0x261: {  	v9 =	vld [tilespmem:s1+$0x800];
	v13 =	vadd.f32 v14, v13  }
0x262: {  	v10 =	vld [tilespmem:s1+$0xC00];
	v14 =	vadd.f32 v16, v15  }
0x263: {  	[tilespmem:s21+$0x9280] =	vst.add.f32.msk $0xffff, v13  }
0x264: {  	[tilespmem:s21+$0xD280] =	vst.add.f32.msk $0xffff, v14  }
0x265: {  	v13 =	vld [tilespmem:s3+$0x14800]  }
0x266: {  	v14 =	vld [tilespmem:s3+$0x18800]  }
0x267: {  	v15 =	vmul.f32 v11, v7;
	v16 =	vmul.f32 v12, v8  }
0x268: {  	s23 =	simm.s32 $0x80;
	v11 =	vmul.f32 v11, v9;
	v12 =	vmul.f32 v12, v10  }
0x269: {  	s1 =	sand.u32 $0x1C00, s23;
	v15 =	vadd.f32 v16, v15  }
0x26a: {  	s30 =	sor.u32 s0, s1;
	v11 =	vadd.f32 v12, v11  }
0x26b: {  	[tilespmem:s30+$0x9000] =	vst.add.f32.msk $0xffff, v15;
	v12 =	vmul.f32 v13, v3;
	v15 =	vmul.f32 v14, v4  }
0x26c: {  	[tilespmem:s30+$0xD000] =	vst.add.f32.msk $0xffff, v11;
	v11 =	vmul.f32 v13, v5;
	v13 =	vmul.f32 v14, v6  }
0x26d: {  	v14 =	vld [tilespmem:s31+$0x13400];
	v12 =	vadd.f32 v15, v12  }
0x26e: {  	v15 =	vld [tilespmem:s31+$0x17400];
	v11 =	vadd.f32 v13, v11  }
0x26f: {  	[tilespmem:s21+$0x9300] =	vst.add.f32.msk $0xffff, v12  }
0x270: {  	[tilespmem:s21+$0xD300] =	vst.add.f32.msk $0xffff, v11  }
0x271: {  	v11 =	vld [tilespmem:s3+$0x14C00]  }
0x272: {  	v12 =	vld [tilespmem:s3+$0x18C00]  }
0x273: {  	v13 =	vmul.f32 v14, v7;
	v16 =	vmul.f32 v15, v8  }
0x274: {  	v14 =	vmul.f32 v14, v9;
	v15 =	vmul.f32 v15, v10  }
0x275: {  	v13 =	vadd.f32 v16, v13  }
0x276: {  	v14 =	vadd.f32 v15, v14  }
0x277: {  	v15 =	vmul.f32 v12, v4;
	[tilespmem:s30+$0x9080] =	vst.add.f32.msk $0xffff, v13;
	v13 =	vmul.f32 v11, v3  }
0x278: {  	v12 =	vmul.f32 v12, v6;
	[tilespmem:s30+$0xD080] =	vst.add.f32.msk $0xffff, v14;
	v11 =	vmul.f32 v11, v5  }
0x279: {  	v14 =	vld [tilespmem:s31+$0x13800];
	v13 =	vadd.f32 v15, v13  }
0x27a: {  	v15 =	vld [tilespmem:s31+$0x17800];
	v11 =	vadd.f32 v12, v11  }
0x27b: {  	[tilespmem:s21+$0x9380] =	vst.add.f32.msk $0xffff, v13  }
0x27c: {  	[tilespmem:s21+$0xD380] =	vst.add.f32.msk $0xffff, v11  }
0x27d: {  	v11 =	vld [tilespmem:s3+$0x15000]  }
0x27e: {  	v12 =	vld [tilespmem:s3+$0x19000]  }
0x27f: {  	v13 =	vmul.f32 v14, v7;
	v16 =	vmul.f32 v15, v8  }
0x280: {  	v14 =	vmul.f32 v14, v9;
	v15 =	vmul.f32 v15, v10  }
0x281: {  	v13 =	vadd.f32 v16, v13  }
0x282: {  	v14 =	vadd.f32 v15, v14  }
0x283: {  	v15 =	vmul.f32 v12, v4;
	[tilespmem:s30+$0x9100] =	vst.add.f32.msk $0xffff, v13;
	v13 =	vmul.f32 v11, v3  }
0x284: {  	v12 =	vmul.f32 v12, v6;
	[tilespmem:s30+$0xD100] =	vst.add.f32.msk $0xffff, v14;
	v11 =	vmul.f32 v11, v5  }
0x285: {  	v14 =	vld [tilespmem:s31+$0x13C00];
	v13 =	vadd.f32 v15, v13  }
0x286: {  	v15 =	vld [tilespmem:s31+$0x17C00];
	v11 =	vadd.f32 v12, v11  }
0x287: {  	[tilespmem:s21+$0xB000] =	vst.add.f32.msk $0xffff, v13  }
0x288: {  	[tilespmem:s21+$0xF000] =	vst.add.f32.msk $0xffff, v11  }
0x289: {  	v11 =	vld [tilespmem:s3+$0x15400]  }
0x28a: {  	v12 =	vld [tilespmem:s3+$0x19400]  }
0x28b: {  	v13 =	vmul.f32 v14, v7;
	v16 =	vmul.f32 v15, v8  }
0x28c: {  	v14 =	vmul.f32 v14, v9;
	v15 =	vmul.f32 v15, v10  }
0x28d: {  	v13 =	vadd.f32 v16, v13  }
0x28e: {  	v14 =	vadd.f32 v15, v14  }
0x28f: {  	v15 =	vmul.f32 v12, v4;
	[tilespmem:s30+$0x9180] =	vst.add.f32.msk $0xffff, v13;
	v13 =	vmul.f32 v11, v3  }
0x290: {  	v12 =	vmul.f32 v12, v6;
	[tilespmem:s30+$0xD180] =	vst.add.f32.msk $0xffff, v14;
	v11 =	vmul.f32 v11, v5  }
0x291: {  	v14 =	vld [tilespmem:s31+$0x14000];
	v13 =	vadd.f32 v15, v13  }
0x292: {  	v15 =	vld [tilespmem:s31+$0x18000];
	v11 =	vadd.f32 v12, v11  }
0x293: {  	[tilespmem:s21+$0xB080] =	vst.add.f32.msk $0xffff, v13  }
0x294: {  	[tilespmem:s21+$0xF080] =	vst.add.f32.msk $0xffff, v11  }
0x295: {  	v11 =	vld [tilespmem:s3+$0x15800]  }
0x296: {  	v12 =	vld [tilespmem:s3+$0x19800]  }
0x297: {  	s24 =	simm.s32 $0x20;
	v13 =	vmul.f32 v14, v7;
	v16 =	vmul.f32 v15, v8  }
0x298: {  	s22 =	simm.s32 $0x13020;
	s25 =	sand.u32 $0x380, s24;
	s24 =	sand.u32 $0x70, s24;
	v14 =	vmul.f32 v14, v9;
	v15 =	vmul.f32 v15, v10  }
0x299: {  	v17 =	vld [tilespmem:s22+$0x0];
	s0 =	sor.u32 s24, s25;
	v13 =	vadd.f32 v16, v13  }
0x29a: {  	v16 =	vld [tilespmem:s0+$0x17000];
	v14 =	vadd.f32 v15, v14  }
0x29b: {  	v15 =	vmul.f32 v12, v4;
	[tilespmem:s30+$0x9200] =	vst.add.f32.msk $0xffff, v13;
	v13 =	vmul.f32 v11, v3  }
0x29c: {  	v12 =	vmul.f32 v12, v6;
	[tilespmem:s30+$0xD200] =	vst.add.f32.msk $0xffff, v14;
	v11 =	vmul.f32 v11, v5  }
0x29d: {  	v14 =	vld [tilespmem:s31+$0x14400];
	v13 =	vadd.f32 v15, v13  }
0x29e: {  	v15 =	vld [tilespmem:s31+$0x18400];
	v11 =	vadd.f32 v12, v11  }
0x29f: {  	[tilespmem:s21+$0xB100] =	vst.add.f32.msk $0xffff, v13  }
0x2a0: {  	[tilespmem:s21+$0xF100] =	vst.add.f32.msk $0xffff, v11  }
0x2a1: {  	s1 =	sadd.s32 s25, s18;
	v18 =	vld [tilespmem:s3+$0x15C00]  }
0x2a2: {  	s1 =	sadd.s32 s24, s1;
	v19 =	vld [tilespmem:s3+$0x19C00]  }
0x2a3: {  	v12 =	vld [tilespmem:s1+$0x0];
	v13 =	vmul.f32 v14, v7;
	v20 =	vmul.f32 v15, v8  }
0x2a4: {  	v11 =	vld [tilespmem:s1+$0x400];
	v21 =	vmul.f32 v14, v9;
	v15 =	vmul.f32 v15, v10  }
0x2a5: {  	v14 =	vld [tilespmem:s1+$0x800];
	v20 =	vadd.f32 v20, v13  }
0x2a6: {  	v13 =	vld [tilespmem:s1+$0xC00];
	v15 =	vadd.f32 v15, v21  }
0x2a7: {  	v21 =	vmul.f32 v19, v4;
	[tilespmem:s30+$0x9280] =	vst.add.f32.msk $0xffff, v20;
	v20 =	vmul.f32 v18, v3  }
0x2a8: {  	[tilespmem:s30+$0xD280] =	vst.add.f32.msk $0xffff, v15;
	v15 =	vmul.f32 v18, v5;
	v18 =	vmul.f32 v19, v6  }
0x2a9: {  	v19 =	vld [tilespmem:s31+$0x14800];
	v20 =	vadd.f32 v21, v20  }
0x2aa: {  	v21 =	vld [tilespmem:s31+$0x18800];
	v15 =	vadd.f32 v18, v15  }
0x2ab: {  	v22 =	vmul.f32 v16, v11;
	v18 =	vmul.f32 v17, v12;
	[tilespmem:s21+$0xB180] =	vst.add.f32.msk $0xffff, v20  }
0x2ac: {  	s23 =	simm.s32 $0x100;
	v17 =	vmul.f32 v17, v14;
	v16 =	vmul.f32 v16, v13;
	[tilespmem:s21+$0xF180] =	vst.add.f32.msk $0xffff, v15  }
0x2ad: {  	s26 =	sand.u32 $0x1C00, s23;
	v15 =	vadd.f32 v22, v18;
	v18 =	vld [tilespmem:s3+$0x16000]  }
0x2ae: {  	s1 =	sor.u32 s24, s26;
	v16 =	vadd.f32 v16, v17;
	v17 =	vld [tilespmem:s3+$0x1A000]  }
0x2af: {  	[tilespmem:s1+$0x9000] =	vst.add.f32.msk $0xffff, v15;
	v15 =	vmul.f32 v19, v7;
	v20 =	vmul.f32 v21, v8  }
0x2b0: {  	[tilespmem:s1+$0xD000] =	vst.add.f32.msk $0xffff, v16;
	v16 =	vmul.f32 v19, v9;
	v19 =	vmul.f32 v21, v10  }
0x2b1: {  	v21 =	vld [tilespmem:s0+$0x13400];
	v15 =	vadd.f32 v20, v15  }
0x2b2: {  	v20 =	vld [tilespmem:s0+$0x17400];
	v16 =	vadd.f32 v19, v16  }
0x2b3: {  	v19 =	vmul.f32 v17, v4;
	[tilespmem:s30+$0x9300] =	vst.add.f32.msk $0xffff, v15;
	v15 =	vmul.f32 v18, v3  }
0x2b4: {  	v17 =	vmul.f32 v17, v6;
	[tilespmem:s30+$0xD300] =	vst.add.f32.msk $0xffff, v16;
	v16 =	vmul.f32 v18, v5  }
0x2b5: {  	v18 =	vld [tilespmem:s31+$0x14C00];
	v15 =	vadd.f32 v19, v15  }
0x2b6: {  	v19 =	vld [tilespmem:s31+$0x18C00];
	v16 =	vadd.f32 v17, v16  }
0x2b7: {  	v17 =	vmul.f32 v21, v12;
	v22 =	vmul.f32 v20, v11;
	[tilespmem:s21+$0xB200] =	vst.add.f32.msk $0xffff, v15  }
0x2b8: {  	v20 =	vmul.f32 v20, v13;
	v15 =	vmul.f32 v21, v14;
	[tilespmem:s21+$0xF200] =	vst.add.f32.msk $0xffff, v16  }
0x2b9: {  	v16 =	vadd.f32 v22, v17;
	v17 =	vld [tilespmem:s3+$0x16400]  }
0x2ba: {  	v21 =	vld [tilespmem:s3+$0x1A400];
	v15 =	vadd.f32 v20, v15  }
0x2bb: {  	[tilespmem:s1+$0x9080] =	vst.add.f32.msk $0xffff, v16;
	v16 =	vmul.f32 v18, v7;
	v20 =	vmul.f32 v19, v8  }
0x2bc: {  	[tilespmem:s1+$0xD080] =	vst.add.f32.msk $0xffff, v15;
	v15 =	vmul.f32 v18, v9;
	v18 =	vmul.f32 v19, v10  }
0x2bd: {  	v19 =	vld [tilespmem:s0+$0x13800];
	v16 =	vadd.f32 v20, v16  }
0x2be: {  	v20 =	vld [tilespmem:s0+$0x17800];
	v15 =	vadd.f32 v18, v15  }
0x2bf: {  	v22 =	vmul.f32 v17, v3;
	v23 =	vmul.f32 v21, v4;
	[tilespmem:s30+$0x9380] =	vst.add.f32.msk $0xffff, v16  }
0x2c0: {  	v16 =	vmul.f32 v21, v6;
	[tilespmem:s30+$0xD380] =	vst.add.f32.msk $0xffff, v15;
	v15 =	vmul.f32 v17, v5  }
0x2c1: {  	s24 =	simm.s32 $0x30;
	v17 =	vadd.f32 v23, v22;
	v18 =	vld [tilespmem:s31+$0x15000]  }
.LBB2_5:
0x2c2: {  	p0 =	sne.s32 s24, $0x3F0;
	v21 =	vld [tilespmem:s31+$0x19000];
	v15 =	vadd.f32 v16, v15  }
0x2c3: {  	v16 =	vmul.f32 v19, v12;
	v22 =	vmul.f32 v20, v11;
	[tilespmem:s21+$0xB280] =	vst.add.f32.msk $0xffff, v17  }
0x2c4: {  	v17 =	vmul.f32 v19, v14;
	v19 =	vmul.f32 v20, v13;
	[tilespmem:s21+$0xF280] =	vst.add.f32.msk $0xffff, v15  }
0x2c5: {  	v15 =	vadd.f32 v22, v16;
	v16 =	vld [tilespmem:s3+$0x16800]  }
0x2c6: {  	v17 =	vadd.f32 v19, v17;
	v19 =	vld [tilespmem:s3+$0x1A800]  }
0x2c7: {  	[tilespmem:s1+$0x9100] =	vst.add.f32.msk $0xffff, v15;
	v15 =	vmul.f32 v18, v7;
	v20 =	vmul.f32 v21, v8  }
0x2c8: {  	[tilespmem:s1+$0xD100] =	vst.add.f32.msk $0xffff, v17;
	v17 =	vmul.f32 v18, v9;
	v18 =	vmul.f32 v21, v10  }
0x2c9: {  	v21 =	vld [tilespmem:s0+$0x13C00];
	v15 =	vadd.f32 v20, v15  }
0x2ca: {  	v20 =	vld [tilespmem:s0+$0x17C00];
	v17 =	vadd.f32 v18, v17  }
0x2cb: {  	[tilespmem:s30+$0xB000] =	vst.add.f32.msk $0xffff, v15;
	v15 =	vmul.f32 v16, v3;
	v18 =	vmul.f32 v19, v4  }
0x2cc: {  	v16 =	vmul.f32 v16, v5;
	[tilespmem:s30+$0xF000] =	vst.add.f32.msk $0xffff, v17;
	v17 =	vmul.f32 v19, v6  }
0x2cd: {  	v19 =	vld [tilespmem:s31+$0x15400];
	v15 =	vadd.f32 v18, v15  }
0x2ce: {  	v18 =	vld [tilespmem:s31+$0x19400];
	v16 =	vadd.f32 v17, v16  }
0x2cf: {  	v17 =	vmul.f32 v21, v12;
	v22 =	vmul.f32 v20, v11;
	[tilespmem:s21+$0xB300] =	vst.add.f32.msk $0xffff, v15  }
0x2d0: {  	v15 =	vmul.f32 v21, v14;
	v20 =	vmul.f32 v20, v13;
	[tilespmem:s21+$0xF300] =	vst.add.f32.msk $0xffff, v16  }
0x2d1: {  	v16 =	vadd.f32 v22, v17;
	v17 =	vld [tilespmem:s3+$0x16C00]  }
0x2d2: {  	v15 =	vadd.f32 v20, v15;
	v20 =	vld [tilespmem:s3+$0x1AC00];
	s3 =	smov.u32 s31;
	s31 =	smov.u32 s0  }
0x2d3: {  	[tilespmem:s1+$0x9180] =	vst.add.f32.msk $0xffff, v16;
	v16 =	vmul.f32 v19, v7;
	v21 =	vmul.f32 v18, v8  }
0x2d4: {  	v18 =	vmul.f32 v18, v10;
	[tilespmem:s1+$0xD180] =	vst.add.f32.msk $0xffff, v15;
	v15 =	vmul.f32 v19, v9  }
0x2d5: {  	v19 =	vld [tilespmem:s31+$0x14000];
	v16 =	vadd.f32 v21, v16  }
0x2d6: {  	v21 =	vld [tilespmem:s31+$0x18000];
	v15 =	vadd.f32 v18, v15;
	v18 =	vmul.f32 v17, v3;
	v3 =	vmovc v7;
	v7 =	vmov v12  }
0x2d7: {  	v12 =	vmul.f32 v17, v5;
	v5 =	vmovc v9;
	v9 =	vmov v14;
	[tilespmem:s30+$0xB080] =	vst.add.f32.msk $0xffff, v16;
	v16 =	vmul.f32 v20, v6  }
0x2d8: {  	v14 =	vmul.f32 v20, v4;
	v4 =	vmovc v8;
	v8 =	vmovc v11;
	v6 =	vmov v10;
	v10 =	vmov v13;
	[tilespmem:s30+$0xF080] =	vst.add.f32.msk $0xffff, v15  }
0x2d9: {  	v11 =	vld [tilespmem:s3+$0x15800];
	v12 =	vadd.f32 v16, v12  }
0x2da: {  	v14 =	vadd.f32 v14, v18;
	v13 =	vld [tilespmem:s3+$0x19800]  }
0x2db: {  	v15 =	vmul.f32 v19, v7;
	v16 =	vmul.f32 v21, v8;
	[tilespmem:s21+$0xF380] =	vst.add.f32.msk $0xffff, v12  }
0x2dc: {  	s26 =	sand.u32 $0x380, s24;
	s25 =	sand.u32 $0x70, s24;
	s22 =	sadd.s32 $0x10, s22;
	v12 =	vmul.f32 v19, v9;
	v17 =	vmul.f32 v21, v10;
	[tilespmem:s21+$0xB380] =	vst.add.f32.msk $0xffff, v14  }
0x2dd: {  	s0 =	sor.u32 s25, s26;
	s21 =	smov.u32 s30;
	s30 =	smov.u32 s1;
	v18 =	vld [tilespmem:s22+$0x0];
	v14 =	vadd.f32 v16, v15  }
0x2de: {  	v12 =	vadd.f32 v17, v12;
	v15 =	vld [tilespmem:s0+$0x17000]  }
0x2df: {  	[tilespmem:s30+$0x9200] =	vst.add.f32.msk $0xffff, v14;
	v14 =	vmul.f32 v11, v3;
	v16 =	vmul.f32 v13, v4  }
0x2e0: {  	v11 =	vmul.f32 v11, v5;
	[tilespmem:s30+$0xD200] =	vst.add.f32.msk $0xffff, v12;
	v12 =	vmul.f32 v13, v6  }
0x2e1: {  	v13 =	vld [tilespmem:s31+$0x14400];
	v14 =	vadd.f32 v16, v14  }
0x2e2: {  	v16 =	vld [tilespmem:s31+$0x18400];
	v11 =	vadd.f32 v12, v11  }
0x2e3: {  	[tilespmem:s21+$0xB100] =	vst.add.f32.msk $0xffff, v14  }
0x2e4: {  	[tilespmem:s21+$0xF100] =	vst.add.f32.msk $0xffff, v11  }
0x2e5: {  	s1 =	sadd.s32 s26, s18;
	v17 =	vld [tilespmem:s3+$0x15C00]  }
0x2e6: {  	s1 =	sadd.s32 s25, s1;
	v19 =	vld [tilespmem:s3+$0x19C00]  }
0x2e7: {  	v20 =	vmul.f32 v13, v7;
	v12 =	vld [tilespmem:s1+$0x0];
	v21 =	vmul.f32 v16, v8  }
0x2e8: {  	v22 =	vmul.f32 v13, v9;
	v16 =	vmul.f32 v16, v10;
	v11 =	vld [tilespmem:s1+$0x400]  }
0x2e9: {  	v14 =	vld [tilespmem:s1+$0x800];
	v20 =	vadd.f32 v21, v20  }
0x2ea: {  	v16 =	vadd.f32 v16, v22;
	v13 =	vld [tilespmem:s1+$0xC00]  }
0x2eb: {  	[tilespmem:s30+$0x9280] =	vst.add.f32.msk $0xffff, v20;
	v20 =	vmul.f32 v17, v3;
	v21 =	vmul.f32 v19, v4  }
0x2ec: {  	[tilespmem:s30+$0xD280] =	vst.add.f32.msk $0xffff, v16;
	v16 =	vmul.f32 v17, v5;
	v17 =	vmul.f32 v19, v6  }
0x2ed: {  	v19 =	vld [tilespmem:s31+$0x14800];
	v20 =	vadd.f32 v21, v20  }
0x2ee: {  	v21 =	vld [tilespmem:s31+$0x18800];
	v16 =	vadd.f32 v17, v16  }
0x2ef: {  	v22 =	vmul.f32 v15, v11;
	v17 =	vmul.f32 v18, v12;
	[tilespmem:s21+$0xB180] =	vst.add.f32.msk $0xffff, v20  }
0x2f0: {  	s23 =	sadd.s32 $0x80, s23;
	v18 =	vmul.f32 v18, v14;
	v15 =	vmul.f32 v15, v13;
	[tilespmem:s21+$0xF180] =	vst.add.f32.msk $0xffff, v16  }
0x2f1: {  	s1 =	sand.u32 $0x1C00, s23;
	v16 =	vadd.f32 v22, v17;
	v17 =	vld [tilespmem:s3+$0x16000]  }
0x2f2: {  	s1 =	sor.u32 s25, s1;
	v15 =	vadd.f32 v15, v18;
	v18 =	vld [tilespmem:s3+$0x1A000]  }
0x2f3: {  	[tilespmem:s1+$0x9000] =	vst.add.f32.msk $0xffff, v16;
	v16 =	vmul.f32 v19, v7;
	v20 =	vmul.f32 v21, v8  }
0x2f4: {  	[tilespmem:s1+$0xD000] =	vst.add.f32.msk $0xffff, v15;
	v15 =	vmul.f32 v19, v9;
	v19 =	vmul.f32 v21, v10  }
0x2f5: {  	v21 =	vld [tilespmem:s0+$0x13400];
	v16 =	vadd.f32 v20, v16  }
0x2f6: {  	v20 =	vld [tilespmem:s0+$0x17400];
	v15 =	vadd.f32 v19, v15  }
0x2f7: {  	[tilespmem:s30+$0x9300] =	vst.add.f32.msk $0xffff, v16;
	v16 =	vmul.f32 v17, v3;
	v19 =	vmul.f32 v18, v4  }
0x2f8: {  	[tilespmem:s30+$0xD300] =	vst.add.f32.msk $0xffff, v15;
	v15 =	vmul.f32 v17, v5;
	v17 =	vmul.f32 v18, v6  }
0x2f9: {  	v18 =	vld [tilespmem:s31+$0x14C00];
	v16 =	vadd.f32 v19, v16  }
0x2fa: {  	v19 =	vld [tilespmem:s31+$0x18C00];
	v15 =	vadd.f32 v17, v15  }
0x2fb: {  	v17 =	vmul.f32 v21, v12;
	v22 =	vmul.f32 v20, v11;
	[tilespmem:s21+$0xB200] =	vst.add.f32.msk $0xffff, v16  }
0x2fc: {  	v16 =	vmul.f32 v21, v14;
	v20 =	vmul.f32 v20, v13;
	[tilespmem:s21+$0xF200] =	vst.add.f32.msk $0xffff, v15  }
0x2fd: {  	v15 =	vadd.f32 v22, v17;
	v17 =	vld [tilespmem:s3+$0x16400]  }
0x2fe: {  	v16 =	vadd.f32 v20, v16;
	v21 =	vld [tilespmem:s3+$0x1A400]  }
0x2ff: {  	[tilespmem:s1+$0x9080] =	vst.add.f32.msk $0xffff, v15;
	v15 =	vmul.f32 v18, v7;
	v20 =	vmul.f32 v19, v8  }
0x300: {  	[tilespmem:s1+$0xD080] =	vst.add.f32.msk $0xffff, v16;
	v16 =	vmul.f32 v18, v9;
	v18 =	vmul.f32 v19, v10  }
.Ltmp1:
0x301: {  	v19 =	vld [tilespmem:s0+$0x13800];
	v15 =	vadd.f32 v20, v15;
	(pc) =	sbr.rel @p0 .LBB2_5-.Ltmp1, $4  }
0x302: {  	v20 =	vld [tilespmem:s0+$0x17800];
	v16 =	vadd.f32 v18, v16  }
0x303: {  	v22 =	vmul.f32 v17, v3;
	[tilespmem:s30+$0x9380] =	vst.add.f32.msk $0xffff, v15;
	v23 =	vmul.f32 v21, v4  }
0x304: {  	v15 =	vmul.f32 v17, v5;
	[tilespmem:s30+$0xD380] =	vst.add.f32.msk $0xffff, v16;
	v16 =	vmul.f32 v21, v6  }
0x305: {  	s24 =	sadd.s32 $0x10, s24;
	v18 =	vld [tilespmem:s31+$0x15000];
	v17 =	vadd.f32 v23, v22  }
0x306: {  	_ = 	snop  }
0x307: {  	v21 =	vmul.f32 v19, v12;
	v22 =	vmul.f32 v20, v11  }
0x308: {  	v19 =	vmul.f32 v19, v14;
	v20 =	vmul.f32 v20, v13  }
0x309: {  	v21 =	vadd.f32 v22, v21  }
0x30a: {  	v19 =	vadd.f32 v20, v19  }
0x30b: {  	[tilespmem:s1+$0x9100] =	vst.add.f32.msk $0xffff, v21  }
0x30c: {  	[tilespmem:s1+$0xD100] =	vst.add.f32.msk $0xffff, v19  }
0x30d: {  	v19 =	vld [tilespmem:s0+$0x13C00]  }
0x30e: {  	v20 =	vld [tilespmem:s0+$0x17C00];
	_ =	sdelay $0x4  }
0x30f: {  	v21 =	vmul.f32 v19, v12;
	v22 =	vmul.f32 v20, v11  }
0x310: {  	v19 =	vmul.f32 v19, v14;
	v20 =	vmul.f32 v20, v13  }
0x311: {  	v21 =	vadd.f32 v22, v21  }
0x312: {  	v19 =	vadd.f32 v20, v19  }
0x313: {  	[tilespmem:s1+$0x9180] =	vst.add.f32.msk $0xffff, v21  }
0x314: {  	[tilespmem:s1+$0xD180] =	vst.add.f32.msk $0xffff, v19  }
0x315: {  	v19 =	vld [tilespmem:s0+$0x14000]  }
0x316: {  	v20 =	vld [tilespmem:s0+$0x18000];
	_ =	sdelay $0x4  }
0x317: {  	v21 =	vmul.f32 v19, v12;
	v22 =	vmul.f32 v20, v11  }
0x318: {  	v19 =	vmul.f32 v19, v14;
	v20 =	vmul.f32 v20, v13  }
0x319: {  	v21 =	vadd.f32 v22, v21  }
0x31a: {  	v19 =	vadd.f32 v20, v19  }
0x31b: {  	[tilespmem:s1+$0x9200] =	vst.add.f32.msk $0xffff, v21  }
0x31c: {  	[tilespmem:s1+$0xD200] =	vst.add.f32.msk $0xffff, v19  }
0x31d: {  	v19 =	vld [tilespmem:s0+$0x14400]  }
0x31e: {  	v20 =	vld [tilespmem:s0+$0x18400];
	_ =	sdelay $0x4  }
0x31f: {  	v21 =	vmul.f32 v19, v12;
	v22 =	vmul.f32 v20, v11  }
0x320: {  	v19 =	vmul.f32 v19, v14;
	v20 =	vmul.f32 v20, v13  }
0x321: {  	v21 =	vadd.f32 v22, v21  }
0x322: {  	v19 =	vadd.f32 v20, v19  }
0x323: {  	[tilespmem:s1+$0x9280] =	vst.add.f32.msk $0xffff, v21  }
0x324: {  	[tilespmem:s1+$0xD280] =	vst.add.f32.msk $0xffff, v19  }
0x325: {  	v19 =	vld [tilespmem:s0+$0x14800]  }
0x326: {  	v20 =	vld [tilespmem:s0+$0x18800];
	_ =	sdelay $0x4  }
0x327: {  	v21 =	vmul.f32 v19, v12;
	v22 =	vmul.f32 v20, v11  }
0x328: {  	v19 =	vmul.f32 v19, v14;
	v20 =	vmul.f32 v20, v13  }
0x329: {  	v21 =	vadd.f32 v22, v21  }
0x32a: {  	v19 =	vadd.f32 v20, v19  }
0x32b: {  	[tilespmem:s1+$0x9300] =	vst.add.f32.msk $0xffff, v21  }
0x32c: {  	[tilespmem:s1+$0xD300] =	vst.add.f32.msk $0xffff, v19  }
0x32d: {  	v19 =	vld [tilespmem:s0+$0x14C00]  }
0x32e: {  	v20 =	vld [tilespmem:s0+$0x18C00];
	_ =	sdelay $0x4  }
0x32f: {  	v21 =	vmul.f32 v19, v12;
	v22 =	vmul.f32 v20, v11  }
0x330: {  	v19 =	vmul.f32 v19, v14;
	v20 =	vmul.f32 v20, v13  }
0x331: {  	v21 =	vadd.f32 v22, v21  }
0x332: {  	v22 =	vld [tilespmem:s31+$0x19000];
	v19 =	vadd.f32 v20, v19  }
0x333: {  	[tilespmem:s1+$0x9380] =	vst.add.f32.msk $0xffff, v21  }
0x334: {  	[tilespmem:s1+$0xD380] =	vst.add.f32.msk $0xffff, v19  }
0x335: {  	v19 =	vld [tilespmem:s0+$0x15000]  }
0x336: {  	v20 =	vld [tilespmem:s0+$0x19000]  }
0x337: {  	v21 =	vmul.f32 v18, v7;
	v23 =	vmul.f32 v22, v8  }
0x338: {  	v18 =	vmul.f32 v18, v9;
	v22 =	vmul.f32 v22, v10  }
0x339: {  	v21 =	vadd.f32 v23, v21  }
0x33a: {  	v18 =	vadd.f32 v22, v18  }
0x33b: {  	v22 =	vmul.f32 v20, v11;
	[tilespmem:s30+$0xB000] =	vst.add.f32.msk $0xffff, v21;
	v21 =	vmul.f32 v19, v12  }
0x33c: {  	[tilespmem:s30+$0xF000] =	vst.add.f32.msk $0xffff, v18;
	v18 =	vmul.f32 v19, v14;
	v19 =	vmul.f32 v20, v13  }
0x33d: {  	v20 =	vld [tilespmem:s31+$0x15400];
	v21 =	vadd.f32 v22, v21  }
0x33e: {  	v22 =	vld [tilespmem:s31+$0x19400];
	v18 =	vadd.f32 v19, v18  }
0x33f: {  	[tilespmem:s1+$0xB000] =	vst.add.f32.msk $0xffff, v21  }
0x340: {  	[tilespmem:s1+$0xF000] =	vst.add.f32.msk $0xffff, v18  }
0x341: {  	v18 =	vld [tilespmem:s0+$0x15400]  }
0x342: {  	v19 =	vld [tilespmem:s0+$0x19400]  }
0x343: {  	v21 =	vmul.f32 v20, v7;
	v23 =	vmul.f32 v22, v8  }
0x344: {  	v20 =	vmul.f32 v20, v9;
	v22 =	vmul.f32 v22, v10  }
0x345: {  	v21 =	vadd.f32 v23, v21  }
0x346: {  	v20 =	vadd.f32 v22, v20  }
0x347: {  	v22 =	vmul.f32 v19, v11;
	[tilespmem:s30+$0xB080] =	vst.add.f32.msk $0xffff, v21;
	v21 =	vmul.f32 v18, v12  }
0x348: {  	v19 =	vmul.f32 v19, v13;
	[tilespmem:s30+$0xF080] =	vst.add.f32.msk $0xffff, v20;
	v18 =	vmul.f32 v18, v14  }
0x349: {  	v20 =	vld [tilespmem:s31+$0x15800];
	v21 =	vadd.f32 v22, v21  }
0x34a: {  	v22 =	vld [tilespmem:s31+$0x19800];
	v18 =	vadd.f32 v19, v18  }
0x34b: {  	[tilespmem:s1+$0xB080] =	vst.add.f32.msk $0xffff, v21  }
0x34c: {  	[tilespmem:s1+$0xF080] =	vst.add.f32.msk $0xffff, v18  }
0x34d: {  	v18 =	vld [tilespmem:s0+$0x15800]  }
0x34e: {  	v19 =	vld [tilespmem:s0+$0x19800]  }
0x34f: {  	v21 =	vmul.f32 v20, v7;
	v23 =	vmul.f32 v22, v8  }
0x350: {  	v20 =	vmul.f32 v20, v9;
	v22 =	vmul.f32 v22, v10  }
0x351: {  	v21 =	vadd.f32 v23, v21  }
0x352: {  	v20 =	vadd.f32 v22, v20  }
0x353: {  	v22 =	vmul.f32 v19, v11;
	[tilespmem:s30+$0xB100] =	vst.add.f32.msk $0xffff, v21;
	v21 =	vmul.f32 v18, v12  }
0x354: {  	v19 =	vmul.f32 v19, v13;
	[tilespmem:s30+$0xF100] =	vst.add.f32.msk $0xffff, v20;
	v18 =	vmul.f32 v18, v14  }
0x355: {  	v20 =	vld [tilespmem:s31+$0x15C00];
	v21 =	vadd.f32 v22, v21  }
0x356: {  	v22 =	vld [tilespmem:s31+$0x19C00];
	v18 =	vadd.f32 v19, v18  }
0x357: {  	[tilespmem:s1+$0xB100] =	vst.add.f32.msk $0xffff, v21  }
0x358: {  	[tilespmem:s1+$0xF100] =	vst.add.f32.msk $0xffff, v18  }
0x359: {  	v18 =	vld [tilespmem:s0+$0x15C00]  }
0x35a: {  	v19 =	vld [tilespmem:s0+$0x19C00]  }
0x35b: {  	v21 =	vmul.f32 v20, v7;
	v23 =	vmul.f32 v22, v8  }
0x35c: {  	v20 =	vmul.f32 v20, v9;
	v22 =	vmul.f32 v22, v10  }
0x35d: {  	v21 =	vadd.f32 v23, v21  }
0x35e: {  	v20 =	vadd.f32 v22, v20  }
0x35f: {  	v22 =	vmul.f32 v19, v11;
	[tilespmem:s30+$0xB180] =	vst.add.f32.msk $0xffff, v21;
	v21 =	vmul.f32 v18, v12  }
0x360: {  	v19 =	vmul.f32 v19, v13;
	[tilespmem:s30+$0xF180] =	vst.add.f32.msk $0xffff, v20;
	v18 =	vmul.f32 v18, v14  }
0x361: {  	v20 =	vld [tilespmem:s31+$0x16000];
	v21 =	vadd.f32 v22, v21  }
0x362: {  	v22 =	vld [tilespmem:s31+$0x1A000];
	v18 =	vadd.f32 v19, v18  }
0x363: {  	[tilespmem:s1+$0xB180] =	vst.add.f32.msk $0xffff, v21  }
0x364: {  	[tilespmem:s1+$0xF180] =	vst.add.f32.msk $0xffff, v18  }
0x365: {  	v18 =	vld [tilespmem:s0+$0x16000]  }
0x366: {  	v19 =	vld [tilespmem:s0+$0x1A000]  }
0x367: {  	v21 =	vmul.f32 v20, v7;
	v23 =	vmul.f32 v22, v8  }
0x368: {  	v20 =	vmul.f32 v20, v9;
	v22 =	vmul.f32 v22, v10  }
0x369: {  	v21 =	vadd.f32 v23, v21  }
0x36a: {  	v20 =	vadd.f32 v22, v20  }
0x36b: {  	v22 =	vmul.f32 v19, v11;
	[tilespmem:s30+$0xB200] =	vst.add.f32.msk $0xffff, v21;
	v21 =	vmul.f32 v18, v12  }
0x36c: {  	v19 =	vmul.f32 v19, v13;
	[tilespmem:s30+$0xF200] =	vst.add.f32.msk $0xffff, v20;
	v18 =	vmul.f32 v18, v14  }
0x36d: {  	v20 =	vld [tilespmem:s31+$0x16400];
	v21 =	vadd.f32 v22, v21  }
0x36e: {  	v22 =	vld [tilespmem:s31+$0x1A400];
	v18 =	vadd.f32 v19, v18  }
0x36f: {  	[tilespmem:s1+$0xB200] =	vst.add.f32.msk $0xffff, v21  }
0x370: {  	[tilespmem:s1+$0xF200] =	vst.add.f32.msk $0xffff, v18  }
0x371: {  	v18 =	vld [tilespmem:s0+$0x16400]  }
0x372: {  	v15 =	vadd.f32 v16, v15;
	v16 =	vld [tilespmem:s0+$0x1A400]  }
0x373: {  	[tilespmem:s21+$0xB280] =	vst.add.f32.msk $0xffff, v17;
	v17 =	vmul.f32 v20, v7;
	v19 =	vmul.f32 v22, v8  }
0x374: {  	[tilespmem:s21+$0xF280] =	vst.add.f32.msk $0xffff, v15;
	v15 =	vmul.f32 v20, v9;
	v20 =	vmul.f32 v22, v10  }
0x375: {  	v21 =	vld [tilespmem:s3+$0x16800];
	v17 =	vadd.f32 v19, v17  }
0x376: {  	v19 =	vld [tilespmem:s3+$0x1A800];
	v15 =	vadd.f32 v20, v15  }
0x377: {  	v20 =	vmul.f32 v16, v11;
	[tilespmem:s30+$0xB280] =	vst.add.f32.msk $0xffff, v17;
	v17 =	vmul.f32 v18, v12  }
0x378: {  	v16 =	vmul.f32 v16, v13;
	[tilespmem:s30+$0xF280] =	vst.add.f32.msk $0xffff, v15;
	v15 =	vmul.f32 v18, v14  }
0x379: {  	v18 =	vld [tilespmem:s31+$0x16800];
	v17 =	vadd.f32 v20, v17  }
0x37a: {  	v20 =	vld [tilespmem:s31+$0x1A800];
	v15 =	vadd.f32 v16, v15  }
0x37b: {  	v16 =	vmul.f32 v21, v3;
	v22 =	vmul.f32 v19, v4;
	[tilespmem:s1+$0xB280] =	vst.add.f32.msk $0xffff, v17  }
0x37c: {  	v19 =	vmul.f32 v19, v6;
	v17 =	vmul.f32 v21, v5;
	[tilespmem:s1+$0xF280] =	vst.add.f32.msk $0xffff, v15  }
0x37d: {  	v15 =	vadd.f32 v22, v16;
	v16 =	vld [tilespmem:s0+$0x16800]  }
0x37e: {  	v17 =	vadd.f32 v19, v17;
	v19 =	vld [tilespmem:s0+$0x1A800]  }
0x37f: {  	[tilespmem:s21+$0xB300] =	vst.add.f32.msk $0xffff, v15;
	v15 =	vmul.f32 v18, v7;
	v21 =	vmul.f32 v20, v8  }
0x380: {  	[tilespmem:s21+$0xF300] =	vst.add.f32.msk $0xffff, v17;
	v17 =	vmul.f32 v18, v9;
	v18 =	vmul.f32 v20, v10  }
0x381: {  	v20 =	vld [tilespmem:s3+$0x16C00];
	v15 =	vadd.f32 v21, v15  }
0x382: {  	v21 =	vld [tilespmem:s3+$0x1AC00];
	v17 =	vadd.f32 v18, v17  }
0x383: {  	[tilespmem:s30+$0xB300] =	vst.add.f32.msk $0xffff, v15;
	v15 =	vmul.f32 v16, v12;
	v18 =	vmul.f32 v19, v11  }
0x384: {  	v16 =	vmul.f32 v16, v14;
	[tilespmem:s30+$0xF300] =	vst.add.f32.msk $0xffff, v17;
	v17 =	vmul.f32 v19, v13  }
0x385: {  	v19 =	vld [tilespmem:s31+$0x16C00];
	v15 =	vadd.f32 v18, v15  }
0x386: {  	v18 =	vld [tilespmem:s31+$0x1AC00];
	v16 =	vadd.f32 v17, v16  }
0x387: {  	[tilespmem:s1+$0xB300] =	vst.add.f32.msk $0xffff, v15  }
0x388: {  	[tilespmem:s1+$0xF300] =	vst.add.f32.msk $0xffff, v16  }
0x389: {  	v15 =	vld [tilespmem:s0+$0x16C00]  }
0x38a: {  	v16 =	vld [tilespmem:s0+$0x1AC00]  }
0x38b: {  	v5 =	vmul.f32 v20, v5;
	v6 =	vmul.f32 v21, v6  }
0x38c: {  	v3 =	vmul.f32 v20, v3;
	v4 =	vmul.f32 v21, v4  }
0x38d: {  	v5 =	vadd.f32 v6, v5;
	v6 =	vmul.f32 v19, v9;
	v9 =	vmul.f32 v18, v10  }
0x38e: {  	v3 =	vadd.f32 v4, v3;
	v4 =	vmul.f32 v19, v7;
	v7 =	vmul.f32 v18, v8  }
0x38f: {  	[tilespmem:s21+$0xF380] =	vst.add.f32.msk $0xffff, v5;
	v5 =	vadd.f32 v9, v6;
	v6 =	vmul.f32 v15, v14;
	v8 =	vmul.f32 v16, v13  }
0x390: {  	[tilespmem:s21+$0xB380] =	vst.add.f32.msk $0xffff, v3;
	v3 =	vadd.f32 v7, v4;
	v4 =	vmul.f32 v15, v12;
	v7 =	vmul.f32 v16, v11  }
0x391: {  	[tilespmem:s30+$0xF380] =	vst.add.f32.msk $0xffff, v5;
	v5 =	vadd.f32 v8, v6  }
0x392: {  	[tilespmem:s30+$0xB380] =	vst.add.f32.msk $0xffff, v3;
	v3 =	vadd.f32 v7, v4  }
0x393: {  	[tilespmem:s1+$0xF380] =	vst.add.f32.msk $0xffff, v5  }
0x394: {  	[tilespmem:s1+$0xB380] =	vst.add.f32.msk $0xffff, v3  }
0x395: {  	s23 =	rddreg [dreg:$0xc]  }
0x396: {  	s0 =	simm.s32 $0x0;
	s24 =	sadd.s32 s20, s23  }
0x397: {  	[hbm4b:s24+s0] =	stream.linear.scatter [tilespmem:s11], [sflag:$0x4], $0x8000, $0x38;
	[tilespmem:$0x1B000] =	vst v63  }
0x398: {  	_ =	swait.ge [sflag:s10], $0x8000  }
0x399: {  	[sflag:s10] =	ssyncset.done $0x0  }
0x39a: {  	[sflag:s10] =	ssyncadd.s32 $0xFFFF8000  }
0x39b: {  	v3 =	vld [tilespmem:s12+$0xC00];
	_ =	sdelay $0x4  }
0x39c: {  	v4 =	vshll.u32 v3, $0x3  }
0x39d: {  	v3 =	vand.u32 $0x7, v3;
	v4 =	vand.u32 $0xFFFFFFC0, v4  }
0x39e: {  	v3 =	vor.u32 v3, v4  }
0x39f: {  	v4 =	vperm.xlane v3, v0;
	_ =	sdelay $0x1  }
0x3a0: {  	v4 =	vadd.s32 v1, v4;
	_ =	sdelay $0x4  }
0x3a1: {  	[tilespmem:s11], [sflag:$0x2] =	stream.indirect_vreg.gather [hbm4b:s2+s0], $0x80, v4, vm0, $0xb8;
	[tilespmem:$0x1B000] =	vst v63  }
0x3a2: {  	v3 =	vperm.xlane v3, v2  }
0x3a3: {  	[tilespmem:s28], [sflag:$0x2] =	stream.indirect_vreg.gather [hbm4b:s13+s0], $0x80, v4, vm0, $0xb8;
	[tilespmem:$0x1B000] =	vst v63  }
0x3a4: {  	s25 =	simm.s32 $0xA000;
	v3 =	vadd.s32 v1, v3  }
0x3a5: {  	[tilespmem:s25], [sflag:$0x2] =	stream.indirect_vreg.gather [hbm4b:s14+s0], $0x80, v4, vm0, $0xb8;
	[tilespmem:$0x1B000] =	vst v63  }
0x3a6: {  	s26 =	simm.s32 $0xA800  }
0x3a7: {  	[tilespmem:s26], [sflag:$0x2] =	stream.indirect_vreg.gather [hbm4b:s15+s0], $0x80, v4, vm0, $0xb8;
	[tilespmem:$0x1B000] =	vst v63  }
0x3a8: {  	s28 =	simm.s32 $0xB000  }
0x3a9: {  	[tilespmem:s28], [sflag:$0x2] =	stream.indirect_vreg.gather [hbm4b:s2+s0], $0x80, v3, vm0, $0xb8;
	[tilespmem:$0x1B000] =	vst v63  }
0x3aa: {  	s3 =	simm.s32 $0xB800  }
0x3ab: {  	[tilespmem:s3], [sflag:$0x2] =	stream.indirect_vreg.gather [hbm4b:s13+s0], $0x80, v3, vm0, $0xb8;
	[tilespmem:$0x1B000] =	vst v63  }
0x3ac: {  	s21 =	simm.s32 $0xC000  }
0x3ad: {  	[tilespmem:s21], [sflag:$0x2] =	stream.indirect_vreg.gather [hbm4b:s14+s0], $0x80, v3, vm0, $0xb8;
	[tilespmem:$0x1B000] =	vst v63  }
0x3ae: {  	s22 =	simm.s32 $0xC800  }
0x3af: {  	[tilespmem:s22], [sflag:$0x2] =	stream.indirect_vreg.gather [hbm4b:s15+s0], $0x80, v3, vm0, $0xb8;
	[tilespmem:$0x1B000] =	vst v63  }
0x3b0: {  	v3 =	vld [tilespmem:s12+$0xC10];
	_ =	sdelay $0x4  }
0x3b1: {  	v4 =	vshll.u32 v3, $0x3  }
0x3b2: {  	v3 =	vand.u32 $0x7, v3;
	v4 =	vand.u32 $0xFFFFFFC0, v4  }
0x3b3: {  	v3 =	vor.u32 v3, v4  }
0x3b4: {  	v4 =	vperm.xlane v3, v0;
	_ =	sdelay $0x1  }
0x3b5: {  	v4 =	vadd.s32 v1, v4;
	_ =	sdelay $0x3  }
0x3b6: {  	s23 =	simm.s32 $0xD000  }
0x3b7: {  	[tilespmem:s23], [sflag:$0x2] =	stream.indirect_vreg.gather [hbm4b:s2+s0], $0x80, v4, vm0, $0xb8;
	[tilespmem:$0x1B000] =	vst v63  }
0x3b8: {  	s24 =	simm.s32 $0xD800;
	v3 =	vperm.xlane v3, v2  }
0x3b9: {  	[tilespmem:s24], [sflag:$0x2] =	stream.indirect_vreg.gather [hbm4b:s13+s0], $0x80, v4, vm0, $0xb8;
	[tilespmem:$0x1B000] =	vst v63  }
0x3ba: {  	s25 =	simm.s32 $0xE000;
	v3 =	vadd.s32 v1, v3  }
0x3bb: {  	[tilespmem:s25], [sflag:$0x2] =	stream.indirect_vreg.gather [hbm4b:s14+s0], $0x80, v4, vm0, $0xb8;
	[tilespmem:$0x1B000] =	vst v63  }
0x3bc: {  	s26 =	simm.s32 $0xE800  }
0x3bd: {  	[tilespmem:s26], [sflag:$0x2] =	stream.indirect_vreg.gather [hbm4b:s15+s0], $0x80, v4, vm0, $0xb8;
	[tilespmem:$0x1B000] =	vst v63  }
0x3be: {  	s28 =	simm.s32 $0xF000  }
0x3bf: {  	[tilespmem:s28], [sflag:$0x2] =	stream.indirect_vreg.gather [hbm4b:s2+s0], $0x80, v3, vm0, $0xb8;
	[tilespmem:$0x1B000] =	vst v63  }
0x3c0: {  	s3 =	simm.s32 $0xF800  }
0x3c1: {  	[tilespmem:s3], [sflag:$0x2] =	stream.indirect_vreg.gather [hbm4b:s13+s0], $0x80, v3, vm0, $0xb8;
	[tilespmem:$0x1B000] =	vst v63  }
0x3c2: {  	s12 =	simm.s32 $0x10000  }
0x3c3: {  	[tilespmem:s12], [sflag:$0x2] =	stream.indirect_vreg.gather [hbm4b:s14+s0], $0x80, v3, vm0, $0xb8;
	[tilespmem:$0x1B000] =	vst v63  }
0x3c4: {  	_ = 	snop  }
0x3c5: {  	[tilespmem:s5], [sflag:$0x2] =	stream.indirect_vreg.gather [hbm4b:s15+s0], $0x80, v3, vm0, $0xb8;
	[tilespmem:$0x1B000] =	vst v63  }
0x3c6: {  	_ =	swait.ge [sflag:s7], $0x8000  }
0x3c7: {  	s21 =	simm.s32 $0x13000;
	s22 =	sand.u32 $0x380, s0;
	[sflag:s7] =	ssyncset.done $0x0  }
0x3c8: {  	s23 =	sand.u32 $0x70, s0;
	s24 =	sadd.s32 s22, s18;
	[sflag:s7] =	ssyncadd.s32 $0xFFFF8000  }
0x3c9: {  	s1 =	sadd.s32 s23, s24;
	v7 =	vld [tilespmem:s21+$0x0]  }
0x3ca: {  	v3 =	vld [tilespmem:s1+$0x0]  }
0x3cb: {  	v4 =	vld [tilespmem:s1+$0x400]  }
0x3cc: {  	s21 =	sor.u32 s23, s22;
	v5 =	vld [tilespmem:s1+$0x800]  }
0x3cd: {  	v8 =	vld [tilespmem:s21+$0x17000]  }
0x3ce: {  	v6 =	vld [tilespmem:s1+$0xC00];
	_ =	sdelay $0x3  }
0x3cf: {  	v9 =	vmul.f32 v7, v3;
	v10 =	vmul.f32 v8, v4  }
0x3d0: {  	v7 =	vmul.f32 v7, v5;
	v8 =	vmul.f32 v8, v6  }
0x3d1: {  	s25 =	sand.u32 $0x1C00, s0;
	v9 =	vadd.f32 v10, v9  }
0x3d2: {  	s12 =	sor.u32 s23, s25;
	v7 =	vadd.f32 v8, v7  }
0x3d3: {  	[tilespmem:s12+$0x1000] =	vst.add.f32.msk $0xffff, v9  }
0x3d4: {  	[tilespmem:s12+$0x5000] =	vst.add.f32.msk $0xffff, v7  }
0x3d5: {  	v7 =	vld [tilespmem:s21+$0x13400]  }
0x3d6: {  	v8 =	vld [tilespmem:s21+$0x17400];
	_ =	sdelay $0x4  }
0x3d7: {  	v9 =	vmul.f32 v7, v3;
	v10 =	vmul.f32 v8, v4  }
0x3d8: {  	v7 =	vmul.f32 v7, v5;
	v8 =	vmul.f32 v8, v6  }
0x3d9: {  	v9 =	vadd.f32 v10, v9  }
0x3da: {  	v7 =	vadd.f32 v8, v7  }
0x3db: {  	[tilespmem:s12+$0x1080] =	vst.add.f32.msk $0xffff, v9  }
0x3dc: {  	[tilespmem:s12+$0x5080] =	vst.add.f32.msk $0xffff, v7  }
0x3dd: {  	v7 =	vld [tilespmem:s21+$0x13800]  }
0x3de: {  	v8 =	vld [tilespmem:s21+$0x17800];
	_ =	sdelay $0x4  }
0x3df: {  	v9 =	vmul.f32 v7, v3;
	v10 =	vmul.f32 v8, v4  }
0x3e0: {  	v7 =	vmul.f32 v7, v5;
	v8 =	vmul.f32 v8, v6  }
0x3e1: {  	v9 =	vadd.f32 v10, v9  }
0x3e2: {  	v7 =	vadd.f32 v8, v7  }
0x3e3: {  	[tilespmem:s12+$0x1100] =	vst.add.f32.msk $0xffff, v9  }
0x3e4: {  	[tilespmem:s12+$0x5100] =	vst.add.f32.msk $0xffff, v7  }
0x3e5: {  	v7 =	vld [tilespmem:s21+$0x13C00]  }
0x3e6: {  	v8 =	vld [tilespmem:s21+$0x17C00];
	_ =	sdelay $0x4  }
0x3e7: {  	v9 =	vmul.f32 v7, v3;
	v10 =	vmul.f32 v8, v4  }
0x3e8: {  	v7 =	vmul.f32 v7, v5;
	v8 =	vmul.f32 v8, v6  }
0x3e9: {  	v9 =	vadd.f32 v10, v9  }
0x3ea: {  	v7 =	vadd.f32 v8, v7  }
0x3eb: {  	[tilespmem:s12+$0x1180] =	vst.add.f32.msk $0xffff, v9  }
0x3ec: {  	[tilespmem:s12+$0x5180] =	vst.add.f32.msk $0xffff, v7  }
0x3ed: {  	v7 =	vld [tilespmem:s21+$0x14000]  }
0x3ee: {  	v8 =	vld [tilespmem:s21+$0x18000];
	_ =	sdelay $0x4  }
0x3ef: {  	v9 =	vmul.f32 v7, v3;
	v10 =	vmul.f32 v8, v4  }
0x3f0: {  	v7 =	vmul.f32 v7, v5;
	v8 =	vmul.f32 v8, v6  }
0x3f1: {  	v9 =	vadd.f32 v10, v9  }
0x3f2: {  	v7 =	vadd.f32 v8, v7  }
0x3f3: {  	[tilespmem:s12+$0x1200] =	vst.add.f32.msk $0xffff, v9  }
0x3f4: {  	[tilespmem:s12+$0x5200] =	vst.add.f32.msk $0xffff, v7  }
0x3f5: {  	v9 =	vld [tilespmem:s21+$0x14400]  }
0x3f6: {  	s24 =	simm.s32 $0x10;
	v10 =	vld [tilespmem:s21+$0x18400]  }
0x3f7: {  	s26 =	sand.u32 $0x380, s24;
	s28 =	sand.u32 $0x70, s24  }
0x3f8: {  	s30 =	sor.u32 s28, s26  }
0x3f9: {  	s22 =	simm.s32 $0x13010;
	s1 =	sadd.s32 s26, s18;
	v12 =	vld [tilespmem:s30+$0x17000]  }
0x3fa: {  	v11 =	vld [tilespmem:s22+$0x0];
	s1 =	sadd.s32 s28, s1  }
0x3fb: {  	v8 =	vld [tilespmem:s1+$0x400];
	v13 =	vmul.f32 v9, v3;
	v14 =	vmul.f32 v10, v4  }
0x3fc: {  	v7 =	vld [tilespmem:s1+$0x0];
	v15 =	vmul.f32 v9, v5;
	v16 =	vmul.f32 v10, v6  }
0x3fd: {  	v9 =	vld [tilespmem:s1+$0x800];
	v13 =	vadd.f32 v14, v13  }
0x3fe: {  	v10 =	vld [tilespmem:s1+$0xC00];
	v14 =	vadd.f32 v16, v15  }
0x3ff: {  	[tilespmem:s12+$0x1280] =	vst.add.f32.msk $0xffff, v13  }
0x400: {  	[tilespmem:s12+$0x5280] =	vst.add.f32.msk $0xffff, v14  }
0x401: {  	v13 =	vld [tilespmem:s21+$0x14800]  }
0x402: {  	v14 =	vld [tilespmem:s21+$0x18800]  }
0x403: {  	v15 =	vmul.f32 v11, v7;
	v16 =	vmul.f32 v12, v8  }
0x404: {  	s25 =	simm.s32 $0x80;
	v11 =	vmul.f32 v11, v9;
	v12 =	vmul.f32 v12, v10  }
0x405: {  	s22 =	sand.u32 $0x1C00, s25;
	v15 =	vadd.f32 v16, v15  }
0x406: {  	s3 =	sor.u32 s28, s22;
	v11 =	vadd.f32 v12, v11  }
0x407: {  	[tilespmem:s3+$0x1000] =	vst.add.f32.msk $0xffff, v15;
	v12 =	vmul.f32 v13, v3;
	v15 =	vmul.f32 v14, v4  }
0x408: {  	[tilespmem:s3+$0x5000] =	vst.add.f32.msk $0xffff, v11;
	v11 =	vmul.f32 v13, v5;
	v13 =	vmul.f32 v14, v6  }
0x409: {  	v14 =	vld [tilespmem:s30+$0x13400];
	v12 =	vadd.f32 v15, v12  }
0x40a: {  	v15 =	vld [tilespmem:s30+$0x17400];
	v11 =	vadd.f32 v13, v11  }
0x40b: {  	[tilespmem:s12+$0x1300] =	vst.add.f32.msk $0xffff, v12  }
0x40c: {  	[tilespmem:s12+$0x5300] =	vst.add.f32.msk $0xffff, v11  }
0x40d: {  	v11 =	vld [tilespmem:s21+$0x14C00]  }
0x40e: {  	v12 =	vld [tilespmem:s21+$0x18C00]  }
0x40f: {  	v13 =	vmul.f32 v14, v7;
	v16 =	vmul.f32 v15, v8  }
0x410: {  	v14 =	vmul.f32 v14, v9;
	v15 =	vmul.f32 v15, v10  }
0x411: {  	v13 =	vadd.f32 v16, v13  }
0x412: {  	v14 =	vadd.f32 v15, v14  }
0x413: {  	v15 =	vmul.f32 v12, v4;
	[tilespmem:s3+$0x1080] =	vst.add.f32.msk $0xffff, v13;
	v13 =	vmul.f32 v11, v3  }
0x414: {  	v12 =	vmul.f32 v12, v6;
	[tilespmem:s3+$0x5080] =	vst.add.f32.msk $0xffff, v14;
	v11 =	vmul.f32 v11, v5  }
0x415: {  	s0 =	sor.u32 s0, s0;
	v14 =	vld [tilespmem:s30+$0x13800];
	v13 =	vadd.f32 v15, v13  }
0x416: {  	s0 =	sor.u32 $0x380, s0;
	v15 =	vld [tilespmem:s30+$0x17800];
	v11 =	vadd.f32 v12, v11  }
0x417: {  	[tilespmem:s0+$0x1000] =	vst.add.f32.msk $0xffff, v13  }
0x418: {  	[tilespmem:s12+$0x5380] =	vst.add.f32.msk $0xffff, v11  }
0x419: {  	v11 =	vld [tilespmem:s21+$0x15000]  }
0x41a: {  	v12 =	vld [tilespmem:s21+$0x19000]  }
0x41b: {  	v13 =	vmul.f32 v14, v7;
	v16 =	vmul.f32 v15, v8  }
0x41c: {  	v14 =	vmul.f32 v14, v9;
	v15 =	vmul.f32 v15, v10  }
0x41d: {  	v13 =	vadd.f32 v16, v13  }
0x41e: {  	v14 =	vadd.f32 v15, v14  }
0x41f: {  	[tilespmem:s3+$0x1100] =	vst.add.f32.msk $0xffff, v13;
	v13 =	vmul.f32 v11, v3;
	v15 =	vmul.f32 v12, v4  }
0x420: {  	[tilespmem:s3+$0x5100] =	vst.add.f32.msk $0xffff, v14;
	v11 =	vmul.f32 v11, v5;
	v12 =	vmul.f32 v12, v6  }
0x421: {  	v14 =	vld [tilespmem:s30+$0x13C00];
	v13 =	vadd.f32 v15, v13  }
0x422: {  	v15 =	vld [tilespmem:s30+$0x17C00];
	v11 =	vadd.f32 v12, v11  }
0x423: {  	[tilespmem:s12+$0x3000] =	vst.add.f32.msk $0xffff, v13  }
0x424: {  	[tilespmem:s12+$0x7000] =	vst.add.f32.msk $0xffff, v11  }
0x425: {  	v11 =	vld [tilespmem:s21+$0x15400]  }
0x426: {  	v12 =	vld [tilespmem:s21+$0x19400]  }
0x427: {  	v13 =	vmul.f32 v14, v7;
	v16 =	vmul.f32 v15, v8  }
0x428: {  	v14 =	vmul.f32 v14, v9;
	v15 =	vmul.f32 v15, v10  }
0x429: {  	v13 =	vadd.f32 v16, v13  }
0x42a: {  	v14 =	vadd.f32 v15, v14  }
0x42b: {  	v15 =	vmul.f32 v12, v4;
	[tilespmem:s3+$0x1180] =	vst.add.f32.msk $0xffff, v13;
	v13 =	vmul.f32 v11, v3  }
0x42c: {  	v12 =	vmul.f32 v12, v6;
	[tilespmem:s3+$0x5180] =	vst.add.f32.msk $0xffff, v14;
	v11 =	vmul.f32 v11, v5  }
0x42d: {  	v14 =	vld [tilespmem:s30+$0x14000];
	v13 =	vadd.f32 v15, v13  }
0x42e: {  	v15 =	vld [tilespmem:s30+$0x18000];
	v11 =	vadd.f32 v12, v11  }
0x42f: {  	[tilespmem:s12+$0x3080] =	vst.add.f32.msk $0xffff, v13  }
0x430: {  	[tilespmem:s12+$0x7080] =	vst.add.f32.msk $0xffff, v11  }
0x431: {  	v11 =	vld [tilespmem:s21+$0x15800]  }
0x432: {  	v12 =	vld [tilespmem:s21+$0x19800]  }
0x433: {  	s1 =	simm.s32 $0x20;
	v13 =	vmul.f32 v14, v7;
	v16 =	vmul.f32 v15, v8  }
0x434: {  	s22 =	simm.s32 $0x13020;
	s23 =	sand.u32 $0x380, s1;
	s26 =	sand.u32 $0x70, s1;
	v14 =	vmul.f32 v14, v9;
	v15 =	vmul.f32 v15, v10  }
0x435: {  	v17 =	vld [tilespmem:s22+$0x0];
	s31 =	sor.u32 s26, s23;
	v13 =	vadd.f32 v16, v13  }
0x436: {  	v16 =	vld [tilespmem:s31+$0x17000];
	v14 =	vadd.f32 v15, v14  }
0x437: {  	v15 =	vmul.f32 v12, v4;
	[tilespmem:s3+$0x1200] =	vst.add.f32.msk $0xffff, v13;
	v13 =	vmul.f32 v11, v3  }
0x438: {  	v12 =	vmul.f32 v12, v6;
	[tilespmem:s3+$0x5200] =	vst.add.f32.msk $0xffff, v14;
	v11 =	vmul.f32 v11, v5  }
0x439: {  	v14 =	vld [tilespmem:s30+$0x14400];
	v13 =	vadd.f32 v15, v13  }
0x43a: {  	v15 =	vld [tilespmem:s30+$0x18400];
	v11 =	vadd.f32 v12, v11  }
0x43b: {  	[tilespmem:s12+$0x3100] =	vst.add.f32.msk $0xffff, v13  }
0x43c: {  	[tilespmem:s12+$0x7100] =	vst.add.f32.msk $0xffff, v11  }
0x43d: {  	s0 =	sadd.s32 s23, s18;
	v18 =	vld [tilespmem:s21+$0x15C00]  }
0x43e: {  	s0 =	sadd.s32 s26, s0;
	v19 =	vld [tilespmem:s21+$0x19C00]  }
0x43f: {  	v12 =	vld [tilespmem:s0+$0x0];
	v13 =	vmul.f32 v14, v7;
	v20 =	vmul.f32 v15, v8  }
0x440: {  	v11 =	vld [tilespmem:s0+$0x400];
	v21 =	vmul.f32 v14, v9;
	v15 =	vmul.f32 v15, v10  }
0x441: {  	v14 =	vld [tilespmem:s0+$0x800];
	v20 =	vadd.f32 v20, v13  }
0x442: {  	v13 =	vld [tilespmem:s0+$0xC00];
	v15 =	vadd.f32 v15, v21  }
0x443: {  	v21 =	vmul.f32 v19, v4;
	[tilespmem:s3+$0x1280] =	vst.add.f32.msk $0xffff, v20;
	v20 =	vmul.f32 v18, v3  }
0x444: {  	[tilespmem:s3+$0x5280] =	vst.add.f32.msk $0xffff, v15;
	v15 =	vmul.f32 v18, v5;
	v18 =	vmul.f32 v19, v6  }
0x445: {  	v19 =	vld [tilespmem:s30+$0x14800];
	v20 =	vadd.f32 v21, v20  }
0x446: {  	v21 =	vld [tilespmem:s30+$0x18800];
	v15 =	vadd.f32 v18, v15  }
0x447: {  	v22 =	vmul.f32 v16, v11;
	v18 =	vmul.f32 v17, v12;
	[tilespmem:s12+$0x3180] =	vst.add.f32.msk $0xffff, v20  }
0x448: {  	s23 =	simm.s32 $0x100;
	v17 =	vmul.f32 v17, v14;
	v16 =	vmul.f32 v16, v13;
	[tilespmem:s12+$0x7180] =	vst.add.f32.msk $0xffff, v15  }
0x449: {  	s28 =	sand.u32 $0x1C00, s23;
	v15 =	vadd.f32 v22, v18;
	v18 =	vld [tilespmem:s21+$0x16000]  }
0x44a: {  	s0 =	sor.u32 s26, s28;
	v16 =	vadd.f32 v16, v17;
	v17 =	vld [tilespmem:s21+$0x1A000]  }
0x44b: {  	[tilespmem:s0+$0x1000] =	vst.add.f32.msk $0xffff, v15;
	v15 =	vmul.f32 v19, v7;
	v20 =	vmul.f32 v21, v8  }
0x44c: {  	[tilespmem:s0+$0x5000] =	vst.add.f32.msk $0xffff, v16;
	v16 =	vmul.f32 v19, v9;
	v19 =	vmul.f32 v21, v10  }
0x44d: {  	v21 =	vld [tilespmem:s31+$0x13400];
	v15 =	vadd.f32 v20, v15  }
0x44e: {  	v20 =	vld [tilespmem:s31+$0x17400];
	v16 =	vadd.f32 v19, v16  }
0x44f: {  	v19 =	vmul.f32 v17, v4;
	[tilespmem:s3+$0x1300] =	vst.add.f32.msk $0xffff, v15;
	v15 =	vmul.f32 v18, v3  }
0x450: {  	v17 =	vmul.f32 v17, v6;
	[tilespmem:s3+$0x5300] =	vst.add.f32.msk $0xffff, v16;
	v16 =	vmul.f32 v18, v5  }
0x451: {  	v18 =	vld [tilespmem:s30+$0x14C00];
	v15 =	vadd.f32 v19, v15  }
0x452: {  	v19 =	vld [tilespmem:s30+$0x18C00];
	v16 =	vadd.f32 v17, v16  }
0x453: {  	v17 =	vmul.f32 v21, v12;
	v22 =	vmul.f32 v20, v11;
	[tilespmem:s12+$0x3200] =	vst.add.f32.msk $0xffff, v15  }
0x454: {  	v20 =	vmul.f32 v20, v13;
	v15 =	vmul.f32 v21, v14;
	[tilespmem:s12+$0x7200] =	vst.add.f32.msk $0xffff, v16  }
0x455: {  	v16 =	vadd.f32 v22, v17;
	v17 =	vld [tilespmem:s21+$0x16400]  }
0x456: {  	v21 =	vld [tilespmem:s21+$0x1A400];
	v15 =	vadd.f32 v20, v15  }
0x457: {  	[tilespmem:s0+$0x1080] =	vst.add.f32.msk $0xffff, v16;
	v16 =	vmul.f32 v18, v7;
	v20 =	vmul.f32 v19, v8  }
0x458: {  	[tilespmem:s0+$0x5080] =	vst.add.f32.msk $0xffff, v15;
	v15 =	vmul.f32 v18, v9;
	v18 =	vmul.f32 v19, v10  }
0x459: {  	s24 =	sor.u32 s25, s24;
	v19 =	vld [tilespmem:s31+$0x13800];
	v16 =	vadd.f32 v20, v16  }
0x45a: {  	s24 =	sor.u32 $0x380, s24;
	v20 =	vld [tilespmem:s31+$0x17800];
	v15 =	vadd.f32 v18, v15  }
0x45b: {  	v22 =	vmul.f32 v17, v3;
	v23 =	vmul.f32 v21, v4;
	[tilespmem:s24+$0x1000] =	vst.add.f32.msk $0xffff, v16  }
0x45c: {  	v16 =	vmul.f32 v21, v6;
	[tilespmem:s3+$0x5380] =	vst.add.f32.msk $0xffff, v15;
	v15 =	vmul.f32 v17, v5  }
0x45d: {  	s25 =	simm.s32 $0x30;
	s24 =	simm.s32 $0x100;
	v17 =	vadd.f32 v23, v22;
	v18 =	vld [tilespmem:s30+$0x15000]  }
.LBB2_7:
0x45e: {  	p0 =	sne.s32 s25, $0x3F0;
	v21 =	vld [tilespmem:s30+$0x19000];
	v15 =	vadd.f32 v16, v15  }
0x45f: {  	v16 =	vmul.f32 v19, v12;
	v22 =	vmul.f32 v20, v11;
	[tilespmem:s12+$0x3280] =	vst.add.f32.msk $0xffff, v17  }
0x460: {  	v17 =	vmul.f32 v19, v14;
	v19 =	vmul.f32 v20, v13;
	[tilespmem:s12+$0x7280] =	vst.add.f32.msk $0xffff, v15  }
0x461: {  	v15 =	vadd.f32 v22, v16;
	v16 =	vld [tilespmem:s21+$0x16800]  }
0x462: {  	v17 =	vadd.f32 v19, v17;
	v19 =	vld [tilespmem:s21+$0x1A800]  }
0x463: {  	[tilespmem:s0+$0x1100] =	vst.add.f32.msk $0xffff, v15;
	v15 =	vmul.f32 v18, v7;
	v20 =	vmul.f32 v21, v8  }
0x464: {  	[tilespmem:s0+$0x5100] =	vst.add.f32.msk $0xffff, v17;
	v17 =	vmul.f32 v18, v9;
	v18 =	vmul.f32 v21, v10  }
0x465: {  	v21 =	vld [tilespmem:s31+$0x13C00];
	v15 =	vadd.f32 v20, v15  }
0x466: {  	v20 =	vld [tilespmem:s31+$0x17C00];
	v17 =	vadd.f32 v18, v17  }
0x467: {  	[tilespmem:s3+$0x3000] =	vst.add.f32.msk $0xffff, v15;
	v15 =	vmul.f32 v16, v3;
	v18 =	vmul.f32 v19, v4  }
0x468: {  	v16 =	vmul.f32 v16, v5;
	[tilespmem:s3+$0x7000] =	vst.add.f32.msk $0xffff, v17;
	v17 =	vmul.f32 v19, v6  }
0x469: {  	v19 =	vld [tilespmem:s30+$0x15400];
	v15 =	vadd.f32 v18, v15  }
0x46a: {  	v18 =	vld [tilespmem:s30+$0x19400];
	v16 =	vadd.f32 v17, v16  }
0x46b: {  	v17 =	vmul.f32 v21, v12;
	v22 =	vmul.f32 v20, v11;
	[tilespmem:s12+$0x3300] =	vst.add.f32.msk $0xffff, v15  }
0x46c: {  	v15 =	vmul.f32 v21, v14;
	v20 =	vmul.f32 v20, v13;
	[tilespmem:s12+$0x7300] =	vst.add.f32.msk $0xffff, v16  }
0x46d: {  	v16 =	vadd.f32 v22, v17;
	v17 =	vld [tilespmem:s21+$0x16C00]  }
0x46e: {  	v15 =	vadd.f32 v20, v15;
	v20 =	vld [tilespmem:s21+$0x1AC00];
	s21 =	smov.u32 s30;
	s30 =	smov.u32 s31  }
0x46f: {  	[tilespmem:s0+$0x1180] =	vst.add.f32.msk $0xffff, v16;
	v16 =	vmul.f32 v19, v7;
	v21 =	vmul.f32 v18, v8  }
0x470: {  	v18 =	vmul.f32 v18, v10;
	[tilespmem:s0+$0x5180] =	vst.add.f32.msk $0xffff, v15;
	v15 =	vmul.f32 v19, v9  }
0x471: {  	v19 =	vld [tilespmem:s30+$0x14000];
	v16 =	vadd.f32 v21, v16  }
0x472: {  	v21 =	vld [tilespmem:s30+$0x18000];
	v15 =	vadd.f32 v18, v15;
	v18 =	vmul.f32 v17, v3;
	v3 =	vmovc v7;
	v7 =	vmov v12  }
0x473: {  	v12 =	vmul.f32 v17, v5;
	v5 =	vmovc v9;
	v9 =	vmov v14;
	[tilespmem:s3+$0x3080] =	vst.add.f32.msk $0xffff, v16;
	v16 =	vmul.f32 v20, v6  }
0x474: {  	v14 =	vmul.f32 v20, v4;
	v4 =	vmovc v8;
	v8 =	vmovc v11;
	v6 =	vmov v10;
	v10 =	vmov v13;
	[tilespmem:s3+$0x7080] =	vst.add.f32.msk $0xffff, v15  }
0x475: {  	v11 =	vld [tilespmem:s21+$0x15800];
	v12 =	vadd.f32 v16, v12  }
0x476: {  	v14 =	vadd.f32 v14, v18;
	v13 =	vld [tilespmem:s21+$0x19800]  }
0x477: {  	v15 =	vmul.f32 v19, v7;
	v16 =	vmul.f32 v21, v8;
	[tilespmem:s12+$0x7380] =	vst.add.f32.msk $0xffff, v12  }
0x478: {  	s28 =	sand.u32 $0x380, s25;
	s26 =	sand.u32 $0x70, s25;
	s22 =	sadd.s32 $0x10, s22;
	v12 =	vmul.f32 v19, v9;
	v17 =	vmul.f32 v21, v10;
	[tilespmem:s12+$0x3380] =	vst.add.f32.msk $0xffff, v14  }
0x479: {  	s31 =	sor.u32 s26, s28;
	s12 =	smov.u32 s3;
	s3 =	smov.u32 s0;
	v18 =	vld [tilespmem:s22+$0x0];
	v14 =	vadd.f32 v16, v15  }
0x47a: {  	v12 =	vadd.f32 v17, v12;
	v15 =	vld [tilespmem:s31+$0x17000]  }
0x47b: {  	[tilespmem:s3+$0x1200] =	vst.add.f32.msk $0xffff, v14;
	v14 =	vmul.f32 v11, v3;
	v16 =	vmul.f32 v13, v4  }
0x47c: {  	v11 =	vmul.f32 v11, v5;
	[tilespmem:s3+$0x5200] =	vst.add.f32.msk $0xffff, v12;
	v12 =	vmul.f32 v13, v6  }
0x47d: {  	v13 =	vld [tilespmem:s30+$0x14400];
	v14 =	vadd.f32 v16, v14  }
0x47e: {  	v16 =	vld [tilespmem:s30+$0x18400];
	v11 =	vadd.f32 v12, v11  }
0x47f: {  	[tilespmem:s12+$0x3100] =	vst.add.f32.msk $0xffff, v14  }
0x480: {  	[tilespmem:s12+$0x7100] =	vst.add.f32.msk $0xffff, v11  }
0x481: {  	s0 =	sadd.s32 s28, s18;
	v17 =	vld [tilespmem:s21+$0x15C00]  }
0x482: {  	s0 =	sadd.s32 s26, s0;
	v19 =	vld [tilespmem:s21+$0x19C00]  }
0x483: {  	v20 =	vmul.f32 v13, v7;
	v12 =	vld [tilespmem:s0+$0x0];
	v21 =	vmul.f32 v16, v8  }
0x484: {  	v22 =	vmul.f32 v13, v9;
	v16 =	vmul.f32 v16, v10;
	v11 =	vld [tilespmem:s0+$0x400]  }
0x485: {  	v14 =	vld [tilespmem:s0+$0x800];
	v20 =	vadd.f32 v21, v20  }
0x486: {  	v16 =	vadd.f32 v16, v22;
	v13 =	vld [tilespmem:s0+$0xC00]  }
0x487: {  	[tilespmem:s3+$0x1280] =	vst.add.f32.msk $0xffff, v20;
	v20 =	vmul.f32 v17, v3;
	v21 =	vmul.f32 v19, v4  }
0x488: {  	[tilespmem:s3+$0x5280] =	vst.add.f32.msk $0xffff, v16;
	v16 =	vmul.f32 v17, v5;
	v17 =	vmul.f32 v19, v6  }
0x489: {  	v19 =	vld [tilespmem:s30+$0x14800];
	v20 =	vadd.f32 v21, v20  }
0x48a: {  	v21 =	vld [tilespmem:s30+$0x18800];
	v16 =	vadd.f32 v17, v16  }
0x48b: {  	v22 =	vmul.f32 v15, v11;
	v17 =	vmul.f32 v18, v12;
	[tilespmem:s12+$0x3180] =	vst.add.f32.msk $0xffff, v20  }
0x48c: {  	s23 =	sadd.s32 $0x80, s23;
	v18 =	vmul.f32 v18, v14;
	v15 =	vmul.f32 v15, v13;
	[tilespmem:s12+$0x7180] =	vst.add.f32.msk $0xffff, v16  }
0x48d: {  	s0 =	sand.u32 $0x1C00, s23;
	v16 =	vadd.f32 v22, v17;
	v17 =	vld [tilespmem:s21+$0x16000]  }
0x48e: {  	s0 =	sor.u32 s26, s0;
	v15 =	vadd.f32 v15, v18;
	v18 =	vld [tilespmem:s21+$0x1A000]  }
0x48f: {  	[tilespmem:s0+$0x1000] =	vst.add.f32.msk $0xffff, v16;
	v16 =	vmul.f32 v19, v7;
	v20 =	vmul.f32 v21, v8  }
0x490: {  	[tilespmem:s0+$0x5000] =	vst.add.f32.msk $0xffff, v15;
	v15 =	vmul.f32 v19, v9;
	v19 =	vmul.f32 v21, v10  }
0x491: {  	v21 =	vld [tilespmem:s31+$0x13400];
	v16 =	vadd.f32 v20, v16  }
0x492: {  	v20 =	vld [tilespmem:s31+$0x17400];
	v15 =	vadd.f32 v19, v15  }
0x493: {  	[tilespmem:s3+$0x1300] =	vst.add.f32.msk $0xffff, v16;
	v16 =	vmul.f32 v17, v3;
	v19 =	vmul.f32 v18, v4  }
0x494: {  	[tilespmem:s3+$0x5300] =	vst.add.f32.msk $0xffff, v15;
	v15 =	vmul.f32 v17, v5;
	v17 =	vmul.f32 v18, v6  }
0x495: {  	v18 =	vld [tilespmem:s30+$0x14C00];
	v16 =	vadd.f32 v19, v16  }
0x496: {  	v19 =	vld [tilespmem:s30+$0x18C00];
	v15 =	vadd.f32 v17, v15  }
0x497: {  	v17 =	vmul.f32 v21, v12;
	v22 =	vmul.f32 v20, v11;
	[tilespmem:s12+$0x3200] =	vst.add.f32.msk $0xffff, v16  }
0x498: {  	v16 =	vmul.f32 v21, v14;
	v20 =	vmul.f32 v20, v13;
	[tilespmem:s12+$0x7200] =	vst.add.f32.msk $0xffff, v15  }
0x499: {  	v15 =	vadd.f32 v22, v17;
	v17 =	vld [tilespmem:s21+$0x16400]  }
0x49a: {  	v16 =	vadd.f32 v20, v16;
	v21 =	vld [tilespmem:s21+$0x1A400]  }
0x49b: {  	[tilespmem:s0+$0x1080] =	vst.add.f32.msk $0xffff, v15;
	v15 =	vmul.f32 v18, v7;
	v20 =	vmul.f32 v19, v8  }
0x49c: {  	[tilespmem:s0+$0x5080] =	vst.add.f32.msk $0xffff, v16;
	v16 =	vmul.f32 v18, v9;
	v18 =	vmul.f32 v19, v10  }
.Ltmp2:
0x49d: {  	s1 =	sor.u32 s24, s1;
	s24 =	smov.u32 s23;
	v19 =	vld [tilespmem:s31+$0x13800];
	v15 =	vadd.f32 v20, v15;
	(pc) =	sbr.rel @p0 .LBB2_7-.Ltmp2, $4  }
0x49e: {  	s26 =	sor.u32 $0x380, s1;
	s1 =	smov.u32 s25;
	v20 =	vld [tilespmem:s31+$0x17800];
	v16 =	vadd.f32 v18, v16  }
0x49f: {  	v22 =	vmul.f32 v17, v3;
	[tilespmem:s26+$0x1000] =	vst.add.f32.msk $0xffff, v15;
	v23 =	vmul.f32 v21, v4  }
0x4a0: {  	v15 =	vmul.f32 v17, v5;
	[tilespmem:s3+$0x5380] =	vst.add.f32.msk $0xffff, v16;
	v16 =	vmul.f32 v21, v6  }
0x4a1: {  	s25 =	sadd.s32 $0x10, s25;
	v18 =	vld [tilespmem:s30+$0x15000];
	v17 =	vadd.f32 v23, v22  }
0x4a2: {  	_ = 	snop  }
0x4a3: {  	v21 =	vmul.f32 v19, v12;
	v22 =	vmul.f32 v20, v11  }
0x4a4: {  	v19 =	vmul.f32 v19, v14;
	v20 =	vmul.f32 v20, v13  }
0x4a5: {  	v21 =	vadd.f32 v22, v21  }
0x4a6: {  	v19 =	vadd.f32 v20, v19  }
0x4a7: {  	[tilespmem:s0+$0x1100] =	vst.add.f32.msk $0xffff, v21  }
0x4a8: {  	[tilespmem:s0+$0x5100] =	vst.add.f32.msk $0xffff, v19  }
0x4a9: {  	v19 =	vld [tilespmem:s31+$0x13C00]  }
0x4aa: {  	v20 =	vld [tilespmem:s31+$0x17C00];
	_ =	sdelay $0x4  }
0x4ab: {  	v21 =	vmul.f32 v19, v12;
	v22 =	vmul.f32 v20, v11  }
0x4ac: {  	v19 =	vmul.f32 v19, v14;
	v20 =	vmul.f32 v20, v13  }
0x4ad: {  	v21 =	vadd.f32 v22, v21  }
0x4ae: {  	v19 =	vadd.f32 v20, v19  }
0x4af: {  	[tilespmem:s0+$0x1180] =	vst.add.f32.msk $0xffff, v21  }
0x4b0: {  	[tilespmem:s0+$0x5180] =	vst.add.f32.msk $0xffff, v19  }
0x4b1: {  	v19 =	vld [tilespmem:s31+$0x14000]  }
0x4b2: {  	v20 =	vld [tilespmem:s31+$0x18000];
	_ =	sdelay $0x4  }
0x4b3: {  	v21 =	vmul.f32 v19, v12;
	v22 =	vmul.f32 v20, v11  }
0x4b4: {  	v19 =	vmul.f32 v19, v14;
	v20 =	vmul.f32 v20, v13  }
0x4b5: {  	v21 =	vadd.f32 v22, v21  }
0x4b6: {  	v19 =	vadd.f32 v20, v19  }
0x4b7: {  	[tilespmem:s0+$0x1200] =	vst.add.f32.msk $0xffff, v21  }
0x4b8: {  	[tilespmem:s0+$0x5200] =	vst.add.f32.msk $0xffff, v19  }
0x4b9: {  	v19 =	vld [tilespmem:s31+$0x14400]  }
0x4ba: {  	v20 =	vld [tilespmem:s31+$0x18400];
	_ =	sdelay $0x4  }
0x4bb: {  	v21 =	vmul.f32 v19, v12;
	v22 =	vmul.f32 v20, v11  }
0x4bc: {  	v19 =	vmul.f32 v19, v14;
	v20 =	vmul.f32 v20, v13  }
0x4bd: {  	v21 =	vadd.f32 v22, v21  }
0x4be: {  	v19 =	vadd.f32 v20, v19  }
0x4bf: {  	[tilespmem:s0+$0x1280] =	vst.add.f32.msk $0xffff, v21  }
0x4c0: {  	[tilespmem:s0+$0x5280] =	vst.add.f32.msk $0xffff, v19  }
0x4c1: {  	v19 =	vld [tilespmem:s31+$0x14800]  }
0x4c2: {  	v20 =	vld [tilespmem:s31+$0x18800];
	_ =	sdelay $0x4  }
0x4c3: {  	v21 =	vmul.f32 v19, v12;
	v22 =	vmul.f32 v20, v11  }
0x4c4: {  	v19 =	vmul.f32 v19, v14;
	v20 =	vmul.f32 v20, v13  }
0x4c5: {  	v21 =	vadd.f32 v22, v21  }
0x4c6: {  	v19 =	vadd.f32 v20, v19  }
0x4c7: {  	[tilespmem:s0+$0x1300] =	vst.add.f32.msk $0xffff, v21  }
0x4c8: {  	[tilespmem:s0+$0x5300] =	vst.add.f32.msk $0xffff, v19  }
0x4c9: {  	v19 =	vld [tilespmem:s31+$0x14C00]  }
0x4ca: {  	v20 =	vld [tilespmem:s31+$0x18C00];
	_ =	sdelay $0x4  }
0x4cb: {  	v21 =	vmul.f32 v19, v12;
	v22 =	vmul.f32 v20, v11  }
0x4cc: {  	v19 =	vmul.f32 v19, v14;
	v20 =	vmul.f32 v20, v13  }
0x4cd: {  	s1 =	sor.u32 s24, s1;
	v21 =	vadd.f32 v22, v21  }
0x4ce: {  	s1 =	sor.u32 $0x380, s1;
	v22 =	vld [tilespmem:s30+$0x19000];
	v19 =	vadd.f32 v20, v19  }
0x4cf: {  	[tilespmem:s1+$0x1000] =	vst.add.f32.msk $0xffff, v21  }
0x4d0: {  	[tilespmem:s0+$0x5380] =	vst.add.f32.msk $0xffff, v19  }
0x4d1: {  	v19 =	vld [tilespmem:s31+$0x15000]  }
0x4d2: {  	v20 =	vld [tilespmem:s31+$0x19000]  }
0x4d3: {  	v21 =	vmul.f32 v18, v7;
	v23 =	vmul.f32 v22, v8  }
0x4d4: {  	v18 =	vmul.f32 v18, v9;
	v22 =	vmul.f32 v22, v10  }
0x4d5: {  	v21 =	vadd.f32 v23, v21  }
0x4d6: {  	v18 =	vadd.f32 v22, v18  }
0x4d7: {  	[tilespmem:s3+$0x3000] =	vst.add.f32.msk $0xffff, v21;
	v21 =	vmul.f32 v19, v12;
	v22 =	vmul.f32 v20, v11  }
0x4d8: {  	[tilespmem:s3+$0x7000] =	vst.add.f32.msk $0xffff, v18;
	v18 =	vmul.f32 v19, v14;
	v19 =	vmul.f32 v20, v13  }
0x4d9: {  	v20 =	vld [tilespmem:s30+$0x15400];
	v21 =	vadd.f32 v22, v21  }
0x4da: {  	v22 =	vld [tilespmem:s30+$0x19400];
	v18 =	vadd.f32 v19, v18  }
0x4db: {  	[tilespmem:s0+$0x3000] =	vst.add.f32.msk $0xffff, v21  }
0x4dc: {  	[tilespmem:s0+$0x7000] =	vst.add.f32.msk $0xffff, v18  }
0x4dd: {  	v18 =	vld [tilespmem:s31+$0x15400]  }
0x4de: {  	v19 =	vld [tilespmem:s31+$0x19400]  }
0x4df: {  	v21 =	vmul.f32 v20, v7;
	v23 =	vmul.f32 v22, v8  }
0x4e0: {  	v20 =	vmul.f32 v20, v9;
	v22 =	vmul.f32 v22, v10  }
0x4e1: {  	v21 =	vadd.f32 v23, v21  }
0x4e2: {  	v20 =	vadd.f32 v22, v20  }
0x4e3: {  	v22 =	vmul.f32 v19, v11;
	[tilespmem:s3+$0x3080] =	vst.add.f32.msk $0xffff, v21;
	v21 =	vmul.f32 v18, v12  }
0x4e4: {  	v19 =	vmul.f32 v19, v13;
	[tilespmem:s3+$0x7080] =	vst.add.f32.msk $0xffff, v20;
	v18 =	vmul.f32 v18, v14  }
0x4e5: {  	v20 =	vld [tilespmem:s30+$0x15800];
	v21 =	vadd.f32 v22, v21  }
0x4e6: {  	v22 =	vld [tilespmem:s30+$0x19800];
	v18 =	vadd.f32 v19, v18  }
0x4e7: {  	[tilespmem:s0+$0x3080] =	vst.add.f32.msk $0xffff, v21  }
0x4e8: {  	[tilespmem:s0+$0x7080] =	vst.add.f32.msk $0xffff, v18  }
0x4e9: {  	v18 =	vld [tilespmem:s31+$0x15800]  }
0x4ea: {  	v19 =	vld [tilespmem:s31+$0x19800]  }
0x4eb: {  	v21 =	vmul.f32 v20, v7;
	v23 =	vmul.f32 v22, v8  }
0x4ec: {  	v20 =	vmul.f32 v20, v9;
	v22 =	vmul.f32 v22, v10  }
0x4ed: {  	v21 =	vadd.f32 v23, v21  }
0x4ee: {  	v20 =	vadd.f32 v22, v20  }
0x4ef: {  	v22 =	vmul.f32 v19, v11;
	[tilespmem:s3+$0x3100] =	vst.add.f32.msk $0xffff, v21;
	v21 =	vmul.f32 v18, v12  }
0x4f0: {  	v19 =	vmul.f32 v19, v13;
	[tilespmem:s3+$0x7100] =	vst.add.f32.msk $0xffff, v20;
	v18 =	vmul.f32 v18, v14  }
0x4f1: {  	v20 =	vld [tilespmem:s30+$0x15C00];
	v21 =	vadd.f32 v22, v21  }
0x4f2: {  	v22 =	vld [tilespmem:s30+$0x19C00];
	v18 =	vadd.f32 v19, v18  }
0x4f3: {  	[tilespmem:s0+$0x3100] =	vst.add.f32.msk $0xffff, v21  }
0x4f4: {  	[tilespmem:s0+$0x7100] =	vst.add.f32.msk $0xffff, v18  }
0x4f5: {  	v18 =	vld [tilespmem:s31+$0x15C00]  }
0x4f6: {  	v19 =	vld [tilespmem:s31+$0x19C00]  }
0x4f7: {  	v21 =	vmul.f32 v20, v7;
	v23 =	vmul.f32 v22, v8  }
0x4f8: {  	v20 =	vmul.f32 v20, v9;
	v22 =	vmul.f32 v22, v10  }
0x4f9: {  	v21 =	vadd.f32 v23, v21  }
0x4fa: {  	v20 =	vadd.f32 v22, v20  }
0x4fb: {  	v22 =	vmul.f32 v19, v11;
	[tilespmem:s3+$0x3180] =	vst.add.f32.msk $0xffff, v21;
	v21 =	vmul.f32 v18, v12  }
0x4fc: {  	v19 =	vmul.f32 v19, v13;
	[tilespmem:s3+$0x7180] =	vst.add.f32.msk $0xffff, v20;
	v18 =	vmul.f32 v18, v14  }
0x4fd: {  	v20 =	vld [tilespmem:s30+$0x16000];
	v21 =	vadd.f32 v22, v21  }
0x4fe: {  	v22 =	vld [tilespmem:s30+$0x1A000];
	v18 =	vadd.f32 v19, v18  }
0x4ff: {  	[tilespmem:s0+$0x3180] =	vst.add.f32.msk $0xffff, v21  }
0x500: {  	[tilespmem:s0+$0x7180] =	vst.add.f32.msk $0xffff, v18  }
0x501: {  	v18 =	vld [tilespmem:s31+$0x16000]  }
0x502: {  	v19 =	vld [tilespmem:s31+$0x1A000]  }
0x503: {  	v21 =	vmul.f32 v20, v7;
	v23 =	vmul.f32 v22, v8  }
0x504: {  	v20 =	vmul.f32 v20, v9;
	v22 =	vmul.f32 v22, v10  }
0x505: {  	v21 =	vadd.f32 v23, v21  }
0x506: {  	v20 =	vadd.f32 v22, v20  }
0x507: {  	v22 =	vmul.f32 v19, v11;
	[tilespmem:s3+$0x3200] =	vst.add.f32.msk $0xffff, v21;
	v21 =	vmul.f32 v18, v12  }
0x508: {  	v19 =	vmul.f32 v19, v13;
	[tilespmem:s3+$0x7200] =	vst.add.f32.msk $0xffff, v20;
	v18 =	vmul.f32 v18, v14  }
0x509: {  	v20 =	vld [tilespmem:s30+$0x16400];
	v21 =	vadd.f32 v22, v21  }
0x50a: {  	v22 =	vld [tilespmem:s30+$0x1A400];
	v18 =	vadd.f32 v19, v18  }
0x50b: {  	[tilespmem:s0+$0x3200] =	vst.add.f32.msk $0xffff, v21  }
0x50c: {  	[tilespmem:s0+$0x7200] =	vst.add.f32.msk $0xffff, v18  }
0x50d: {  	v18 =	vld [tilespmem:s31+$0x16400]  }
0x50e: {  	v15 =	vadd.f32 v16, v15;
	v16 =	vld [tilespmem:s31+$0x1A400]  }
0x50f: {  	[tilespmem:s12+$0x3280] =	vst.add.f32.msk $0xffff, v17;
	v17 =	vmul.f32 v20, v7;
	v19 =	vmul.f32 v22, v8  }
0x510: {  	[tilespmem:s12+$0x7280] =	vst.add.f32.msk $0xffff, v15;
	v15 =	vmul.f32 v20, v9;
	v20 =	vmul.f32 v22, v10  }
0x511: {  	v21 =	vld [tilespmem:s21+$0x16800];
	v17 =	vadd.f32 v19, v17  }
0x512: {  	v19 =	vld [tilespmem:s21+$0x1A800];
	v15 =	vadd.f32 v20, v15  }
0x513: {  	v20 =	vmul.f32 v16, v11;
	[tilespmem:s3+$0x3280] =	vst.add.f32.msk $0xffff, v17;
	v17 =	vmul.f32 v18, v12  }
0x514: {  	v16 =	vmul.f32 v16, v13;
	[tilespmem:s3+$0x7280] =	vst.add.f32.msk $0xffff, v15;
	v15 =	vmul.f32 v18, v14  }
0x515: {  	v18 =	vld [tilespmem:s30+$0x16800];
	v17 =	vadd.f32 v20, v17  }
0x516: {  	v20 =	vld [tilespmem:s30+$0x1A800];
	v15 =	vadd.f32 v16, v15  }
0x517: {  	v16 =	vmul.f32 v21, v3;
	v22 =	vmul.f32 v19, v4;
	[tilespmem:s0+$0x3280] =	vst.add.f32.msk $0xffff, v17  }
0x518: {  	v19 =	vmul.f32 v19, v6;
	v17 =	vmul.f32 v21, v5;
	[tilespmem:s0+$0x7280] =	vst.add.f32.msk $0xffff, v15  }
0x519: {  	v15 =	vadd.f32 v22, v16;
	v16 =	vld [tilespmem:s31+$0x16800]  }
0x51a: {  	v17 =	vadd.f32 v19, v17;
	v19 =	vld [tilespmem:s31+$0x1A800]  }
0x51b: {  	[tilespmem:s12+$0x3300] =	vst.add.f32.msk $0xffff, v15;
	v15 =	vmul.f32 v18, v7;
	v21 =	vmul.f32 v20, v8  }
0x51c: {  	[tilespmem:s12+$0x7300] =	vst.add.f32.msk $0xffff, v17;
	v17 =	vmul.f32 v18, v9;
	v18 =	vmul.f32 v20, v10  }
0x51d: {  	v20 =	vld [tilespmem:s21+$0x16C00];
	v15 =	vadd.f32 v21, v15  }
0x51e: {  	v21 =	vld [tilespmem:s21+$0x1AC00];
	v17 =	vadd.f32 v18, v17  }
0x51f: {  	[tilespmem:s3+$0x3300] =	vst.add.f32.msk $0xffff, v15;
	v15 =	vmul.f32 v16, v12;
	v18 =	vmul.f32 v19, v11  }
0x520: {  	v16 =	vmul.f32 v16, v14;
	[tilespmem:s3+$0x7300] =	vst.add.f32.msk $0xffff, v17;
	v17 =	vmul.f32 v19, v13  }
0x521: {  	v19 =	vld [tilespmem:s30+$0x16C00];
	v15 =	vadd.f32 v18, v15  }
0x522: {  	v18 =	vld [tilespmem:s30+$0x1AC00];
	v16 =	vadd.f32 v17, v16  }
0x523: {  	[tilespmem:s0+$0x3300] =	vst.add.f32.msk $0xffff, v15  }
0x524: {  	[tilespmem:s0+$0x7300] =	vst.add.f32.msk $0xffff, v16  }
0x525: {  	v15 =	vld [tilespmem:s31+$0x16C00]  }
0x526: {  	v16 =	vld [tilespmem:s31+$0x1AC00]  }
0x527: {  	v5 =	vmul.f32 v20, v5;
	v6 =	vmul.f32 v21, v6  }
0x528: {  	v3 =	vmul.f32 v20, v3;
	v4 =	vmul.f32 v21, v4  }
0x529: {  	v5 =	vadd.f32 v6, v5;
	v6 =	vmul.f32 v19, v9;
	v9 =	vmul.f32 v18, v10  }
0x52a: {  	v3 =	vadd.f32 v4, v3;
	v4 =	vmul.f32 v19, v7;
	v7 =	vmul.f32 v18, v8  }
0x52b: {  	[tilespmem:s12+$0x7380] =	vst.add.f32.msk $0xffff, v5;
	v5 =	vadd.f32 v9, v6;
	v6 =	vmul.f32 v15, v14;
	v8 =	vmul.f32 v16, v13  }
0x52c: {  	[tilespmem:s12+$0x3380] =	vst.add.f32.msk $0xffff, v3;
	v3 =	vadd.f32 v7, v4;
	v4 =	vmul.f32 v15, v12;
	v7 =	vmul.f32 v16, v11  }
0x52d: {  	[tilespmem:s3+$0x7380] =	vst.add.f32.msk $0xffff, v5;
	v5 =	vadd.f32 v8, v6  }
0x52e: {  	[tilespmem:s3+$0x3380] =	vst.add.f32.msk $0xffff, v3;
	v3 =	vadd.f32 v7, v4  }
0x52f: {  	[tilespmem:s0+$0x7380] =	vst.add.f32.msk $0xffff, v5  }
0x530: {  	[tilespmem:s0+$0x3380] =	vst.add.f32.msk $0xffff, v3  }
0x531: {  	s0 =	rddreg [dreg:$0xd]  }
0x532: {  	p0 =	seq.s32 s6, $0x7;
	s0 =	sadd.s32 s20, s0  }
0x533: {  	[hbm4b:s0+s4] =	stream.linear.scatter [tilespmem:s29], [sflag:$0x3], $0x8000, $0x38;
	[tilespmem:$0x1B000] =	vst v63  }
0x534: {  	s0 =	simm.s32 @!p0 $0x3  }
0x535: {  	_ =	swait.ge @!p0 [sflag:s0], $0x8000  }
0x536: {  	[sflag:s0] =	ssyncset.done @!p0 $0x0  }
0x537: {  	[sflag:s0] =	ssyncadd.s32 @!p0 $0xFFFF8000;
	s0 =	sshrl.u32 @!p0 s17, $0x2  }
0x538: {  	v3 =	vld @!p0 [tilespmem:s0+$0x80];
	_ =	sdelay $0x4  }
0x539: {  	v4 =	vshll.u32 @!p0 v3, $0x3  }
0x53a: {  	v5 =	vlaneseq.u32 @!p0;
	v3 =	vand.u32 @!p0 $0x7, v3;
	v4 =	vand.u32 @!p0 $0xFFFFFFC0, v4  }
0x53b: {  	v6 =	vshrl.u32 @!p0 v5, $0x3;
	v3 =	vor.u32 @!p0 v3, v4;
	v4 =	vand.u32 @!p0 $0x7, v5  }
0x53c: {  	v6 =	vmul.u32 @!p0 $0x8, v6;
	v7 =	vperm.xlane @!p0 v3, v4;
	_ =	sdelay $0x1  }
0x53d: {  	v7 =	vadd.s32 @!p0 v6, v7;
	_ =	sdelay $0x3  }
0x53e: {  	vm1 =	vmmov @!p0 $0xffff;
	s1 =	simm.s32 @!p0 $0x0;
	s3 =	simm.s32 @!p0 $0x1000  }
0x53f: {  	v5 =	vor.u32 @!p0 $0x8, v5;
	[tilespmem:s3], [sflag:$0x1] =	stream.indirect_vreg.gather @!p0 [hbm4b:s2+s1], $0x80, v7, vm1, $0xb8;
	[tilespmem:$0x1B000] =	vst v63  }
0x540: {  	v3 =	vperm.xlane @!p0 v3, v5;
	s3 =	simm.s32 @!p0 $0x1800  }
0x541: {  	[tilespmem:s3], [sflag:$0x1] =	stream.indirect_vreg.gather @!p0 [hbm4b:s13+s1], $0x80, v7, vm1, $0xb8;
	[tilespmem:$0x1B000] =	vst v63  }
0x542: {  	v3 =	vadd.s32 @!p0 v6, v3;
	s3 =	simm.s32 @!p0 $0x2000  }
0x543: {  	[tilespmem:s3], [sflag:$0x1] =	stream.indirect_vreg.gather @!p0 [hbm4b:s14+s1], $0x80, v7, vm1, $0xb8;
	[tilespmem:$0x1B000] =	vst v63  }
0x544: {  	s3 =	simm.s32 @!p0 $0x2800  }
0x545: {  	[tilespmem:s3], [sflag:$0x1] =	stream.indirect_vreg.gather @!p0 [hbm4b:s15+s1], $0x80, v7, vm1, $0xb8;
	[tilespmem:$0x1B000] =	vst v63  }
0x546: {  	s3 =	simm.s32 @!p0 $0x3000  }
0x547: {  	[tilespmem:s3], [sflag:$0x1] =	stream.indirect_vreg.gather @!p0 [hbm4b:s2+s1], $0x80, v3, vm1, $0xb8;
	[tilespmem:$0x1B000] =	vst v63  }
0x548: {  	s3 =	simm.s32 @!p0 $0x3800  }
0x549: {  	[tilespmem:s3], [sflag:$0x1] =	stream.indirect_vreg.gather @!p0 [hbm4b:s13+s1], $0x80, v3, vm1, $0xb8;
	[tilespmem:$0x1B000] =	vst v63  }
0x54a: {  	s3 =	simm.s32 @!p0 $0x4000  }
0x54b: {  	[tilespmem:s3], [sflag:$0x1] =	stream.indirect_vreg.gather @!p0 [hbm4b:s14+s1], $0x80, v3, vm1, $0xb8;
	[tilespmem:$0x1B000] =	vst v63  }
0x54c: {  	s3 =	simm.s32 @!p0 $0x4800  }
0x54d: {  	[tilespmem:s3], [sflag:$0x1] =	stream.indirect_vreg.gather @!p0 [hbm4b:s15+s1], $0x80, v3, vm1, $0xb8;
	[tilespmem:$0x1B000] =	vst v63  }
0x54e: {  	v3 =	vld @!p0 [tilespmem:s0+$0x90];
	_ =	sdelay $0x4  }
0x54f: {  	v7 =	vshll.u32 @!p0 v3, $0x3  }
0x550: {  	v3 =	vand.u32 @!p0 $0x7, v3;
	v7 =	vand.u32 @!p0 $0xFFFFFFC0, v7  }
0x551: {  	v3 =	vor.u32 @!p0 v3, v7  }
0x552: {  	v4 =	vperm.xlane @!p0 v3, v4;
	_ =	sdelay $0x1  }
0x553: {  	v4 =	vadd.s32 @!p0 v6, v4;
	_ =	sdelay $0x3  }
0x554: {  	s0 =	simm.s32 @!p0 $0x5000  }
0x555: {  	[tilespmem:s0], [sflag:$0x1] =	stream.indirect_vreg.gather @!p0 [hbm4b:s2+s1], $0x80, v4, vm1, $0xb8;
	[tilespmem:$0x1B000] =	vst v63  }
0x556: {  	v3 =	vperm.xlane @!p0 v3, v5;
	s0 =	simm.s32 @!p0 $0x5800  }
0x557: {  	[tilespmem:s0], [sflag:$0x1] =	stream.indirect_vreg.gather @!p0 [hbm4b:s13+s1], $0x80, v4, vm1, $0xb8;
	[tilespmem:$0x1B000] =	vst v63  }
0x558: {  	v3 =	vadd.s32 @!p0 v6, v3;
	s0 =	simm.s32 @!p0 $0x6000  }
0x559: {  	[tilespmem:s0], [sflag:$0x1] =	stream.indirect_vreg.gather @!p0 [hbm4b:s14+s1], $0x80, v4, vm1, $0xb8;
	[tilespmem:$0x1B000] =	vst v63  }
0x55a: {  	s0 =	simm.s32 @!p0 $0x6800  }
0x55b: {  	[tilespmem:s0], [sflag:$0x1] =	stream.indirect_vreg.gather @!p0 [hbm4b:s15+s1], $0x80, v4, vm1, $0xb8;
	[tilespmem:$0x1B000] =	vst v63  }
0x55c: {  	s0 =	simm.s32 @!p0 $0x7000  }
0x55d: {  	[tilespmem:s0], [sflag:$0x1] =	stream.indirect_vreg.gather @!p0 [hbm4b:s2+s1], $0x80, v3, vm1, $0xb8;
	[tilespmem:$0x1B000] =	vst v63  }
0x55e: {  	s0 =	simm.s32 @!p0 $0x7800  }
0x55f: {  	[tilespmem:s0], [sflag:$0x1] =	stream.indirect_vreg.gather @!p0 [hbm4b:s13+s1], $0x80, v3, vm1, $0xb8;
	[tilespmem:$0x1B000] =	vst v63  }
0x560: {  	s0 =	simm.s32 @!p0 $0x8000  }
0x561: {  	[tilespmem:s0], [sflag:$0x1] =	stream.indirect_vreg.gather @!p0 [hbm4b:s14+s1], $0x80, v3, vm1, $0xb8;
	[tilespmem:$0x1B000] =	vst v63  }
0x562: {  	s0 =	simm.s32 @!p0 $0x8800  }
0x563: {  	[tilespmem:s0], [sflag:$0x1] =	stream.indirect_vreg.gather @!p0 [hbm4b:s15+s1], $0x80, v3, vm1, $0xb8;
	[tilespmem:$0x1B000] =	vst v63  }
0x564: {  	_ =	swait.ge [sflag:s9], $0x8000  }
0x565: {  	s26 =	simm.s32 $0x0;
	s28 =	simm.s32 $0x13000;
	[sflag:s9] =	ssyncset.done $0x0  }
0x566: {  	s30 =	sand.u32 $0x380, s26;
	s31 =	sand.u32 $0x70, s26;
	[sflag:s9] =	ssyncadd.s32 $0xFFFF8000  }
0x567: {  	s21 =	sadd.s32 s30, s18;
	s3 =	sor.u32 s31, s30;
	v7 =	vld [tilespmem:s28+$0x0]  }
0x568: {  	s1 =	sadd.s32 s31, s21;
	v8 =	vld [tilespmem:s3+$0x17000]  }
0x569: {  	v3 =	vld [tilespmem:s1+$0x0]  }
0x56a: {  	v4 =	vld [tilespmem:s1+$0x400]  }
0x56b: {  	v5 =	vld [tilespmem:s1+$0x800]  }
0x56c: {  	v6 =	vld [tilespmem:s1+$0xC00];
	_ =	sdelay $0x3  }
0x56d: {  	v9 =	vmul.f32 v7, v3;
	v10 =	vmul.f32 v8, v4  }
0x56e: {  	v7 =	vmul.f32 v7, v5;
	v8 =	vmul.f32 v8, v6  }
0x56f: {  	s0 =	sand.u32 $0x1C00, s26;
	v9 =	vadd.f32 v10, v9  }
0x570: {  	s12 =	sor.u32 s31, s0;
	v7 =	vadd.f32 v8, v7  }
0x571: {  	[tilespmem:s12+$0x9000] =	vst.add.f32.msk $0xffff, v9  }
0x572: {  	[tilespmem:s12+$0xD000] =	vst.add.f32.msk $0xffff, v7  }
0x573: {  	v7 =	vld [tilespmem:s3+$0x13400]  }
0x574: {  	v8 =	vld [tilespmem:s3+$0x17400];
	_ =	sdelay $0x4  }
0x575: {  	v9 =	vmul.f32 v7, v3;
	v10 =	vmul.f32 v8, v4  }
0x576: {  	v7 =	vmul.f32 v7, v5;
	v8 =	vmul.f32 v8, v6  }
0x577: {  	v9 =	vadd.f32 v10, v9  }
0x578: {  	v7 =	vadd.f32 v8, v7  }
0x579: {  	[tilespmem:s12+$0x9080] =	vst.add.f32.msk $0xffff, v9  }
0x57a: {  	[tilespmem:s12+$0xD080] =	vst.add.f32.msk $0xffff, v7  }
0x57b: {  	v7 =	vld [tilespmem:s3+$0x13800]  }
0x57c: {  	v8 =	vld [tilespmem:s3+$0x17800];
	_ =	sdelay $0x4  }
0x57d: {  	v9 =	vmul.f32 v7, v3;
	v10 =	vmul.f32 v8, v4  }
0x57e: {  	v7 =	vmul.f32 v7, v5;
	v8 =	vmul.f32 v8, v6  }
0x57f: {  	v9 =	vadd.f32 v10, v9  }
0x580: {  	v7 =	vadd.f32 v8, v7  }
0x581: {  	[tilespmem:s12+$0x9100] =	vst.add.f32.msk $0xffff, v9  }
0x582: {  	[tilespmem:s12+$0xD100] =	vst.add.f32.msk $0xffff, v7  }
0x583: {  	v7 =	vld [tilespmem:s3+$0x13C00]  }
0x584: {  	v8 =	vld [tilespmem:s3+$0x17C00];
	_ =	sdelay $0x4  }
0x585: {  	v9 =	vmul.f32 v7, v3;
	v10 =	vmul.f32 v8, v4  }
0x586: {  	v7 =	vmul.f32 v7, v5;
	v8 =	vmul.f32 v8, v6  }
0x587: {  	v9 =	vadd.f32 v10, v9  }
0x588: {  	v7 =	vadd.f32 v8, v7  }
0x589: {  	[tilespmem:s12+$0x9180] =	vst.add.f32.msk $0xffff, v9  }
0x58a: {  	[tilespmem:s12+$0xD180] =	vst.add.f32.msk $0xffff, v7  }
0x58b: {  	v7 =	vld [tilespmem:s3+$0x14000]  }
0x58c: {  	v8 =	vld [tilespmem:s3+$0x18000];
	_ =	sdelay $0x4  }
0x58d: {  	v9 =	vmul.f32 v7, v3;
	v10 =	vmul.f32 v8, v4  }
0x58e: {  	v7 =	vmul.f32 v7, v5;
	v8 =	vmul.f32 v8, v6  }
0x58f: {  	v9 =	vadd.f32 v10, v9  }
0x590: {  	v7 =	vadd.f32 v8, v7  }
0x591: {  	[tilespmem:s12+$0x9200] =	vst.add.f32.msk $0xffff, v9  }
0x592: {  	[tilespmem:s12+$0xD200] =	vst.add.f32.msk $0xffff, v7  }
0x593: {  	v9 =	vld [tilespmem:s3+$0x14400]  }
0x594: {  	v10 =	vld [tilespmem:s3+$0x18400]  }
0x595: {  	s22 =	simm.s32 $0x10  }
0x596: {  	s24 =	simm.s32 $0x13010;
	s23 =	sand.u32 $0x380, s22;
	s0 =	sand.u32 $0x70, s22  }
0x597: {  	s21 =	sor.u32 s0, s23;
	v11 =	vld [tilespmem:s24+$0x0];
	s1 =	sadd.s32 s23, s18  }
0x598: {  	v12 =	vld [tilespmem:s21+$0x17000];
	s1 =	sadd.s32 s0, s1  }
0x599: {  	v8 =	vld [tilespmem:s1+$0x400];
	v13 =	vmul.f32 v9, v3;
	v14 =	vmul.f32 v10, v4  }
0x59a: {  	v7 =	vld [tilespmem:s1+$0x0];
	v15 =	vmul.f32 v9, v5;
	v16 =	vmul.f32 v10, v6  }
0x59b: {  	v9 =	vld [tilespmem:s1+$0x800];
	v13 =	vadd.f32 v14, v13  }
0x59c: {  	v10 =	vld [tilespmem:s1+$0xC00];
	v14 =	vadd.f32 v16, v15  }
0x59d: {  	[tilespmem:s12+$0x9280] =	vst.add.f32.msk $0xffff, v13  }
0x59e: {  	[tilespmem:s12+$0xD280] =	vst.add.f32.msk $0xffff, v14  }
0x59f: {  	v13 =	vld [tilespmem:s3+$0x14800]  }
0x5a0: {  	v14 =	vld [tilespmem:s3+$0x18800]  }
0x5a1: {  	v15 =	vmul.f32 v11, v7;
	v16 =	vmul.f32 v12, v8  }
0x5a2: {  	s25 =	simm.s32 $0x80;
	v11 =	vmul.f32 v11, v9;
	v12 =	vmul.f32 v12, v10  }
0x5a3: {  	s1 =	sand.u32 $0x1C00, s25;
	v15 =	vadd.f32 v16, v15  }
0x5a4: {  	s20 =	sor.u32 s0, s1;
	v11 =	vadd.f32 v12, v11  }
0x5a5: {  	[tilespmem:s20+$0x9000] =	vst.add.f32.msk $0xffff, v15;
	v12 =	vmul.f32 v13, v3;
	v15 =	vmul.f32 v14, v4  }
0x5a6: {  	[tilespmem:s20+$0xD000] =	vst.add.f32.msk $0xffff, v11;
	v11 =	vmul.f32 v13, v5;
	v13 =	vmul.f32 v14, v6  }
0x5a7: {  	v14 =	vld [tilespmem:s21+$0x13400];
	v12 =	vadd.f32 v15, v12  }
0x5a8: {  	v15 =	vld [tilespmem:s21+$0x17400];
	v11 =	vadd.f32 v13, v11  }
0x5a9: {  	[tilespmem:s12+$0x9300] =	vst.add.f32.msk $0xffff, v12  }
0x5aa: {  	[tilespmem:s12+$0xD300] =	vst.add.f32.msk $0xffff, v11  }
0x5ab: {  	v11 =	vld [tilespmem:s3+$0x14C00]  }
0x5ac: {  	v12 =	vld [tilespmem:s3+$0x18C00]  }
0x5ad: {  	v13 =	vmul.f32 v14, v7;
	v16 =	vmul.f32 v15, v8  }
0x5ae: {  	v14 =	vmul.f32 v14, v9;
	v15 =	vmul.f32 v15, v10  }
0x5af: {  	v13 =	vadd.f32 v16, v13  }
0x5b0: {  	v14 =	vadd.f32 v15, v14  }
0x5b1: {  	v15 =	vmul.f32 v12, v4;
	[tilespmem:s20+$0x9080] =	vst.add.f32.msk $0xffff, v13;
	v13 =	vmul.f32 v11, v3  }
0x5b2: {  	v12 =	vmul.f32 v12, v6;
	[tilespmem:s20+$0xD080] =	vst.add.f32.msk $0xffff, v14;
	v11 =	vmul.f32 v11, v5  }
0x5b3: {  	v14 =	vld [tilespmem:s21+$0x13800];
	v13 =	vadd.f32 v15, v13  }
0x5b4: {  	v15 =	vld [tilespmem:s21+$0x17800];
	v11 =	vadd.f32 v12, v11  }
0x5b5: {  	[tilespmem:s12+$0x9380] =	vst.add.f32.msk $0xffff, v13  }
0x5b6: {  	[tilespmem:s12+$0xD380] =	vst.add.f32.msk $0xffff, v11  }
0x5b7: {  	v11 =	vld [tilespmem:s3+$0x15000]  }
0x5b8: {  	v12 =	vld [tilespmem:s3+$0x19000]  }
0x5b9: {  	v13 =	vmul.f32 v14, v7;
	v16 =	vmul.f32 v15, v8  }
0x5ba: {  	v14 =	vmul.f32 v14, v9;
	v15 =	vmul.f32 v15, v10  }
0x5bb: {  	v13 =	vadd.f32 v16, v13  }
0x5bc: {  	v14 =	vadd.f32 v15, v14  }
0x5bd: {  	v15 =	vmul.f32 v12, v4;
	[tilespmem:s20+$0x9100] =	vst.add.f32.msk $0xffff, v13;
	v13 =	vmul.f32 v11, v3  }
0x5be: {  	v12 =	vmul.f32 v12, v6;
	[tilespmem:s20+$0xD100] =	vst.add.f32.msk $0xffff, v14;
	v11 =	vmul.f32 v11, v5  }
0x5bf: {  	v14 =	vld [tilespmem:s21+$0x13C00];
	v13 =	vadd.f32 v15, v13  }
0x5c0: {  	v15 =	vld [tilespmem:s21+$0x17C00];
	v11 =	vadd.f32 v12, v11  }
0x5c1: {  	[tilespmem:s12+$0xB000] =	vst.add.f32.msk $0xffff, v13  }
0x5c2: {  	[tilespmem:s12+$0xF000] =	vst.add.f32.msk $0xffff, v11  }
0x5c3: {  	v11 =	vld [tilespmem:s3+$0x15400]  }
0x5c4: {  	v12 =	vld [tilespmem:s3+$0x19400]  }
0x5c5: {  	v13 =	vmul.f32 v14, v7;
	v16 =	vmul.f32 v15, v8  }
0x5c6: {  	v14 =	vmul.f32 v14, v9;
	v15 =	vmul.f32 v15, v10  }
0x5c7: {  	v13 =	vadd.f32 v16, v13  }
0x5c8: {  	v14 =	vadd.f32 v15, v14  }
0x5c9: {  	v15 =	vmul.f32 v12, v4;
	[tilespmem:s20+$0x9180] =	vst.add.f32.msk $0xffff, v13;
	v13 =	vmul.f32 v11, v3  }
0x5ca: {  	v12 =	vmul.f32 v12, v6;
	[tilespmem:s20+$0xD180] =	vst.add.f32.msk $0xffff, v14;
	v11 =	vmul.f32 v11, v5  }
0x5cb: {  	v14 =	vld [tilespmem:s21+$0x14000];
	v13 =	vadd.f32 v15, v13  }
0x5cc: {  	v15 =	vld [tilespmem:s21+$0x18000];
	v11 =	vadd.f32 v12, v11  }
0x5cd: {  	[tilespmem:s12+$0xB080] =	vst.add.f32.msk $0xffff, v13  }
0x5ce: {  	[tilespmem:s12+$0xF080] =	vst.add.f32.msk $0xffff, v11  }
0x5cf: {  	v11 =	vld [tilespmem:s3+$0x15800]  }
0x5d0: {  	v12 =	vld [tilespmem:s3+$0x19800]  }
0x5d1: {  	s26 =	simm.s32 $0x20;
	v13 =	vmul.f32 v14, v7;
	v16 =	vmul.f32 v15, v8  }
0x5d2: {  	s30 =	sand.u32 $0x70, s26;
	s22 =	simm.s32 $0x13020;
	s28 =	sand.u32 $0x380, s26;
	v14 =	vmul.f32 v14, v9;
	v15 =	vmul.f32 v15, v10  }
0x5d3: {  	v17 =	vld [tilespmem:s22+$0x0];
	s0 =	sor.u32 s30, s28;
	v13 =	vadd.f32 v16, v13  }
0x5d4: {  	v16 =	vld [tilespmem:s0+$0x17000];
	v14 =	vadd.f32 v15, v14  }
0x5d5: {  	v15 =	vmul.f32 v12, v4;
	[tilespmem:s20+$0x9200] =	vst.add.f32.msk $0xffff, v13;
	v13 =	vmul.f32 v11, v3  }
0x5d6: {  	v12 =	vmul.f32 v12, v6;
	[tilespmem:s20+$0xD200] =	vst.add.f32.msk $0xffff, v14;
	v11 =	vmul.f32 v11, v5  }
0x5d7: {  	v14 =	vld [tilespmem:s21+$0x14400];
	v13 =	vadd.f32 v15, v13  }
0x5d8: {  	v15 =	vld [tilespmem:s21+$0x18400];
	v11 =	vadd.f32 v12, v11  }
0x5d9: {  	[tilespmem:s12+$0xB100] =	vst.add.f32.msk $0xffff, v13  }
0x5da: {  	[tilespmem:s12+$0xF100] =	vst.add.f32.msk $0xffff, v11  }
0x5db: {  	s1 =	sadd.s32 s28, s18;
	v18 =	vld [tilespmem:s3+$0x15C00]  }
0x5dc: {  	s1 =	sadd.s32 s30, s1;
	v19 =	vld [tilespmem:s3+$0x19C00]  }
0x5dd: {  	v12 =	vld [tilespmem:s1+$0x0];
	v13 =	vmul.f32 v14, v7;
	v20 =	vmul.f32 v15, v8  }
0x5de: {  	v11 =	vld [tilespmem:s1+$0x400];
	v21 =	vmul.f32 v14, v9;
	v15 =	vmul.f32 v15, v10  }
0x5df: {  	v14 =	vld [tilespmem:s1+$0x800];
	v20 =	vadd.f32 v20, v13  }
0x5e0: {  	v13 =	vld [tilespmem:s1+$0xC00];
	v15 =	vadd.f32 v15, v21  }
0x5e1: {  	v21 =	vmul.f32 v19, v4;
	[tilespmem:s20+$0x9280] =	vst.add.f32.msk $0xffff, v20;
	v20 =	vmul.f32 v18, v3  }
0x5e2: {  	[tilespmem:s20+$0xD280] =	vst.add.f32.msk $0xffff, v15;
	v15 =	vmul.f32 v18, v5;
	v18 =	vmul.f32 v19, v6  }
0x5e3: {  	v19 =	vld [tilespmem:s21+$0x14800];
	v20 =	vadd.f32 v21, v20  }
0x5e4: {  	v21 =	vld [tilespmem:s21+$0x18800];
	v15 =	vadd.f32 v18, v15  }
0x5e5: {  	v22 =	vmul.f32 v16, v11;
	v18 =	vmul.f32 v17, v12;
	[tilespmem:s12+$0xB180] =	vst.add.f32.msk $0xffff, v20  }
0x5e6: {  	s23 =	simm.s32 $0x100;
	v17 =	vmul.f32 v17, v14;
	v16 =	vmul.f32 v16, v13;
	[tilespmem:s12+$0xF180] =	vst.add.f32.msk $0xffff, v15  }
0x5e7: {  	s31 =	sand.u32 $0x1C00, s23;
	v15 =	vadd.f32 v22, v18;
	v18 =	vld [tilespmem:s3+$0x16000]  }
0x5e8: {  	s1 =	sor.u32 s30, s31;
	v16 =	vadd.f32 v16, v17;
	v17 =	vld [tilespmem:s3+$0x1A000]  }
0x5e9: {  	[tilespmem:s1+$0x9000] =	vst.add.f32.msk $0xffff, v15;
	v15 =	vmul.f32 v19, v7;
	v20 =	vmul.f32 v21, v8  }
0x5ea: {  	[tilespmem:s1+$0xD000] =	vst.add.f32.msk $0xffff, v16;
	v16 =	vmul.f32 v19, v9;
	v19 =	vmul.f32 v21, v10  }
0x5eb: {  	v21 =	vld [tilespmem:s0+$0x13400];
	v15 =	vadd.f32 v20, v15  }
0x5ec: {  	v20 =	vld [tilespmem:s0+$0x17400];
	v16 =	vadd.f32 v19, v16  }
0x5ed: {  	v19 =	vmul.f32 v17, v4;
	[tilespmem:s20+$0x9300] =	vst.add.f32.msk $0xffff, v15;
	v15 =	vmul.f32 v18, v3  }
0x5ee: {  	v17 =	vmul.f32 v17, v6;
	[tilespmem:s20+$0xD300] =	vst.add.f32.msk $0xffff, v16;
	v16 =	vmul.f32 v18, v5  }
0x5ef: {  	v18 =	vld [tilespmem:s21+$0x14C00];
	v15 =	vadd.f32 v19, v15  }
0x5f0: {  	v19 =	vld [tilespmem:s21+$0x18C00];
	v16 =	vadd.f32 v17, v16  }
0x5f1: {  	v17 =	vmul.f32 v21, v12;
	v22 =	vmul.f32 v20, v11;
	[tilespmem:s12+$0xB200] =	vst.add.f32.msk $0xffff, v15  }
0x5f2: {  	v20 =	vmul.f32 v20, v13;
	v15 =	vmul.f32 v21, v14;
	[tilespmem:s12+$0xF200] =	vst.add.f32.msk $0xffff, v16  }
0x5f3: {  	v16 =	vadd.f32 v22, v17;
	v17 =	vld [tilespmem:s3+$0x16400]  }
0x5f4: {  	v21 =	vld [tilespmem:s3+$0x1A400];
	v15 =	vadd.f32 v20, v15  }
0x5f5: {  	[tilespmem:s1+$0x9080] =	vst.add.f32.msk $0xffff, v16;
	v16 =	vmul.f32 v18, v7;
	v20 =	vmul.f32 v19, v8  }
0x5f6: {  	[tilespmem:s1+$0xD080] =	vst.add.f32.msk $0xffff, v15;
	v15 =	vmul.f32 v18, v9;
	v18 =	vmul.f32 v19, v10  }
0x5f7: {  	v19 =	vld [tilespmem:s0+$0x13800];
	v16 =	vadd.f32 v20, v16  }
0x5f8: {  	v20 =	vld [tilespmem:s0+$0x17800];
	v15 =	vadd.f32 v18, v15  }
0x5f9: {  	v22 =	vmul.f32 v17, v3;
	v23 =	vmul.f32 v21, v4;
	[tilespmem:s20+$0x9380] =	vst.add.f32.msk $0xffff, v16  }
0x5fa: {  	v16 =	vmul.f32 v21, v6;
	[tilespmem:s20+$0xD380] =	vst.add.f32.msk $0xffff, v15;
	v15 =	vmul.f32 v17, v5  }
0x5fb: {  	s24 =	simm.s32 $0x30;
	v17 =	vadd.f32 v23, v22;
	v18 =	vld [tilespmem:s21+$0x15000]  }
.LBB2_9:
0x5fc: {  	p0 =	sne.s32 s24, $0x3F0;
	v21 =	vld [tilespmem:s21+$0x19000];
	v15 =	vadd.f32 v16, v15  }
0x5fd: {  	v16 =	vmul.f32 v19, v12;
	v22 =	vmul.f32 v20, v11;
	[tilespmem:s12+$0xB280] =	vst.add.f32.msk $0xffff, v17  }
0x5fe: {  	v17 =	vmul.f32 v19, v14;
	v19 =	vmul.f32 v20, v13;
	[tilespmem:s12+$0xF280] =	vst.add.f32.msk $0xffff, v15  }
0x5ff: {  	v15 =	vadd.f32 v22, v16;
	v16 =	vld [tilespmem:s3+$0x16800]  }
0x600: {  	v17 =	vadd.f32 v19, v17;
	v19 =	vld [tilespmem:s3+$0x1A800]  }
0x601: {  	[tilespmem:s1+$0x9100] =	vst.add.f32.msk $0xffff, v15;
	v15 =	vmul.f32 v18, v7;
	v20 =	vmul.f32 v21, v8  }
0x602: {  	[tilespmem:s1+$0xD100] =	vst.add.f32.msk $0xffff, v17;
	v17 =	vmul.f32 v18, v9;
	v18 =	vmul.f32 v21, v10  }
0x603: {  	v21 =	vld [tilespmem:s0+$0x13C00];
	v15 =	vadd.f32 v20, v15  }
0x604: {  	v20 =	vld [tilespmem:s0+$0x17C00];
	v17 =	vadd.f32 v18, v17  }
0x605: {  	[tilespmem:s20+$0xB000] =	vst.add.f32.msk $0xffff, v15;
	v15 =	vmul.f32 v16, v3;
	v18 =	vmul.f32 v19, v4  }
0x606: {  	v16 =	vmul.f32 v16, v5;
	[tilespmem:s20+$0xF000] =	vst.add.f32.msk $0xffff, v17;
	v17 =	vmul.f32 v19, v6  }
0x607: {  	v19 =	vld [tilespmem:s21+$0x15400];
	v15 =	vadd.f32 v18, v15  }
0x608: {  	v18 =	vld [tilespmem:s21+$0x19400];
	v16 =	vadd.f32 v17, v16  }
0x609: {  	v17 =	vmul.f32 v21, v12;
	v22 =	vmul.f32 v20, v11;
	[tilespmem:s12+$0xB300] =	vst.add.f32.msk $0xffff, v15  }
0x60a: {  	v15 =	vmul.f32 v21, v14;
	v20 =	vmul.f32 v20, v13;
	[tilespmem:s12+$0xF300] =	vst.add.f32.msk $0xffff, v16  }
0x60b: {  	v16 =	vadd.f32 v22, v17;
	v17 =	vld [tilespmem:s3+$0x16C00]  }
0x60c: {  	v15 =	vadd.f32 v20, v15;
	v20 =	vld [tilespmem:s3+$0x1AC00];
	s3 =	smov.u32 s21;
	s21 =	smov.u32 s0  }
0x60d: {  	[tilespmem:s1+$0x9180] =	vst.add.f32.msk $0xffff, v16;
	v16 =	vmul.f32 v19, v7;
	v21 =	vmul.f32 v18, v8  }
0x60e: {  	v18 =	vmul.f32 v18, v10;
	[tilespmem:s1+$0xD180] =	vst.add.f32.msk $0xffff, v15;
	v15 =	vmul.f32 v19, v9  }
0x60f: {  	v19 =	vld [tilespmem:s21+$0x14000];
	v16 =	vadd.f32 v21, v16  }
0x610: {  	v21 =	vld [tilespmem:s21+$0x18000];
	v15 =	vadd.f32 v18, v15;
	v18 =	vmul.f32 v17, v3;
	v3 =	vmovc v7;
	v7 =	vmov v12  }
0x611: {  	v12 =	vmul.f32 v17, v5;
	v5 =	vmovc v9;
	v9 =	vmov v14;
	[tilespmem:s20+$0xB080] =	vst.add.f32.msk $0xffff, v16;
	v16 =	vmul.f32 v20, v6  }
0x612: {  	v14 =	vmul.f32 v20, v4;
	v4 =	vmovc v8;
	v8 =	vmovc v11;
	v6 =	vmov v10;
	v10 =	vmov v13;
	[tilespmem:s20+$0xF080] =	vst.add.f32.msk $0xffff, v15  }
0x613: {  	v11 =	vld [tilespmem:s3+$0x15800];
	v12 =	vadd.f32 v16, v12  }
0x614: {  	v14 =	vadd.f32 v14, v18;
	v13 =	vld [tilespmem:s3+$0x19800]  }
0x615: {  	v15 =	vmul.f32 v19, v7;
	v16 =	vmul.f32 v21, v8;
	[tilespmem:s12+$0xF380] =	vst.add.f32.msk $0xffff, v12  }
0x616: {  	s26 =	sand.u32 $0x380, s24;
	s25 =	sand.u32 $0x70, s24;
	s22 =	sadd.s32 $0x10, s22;
	v12 =	vmul.f32 v19, v9;
	v17 =	vmul.f32 v21, v10;
	[tilespmem:s12+$0xB380] =	vst.add.f32.msk $0xffff, v14  }
0x617: {  	s0 =	sor.u32 s25, s26;
	s12 =	smov.u32 s20;
	s20 =	smov.u32 s1;
	v18 =	vld [tilespmem:s22+$0x0];
	v14 =	vadd.f32 v16, v15  }
0x618: {  	v12 =	vadd.f32 v17, v12;
	v15 =	vld [tilespmem:s0+$0x17000]  }
0x619: {  	[tilespmem:s20+$0x9200] =	vst.add.f32.msk $0xffff, v14;
	v14 =	vmul.f32 v11, v3;
	v16 =	vmul.f32 v13, v4  }
0x61a: {  	v11 =	vmul.f32 v11, v5;
	[tilespmem:s20+$0xD200] =	vst.add.f32.msk $0xffff, v12;
	v12 =	vmul.f32 v13, v6  }
0x61b: {  	v13 =	vld [tilespmem:s21+$0x14400];
	v14 =	vadd.f32 v16, v14  }
0x61c: {  	v16 =	vld [tilespmem:s21+$0x18400];
	v11 =	vadd.f32 v12, v11  }
0x61d: {  	[tilespmem:s12+$0xB100] =	vst.add.f32.msk $0xffff, v14  }
0x61e: {  	[tilespmem:s12+$0xF100] =	vst.add.f32.msk $0xffff, v11  }
0x61f: {  	s1 =	sadd.s32 s26, s18;
	v17 =	vld [tilespmem:s3+$0x15C00]  }
0x620: {  	s1 =	sadd.s32 s25, s1;
	v19 =	vld [tilespmem:s3+$0x19C00]  }
0x621: {  	v20 =	vmul.f32 v13, v7;
	v12 =	vld [tilespmem:s1+$0x0];
	v21 =	vmul.f32 v16, v8  }
0x622: {  	v22 =	vmul.f32 v13, v9;
	v16 =	vmul.f32 v16, v10;
	v11 =	vld [tilespmem:s1+$0x400]  }
0x623: {  	v14 =	vld [tilespmem:s1+$0x800];
	v20 =	vadd.f32 v21, v20  }
0x624: {  	v16 =	vadd.f32 v16, v22;
	v13 =	vld [tilespmem:s1+$0xC00]  }
0x625: {  	[tilespmem:s20+$0x9280] =	vst.add.f32.msk $0xffff, v20;
	v20 =	vmul.f32 v17, v3;
	v21 =	vmul.f32 v19, v4  }
0x626: {  	[tilespmem:s20+$0xD280] =	vst.add.f32.msk $0xffff, v16;
	v16 =	vmul.f32 v17, v5;
	v17 =	vmul.f32 v19, v6  }
0x627: {  	v19 =	vld [tilespmem:s21+$0x14800];
	v20 =	vadd.f32 v21, v20  }
0x628: {  	v21 =	vld [tilespmem:s21+$0x18800];
	v16 =	vadd.f32 v17, v16  }
0x629: {  	v22 =	vmul.f32 v15, v11;
	v17 =	vmul.f32 v18, v12;
	[tilespmem:s12+$0xB180] =	vst.add.f32.msk $0xffff, v20  }
0x62a: {  	s23 =	sadd.s32 $0x80, s23;
	v18 =	vmul.f32 v18, v14;
	v15 =	vmul.f32 v15, v13;
	[tilespmem:s12+$0xF180] =	vst.add.f32.msk $0xffff, v16  }
0x62b: {  	s1 =	sand.u32 $0x1C00, s23;
	v16 =	vadd.f32 v22, v17;
	v17 =	vld [tilespmem:s3+$0x16000]  }
0x62c: {  	s1 =	sor.u32 s25, s1;
	v15 =	vadd.f32 v15, v18;
	v18 =	vld [tilespmem:s3+$0x1A000]  }
0x62d: {  	[tilespmem:s1+$0x9000] =	vst.add.f32.msk $0xffff, v16;
	v16 =	vmul.f32 v19, v7;
	v20 =	vmul.f32 v21, v8  }
0x62e: {  	[tilespmem:s1+$0xD000] =	vst.add.f32.msk $0xffff, v15;
	v15 =	vmul.f32 v19, v9;
	v19 =	vmul.f32 v21, v10  }
0x62f: {  	v21 =	vld [tilespmem:s0+$0x13400];
	v16 =	vadd.f32 v20, v16  }
0x630: {  	v20 =	vld [tilespmem:s0+$0x17400];
	v15 =	vadd.f32 v19, v15  }
0x631: {  	[tilespmem:s20+$0x9300] =	vst.add.f32.msk $0xffff, v16;
	v16 =	vmul.f32 v17, v3;
	v19 =	vmul.f32 v18, v4  }
0x632: {  	[tilespmem:s20+$0xD300] =	vst.add.f32.msk $0xffff, v15;
	v15 =	vmul.f32 v17, v5;
	v17 =	vmul.f32 v18, v6  }
0x633: {  	v18 =	vld [tilespmem:s21+$0x14C00];
	v16 =	vadd.f32 v19, v16  }
0x634: {  	v19 =	vld [tilespmem:s21+$0x18C00];
	v15 =	vadd.f32 v17, v15  }
0x635: {  	v17 =	vmul.f32 v21, v12;
	v22 =	vmul.f32 v20, v11;
	[tilespmem:s12+$0xB200] =	vst.add.f32.msk $0xffff, v16  }
0x636: {  	v16 =	vmul.f32 v21, v14;
	v20 =	vmul.f32 v20, v13;
	[tilespmem:s12+$0xF200] =	vst.add.f32.msk $0xffff, v15  }
0x637: {  	v15 =	vadd.f32 v22, v17;
	v17 =	vld [tilespmem:s3+$0x16400]  }
0x638: {  	v16 =	vadd.f32 v20, v16;
	v21 =	vld [tilespmem:s3+$0x1A400]  }
0x639: {  	[tilespmem:s1+$0x9080] =	vst.add.f32.msk $0xffff, v15;
	v15 =	vmul.f32 v18, v7;
	v20 =	vmul.f32 v19, v8  }
0x63a: {  	[tilespmem:s1+$0xD080] =	vst.add.f32.msk $0xffff, v16;
	v16 =	vmul.f32 v18, v9;
	v18 =	vmul.f32 v19, v10  }
.Ltmp3:
0x63b: {  	v19 =	vld [tilespmem:s0+$0x13800];
	v15 =	vadd.f32 v20, v15;
	(pc) =	sbr.rel @p0 .LBB2_9-.Ltmp3, $4  }
0x63c: {  	v20 =	vld [tilespmem:s0+$0x17800];
	v16 =	vadd.f32 v18, v16  }
0x63d: {  	v22 =	vmul.f32 v17, v3;
	[tilespmem:s20+$0x9380] =	vst.add.f32.msk $0xffff, v15;
	v23 =	vmul.f32 v21, v4  }
0x63e: {  	v15 =	vmul.f32 v17, v5;
	[tilespmem:s20+$0xD380] =	vst.add.f32.msk $0xffff, v16;
	v16 =	vmul.f32 v21, v6  }
0x63f: {  	s24 =	sadd.s32 $0x10, s24;
	v18 =	vld [tilespmem:s21+$0x15000];
	v17 =	vadd.f32 v23, v22  }
0x640: {  	_ = 	snop  }
0x641: {  	v21 =	vmul.f32 v19, v12;
	v22 =	vmul.f32 v20, v11  }
0x642: {  	v51 =	vmul.f32 v19, v14;
	v52 =	vmul.f32 v20, v13  }
0x643: {  	v21 =	vadd.f32 v22, v21  }
0x644: {  	v19 =	vadd.f32 v52, v51  }
0x645: {  	[tilespmem:s1+$0x9100] =	vst.add.f32.msk $0xffff, v21  }
0x646: {  	[tilespmem:s1+$0xD100] =	vst.add.f32.msk $0xffff, v19  }
0x647: {  	v19 =	vld [tilespmem:s0+$0x13C00]  }
0x648: {  	v53 =	vld [tilespmem:s0+$0x17C00];
	_ =	sdelay $0x4  }
0x649: {  	v54 =	vmul.f32 v19, v12;
	v55 =	vmul.f32 v53, v11  }
0x64a: {  	v19 =	vmul.f32 v19, v14;
	v20 =	vmul.f32 v53, v13  }
0x64b: {  	v21 =	vadd.f32 v55, v54  }
0x64c: {  	v19 =	vadd.f32 v20, v19  }
0x64d: {  	[tilespmem:s1+$0x9180] =	vst.add.f32.msk $0xffff, v21  }
0x64e: {  	[tilespmem:s1+$0xD180] =	vst.add.f32.msk $0xffff, v19  }
0x64f: {  	v19 =	vld [tilespmem:s0+$0x14000]  }
0x650: {  	v56 =	vld [tilespmem:s0+$0x18000];
	_ =	sdelay $0x4  }
0x651: {  	v57 =	vmul.f32 v19, v12;
	v58 =	vmul.f32 v56, v11  }
0x652: {  	v19 =	vmul.f32 v19, v14;
	v20 =	vmul.f32 v56, v13  }
0x653: {  	v21 =	vadd.f32 v58, v57  }
0x654: {  	v19 =	vadd.f32 v20, v19  }
0x655: {  	[tilespmem:s1+$0x9200] =	vst.add.f32.msk $0xffff, v21  }
0x656: {  	[tilespmem:s1+$0xD200] =	vst.add.f32.msk $0xffff, v19  }
0x657: {  	v19 =	vld [tilespmem:s0+$0x14400]  }
0x658: {  	v59 =	vld [tilespmem:s0+$0x18400];
	_ =	sdelay $0x4  }
0x659: {  	v60 =	vmul.f32 v19, v12;
	v61 =	vmul.f32 v59, v11  }
0x65a: {  	v19 =	vmul.f32 v19, v14;
	v20 =	vmul.f32 v59, v13  }
0x65b: {  	v21 =	vadd.f32 v61, v60  }
0x65c: {  	v19 =	vadd.f32 v20, v19  }
0x65d: {  	[tilespmem:s1+$0x9280] =	vst.add.f32.msk $0xffff, v21  }
0x65e: {  	[tilespmem:s1+$0xD280] =	vst.add.f32.msk $0xffff, v19  }
0x65f: {  	v19 =	vld [tilespmem:s0+$0x14800]  }
0x660: {  	v62 =	vld [tilespmem:s0+$0x18800];
	_ =	sdelay $0x4  }
0x661: {  	v63 =	vmul.f32 v19, v12;
	v24 =	vmul.f32 v62, v11  }
0x662: {  	v19 =	vmul.f32 v19, v14;
	v20 =	vmul.f32 v62, v13  }
0x663: {  	v21 =	vadd.f32 v24, v63  }
0x664: {  	v19 =	vadd.f32 v20, v19  }
0x665: {  	[tilespmem:s1+$0x9300] =	vst.add.f32.msk $0xffff, v21  }
0x666: {  	[tilespmem:s1+$0xD300] =	vst.add.f32.msk $0xffff, v19  }
0x667: {  	v19 =	vld [tilespmem:s0+$0x14C00]  }
0x668: {  	v25 =	vld [tilespmem:s0+$0x18C00];
	_ =	sdelay $0x4  }
0x669: {  	v26 =	vmul.f32 v19, v12;
	v27 =	vmul.f32 v25, v11  }
0x66a: {  	v28 =	vld [tilespmem:s21+$0x19000];
	v19 =	vmul.f32 v19, v14;
	v20 =	vmul.f32 v25, v13  }
0x66b: {  	v21 =	vadd.f32 v27, v26  }
0x66c: {  	v19 =	vadd.f32 v20, v19  }
0x66d: {  	[tilespmem:s1+$0x9380] =	vst.add.f32.msk $0xffff, v21  }
0x66e: {  	[tilespmem:s1+$0xD380] =	vst.add.f32.msk $0xffff, v19  }
0x66f: {  	v31 =	vmul.f32 v18, v9;
	v22 =	vmul.f32 v28, v10;
	v19 =	vld [tilespmem:s0+$0x15000]  }
0x670: {  	v30 =	vmul.f32 v18, v7;
	v23 =	vmul.f32 v28, v8;
	v29 =	vld [tilespmem:s0+$0x19000]  }
0x671: {  	v18 =	vadd.f32 v22, v31  }
0x672: {  	v21 =	vadd.f32 v23, v30  }
0x673: {  	[tilespmem:s20+$0xF000] =	vst.add.f32.msk $0xffff, v18  }
0x674: {  	[tilespmem:s20+$0xB000] =	vst.add.f32.msk $0xffff, v21  }
0x675: {  	v36 =	vld [tilespmem:s21+$0x15400];
	v32 =	vmul.f32 v19, v12;
	v33 =	vmul.f32 v29, v11  }
0x676: {  	v37 =	vld [tilespmem:s21+$0x19400];
	v34 =	vmul.f32 v19, v14;
	v35 =	vmul.f32 v29, v13  }
0x677: {  	v21 =	vadd.f32 v33, v32  }
0x678: {  	v18 =	vadd.f32 v35, v34  }
0x679: {  	[tilespmem:s1+$0xB000] =	vst.add.f32.msk $0xffff, v21  }
0x67a: {  	[tilespmem:s1+$0xF000] =	vst.add.f32.msk $0xffff, v18  }
0x67b: {  	v39 =	vmul.f32 v36, v7;
	v40 =	vmul.f32 v37, v8;
	v18 =	vld [tilespmem:s0+$0x15400]  }
0x67c: {  	v20 =	vmul.f32 v36, v9;
	v22 =	vmul.f32 v37, v10;
	v38 =	vld [tilespmem:s0+$0x19400]  }
0x67d: {  	v21 =	vadd.f32 v40, v39  }
0x67e: {  	v20 =	vadd.f32 v22, v20  }
0x67f: {  	[tilespmem:s20+$0xB080] =	vst.add.f32.msk $0xffff, v21  }
0x680: {  	[tilespmem:s20+$0xF080] =	vst.add.f32.msk $0xffff, v20  }
0x681: {  	v20 =	vld [tilespmem:s21+$0x15800];
	v41 =	vmul.f32 v18, v12;
	v42 =	vmul.f32 v38, v11  }
0x682: {  	v43 =	vld [tilespmem:s21+$0x19800];
	v18 =	vmul.f32 v18, v14;
	v19 =	vmul.f32 v38, v13  }
0x683: {  	v21 =	vadd.f32 v42, v41  }
0x684: {  	v18 =	vadd.f32 v19, v18  }
0x685: {  	[tilespmem:s1+$0xB080] =	vst.add.f32.msk $0xffff, v21  }
0x686: {  	[tilespmem:s1+$0xF080] =	vst.add.f32.msk $0xffff, v18  }
0x687: {  	v45 =	vmul.f32 v20, v7;
	v46 =	vmul.f32 v43, v8;
	v18 =	vld [tilespmem:s0+$0x15800]  }
0x688: {  	v20 =	vmul.f32 v20, v9;
	v22 =	vmul.f32 v43, v10;
	v44 =	vld [tilespmem:s0+$0x19800]  }
0x689: {  	v21 =	vadd.f32 v46, v45  }
0x68a: {  	v20 =	vadd.f32 v22, v20  }
0x68b: {  	[tilespmem:s20+$0xB100] =	vst.add.f32.msk $0xffff, v21  }
0x68c: {  	[tilespmem:s20+$0xF100] =	vst.add.f32.msk $0xffff, v20  }
0x68d: {  	v20 =	vld [tilespmem:s21+$0x15C00];
	v47 =	vmul.f32 v18, v12;
	v48 =	vmul.f32 v44, v11  }
0x68e: {  	v49 =	vld [tilespmem:s21+$0x19C00];
	v18 =	vmul.f32 v18, v14;
	v19 =	vmul.f32 v44, v13  }
0x68f: {  	v21 =	vadd.f32 v48, v47  }
0x690: {  	v18 =	vadd.f32 v19, v18  }
0x691: {  	[tilespmem:s1+$0xB100] =	vst.add.f32.msk $0xffff, v21  }
0x692: {  	[tilespmem:s1+$0xF100] =	vst.add.f32.msk $0xffff, v18  }
0x693: {  	v51 =	vmul.f32 v20, v7;
	v52 =	vmul.f32 v49, v8;
	v18 =	vld [tilespmem:s0+$0x15C00]  }
0x694: {  	v20 =	vmul.f32 v20, v9;
	v22 =	vmul.f32 v49, v10;
	v50 =	vld [tilespmem:s0+$0x19C00]  }
0x695: {  	v21 =	vadd.f32 v52, v51  }
0x696: {  	v20 =	vadd.f32 v22, v20  }
0x697: {  	[tilespmem:s20+$0xB180] =	vst.add.f32.msk $0xffff, v21  }
0x698: {  	[tilespmem:s20+$0xF180] =	vst.add.f32.msk $0xffff, v20  }
0x699: {  	v20 =	vld [tilespmem:s21+$0x16000];
	v53 =	vmul.f32 v18, v12;
	v54 =	vmul.f32 v50, v11  }
0x69a: {  	v55 =	vld [tilespmem:s21+$0x1A000];
	v18 =	vmul.f32 v18, v14;
	v19 =	vmul.f32 v50, v13  }
0x69b: {  	v21 =	vadd.f32 v54, v53  }
0x69c: {  	v18 =	vadd.f32 v19, v18  }
0x69d: {  	[tilespmem:s1+$0xB180] =	vst.add.f32.msk $0xffff, v21  }
0x69e: {  	[tilespmem:s1+$0xF180] =	vst.add.f32.msk $0xffff, v18  }
0x69f: {  	v57 =	vmul.f32 v20, v7;
	v58 =	vmul.f32 v55, v8;
	v18 =	vld [tilespmem:s0+$0x16000]  }
0x6a0: {  	v20 =	vmul.f32 v20, v9;
	v22 =	vmul.f32 v55, v10;
	v56 =	vld [tilespmem:s0+$0x1A000]  }
0x6a1: {  	v21 =	vadd.f32 v58, v57  }
0x6a2: {  	v20 =	vadd.f32 v22, v20  }
0x6a3: {  	[tilespmem:s20+$0xB200] =	vst.add.f32.msk $0xffff, v21  }
0x6a4: {  	[tilespmem:s20+$0xF200] =	vst.add.f32.msk $0xffff, v20  }
0x6a5: {  	v20 =	vld [tilespmem:s21+$0x16400];
	v59 =	vmul.f32 v18, v12;
	v60 =	vmul.f32 v56, v11  }
0x6a6: {  	v15 =	vadd.f32 v16, v15;
	v61 =	vld [tilespmem:s21+$0x1A400];
	v18 =	vmul.f32 v18, v14;
	v19 =	vmul.f32 v56, v13  }
0x6a7: {  	[tilespmem:s12+$0xB280] =	vst.add.f32.msk $0xffff, v17;
	v21 =	vadd.f32 v60, v59  }
0x6a8: {  	[tilespmem:s12+$0xF280] =	vst.add.f32.msk $0xffff, v15;
	v18 =	vadd.f32 v19, v18  }
0x6a9: {  	[tilespmem:s1+$0xB200] =	vst.add.f32.msk $0xffff, v21  }
0x6aa: {  	[tilespmem:s1+$0xF200] =	vst.add.f32.msk $0xffff, v18  }
0x6ab: {  	v63 =	vmul.f32 v20, v7;
	v24 =	vmul.f32 v61, v8;
	v18 =	vld [tilespmem:s0+$0x16400]  }
0x6ac: {  	v25 =	vmul.f32 v20, v9;
	v26 =	vmul.f32 v61, v10;
	v62 =	vld [tilespmem:s0+$0x1A400]  }
0x6ad: {  	v28 =	vld [tilespmem:s3+$0x1A800];
	v17 =	vadd.f32 v24, v63  }
0x6ae: {  	v27 =	vld [tilespmem:s3+$0x16800];
	v15 =	vadd.f32 v26, v25  }
0x6af: {  	[tilespmem:s20+$0xB280] =	vst.add.f32.msk $0xffff, v17  }
0x6b0: {  	[tilespmem:s20+$0xF280] =	vst.add.f32.msk $0xffff, v15  }
0x6b1: {  	v32 =	vld [tilespmem:s21+$0x16800];
	v29 =	vmul.f32 v18, v12;
	v30 =	vmul.f32 v62, v11  }
0x6b2: {  	v33 =	vld [tilespmem:s21+$0x1A800];
	v31 =	vmul.f32 v18, v14;
	v16 =	vmul.f32 v62, v13  }
0x6b3: {  	v17 =	vadd.f32 v30, v29  }
0x6b4: {  	v15 =	vadd.f32 v16, v31  }
0x6b5: {  	v34 =	vmul.f32 v27, v3;
	v35 =	vmul.f32 v28, v4;
	[tilespmem:s1+$0xB280] =	vst.add.f32.msk $0xffff, v17  }
0x6b6: {  	v36 =	vmul.f32 v27, v5;
	v19 =	vmul.f32 v28, v6;
	[tilespmem:s1+$0xF280] =	vst.add.f32.msk $0xffff, v15  }
0x6b7: {  	v37 =	vadd.f32 v35, v34;
	v40 =	vmul.f32 v32, v7;
	v41 =	vmul.f32 v33, v8;
	v38 =	vld [tilespmem:s0+$0x16800]  }
0x6b8: {  	v17 =	vadd.f32 v19, v36;
	v39 =	vld [tilespmem:s0+$0x1A800]  }
0x6b9: {  	[tilespmem:s12+$0xB300] =	vst.add.f32.msk $0xffff, v37;
	v15 =	vadd.f32 v41, v40  }
0x6ba: {  	v42 =	vmul.f32 v32, v9;
	v43 =	vmul.f32 v33, v10;
	[tilespmem:s12+$0xF300] =	vst.add.f32.msk $0xffff, v17  }
0x6bb: {  	[tilespmem:s20+$0xB300] =	vst.add.f32.msk $0xffff, v15  }
0x6bc: {  	v17 =	vadd.f32 v43, v42;
	v44 =	vld [tilespmem:s3+$0x16C00]  }
0x6bd: {  	v45 =	vld [tilespmem:s3+$0x1AC00];
	v46 =	vmul.f32 v38, v12;
	v47 =	vmul.f32 v39, v11  }
0x6be: {  	[tilespmem:s20+$0xF300] =	vst.add.f32.msk $0xffff, v17;
	v16 =	vmul.f32 v38, v14;
	v48 =	vmul.f32 v39, v13  }
0x6bf: {  	v49 =	vld [tilespmem:s21+$0x16C00];
	v15 =	vadd.f32 v47, v46  }
0x6c0: {  	v50 =	vld [tilespmem:s21+$0x1AC00];
	v16 =	vadd.f32 v48, v16  }
0x6c1: {  	[tilespmem:s1+$0xB300] =	vst.add.f32.msk $0xffff, v15  }
0x6c2: {  	[tilespmem:s1+$0xF300] =	vst.add.f32.msk $0xffff, v16  }
0x6c3: {  	v15 =	vld [tilespmem:s0+$0x16C00]  }
0x6c4: {  	v16 =	vld [tilespmem:s0+$0x1AC00]  }
0x6c5: {  	v51 =	vmul.f32 v44, v5;
	v52 =	vmul.f32 v45, v6  }
0x6c6: {  	v3 =	vmul.f32 v44, v3;
	v53 =	vmul.f32 v45, v4  }
0x6c7: {  	v5 =	vadd.f32 v52, v51;
	v54 =	vmul.f32 v49, v9;
	v55 =	vmul.f32 v50, v10  }
0x6c8: {  	v3 =	vadd.f32 v53, v3;
	v56 =	vmul.f32 v49, v7;
	v57 =	vmul.f32 v50, v8  }
0x6c9: {  	[tilespmem:s12+$0xF380] =	vst.add.f32.msk $0xffff, v5;
	v58 =	vadd.f32 v55, v54;
	v59 =	vmul.f32 v15, v14;
	v60 =	vmul.f32 v16, v13  }
0x6ca: {  	[tilespmem:s12+$0xB380] =	vst.add.f32.msk $0xffff, v3;
	v3 =	vadd.f32 v57, v56;
	v61 =	vmul.f32 v15, v12;
	v62 =	vmul.f32 v16, v11  }
0x6cb: {  	[tilespmem:s20+$0xF380] =	vst.add.f32.msk $0xffff, v58;
	v63 =	vadd.f32 v60, v59  }
0x6cc: {  	[tilespmem:s20+$0xB380] =	vst.add.f32.msk $0xffff, v3;
	v3 =	vadd.f32 v62, v61  }
0x6cd: {  	[tilespmem:s1+$0xF380] =	vst.add.f32.msk $0xffff, v63  }
0x6ce: {  	[tilespmem:s1+$0xB380] =	vst.add.f32.msk $0xffff, v3  }
0x6cf: {  	s31 =	rddreg [dreg:$0xe]  }
0x6d0: {  	s0 =	sadd.s32 s19, s31  }
0x6d1: {  	[hbm4b:s0+s4] =	stream.linear.scatter [tilespmem:s11], [sflag:$0x4], $0x8000, $0x38;
	[tilespmem:$0x1B000] =	vst v63  }
0x6d2: {  	p0 =	sgt.u32 s6, $0x5;
	s0 =	rddreg [dreg:$0xf]  }
0x6d3: {  	s6 =	sadd.s32 $0x1, s6;
	s1 =	simm.s32 @!p0 $0x0;
	s0 =	sadd.s32 @!p0 s17, s0  }
0x6d4: {  	[tilespmem:s18], [sflag:s16] =	stream.linear.gather @!p0 [hbm4b:s0+s1], $0x1000, $0x38;
	[tilespmem:$0x1B000] =	vst v63  }
0x6d5: {  	p0 =	sne.s32 s6, $0x8  }
.Ltmp4:
0x6d6: {  	_ = 	snop;
	(pc) =	sbr.rel @p0 .LBB2_2-.Ltmp4, $2  }
0x6d7: {  	_ =	sdelay $0x2  }
0x6d8: {  	s28 =	simm.s32 $0x9800  }
0x6d9: {  	_ =	swait.ge [sflag:s8], $0x8000  }
0x6da: {  	[sflag:s8] =	ssyncset.done $0x0  }
0x6db: {  	[sflag:s8] =	ssyncadd.s32 $0xFFFF8000  }
0x6dc: {  	_ =	swait.ge [sflag:s10], $0x8000  }
0x6dd: {  	s1 =	rddreg [dreg:$0x11]  }
0x6de: {  	s0 =	rddreg [dreg:$0x10];
	s1 =	sadd.s32 $0x1, s1  }
0x6df: {  	p0 =	sne.s32 s1, s0  }
.Ltmp5:
0x6e0: {  	_ = 	snop;
	(pc) =	sbr.rel @p0 .LBB2_1-.Ltmp5, $3  }
0x6e1: {  	_ =	sdelay $0x1  }
0x6e2: {  	[sflag:s10] =	ssyncset.done $0x0  }
0x6e3: {  	[sflag:s10] =	ssyncadd.s32 $0xFFFF8000  }
0x6e4: {  	_ =	sfence.sel $0x180000  }
0x6e5: {  	[bflag:$0x0] =	sbarrier.arrive $0xFFFF  }
0x6e6: {  	_ =	strace $0x90000047  }
0x6e7: {  	s0 =	stileid.u32;
	[bflag:$0x2] =	sbarrier.arrive $0xFFFF  }
0x6e8: {  	p0 =	sne.s32 s0, $0x0;
	s0 =	rddreg [dreg:$0x3]  }
0x6e9: {  	s0 =	sadd.s32 @!p0 $0x100000, s0  }
0x6ea: {  	[sflag:s0] =	ssyncadd.tile.s32 @!p0 $0x1;
	_ =	shalt  }
.Lfunc_end2:
_tile_overlayer_lowered:
.L_overlay_start_2:
0x6eb: {  	(tag) =	ssettag $0x2  }
0x6ec: {  	s0 =	rddreg [dreg:$0x0];
	s2 =	stileid.u32  }
0x6ed: {  	s1 =	rddreg [dreg:$0x1];
	p0 =	sne.s32 s2, $0x0  }
0x6ee: {  	s3 =	rddreg [dreg:$0x2];
	[bflag:$0x3] =	sbarrier.arrive $0xFFFF;
	s2 =	simm.s32 @!p0 $0x1C07  }
0x6ef: {  	[timem:s3], [sflag:s2] =	dma.local @!p0 [hbm:s0], s1  }
0x6f0: {  	s0 =	simm.s32 @!p0 $0x7  }
0x6f1: {  	_ =	swait.ge @!p0 [sflag:s0], s1  }
0x6f2: {  	s1 =	ssub.s32 @!p0 $0x0, s1;
	[sflag:s0] =	ssyncset.done @!p0 $0x0  }
0x6f3: {  	[sflag:s0] =	ssyncadd.s32 @!p0 s1  }
0x6f4: {  	[bflag:$0x3] =	sbarrier.arrive $0xFFFF  }
0x6f5: {  	_ =	shalt  }

</sc_bundles>
